<compile_context>
chip_gen: v7x
topology: tpu7x:2x2x1
jax: 0.10.2.dev20260603
libtpu: 0.0.44.dev20260713+nightly
codegen_flags: <defaults>
</compile_context>

<pallas_src>
import functools

import jax
import jax.numpy as jnp
from jax import lax
from jax.experimental import pallas as pl
from jax.experimental.pallas import tpu as pltpu
from jax.experimental.pallas import tpu_sc as plsc

D = 128
B = 5000
N = 2 * B
E = 320000
NC, NS = 2, 16
NW = NC * NS
NR = 10240
HALF = NR // NC
ACCR = HALF + 8
RPT = HALF // NS
EPAD = 323584
ECH = EPAD // (NS * 128)

_f32 = jnp.float32
_i32 = jnp.int32

_MESH = plsc.VectorSubcoreMesh(core_axis_name="c", subcore_axis_name="s",
                               num_cores=NC, num_subcores=NS)


def _fill(ref, rows, cols, value):
    lanes = cols // 16
    def body(i, _):
        ref[i // lanes, pl.ds((i % lanes) * 16, 16)] = (
            jnp.full((16,), value, _f32))
        return 0
    lax.fori_loop(0, rows * lanes, body, 0)


def _zero_rpt(src64, acc, s):
    for k in range(RPT // 64):
        pltpu.sync_copy(src64, acc.at[pl.ds(s * RPT + k * 64, 64)])


def _readback(acc, stage64, out_hbm, c, s):
    for k in range(RPT // 64):
        pltpu.sync_copy(acc.at[pl.ds(s * RPT + k * 64, 64)], stage64)
        pltpu.sync_copy(stage64,
                        out_hbm.at[pl.ds(c * HALF + s * RPT + k * 64, 64)])



@functools.partial(
    pl.kernel,
    out_type=[jax.ShapeDtypeStruct((NR, D), _f32),
              jax.ShapeDtypeStruct((NC, NS, ECH, 128), _i32)],
    mesh=_MESH,
    scratch_types=[
        pltpu.VMEM((NR // (32 * NW), 32), _i32),
        pltpu.VMEM((32, D), _f32),
        pltpu.VMEM((ECH, 128), _i32),
        pltpu.SemaphoreType.DMA,
    ],
)
def _sc_emb(ids_hbm, table_hbm, dst_hbm, emb_hbm, dstt_hbm,
            idx_v, rows_v, didx_v, sem):
    c = lax.axis_index("c")
    s = lax.axis_index("s")
    w = s * NC + c

    pltpu.sync_copy(ids_hbm.at[w], idx_v)

    def gat(j, _):
        pltpu.async_copy(table_hbm.at[idx_v.at[j]], rows_v, sem).wait()
        pltpu.sync_copy(rows_v, emb_hbm.at[pl.ds(w * (NR // NW) + j * 32, 32)])
        return 0
    lax.fori_loop(0, 10, gat, 0)

    pltpu.sync_copy(dst_hbm.at[s], didx_v)
    base = c * HALF

    def rmap(i, _):
        v = didx_v[i // 8, pl.ds((i % 8) * 16, 16)] - base
        ok = (v >= 0) & (v < HALF)
        didx_v[i // 8, pl.ds((i % 8) * 16, 16)] = jnp.where(ok, v, HALF)
        return 0
    lax.fori_loop(0, ECH * 8, rmap, 0)
    pltpu.sync_copy(didx_v, dstt_hbm.at[c, s])



@functools.partial(
    pl.kernel,
    out_type=jax.ShapeDtypeStruct((NR, D), _f32),
    mesh=_MESH,
    scratch_types=[
        pltpu.VMEM((ECH, 128), _i32),
        pltpu.VMEM((128, D), _f32),
        pltpu.VMEM((64, D), _f32),
        pltpu.VMEM_SHARED((ACCR, D), _f32),
        pltpu.SemaphoreType.DMA,
        pltpu.SemaphoreType.DMA,
    ],
)
def _sc_deg(dstt_hbm, out_hbm, didx_v, ones_v, stage_v, acc, semA, semB):
    c = lax.axis_index("c")
    s = lax.axis_index("s")

    _fill(stage_v, 64, D, 0.0)
    _zero_rpt(stage_v, acc, s)
    plsc.subcore_barrier()

    _fill(ones_v, 128, D, 1.0)
    pltpu.sync_copy(dstt_hbm.at[c, s], didx_v)

    def go(g, _):
        dA = pltpu.async_copy(ones_v, acc.at[didx_v.at[2 * g]], semA,
                              add=True)
        dB = pltpu.async_copy(ones_v, acc.at[didx_v.at[2 * g + 1]], semB,
                              add=True)
        dA.wait()
        dB.wait()
        return 0
    lax.fori_loop(0, ECH // 2, go, 0)
    plsc.subcore_barrier()

    _readback(acc, stage_v, out_hbm, c, s)



@functools.partial(
    pl.kernel,
    out_type=jax.ShapeDtypeStruct((NR, D), _f32),
    mesh=_MESH,
    scratch_types=[
        pltpu.VMEM((ECH, 128), _i32),
        pltpu.VMEM((ECH, 128), _i32),
        pltpu.VMEM((128, D), _f32),
        pltpu.VMEM((128, D), _f32),
        pltpu.VMEM((64, D), _f32),
        pltpu.VMEM_SHARED((ACCR, D), _f32),
        pltpu.SemaphoreType.DMA,
        pltpu.SemaphoreType.DMA,
        pltpu.SemaphoreType.DMA,
        pltpu.SemaphoreType.DMA,
    ],
)
def _sc_agg(hprime_hbm, src_hbm, dstt_hbm, out_hbm,
            sidx_v, didx_v, rows_a, rows_b, stage_v, acc,
            semA, semB, semC, semD):
    c = lax.axis_index("c")
    s = lax.axis_index("s")

    _fill(stage_v, 64, D, 0.0)
    _zero_rpt(stage_v, acc, s)
    plsc.subcore_barrier()

    pltpu.sync_copy(src_hbm.at[s], sidx_v)
    pltpu.sync_copy(dstt_hbm.at[c, s], didx_v)

    def go(g, _):
        dA = pltpu.async_copy(hprime_hbm.at[sidx_v.at[2 * g]], rows_a, semA)
        dB = pltpu.async_copy(hprime_hbm.at[sidx_v.at[2 * g + 1]], rows_b,
                              semB)
        dA.wait()
        sA = pltpu.async_copy(rows_a, acc.at[didx_v.at[2 * g]], semC,
                              add=True)
        dB.wait()
        sB = pltpu.async_copy(rows_b, acc.at[didx_v.at[2 * g + 1]], semD,
                              add=True)
        sA.wait()
        sB.wait()
        return 0
    lax.fori_loop(0, ECH // 2, go, 0)
    plsc.subcore_barrier()

    _readback(acc, stage_v, out_hbm, c, s)



RB = 256


def _dinv_of(deg_blk):
    return lax.rsqrt(deg_blk[:, :1] + 1.0)


def _tc_first_body(x_ref, w_ref, deg_ref, o_ref):
    dinv = _dinv_of(deg_ref[...])
    h = jnp.dot(x_ref[...], w_ref[...], preferred_element_type=_f32)
    o_ref[...] = h * dinv


def _tc_first(x, w, deg):
    return pl.pallas_call(
        _tc_first_body,
        grid=(NR // RB,),
        in_specs=[
            pl.BlockSpec((RB, D), lambda i: (i, 0)),
            pl.BlockSpec((D, D), lambda i: (0, 0)),
            pl.BlockSpec((RB, D), lambda i: (i, 0)),
        ],
        out_specs=pl.BlockSpec((RB, D), lambda i: (i, 0)),
        out_shape=jax.ShapeDtypeStruct((NR, D), _f32),
    )(x, w, deg)


def _tc_mid_body(p_ref, h_ref, deg_ref, b_ref, w_ref, o_ref):
    dinv = _dinv_of(deg_ref[...])
    x = dinv * (p_ref[...] + h_ref[...]) + b_ref[...]
    x = jnp.maximum(x, 0.0)
    o_ref[...] = jnp.dot(x, w_ref[...], preferred_element_type=_f32) * dinv


def _tc_mid(p, hprime, deg, b, w_next):
    return pl.pallas_call(
        _tc_mid_body,
        grid=(NR // RB,),
        in_specs=[
            pl.BlockSpec((RB, D), lambda i: (i, 0)),
            pl.BlockSpec((RB, D), lambda i: (i, 0)),
            pl.BlockSpec((RB, D), lambda i: (i, 0)),
            pl.BlockSpec((1, D), lambda i: (0, 0)),
            pl.BlockSpec((D, D), lambda i: (0, 0)),
        ],
        out_specs=pl.BlockSpec((RB, D), lambda i: (i, 0)),
        out_shape=jax.ShapeDtypeStruct((NR, D), _f32),
    )(p, hprime, deg, b, w_next)


RB2 = 1000


def _tc_head_body(pa, ha, da, pb, hb, db, b3, a1, c1, a2, c2, a3, c3, o_ref):
    dva = _dinv_of(da[...])
    dvb = _dinv_of(db[...])
    xa = dva * (pa[...] + ha[...]) + b3[...]
    xb = dvb * (pb[...] + hb[...]) + b3[...]
    comb = jnp.concatenate([xa, xb], axis=1)
    h = jnp.dot(comb, a1[...], preferred_element_type=_f32) + c1[...]
    h = jnp.maximum(h, 0.0)
    h = jnp.dot(h, a2[...], preferred_element_type=_f32) + c2[...]
    h = jnp.maximum(h, 0.0)
    z = jnp.dot(h, a3[...], preferred_element_type=_f32) + c3[...]
    o_ref[...] = 1.0 / (1.0 + jnp.exp(-z))


def _tc_head(p, hprime, deg, b3, a1, c1, a2, c2, a3, c3):
    nb = B // RB2
    return pl.pallas_call(
        _tc_head_body,
        grid=(B // RB2,),
        in_specs=[
            pl.BlockSpec((RB2, D), lambda i: (i, 0)),
            pl.BlockSpec((RB2, D), lambda i: (i, 0)),
            pl.BlockSpec((RB2, D), lambda i: (i, 0)),
            pl.BlockSpec((RB2, D), lambda i: (i + nb, 0)),
            pl.BlockSpec((RB2, D), lambda i: (i + nb, 0)),
            pl.BlockSpec((RB2, D), lambda i: (i + nb, 0)),
            pl.BlockSpec((1, D), lambda i: (0, 0)),
            pl.BlockSpec((2 * D, 512), lambda i: (0, 0)),
            pl.BlockSpec((1, 512), lambda i: (0, 0)),
            pl.BlockSpec((512, 256), lambda i: (0, 0)),
            pl.BlockSpec((1, 256), lambda i: (0, 0)),
            pl.BlockSpec((256, 1), lambda i: (0, 0)),
            pl.BlockSpec((1, 1), lambda i: (0, 0)),
        ],
        out_specs=pl.BlockSpec((RB2, 1), lambda i: (i, 0)),
        out_shape=jax.ShapeDtypeStruct((B, 1), _f32),
    )(p, hprime, deg, p, hprime, deg, b3, a1, c1, a2, c2, a3, c3)



def kernel(player1_id, player2_id, edge_index, emb_table,
           W1, b1, W2, b2, W3, b3, A1, c1, A2, c2, A3, c3):
    ids = jnp.concatenate([player1_id, player2_id]).astype(_i32)
    ids = jnp.pad(ids, (0, NR - N)).reshape(NW, NR // (32 * NW), 32)
    src = jnp.pad(edge_index[0].astype(_i32), (0, EPAD - E))
    dst = jnp.pad(edge_index[1].astype(_i32), (0, EPAD - E),
                  constant_values=N)
    src = src.reshape(NS, ECH, 128)
    dst = dst.reshape(NS, ECH, 128)

    all_emb, dstt = _sc_emb(ids, emb_table, dst)
    deg = _sc_deg(dstt)

    h1 = _tc_first(all_emb, W1, deg)
    p1 = _sc_agg(h1, src, dstt)
    h2 = _tc_mid(p1, h1, deg, b1.reshape(1, D), W2)
    p2 = _sc_agg(h2, src, dstt)
    h3 = _tc_mid(p2, h2, deg, b2.reshape(1, D), W3)
    p3 = _sc_agg(h3, src, dstt)

    return _tc_head(p3, h3, deg, b3.reshape(1, D),
                    A1, c1.reshape(1, 512), A2, c2.reshape(1, 256),
                    A3, c3.reshape(1, 1))

# --- scband reference (transcript-rebuilt; emitter-appended) ---
"""Pipeline reference for scband-tennis-graph-nn-55087250538978 (READ-ONLY COPY).

The authoritative reference and input builder live on the scoring server;
editing this copy changes nothing except your own understanding.
"""

import jax, jax.numpy as jnp
import numpy as np

NUM_PLAYERS = 100000
D = 128
B = 5000
N = 2 * B
E = 320000


def setup_inputs(seed: int = 0) -> dict:
    key = jax.random.key(seed)
    ks = jax.random.split(key, 16)
    inp = {}
    inp['player1_id'] = jax.random.randint(ks[0], (B,), 0, NUM_PLAYERS)
    inp['player2_id'] = jax.random.randint(ks[1], (B,), 0, NUM_PLAYERS)
    inp['edge_index'] = jax.random.randint(ks[2], (2, E), 0, N)
    inp['emb_table'] = jax.random.normal(ks[3], (NUM_PLAYERS, D), dtype=jnp.float32) * 0.02
    # GCNConv weights (x @ W + b after normalized aggregation)
    inp['W1'] = jax.random.normal(ks[4], (D, D), dtype=jnp.float32) * (1.0 / np.sqrt(D))
    inp['b1'] = jnp.zeros((D,), dtype=jnp.float32)
    inp['W2'] = jax.random.normal(ks[5], (D, D), dtype=jnp.float32) * (1.0 / np.sqrt(D))
    inp['b2'] = jnp.zeros((D,), dtype=jnp.float32)
    inp['W3'] = jax.random.normal(ks[6], (D, D), dtype=jnp.float32) * (1.0 / np.sqrt(D))
    inp['b3'] = jnp.zeros((D,), dtype=jnp.float32)
    # relationship_analyzer MLP: Linear(2D,512) ReLU Dropout Linear(512,256) ReLU Linear(256,1) Sigmoid
    inp['A1'] = jax.random.normal(ks[7], (2 * D, 512), dtype=jnp.float32) * (1.0 / np.sqrt(2 * D))
    inp['c1'] = jnp.zeros((512,), dtype=jnp.float32)
    inp['A2'] = jax.random.normal(ks[8], (512, 256), dtype=jnp.float32) * (1.0 / np.sqrt(512))
    inp['c2'] = jnp.zeros((256,), dtype=jnp.float32)
    inp['A3'] = jax.random.normal(ks[9], (256, 1), dtype=jnp.float32) * (1.0 / np.sqrt(256))
    inp['c3'] = jnp.zeros((1,), dtype=jnp.float32)
    return inp


def gcn_conv(x, edge_index, W, b):
    # Faithful GCNConv: add self-loops, symmetric normalization, linear transform, scatter-add aggregation, bias.
    n = x.shape[0]
    src = edge_index[0]
    dst = edge_index[1]
    loop = jnp.arange(n)
    src = jnp.concatenate([src, loop])
    dst = jnp.concatenate([dst, loop])
    ones = jnp.ones(src.shape[0], dtype=x.dtype)
    deg = jax.ops.segment_sum(ones, dst, num_segments=n)
    dinv = jnp.where(deg > 0, deg ** -0.5, 0.0)
    norm = dinv[src] * dinv[dst]
    h = x @ W
    msg = h[src] * norm[:, None]
    out = jax.ops.segment_sum(msg, dst, num_segments=n)
    return out + b


def reference(player1_id, player2_id, edge_index, emb_table, W1, b1, W2, b2, W3, b3, A1, c1, A2, c2, A3, c3):
    p1 = jnp.take(emb_table, player1_id, axis=0)
    p2 = jnp.take(emb_table, player2_id, axis=0)
    all_emb = jnp.concatenate([p1, p2], axis=0)
    x = jax.nn.relu(gcn_conv(all_emb, edge_index, W1, b1))
    x = jax.nn.relu(gcn_conv(x, edge_index, W2, b2))
    x = gcn_conv(x, edge_index, W3, b3)
    nb = player1_id.shape[0]
    p1e = x[:nb]
    p2e = x[nb:]
    combined = jnp.concatenate([p1e, p2e], axis=1)
    h = jax.nn.relu(combined @ A1 + c1)
    # Dropout(0.2) -> identity at inference
    h = jax.nn.relu(h @ A2 + c2)
    h = h @ A3 + c3
    return jax.nn.sigmoid(h)

if __name__ == "__main__":
    import jax
    _d = setup_inputs()
    print(jax.jit(kernel)(*tuple(_d.values())))

</pallas_src>

<mosaic_0001>
#map = affine_map<(d0, d1) -> (0, 0)>
#map1 = affine_map<(d0, d1) -> (0, 0, 0)>
#map2 = affine_map<(d0, d1) -> (0, 0, 0, 0)>
module attributes {stable_mosaic.version = 14 : i64} {
  func.func @_sc_agg(%arg0: i32, %arg1: i32, %arg2: memref<10240x128xf32, #tpu.memory_space<hbm>>, %arg3: memref<16x158x128xi32, #tpu.memory_space<hbm>>, %arg4: memref<2x16x158x128xi32, #tpu.memory_space<hbm>>, %arg5: memref<10240x128xf32, #tpu.memory_space<hbm>>, %arg6: memref<158x128xi32, #tpu.memory_space<vmem>>, %arg7: memref<158x128xi32, #tpu.memory_space<vmem>>, %arg8: memref<128x128xf32, #tpu.memory_space<vmem>>, %arg9: memref<128x128xf32, #tpu.memory_space<vmem>>, %arg10: memref<64x128xf32, #tpu.memory_space<vmem>>, %arg11: memref<5128x128xf32, #tpu.memory_space<vmem_shared>>, %arg12: memref<!tpu.dma_semaphore, #tpu.memory_space<semaphore_mem>>, %arg13: memref<!tpu.dma_semaphore, #tpu.memory_space<semaphore_mem>>, %arg14: memref<!tpu.dma_semaphore, #tpu.memory_space<semaphore_mem>>, %arg15: memref<!tpu.dma_semaphore, #tpu.memory_space<semaphore_mem>>) attributes {dimension_semantics = [#tpu.dimension_semantics<core_parallel>, #tpu.dimension_semantics<subcore_parallel>], iteration_bounds = array<i64: 2, 16>, scalar_prefetch = 0 : i64, scratch_operands = 10 : i64, tpu.core_type = #tpu.core_type<sc_vector_subcore>, window_params = [{transform_indices = #map}, {transform_indices = #map1}, {transform_indices = #map2}, {transform_indices = #map}]} {
    %scan3A = arith.constant 0 : i32
    %scan3A_0 = arith.constant 0 : i32
    %scan3A_1 = arith.constant 512 : i32
    %scan3A_2 = arith.addi %scan3A_0, %scan3A_1 : i32
    %scan3A_3 = arith.constant 1 : i32
    %scan3A_4 = scf.for %scan3A_87 = %scan3A_0 to %scan3A_2 step %scan3A_3 iter_args(%scan3A_88 = %scan3A) -> (i32)  : i32 {
      %broadcast_in_dim3A = arith.constant 0.000000e+00 : f32
      %broadcast_in_dim3A_89 = vector.broadcast %broadcast_in_dim3A : f32 to vector<16xf32>
      %jit3A = arith.constant 8 : i32
      %div3A = arith.divsi %scan3A_87, %jit3A : i32
      %sign3A = arith.constant 0 : i32
      %sign3A_90 = arith.cmpi sgt, %scan3A_87, %sign3A : i32
      %sign3A_91 = arith.extui %sign3A_90 : i1 to i32
      %sign3A_92 = arith.constant 0 : i32
      %sign3A_93 = arith.cmpi slt, %scan3A_87, %sign3A_92 : i32
      %sign3A_94 = arith.extui %sign3A_93 : i1 to i32
      %sign3A_95 = arith.subi %sign3A_91, %sign3A_94 : i32
      %sign3A_96 = arith.constant 0 : i32
      %sign3A_97 = arith.cmpi sgt, %jit3A, %sign3A_96 : i32
      %sign3A_98 = arith.extui %sign3A_97 : i1 to i32
      %sign3A_99 = arith.constant 0 : i32
      %sign3A_100 = arith.cmpi slt, %jit3A, %sign3A_99 : i32
      %sign3A_101 = arith.extui %sign3A_100 : i1 to i32
      %sign3A_102 = arith.subi %sign3A_98, %sign3A_101 : i32
      %ne3A = arith.cmpi ne, %sign3A_95, %sign3A_102 : i32
      %rem3A = arith.remsi %scan3A_87, %jit3A : i32
      %ne3A_103 = arith.constant 0 : i32
      %ne3A_104 = arith.cmpi ne, %rem3A, %ne3A_103 : i32
      %and3A = arith.andi %ne3A, %ne3A_104 : i1
      %sub3A = arith.constant 1 : i32
      %sub3A_105 = arith.subi %div3A, %sub3A : i32
      %select_n3A = arith.select %and3A, %sub3A_105, %div3A : i32
      %jit3A_106 = arith.constant 8 : i32
      %eq3A = arith.constant 0 : i32
      %eq3A_107 = arith.cmpi eq, %jit3A_106, %eq3A : i32
      %jit3A_108 = arith.constant 1 : i32
      %select_n3A_109 = arith.select %eq3A_107, %jit3A_108, %jit3A_106 : i32
      %rem3A_110 = arith.remsi %scan3A_87, %select_n3A_109 : i32
      %ne3A_111 = arith.constant 0 : i32
      %ne3A_112 = arith.cmpi ne, %rem3A_110, %ne3A_111 : i32
      %lt3A = arith.constant 0 : i32
      %lt3A_113 = arith.cmpi slt, %rem3A_110, %lt3A : i32
      %lt3A_114 = arith.constant 0 : i32
      %lt3A_115 = arith.cmpi slt, %select_n3A_109, %lt3A_114 : i32
      %ne3A_116 = arith.xori %lt3A_113, %lt3A_115 : i1
      %and3A_117 = arith.andi %ne3A_116, %ne3A_112 : i1
      %add3A_118 = arith.addi %rem3A_110, %select_n3A_109 : i32
      %select_n3A_119 = arith.select %and3A_117, %add3A_118, %rem3A_110 : i32
      %mul3A_120 = arith.constant 16 : i32
      %mul3A_121 = arith.muli %select_n3A_119, %mul3A_120 : i32
      %swap3A = arith.index_cast %select_n3A : i32 to index
      %swap3A_122 = arith.index_cast %mul3A_121 : i32 to index
      %swap3A_123 = tpu.vector_load %arg10[%swap3A, %swap3A_122] {strides = array<i32>} : memref<64x128xf32, #tpu.memory_space<vmem>>, vector<1x16xf32>,
      %swap3A_124 = vector.shape_cast %swap3A_123 : vector<1x16xf32> to vector<16xf32>
      %swap3A_125 = vector.shape_cast %broadcast_in_dim3A_89 : vector<16xf32> to vector<1x16xf32>
      tpu.vector_store %arg10[%swap3A, %swap3A_122], %swap3A_125 {strides = array<i32>} : memref<64x128xf32, #tpu.memory_space<vmem>>, vector<1x16xf32>,
      %scan3A_126 = arith.constant 0 : i32
      scf.yield %scan3A_126 : i32
    }
    %scan3A_5 = arith.constant 512 : i32
    %mul3A = arith.constant 320 : i32
    %mul3A_6 = arith.muli %arg1, %mul3A : i32
    %add3A = arith.constant 0 : i32
    %add3A_7 = arith.addi %mul3A_6, %add3A : i32
    "tpu.region"() ({
      %run_scoped3A = tpu.sem_alloc : memref<!tpu.dma_semaphore, #tpu.memory_space<semaphore_mem>>
      %dma_start3A = arith.constant 0 : i32
      %dma_start3A_87 = tpu.memref_slice %arg11[%add3A_7, %dma_start3A] : memref<5128x128xf32, #tpu.memory_space<vmem_shared>> -> memref<64x128xf32, #tpu.memory_space<vmem_shared>>
      %dma_start3A_88 = arith.constant 0 : i32
      %dma_start3A_89 = tpu.memref_slice %arg11[%add3A_7, %dma_start3A_88] : memref<5128x128xf32, #tpu.memory_space<vmem_shared>> -> memref<64x128xf32, #tpu.memory_space<vmem_shared>>
      tpu.enqueue_dma source(%arg10 : memref<64x128xf32, #tpu.memory_space<vmem>>) target(%dma_start3A_89 : memref<64x128xf32, #tpu.memory_space<vmem_shared>>) target_semaphore(%run_scoped3A : memref<!tpu.dma_semaphore, #tpu.memory_space<semaphore_mem>>)
      %dma_wait3A = arith.constant 0 : i32
      %dma_wait3A_90 = tpu.memref_slice %arg11[%add3A_7, %dma_wait3A] : memref<5128x128xf32, #tpu.memory_space<vmem_shared>> -> memref<64x128xf32, #tpu.memory_space<vmem_shared>>
      %dma_wait3A_91 = arith.constant 0 : i32
      %dma_wait3A_92 = tpu.memref_slice %arg11[%add3A_7, %dma_wait3A_91] : memref<5128x128xf32, #tpu.memory_space<vmem_shared>> -> memref<64x128xf32, #tpu.memory_space<vmem_shared>>
      tpu.wait_dma2 semaphore(%run_scoped3A : memref<!tpu.dma_semaphore, #tpu.memory_space<semaphore_mem>>) src(%arg10 : memref<64x128xf32, #tpu.memory_space<vmem>>) dst(%dma_wait3A_92 : memref<64x128xf32, #tpu.memory_space<vmem_shared>>)
      tpu.yield
    }) : () -> ()
    %mul3A_8 = arith.constant 320 : i32
    %mul3A_9 = arith.muli %arg1, %mul3A_8 : i32
    %add3A_10 = arith.constant 64 : i32
    %add3A_11 = arith.addi %mul3A_9, %add3A_10 : i32
    "tpu.region"() ({
      %run_scoped3A = tpu.sem_alloc : memref<!tpu.dma_semaphore, #tpu.memory_space<semaphore_mem>>
      %dma_start3A = arith.constant 0 : i32
      %dma_start3A_87 = tpu.memref_slice %arg11[%add3A_11, %dma_start3A] : memref<5128x128xf32, #tpu.memory_space<vmem_shared>> -> memref<64x128xf32, #tpu.memory_space<vmem_shared>>
      %dma_start3A_88 = arith.constant 0 : i32
      %dma_start3A_89 = tpu.memref_slice %arg11[%add3A_11, %dma_start3A_88] : memref<5128x128xf32, #tpu.memory_space<vmem_shared>> -> memref<64x128xf32, #tpu.memory_space<vmem_shared>>
      tpu.enqueue_dma source(%arg10 : memref<64x128xf32, #tpu.memory_space<vmem>>) target(%dma_start3A_89 : memref<64x128xf32, #tpu.memory_space<vmem_shared>>) target_semaphore(%run_scoped3A : memref<!tpu.dma_semaphore, #tpu.memory_space<semaphore_mem>>)
      %dma_wait3A = arith.constant 0 : i32
      %dma_wait3A_90 = tpu.memref_slice %arg11[%add3A_11, %dma_wait3A] : memref<5128x128xf32, #tpu.memory_space<vmem_shared>> -> memref<64x128xf32, #tpu.memory_space<vmem_shared>>
      %dma_wait3A_91 = arith.constant 0 : i32
      %dma_wait3A_92 = tpu.memref_slice %arg11[%add3A_11, %dma_wait3A_91] : memref<5128x128xf32, #tpu.memory_space<vmem_shared>> -> memref<64x128xf32, #tpu.memory_space<vmem_shared>>
      tpu.wait_dma2 semaphore(%run_scoped3A : memref<!tpu.dma_semaphore, #tpu.memory_space<semaphore_mem>>) src(%arg10 : memref<64x128xf32, #tpu.memory_space<vmem>>) dst(%dma_wait3A_92 : memref<64x128xf32, #tpu.memory_space<vmem_shared>>)
      tpu.yield
    }) : () -> ()
    %mul3A_12 = arith.constant 320 : i32
    %mul3A_13 = arith.muli %arg1, %mul3A_12 : i32
    %add3A_14 = arith.constant 128 : i32
    %add3A_15 = arith.addi %mul3A_13, %add3A_14 : i32
    "tpu.region"() ({
      %run_scoped3A = tpu.sem_alloc : memref<!tpu.dma_semaphore, #tpu.memory_space<semaphore_mem>>
      %dma_start3A = arith.constant 0 : i32
      %dma_start3A_87 = tpu.memref_slice %arg11[%add3A_15, %dma_start3A] : memref<5128x128xf32, #tpu.memory_space<vmem_shared>> -> memref<64x128xf32, #tpu.memory_space<vmem_shared>>
      %dma_start3A_88 = arith.constant 0 : i32
      %dma_start3A_89 = tpu.memref_slice %arg11[%add3A_15, %dma_start3A_88] : memref<5128x128xf32, #tpu.memory_space<vmem_shared>> -> memref<64x128xf32, #tpu.memory_space<vmem_shared>>
      tpu.enqueue_dma source(%arg10 : memref<64x128xf32, #tpu.memory_space<vmem>>) target(%dma_start3A_89 : memref<64x128xf32, #tpu.memory_space<vmem_shared>>) target_semaphore(%run_scoped3A : memref<!tpu.dma_semaphore, #tpu.memory_space<semaphore_mem>>)
      %dma_wait3A = arith.constant 0 : i32
      %dma_wait3A_90 = tpu.memref_slice %arg11[%add3A_15, %dma_wait3A] : memref<5128x128xf32, #tpu.memory_space<vmem_shared>> -> memref<64x128xf32, #tpu.memory_space<vmem_shared>>
      %dma_wait3A_91 = arith.constant 0 : i32
      %dma_wait3A_92 = tpu.memref_slice %arg11[%add3A_15, %dma_wait3A_91] : memref<5128x128xf32, #tpu.memory_space<vmem_shared>> -> memref<64x128xf32, #tpu.memory_space<vmem_shared>>
      tpu.wait_dma2 semaphore(%run_scoped3A : memref<!tpu.dma_semaphore, #tpu.memory_space<semaphore_mem>>) src(%arg10 : memref<64x128xf32, #tpu.memory_space<vmem>>) dst(%dma_wait3A_92 : memref<64x128xf32, #tpu.memory_space<vmem_shared>>)
      tpu.yield
    }) : () -> ()
    %mul3A_16 = arith.constant 320 : i32
    %mul3A_17 = arith.muli %arg1, %mul3A_16 : i32
    %add3A_18 = arith.constant 192 : i32
    %add3A_19 = arith.addi %mul3A_17, %add3A_18 : i32
    "tpu.region"() ({
      %run_scoped3A = tpu.sem_alloc : memref<!tpu.dma_semaphore, #tpu.memory_space<semaphore_mem>>
      %dma_start3A = arith.constant 0 : i32
      %dma_start3A_87 = tpu.memref_slice %arg11[%add3A_19, %dma_start3A] : memref<5128x128xf32, #tpu.memory_space<vmem_shared>> -> memref<64x128xf32, #tpu.memory_space<vmem_shared>>
      %dma_start3A_88 = arith.constant 0 : i32
      %dma_start3A_89 = tpu.memref_slice %arg11[%add3A_19, %dma_start3A_88] : memref<5128x128xf32, #tpu.memory_space<vmem_shared>> -> memref<64x128xf32, #tpu.memory_space<vmem_shared>>
      tpu.enqueue_dma source(%arg10 : memref<64x128xf32, #tpu.memory_space<vmem>>) target(%dma_start3A_89 : memref<64x128xf32, #tpu.memory_space<vmem_shared>>) target_semaphore(%run_scoped3A : memref<!tpu.dma_semaphore, #tpu.memory_space<semaphore_mem>>)
      %dma_wait3A = arith.constant 0 : i32
      %dma_wait3A_90 = tpu.memref_slice %arg11[%add3A_19, %dma_wait3A] : memref<5128x128xf32, #tpu.memory_space<vmem_shared>> -> memref<64x128xf32, #tpu.memory_space<vmem_shared>>
      %dma_wait3A_91 = arith.constant 0 : i32
      %dma_wait3A_92 = tpu.memref_slice %arg11[%add3A_19, %dma_wait3A_91] : memref<5128x128xf32, #tpu.memory_space<vmem_shared>> -> memref<64x128xf32, #tpu.memory_space<vmem_shared>>
      tpu.wait_dma2 semaphore(%run_scoped3A : memref<!tpu.dma_semaphore, #tpu.memory_space<semaphore_mem>>) src(%arg10 : memref<64x128xf32, #tpu.memory_space<vmem>>) dst(%dma_wait3A_92 : memref<64x128xf32, #tpu.memory_space<vmem_shared>>)
      tpu.yield
    }) : () -> ()
    %mul3A_20 = arith.constant 320 : i32
    %mul3A_21 = arith.muli %arg1, %mul3A_20 : i32
    %add3A_22 = arith.constant 256 : i32
    %add3A_23 = arith.addi %mul3A_21, %add3A_22 : i32
    "tpu.region"() ({
      %run_scoped3A = tpu.sem_alloc : memref<!tpu.dma_semaphore, #tpu.memory_space<semaphore_mem>>
      %dma_start3A = arith.constant 0 : i32
      %dma_start3A_87 = tpu.memref_slice %arg11[%add3A_23, %dma_start3A] : memref<5128x128xf32, #tpu.memory_space<vmem_shared>> -> memref<64x128xf32, #tpu.memory_space<vmem_shared>>
      %dma_start3A_88 = arith.constant 0 : i32
      %dma_start3A_89 = tpu.memref_slice %arg11[%add3A_23, %dma_start3A_88] : memref<5128x128xf32, #tpu.memory_space<vmem_shared>> -> memref<64x128xf32, #tpu.memory_space<vmem_shared>>
      tpu.enqueue_dma source(%arg10 : memref<64x128xf32, #tpu.memory_space<vmem>>) target(%dma_start3A_89 : memref<64x128xf32, #tpu.memory_space<vmem_shared>>) target_semaphore(%run_scoped3A : memref<!tpu.dma_semaphore, #tpu.memory_space<semaphore_mem>>)
      %dma_wait3A = arith.constant 0 : i32
      %dma_wait3A_90 = tpu.memref_slice %arg11[%add3A_23, %dma_wait3A] : memref<5128x128xf32, #tpu.memory_space<vmem_shared>> -> memref<64x128xf32, #tpu.memory_space<vmem_shared>>
      %dma_wait3A_91 = arith.constant 0 : i32
      %dma_wait3A_92 = tpu.memref_slice %arg11[%add3A_23, %dma_wait3A_91] : memref<5128x128xf32, #tpu.memory_space<vmem_shared>> -> memref<64x128xf32, #tpu.memory_space<vmem_shared>>
      tpu.wait_dma2 semaphore(%run_scoped3A : memref<!tpu.dma_semaphore, #tpu.memory_space<semaphore_mem>>) src(%arg10 : memref<64x128xf32, #tpu.memory_space<vmem>>) dst(%dma_wait3A_92 : memref<64x128xf32, #tpu.memory_space<vmem_shared>>)
      tpu.yield
    }) : () -> ()
    %barrier3A = arith.constant 0 : index
    tpu.barrier barrier_id(%barrier3A)
    "tpu.region"() ({
      %run_scoped3A = tpu.sem_alloc : memref<!tpu.dma_semaphore, #tpu.memory_space<semaphore_mem>>
      %dma_start3A = arith.constant 0 : i32
      %dma_start3A_87 = arith.constant 0 : i32
      %dma_start3A_88 = tpu.memref_slice %arg3[%arg1, %dma_start3A, %dma_start3A_87] : memref<16x158x128xi32, #tpu.memory_space<hbm>> -> memref<1x158x128xi32, #tpu.memory_space<hbm>>
      %dma_start3A_89 = tpu.memref_squeeze %dma_start3A_88 : memref<1x158x128xi32, #tpu.memory_space<hbm>> -> memref<158x128xi32, #tpu.memory_space<hbm>>
      %dma_start3A_90 = arith.constant 0 : i32
      %dma_start3A_91 = arith.constant 0 : i32
      %dma_start3A_92 = tpu.memref_slice %arg3[%arg1, %dma_start3A_90, %dma_start3A_91] : memref<16x158x128xi32, #tpu.memory_space<hbm>> -> memref<1x158x128xi32, #tpu.memory_space<hbm>>
      %dma_start3A_93 = tpu.memref_squeeze %dma_start3A_92 : memref<1x158x128xi32, #tpu.memory_space<hbm>> -> memref<158x128xi32, #tpu.memory_space<hbm>>
      tpu.enqueue_dma source(%dma_start3A_93 : memref<158x128xi32, #tpu.memory_space<hbm>>) target(%arg6 : memref<158x128xi32, #tpu.memory_space<vmem>>) target_semaphore(%run_scoped3A : memref<!tpu.dma_semaphore, #tpu.memory_space<semaphore_mem>>)
      %dma_wait3A = arith.constant 0 : i32
      %dma_wait3A_94 = arith.constant 0 : i32
      %dma_wait3A_95 = tpu.memref_slice %arg3[%arg1, %dma_wait3A, %dma_wait3A_94] : memref<16x158x128xi32, #tpu.memory_space<hbm>> -> memref<1x158x128xi32, #tpu.memory_space<hbm>>
      %dma_wait3A_96 = tpu.memref_squeeze %dma_wait3A_95 : memref<1x158x128xi32, #tpu.memory_space<hbm>> -> memref<158x128xi32, #tpu.memory_space<hbm>>
      %dma_wait3A_97 = arith.constant 0 : i32
      %dma_wait3A_98 = arith.constant 0 : i32
      %dma_wait3A_99 = tpu.memref_slice %arg3[%arg1, %dma_wait3A_97, %dma_wait3A_98] : memref<16x158x128xi32, #tpu.memory_space<hbm>> -> memref<1x158x128xi32, #tpu.memory_space<hbm>>
      %dma_wait3A_100 = tpu.memref_squeeze %dma_wait3A_99 : memref<1x158x128xi32, #tpu.memory_space<hbm>> -> memref<158x128xi32, #tpu.memory_space<hbm>>
      tpu.wait_dma2 semaphore(%run_scoped3A : memref<!tpu.dma_semaphore, #tpu.memory_space<semaphore_mem>>) src(%dma_wait3A_100 : memref<158x128xi32, #tpu.memory_space<hbm>>) dst(%arg6 : memref<158x128xi32, #tpu.memory_space<vmem>>)
      tpu.yield
    }) : () -> ()
    "tpu.region"() ({
      %run_scoped3A = tpu.sem_alloc : memref<!tpu.dma_semaphore, #tpu.memory_space<semaphore_mem>>
      %dma_start3A = arith.constant 0 : i32
      %dma_start3A_87 = arith.constant 0 : i32
      %dma_start3A_88 = tpu.memref_slice %arg4[%arg0, %arg1, %dma_start3A, %dma_start3A_87] : memref<2x16x158x128xi32, #tpu.memory_space<hbm>> -> memref<1x1x158x128xi32, #tpu.memory_space<hbm>>
      %dma_start3A_89 = tpu.memref_squeeze %dma_start3A_88 : memref<1x1x158x128xi32, #tpu.memory_space<hbm>> -> memref<158x128xi32, #tpu.memory_space<hbm>>
      %dma_start3A_90 = arith.constant 0 : i32
      %dma_start3A_91 = arith.constant 0 : i32
      %dma_start3A_92 = tpu.memref_slice %arg4[%arg0, %arg1, %dma_start3A_90, %dma_start3A_91] : memref<2x16x158x128xi32, #tpu.memory_space<hbm>> -> memref<1x1x158x128xi32, #tpu.memory_space<hbm>>
      %dma_start3A_93 = tpu.memref_squeeze %dma_start3A_92 : memref<1x1x158x128xi32, #tpu.memory_space<hbm>> -> memref<158x128xi32, #tpu.memory_space<hbm>>
      tpu.enqueue_dma source(%dma_start3A_93 : memref<158x128xi32, #tpu.memory_space<hbm>>) target(%arg7 : memref<158x128xi32, #tpu.memory_space<vmem>>) target_semaphore(%run_scoped3A : memref<!tpu.dma_semaphore, #tpu.memory_space<semaphore_mem>>)
      %dma_wait3A = arith.constant 0 : i32
      %dma_wait3A_94 = arith.constant 0 : i32
      %dma_wait3A_95 = tpu.memref_slice %arg4[%arg0, %arg1, %dma_wait3A, %dma_wait3A_94] : memref<2x16x158x128xi32, #tpu.memory_space<hbm>> -> memref<1x1x158x128xi32, #tpu.memory_space<hbm>>
      %dma_wait3A_96 = tpu.memref_squeeze %dma_wait3A_95 : memref<1x1x158x128xi32, #tpu.memory_space<hbm>> -> memref<158x128xi32, #tpu.memory_space<hbm>>
      %dma_wait3A_97 = arith.constant 0 : i32
      %dma_wait3A_98 = arith.constant 0 : i32
      %dma_wait3A_99 = tpu.memref_slice %arg4[%arg0, %arg1, %dma_wait3A_97, %dma_wait3A_98] : memref<2x16x158x128xi32, #tpu.memory_space<hbm>> -> memref<1x1x158x128xi32, #tpu.memory_space<hbm>>
      %dma_wait3A_100 = tpu.memref_squeeze %dma_wait3A_99 : memref<1x1x158x128xi32, #tpu.memory_space<hbm>> -> memref<158x128xi32, #tpu.memory_space<hbm>>
      tpu.wait_dma2 semaphore(%run_scoped3A : memref<!tpu.dma_semaphore, #tpu.memory_space<semaphore_mem>>) src(%dma_wait3A_100 : memref<158x128xi32, #tpu.memory_space<hbm>>) dst(%arg7 : memref<158x128xi32, #tpu.memory_space<vmem>>)
      tpu.yield
    }) : () -> ()
    %scan3A_24 = arith.constant 0 : i32
    %scan3A_25 = arith.constant 0 : i32
    %scan3A_26 = arith.constant 79 : i32
    %scan3A_27 = arith.addi %scan3A_25, %scan3A_26 : i32
    %scan3A_28 = arith.constant 1 : i32
    %scan3A_29 = scf.for %scan3A_87 = %scan3A_25 to %scan3A_27 step %scan3A_28 iter_args(%scan3A_88 = %scan3A_24) -> (i32)  : i32 {
      %mul3A_89 = arith.constant 2 : i32
      %mul3A_90 = arith.muli %mul3A_89, %scan3A_87 : i32
      %dma_start3A = arith.constant 0 : i32
      %dma_start3A_91 = tpu.memref_slice %arg6[%mul3A_90, %dma_start3A] : memref<158x128xi32, #tpu.memory_space<vmem>> -> memref<1x128xi32, #tpu.memory_space<vmem>>
      %dma_start3A_92 = tpu.memref_squeeze %dma_start3A_91 : memref<1x128xi32, #tpu.memory_space<vmem>> -> memref<128xi32, #tpu.memory_space<vmem>>
      %dma_start3A_93 = arith.constant 0 : i32
      %dma_start3A_94 = arith.constant 0 : i32
      %dma_start3A_95 = tpu.memref_slice %arg2[%dma_start3A_93, %dma_start3A_94] : memref<10240x128xf32, #tpu.memory_space<hbm>> -> memref<10240x128xf32, #tpu.memory_space<hbm>>
      tpu.enqueue_indirect_dma source(%dma_start3A_95 : memref<10240x128xf32, #tpu.memory_space<hbm>>) target(%arg8 : memref<128x128xf32, #tpu.memory_space<vmem>>) offsets(%dma_start3A_92 : memref<128xi32, #tpu.memory_space<vmem>>) semaphore(%arg12 : memref<!tpu.dma_semaphore, #tpu.memory_space<semaphore_mem>>)
      %mul3A_96 = arith.constant 2 : i32
      %mul3A_97 = arith.muli %mul3A_96, %scan3A_87 : i32
      %add3A_98 = arith.constant 1 : i32
      %add3A_99 = arith.addi %mul3A_97, %add3A_98 : i32
      %dma_start3A_100 = arith.constant 0 : i32
      %dma_start3A_101 = tpu.memref_slice %arg6[%add3A_99, %dma_start3A_100] : memref<158x128xi32, #tpu.memory_space<vmem>> -> memref<1x128xi32, #tpu.memory_space<vmem>>
      %dma_start3A_102 = tpu.memref_squeeze %dma_start3A_101 : memref<1x128xi32, #tpu.memory_space<vmem>> -> memref<128xi32, #tpu.memory_space<vmem>>
      %dma_start3A_103 = arith.constant 0 : i32
      %dma_start3A_104 = arith.constant 0 : i32
      %dma_start3A_105 = tpu.memref_slice %arg2[%dma_start3A_103, %dma_start3A_104] : memref<10240x128xf32, #tpu.memory_space<hbm>> -> memref<10240x128xf32, #tpu.memory_space<hbm>>
      tpu.enqueue_indirect_dma source(%dma_start3A_105 : memref<10240x128xf32, #tpu.memory_space<hbm>>) target(%arg9 : memref<128x128xf32, #tpu.memory_space<vmem>>) offsets(%dma_start3A_102 : memref<128xi32, #tpu.memory_space<vmem>>) semaphore(%arg13 : memref<!tpu.dma_semaphore, #tpu.memory_space<semaphore_mem>>)
      %dma_wait3A = arith.constant 0 : i32
      %dma_wait3A_106 = tpu.memref_slice %arg6[%mul3A_90, %dma_wait3A] : memref<158x128xi32, #tpu.memory_space<vmem>> -> memref<1x128xi32, #tpu.memory_space<vmem>>
      %dma_wait3A_107 = tpu.memref_squeeze %dma_wait3A_106 : memref<1x128xi32, #tpu.memory_space<vmem>> -> memref<128xi32, #tpu.memory_space<vmem>>
      %dma_wait3A_108 = arith.constant 0 : i32
      %dma_wait3A_109 = arith.constant 0 : i32
      %dma_wait3A_110 = tpu.memref_slice %arg2[%dma_wait3A_108, %dma_wait3A_109] : memref<10240x128xf32, #tpu.memory_space<hbm>> -> memref<10240x128xf32, #tpu.memory_space<hbm>>
      tpu.wait_indirect_dma semaphore(%arg12 : memref<!tpu.dma_semaphore, #tpu.memory_space<semaphore_mem>>) src(%dma_wait3A_110 : memref<10240x128xf32, #tpu.memory_space<hbm>>) dst(%arg8 : memref<128x128xf32, #tpu.memory_space<vmem>>)
      %mul3A_111 = arith.constant 2 : i32
      %mul3A_112 = arith.muli %mul3A_111, %scan3A_87 : i32
      %dma_start3A_113 = arith.constant 0 : i32
      %dma_start3A_114 = tpu.memref_slice %arg7[%mul3A_112, %dma_start3A_113] : memref<158x128xi32, #tpu.memory_space<vmem>> -> memref<1x128xi32, #tpu.memory_space<vmem>>
      %dma_start3A_115 = tpu.memref_squeeze %dma_start3A_114 : memref<1x128xi32, #tpu.memory_space<vmem>> -> memref<128xi32, #tpu.memory_space<vmem>>
      %dma_start3A_116 = arith.constant 0 : i32
      %dma_start3A_117 = arith.constant 0 : i32
      %dma_start3A_118 = tpu.memref_slice %arg11[%dma_start3A_116, %dma_start3A_117] : memref<5128x128xf32, #tpu.memory_space<vmem_shared>> -> memref<5128x128xf32, #tpu.memory_space<vmem_shared>>
      tpu.enqueue_indirect_dma source(%arg8 : memref<128x128xf32, #tpu.memory_space<vmem>>) target(%dma_start3A_118 : memref<5128x128xf32, #tpu.memory_space<vmem_shared>>) offsets(%dma_start3A_115 : memref<128xi32, #tpu.memory_space<vmem>>) semaphore(%arg14 : memref<!tpu.dma_semaphore, #tpu.memory_space<semaphore_mem>>) {add = true}
      %dma_wait3A_119 = arith.constant 0 : i32
      %dma_wait3A_120 = tpu.memref_slice %arg6[%add3A_99, %dma_wait3A_119] : memref<158x128xi32, #tpu.memory_space<vmem>> -> memref<1x128xi32, #tpu.memory_space<vmem>>
      %dma_wait3A_121 = tpu.memref_squeeze %dma_wait3A_120 : memref<1x128xi32, #tpu.memory_space<vmem>> -> memref<128xi32, #tpu.memory_space<vmem>>
      %dma_wait3A_122 = arith.constant 0 : i32
      %dma_wait3A_123 = arith.constant 0 : i32
      %dma_wait3A_124 = tpu.memref_slice %arg2[%dma_wait3A_122, %dma_wait3A_123] : memref<10240x128xf32, #tpu.memory_space<hbm>> -> memref<10240x128xf32, #tpu.memory_space<hbm>>
      tpu.wait_indirect_dma semaphore(%arg13 : memref<!tpu.dma_semaphore, #tpu.memory_space<semaphore_mem>>) src(%dma_wait3A_124 : memref<10240x128xf32, #tpu.memory_space<hbm>>) dst(%arg9 : memref<128x128xf32, #tpu.memory_space<vmem>>)
      %mul3A_125 = arith.constant 2 : i32
      %mul3A_126 = arith.muli %mul3A_125, %scan3A_87 : i32
      %add3A_127 = arith.constant 1 : i32
      %add3A_128 = arith.addi %mul3A_126, %add3A_127 : i32
      %dma_start3A_129 = arith.constant 0 : i32
      %dma_start3A_130 = tpu.memref_slice %arg7[%add3A_128, %dma_start3A_129] : memref<158x128xi32, #tpu.memory_space<vmem>> -> memref<1x128xi32, #tpu.memory_space<vmem>>
      %dma_start3A_131 = tpu.memref_squeeze %dma_start3A_130 : memref<1x128xi32, #tpu.memory_space<vmem>> -> memref<128xi32, #tpu.memory_space<vmem>>
      %dma_start3A_132 = arith.constant 0 : i32
      %dma_start3A_133 = arith.constant 0 : i32
      %dma_start3A_134 = tpu.memref_slice %arg11[%dma_start3A_132, %dma_start3A_133] : memref<5128x128xf32, #tpu.memory_space<vmem_shared>> -> memref<5128x128xf32, #tpu.memory_space<vmem_shared>>
      tpu.enqueue_indirect_dma source(%arg9 : memref<128x128xf32, #tpu.memory_space<vmem>>) target(%dma_start3A_134 : memref<5128x128xf32, #tpu.memory_space<vmem_shared>>) offsets(%dma_start3A_131 : memref<128xi32, #tpu.memory_space<vmem>>) semaphore(%arg15 : memref<!tpu.dma_semaphore, #tpu.memory_space<semaphore_mem>>) {add = true}
      %dma_wait3A_135 = arith.constant 0 : i32
      %dma_wait3A_136 = tpu.memref_slice %arg7[%mul3A_112, %dma_wait3A_135] : memref<158x128xi32, #tpu.memory_space<vmem>> -> memref<1x128xi32, #tpu.memory_space<vmem>>
      %dma_wait3A_137 = tpu.memref_squeeze %dma_wait3A_136 : memref<1x128xi32, #tpu.memory_space<vmem>> -> memref<128xi32, #tpu.memory_space<vmem>>
      %dma_wait3A_138 = arith.constant 0 : i32
      %dma_wait3A_139 = arith.constant 0 : i32
      %dma_wait3A_140 = tpu.memref_slice %arg11[%dma_wait3A_138, %dma_wait3A_139] : memref<5128x128xf32, #tpu.memory_space<vmem_shared>> -> memref<5128x128xf32, #tpu.memory_space<vmem_shared>>
      tpu.wait_indirect_dma semaphore(%arg14 : memref<!tpu.dma_semaphore, #tpu.memory_space<semaphore_mem>>) src(%arg8 : memref<128x128xf32, #tpu.memory_space<vmem>>) dst(%dma_wait3A_140 : memref<5128x128xf32, #tpu.memory_space<vmem_shared>>)
      %dma_wait3A_141 = arith.constant 0 : i32
      %dma_wait3A_142 = tpu.memref_slice %arg7[%add3A_128, %dma_wait3A_141] : memref<158x128xi32, #tpu.memory_space<vmem>> -> memref<1x128xi32, #tpu.memory_space<vmem>>
      %dma_wait3A_143 = tpu.memref_squeeze %dma_wait3A_142 : memref<1x128xi32, #tpu.memory_space<vmem>> -> memref<128xi32, #tpu.memory_space<vmem>>
      %dma_wait3A_144 = arith.constant 0 : i32
      %dma_wait3A_145 = arith.constant 0 : i32
      %dma_wait3A_146 = tpu.memref_slice %arg11[%dma_wait3A_144, %dma_wait3A_145] : memref<5128x128xf32, #tpu.memory_space<vmem_shared>> -> memref<5128x128xf32, #tpu.memory_space<vmem_shared>>
      tpu.wait_indirect_dma semaphore(%arg15 : memref<!tpu.dma_semaphore, #tpu.memory_space<semaphore_mem>>) src(%arg9 : memref<128x128xf32, #tpu.memory_space<vmem>>) dst(%dma_wait3A_146 : memref<5128x128xf32, #tpu.memory_space<vmem_shared>>)
      %scan3A_147 = arith.constant 0 : i32
      scf.yield %scan3A_147 : i32
    }
    %scan3A_30 = arith.constant 79 : i32
    %barrier3A_31 = arith.constant 0 : index
    tpu.barrier barrier_id(%barrier3A_31)
    %mul3A_32 = arith.constant 320 : i32
    %mul3A_33 = arith.muli %arg1, %mul3A_32 : i32
    %add3A_34 = arith.constant 0 : i32
    %add3A_35 = arith.addi %mul3A_33, %add3A_34 : i32
    "tpu.region"() ({
      %run_scoped3A = tpu.sem_alloc : memref<!tpu.dma_semaphore, #tpu.memory_space<semaphore_mem>>
      %dma_start3A = arith.constant 0 : i32
      %dma_start3A_87 = tpu.memref_slice %arg11[%add3A_35, %dma_start3A] : memref<5128x128xf32, #tpu.memory_space<vmem_shared>> -> memref<64x128xf32, #tpu.memory_space<vmem_shared>>
      %dma_start3A_88 = arith.constant 0 : i32
      %dma_start3A_89 = tpu.memref_slice %arg11[%add3A_35, %dma_start3A_88] : memref<5128x128xf32, #tpu.memory_space<vmem_shared>> -> memref<64x128xf32, #tpu.memory_space<vmem_shared>>
      tpu.enqueue_dma source(%dma_start3A_89 : memref<64x128xf32, #tpu.memory_space<vmem_shared>>) target(%arg10 : memref<64x128xf32, #tpu.memory_space<vmem>>) target_semaphore(%run_scoped3A : memref<!tpu.dma_semaphore, #tpu.memory_space<semaphore_mem>>)
      %dma_wait3A = arith.constant 0 : i32
      %dma_wait3A_90 = tpu.memref_slice %arg11[%add3A_35, %dma_wait3A] : memref<5128x128xf32, #tpu.memory_space<vmem_shared>> -> memref<64x128xf32, #tpu.memory_space<vmem_shared>>
      %dma_wait3A_91 = arith.constant 0 : i32
      %dma_wait3A_92 = tpu.memref_slice %arg11[%add3A_35, %dma_wait3A_91] : memref<5128x128xf32, #tpu.memory_space<vmem_shared>> -> memref<64x128xf32, #tpu.memory_space<vmem_shared>>
      tpu.wait_dma2 semaphore(%run_scoped3A : memref<!tpu.dma_semaphore, #tpu.memory_space<semaphore_mem>>) src(%dma_wait3A_92 : memref<64x128xf32, #tpu.memory_space<vmem_shared>>) dst(%arg10 : memref<64x128xf32, #tpu.memory_space<vmem>>)
      tpu.yield
    }) : () -> ()
    %mul3A_36 = arith.constant 5120 : i32
    %mul3A_37 = arith.muli %arg0, %mul3A_36 : i32
    %mul3A_38 = arith.constant 320 : i32
    %mul3A_39 = arith.muli %arg1, %mul3A_38 : i32
    %add3A_40 = arith.addi %mul3A_37, %mul3A_39 : i32
    %add3A_41 = arith.constant 0 : i32
    %add3A_42 = arith.addi %add3A_40, %add3A_41 : i32
    "tpu.region"() ({
      %run_scoped3A = tpu.sem_alloc : memref<!tpu.dma_semaphore, #tpu.memory_space<semaphore_mem>>
      %dma_start3A = arith.constant 0 : i32
      %dma_start3A_87 = tpu.memref_slice %arg5[%add3A_42, %dma_start3A] : memref<10240x128xf32, #tpu.memory_space<hbm>> -> memref<64x128xf32, #tpu.memory_space<hbm>>
      %dma_start3A_88 = arith.constant 0 : i32
      %dma_start3A_89 = tpu.memref_slice %arg5[%add3A_42, %dma_start3A_88] : memref<10240x128xf32, #tpu.memory_space<hbm>> -> memref<64x128xf32, #tpu.memory_space<hbm>>
      tpu.enqueue_dma source(%arg10 : memref<64x128xf32, #tpu.memory_space<vmem>>) target(%dma_start3A_89 : memref<64x128xf32, #tpu.memory_space<hbm>>) target_semaphore(%run_scoped3A : memref<!tpu.dma_semaphore, #tpu.memory_space<semaphore_mem>>)
      %dma_wait3A = arith.constant 0 : i32
      %dma_wait3A_90 = tpu.memref_slice %arg5[%add3A_42, %dma_wait3A] : memref<10240x128xf32, #tpu.memory_space<hbm>> -> memref<64x128xf32, #tpu.memory_space<hbm>>
      %dma_wait3A_91 = arith.constant 0 : i32
      %dma_wait3A_92 = tpu.memref_slice %arg5[%add3A_42, %dma_wait3A_91] : memref<10240x128xf32, #tpu.memory_space<hbm>> -> memref<64x128xf32, #tpu.memory_space<hbm>>
      tpu.wait_dma2 semaphore(%run_scoped3A : memref<!tpu.dma_semaphore, #tpu.memory_space<semaphore_mem>>) src(%arg10 : memref<64x128xf32, #tpu.memory_space<vmem>>) dst(%dma_wait3A_92 : memref<64x128xf32, #tpu.memory_space<hbm>>)
      tpu.yield
    }) : () -> ()
    %mul3A_43 = arith.constant 320 : i32
    %mul3A_44 = arith.muli %arg1, %mul3A_43 : i32
    %add3A_45 = arith.constant 64 : i32
    %add3A_46 = arith.addi %mul3A_44, %add3A_45 : i32
    "tpu.region"() ({
      %run_scoped3A = tpu.sem_alloc : memref<!tpu.dma_semaphore, #tpu.memory_space<semaphore_mem>>
      %dma_start3A = arith.constant 0 : i32
      %dma_start3A_87 = tpu.memref_slice %arg11[%add3A_46, %dma_start3A] : memref<5128x128xf32, #tpu.memory_space<vmem_shared>> -> memref<64x128xf32, #tpu.memory_space<vmem_shared>>
      %dma_start3A_88 = arith.constant 0 : i32
      %dma_start3A_89 = tpu.memref_slice %arg11[%add3A_46, %dma_start3A_88] : memref<5128x128xf32, #tpu.memory_space<vmem_shared>> -> memref<64x128xf32, #tpu.memory_space<vmem_shared>>
      tpu.enqueue_dma source(%dma_start3A_89 : memref<64x128xf32, #tpu.memory_space<vmem_shared>>) target(%arg10 : memref<64x128xf32, #tpu.memory_space<vmem>>) target_semaphore(%run_scoped3A : memref<!tpu.dma_semaphore, #tpu.memory_space<semaphore_mem>>)
      %dma_wait3A = arith.constant 0 : i32
      %dma_wait3A_90 = tpu.memref_slice %arg11[%add3A_46, %dma_wait3A] : memref<5128x128xf32, #tpu.memory_space<vmem_shared>> -> memref<64x128xf32, #tpu.memory_space<vmem_shared>>
      %dma_wait3A_91 = arith.constant 0 : i32
      %dma_wait3A_92 = tpu.memref_slice %arg11[%add3A_46, %dma_wait3A_91] : memref<5128x128xf32, #tpu.memory_space<vmem_shared>> -> memref<64x128xf32, #tpu.memory_space<vmem_shared>>
      tpu.wait_dma2 semaphore(%run_scoped3A : memref<!tpu.dma_semaphore, #tpu.memory_space<semaphore_mem>>) src(%dma_wait3A_92 : memref<64x128xf32, #tpu.memory_space<vmem_shared>>) dst(%arg10 : memref<64x128xf32, #tpu.memory_space<vmem>>)
      tpu.yield
    }) : () -> ()
    %mul3A_47 = arith.constant 5120 : i32
    %mul3A_48 = arith.muli %arg0, %mul3A_47 : i32
    %mul3A_49 = arith.constant 320 : i32
    %mul3A_50 = arith.muli %arg1, %mul3A_49 : i32
    %add3A_51 = arith.addi %mul3A_48, %mul3A_50 : i32
    %add3A_52 = arith.constant 64 : i32
    %add3A_53 = arith.addi %add3A_51, %add3A_52 : i32
    "tpu.region"() ({
      %run_scoped3A = tpu.sem_alloc : memref<!tpu.dma_semaphore, #tpu.memory_space<semaphore_mem>>
      %dma_start3A = arith.constant 0 : i32
      %dma_start3A_87 = tpu.memref_slice %arg5[%add3A_53, %dma_start3A] : memref<10240x128xf32, #tpu.memory_space<hbm>> -> memref<64x128xf32, #tpu.memory_space<hbm>>
      %dma_start3A_88 = arith.constant 0 : i32
      %dma_start3A_89 = tpu.memref_slice %arg5[%add3A_53, %dma_start3A_88] : memref<10240x128xf32, #tpu.memory_space<hbm>> -> memref<64x128xf32, #tpu.memory_space<hbm>>
      tpu.enqueue_dma source(%arg10 : memref<64x128xf32, #tpu.memory_space<vmem>>) target(%dma_start3A_89 : memref<64x128xf32, #tpu.memory_space<hbm>>) target_semaphore(%run_scoped3A : memref<!tpu.dma_semaphore, #tpu.memory_space<semaphore_mem>>)
      %dma_wait3A = arith.constant 0 : i32
      %dma_wait3A_90 = tpu.memref_slice %arg5[%add3A_53, %dma_wait3A] : memref<10240x128xf32, #tpu.memory_space<hbm>> -> memref<64x128xf32, #tpu.memory_space<hbm>>
      %dma_wait3A_91 = arith.constant 0 : i32
      %dma_wait3A_92 = tpu.memref_slice %arg5[%add3A_53, %dma_wait3A_91] : memref<10240x128xf32, #tpu.memory_space<hbm>> -> memref<64x128xf32, #tpu.memory_space<hbm>>
      tpu.wait_dma2 semaphore(%run_scoped3A : memref<!tpu.dma_semaphore, #tpu.memory_space<semaphore_mem>>) src(%arg10 : memref<64x128xf32, #tpu.memory_space<vmem>>) dst(%dma_wait3A_92 : memref<64x128xf32, #tpu.memory_space<hbm>>)
      tpu.yield
    }) : () -> ()
    %mul3A_54 = arith.constant 320 : i32
    %mul3A_55 = arith.muli %arg1, %mul3A_54 : i32
    %add3A_56 = arith.constant 128 : i32
    %add3A_57 = arith.addi %mul3A_55, %add3A_56 : i32
    "tpu.region"() ({
      %run_scoped3A = tpu.sem_alloc : memref<!tpu.dma_semaphore, #tpu.memory_space<semaphore_mem>>
      %dma_start3A = arith.constant 0 : i32
      %dma_start3A_87 = tpu.memref_slice %arg11[%add3A_57, %dma_start3A] : memref<5128x128xf32, #tpu.memory_space<vmem_shared>> -> memref<64x128xf32, #tpu.memory_space<vmem_shared>>
      %dma_start3A_88 = arith.constant 0 : i32
      %dma_start3A_89 = tpu.memref_slice %arg11[%add3A_57, %dma_start3A_88] : memref<5128x128xf32, #tpu.memory_space<vmem_shared>> -> memref<64x128xf32, #tpu.memory_space<vmem_shared>>
      tpu.enqueue_dma source(%dma_start3A_89 : memref<64x128xf32, #tpu.memory_space<vmem_shared>>) target(%arg10 : memref<64x128xf32, #tpu.memory_space<vmem>>) target_semaphore(%run_scoped3A : memref<!tpu.dma_semaphore, #tpu.memory_space<semaphore_mem>>)
      %dma_wait3A = arith.constant 0 : i32
      %dma_wait3A_90 = tpu.memref_slice %arg11[%add3A_57, %dma_wait3A] : memref<5128x128xf32, #tpu.memory_space<vmem_shared>> -> memref<64x128xf32, #tpu.memory_space<vmem_shared>>
      %dma_wait3A_91 = arith.constant 0 : i32
      %dma_wait3A_92 = tpu.memref_slice %arg11[%add3A_57, %dma_wait3A_91] : memref<5128x128xf32, #tpu.memory_space<vmem_shared>> -> memref<64x128xf32, #tpu.memory_space<vmem_shared>>
      tpu.wait_dma2 semaphore(%run_scoped3A : memref<!tpu.dma_semaphore, #tpu.memory_space<semaphore_mem>>) src(%dma_wait3A_92 : memref<64x128xf32, #tpu.memory_space<vmem_shared>>) dst(%arg10 : memref<64x128xf32, #tpu.memory_space<vmem>>)
      tpu.yield
    }) : () -> ()
    %mul3A_58 = arith.constant 5120 : i32
    %mul3A_59 = arith.muli %arg0, %mul3A_58 : i32
    %mul3A_60 = arith.constant 320 : i32
    %mul3A_61 = arith.muli %arg1, %mul3A_60 : i32
    %add3A_62 = arith.addi %mul3A_59, %mul3A_61 : i32
    %add3A_63 = arith.constant 128 : i32
    %add3A_64 = arith.addi %add3A_62, %add3A_63 : i32
    "tpu.region"() ({
      %run_scoped3A = tpu.sem_alloc : memref<!tpu.dma_semaphore, #tpu.memory_space<semaphore_mem>>
      %dma_start3A = arith.constant 0 : i32
      %dma_start3A_87 = tpu.memref_slice %arg5[%add3A_64, %dma_start3A] : memref<10240x128xf32, #tpu.memory_space<hbm>> -> memref<64x128xf32, #tpu.memory_space<hbm>>
      %dma_start3A_88 = arith.constant 0 : i32
      %dma_start3A_89 = tpu.memref_slice %arg5[%add3A_64, %dma_start3A_88] : memref<10240x128xf32, #tpu.memory_space<hbm>> -> memref<64x128xf32, #tpu.memory_space<hbm>>
      tpu.enqueue_dma source(%arg10 : memref<64x128xf32, #tpu.memory_space<vmem>>) target(%dma_start3A_89 : memref<64x128xf32, #tpu.memory_space<hbm>>) target_semaphore(%run_scoped3A : memref<!tpu.dma_semaphore, #tpu.memory_space<semaphore_mem>>)
      %dma_wait3A = arith.constant 0 : i32
      %dma_wait3A_90 = tpu.memref_slice %arg5[%add3A_64, %dma_wait3A] : memref<10240x128xf32, #tpu.memory_space<hbm>> -> memref<64x128xf32, #tpu.memory_space<hbm>>
      %dma_wait3A_91 = arith.constant 0 : i32
      %dma_wait3A_92 = tpu.memref_slice %arg5[%add3A_64, %dma_wait3A_91] : memref<10240x128xf32, #tpu.memory_space<hbm>> -> memref<64x128xf32, #tpu.memory_space<hbm>>
      tpu.wait_dma2 semaphore(%run_scoped3A : memref<!tpu.dma_semaphore, #tpu.memory_space<semaphore_mem>>) src(%arg10 : memref<64x128xf32, #tpu.memory_space<vmem>>) dst(%dma_wait3A_92 : memref<64x128xf32, #tpu.memory_space<hbm>>)
      tpu.yield
    }) : () -> ()
    %mul3A_65 = arith.constant 320 : i32
    %mul3A_66 = arith.muli %arg1, %mul3A_65 : i32
    %add3A_67 = arith.constant 192 : i32
    %add3A_68 = arith.addi %mul3A_66, %add3A_67 : i32
    "tpu.region"() ({
      %run_scoped3A = tpu.sem_alloc : memref<!tpu.dma_semaphore, #tpu.memory_space<semaphore_mem>>
      %dma_start3A = arith.constant 0 : i32
      %dma_start3A_87 = tpu.memref_slice %arg11[%add3A_68, %dma_start3A] : memref<5128x128xf32, #tpu.memory_space<vmem_shared>> -> memref<64x128xf32, #tpu.memory_space<vmem_shared>>
      %dma_start3A_88 = arith.constant 0 : i32
      %dma_start3A_89 = tpu.memref_slice %arg11[%add3A_68, %dma_start3A_88] : memref<5128x128xf32, #tpu.memory_space<vmem_shared>> -> memref<64x128xf32, #tpu.memory_space<vmem_shared>>
      tpu.enqueue_dma source(%dma_start3A_89 : memref<64x128xf32, #tpu.memory_space<vmem_shared>>) target(%arg10 : memref<64x128xf32, #tpu.memory_space<vmem>>) target_semaphore(%run_scoped3A : memref<!tpu.dma_semaphore, #tpu.memory_space<semaphore_mem>>)
      %dma_wait3A = arith.constant 0 : i32
      %dma_wait3A_90 = tpu.memref_slice %arg11[%add3A_68, %dma_wait3A] : memref<5128x128xf32, #tpu.memory_space<vmem_shared>> -> memref<64x128xf32, #tpu.memory_space<vmem_shared>>
      %dma_wait3A_91 = arith.constant 0 : i32
      %dma_wait3A_92 = tpu.memref_slice %arg11[%add3A_68, %dma_wait3A_91] : memref<5128x128xf32, #tpu.memory_space<vmem_shared>> -> memref<64x128xf32, #tpu.memory_space<vmem_shared>>
      tpu.wait_dma2 semaphore(%run_scoped3A : memref<!tpu.dma_semaphore, #tpu.memory_space<semaphore_mem>>) src(%dma_wait3A_92 : memref<64x128xf32, #tpu.memory_space<vmem_shared>>) dst(%arg10 : memref<64x128xf32, #tpu.memory_space<vmem>>)
      tpu.yield
    }) : () -> ()
    %mul3A_69 = arith.constant 5120 : i32
    %mul3A_70 = arith.muli %arg0, %mul3A_69 : i32
    %mul3A_71 = arith.constant 320 : i32
    %mul3A_72 = arith.muli %arg1, %mul3A_71 : i32
    %add3A_73 = arith.addi %mul3A_70, %mul3A_72 : i32
    %add3A_74 = arith.constant 192 : i32
    %add3A_75 = arith.addi %add3A_73, %add3A_74 : i32
    "tpu.region"() ({
      %run_scoped3A = tpu.sem_alloc : memref<!tpu.dma_semaphore, #tpu.memory_space<semaphore_mem>>
      %dma_start3A = arith.constant 0 : i32
      %dma_start3A_87 = tpu.memref_slice %arg5[%add3A_75, %dma_start3A] : memref<10240x128xf32, #tpu.memory_space<hbm>> -> memref<64x128xf32, #tpu.memory_space<hbm>>
      %dma_start3A_88 = arith.constant 0 : i32
      %dma_start3A_89 = tpu.memref_slice %arg5[%add3A_75, %dma_start3A_88] : memref<10240x128xf32, #tpu.memory_space<hbm>> -> memref<64x128xf32, #tpu.memory_space<hbm>>
      tpu.enqueue_dma source(%arg10 : memref<64x128xf32, #tpu.memory_space<vmem>>) target(%dma_start3A_89 : memref<64x128xf32, #tpu.memory_space<hbm>>) target_semaphore(%run_scoped3A : memref<!tpu.dma_semaphore, #tpu.memory_space<semaphore_mem>>)
      %dma_wait3A = arith.constant 0 : i32
      %dma_wait3A_90 = tpu.memref_slice %arg5[%add3A_75, %dma_wait3A] : memref<10240x128xf32, #tpu.memory_space<hbm>> -> memref<64x128xf32, #tpu.memory_space<hbm>>
      %dma_wait3A_91 = arith.constant 0 : i32
      %dma_wait3A_92 = tpu.memref_slice %arg5[%add3A_75, %dma_wait3A_91] : memref<10240x128xf32, #tpu.memory_space<hbm>> -> memref<64x128xf32, #tpu.memory_space<hbm>>
      tpu.wait_dma2 semaphore(%run_scoped3A : memref<!tpu.dma_semaphore, #tpu.memory_space<semaphore_mem>>) src(%arg10 : memref<64x128xf32, #tpu.memory_space<vmem>>) dst(%dma_wait3A_92 : memref<64x128xf32, #tpu.memory_space<hbm>>)
      tpu.yield
    }) : () -> ()
    %mul3A_76 = arith.constant 320 : i32
    %mul3A_77 = arith.muli %arg1, %mul3A_76 : i32
    %add3A_78 = arith.constant 256 : i32
    %add3A_79 = arith.addi %mul3A_77, %add3A_78 : i32
    "tpu.region"() ({
      %run_scoped3A = tpu.sem_alloc : memref<!tpu.dma_semaphore, #tpu.memory_space<semaphore_mem>>
      %dma_start3A = arith.constant 0 : i32
      %dma_start3A_87 = tpu.memref_slice %arg11[%add3A_79, %dma_start3A] : memref<5128x128xf32, #tpu.memory_space<vmem_shared>> -> memref<64x128xf32, #tpu.memory_space<vmem_shared>>
      %dma_start3A_88 = arith.constant 0 : i32
      %dma_start3A_89 = tpu.memref_slice %arg11[%add3A_79, %dma_start3A_88] : memref<5128x128xf32, #tpu.memory_space<vmem_shared>> -> memref<64x128xf32, #tpu.memory_space<vmem_shared>>
      tpu.enqueue_dma source(%dma_start3A_89 : memref<64x128xf32, #tpu.memory_space<vmem_shared>>) target(%arg10 : memref<64x128xf32, #tpu.memory_space<vmem>>) target_semaphore(%run_scoped3A : memref<!tpu.dma_semaphore, #tpu.memory_space<semaphore_mem>>)
      %dma_wait3A = arith.constant 0 : i32
      %dma_wait3A_90 = tpu.memref_slice %arg11[%add3A_79, %dma_wait3A] : memref<5128x128xf32, #tpu.memory_space<vmem_shared>> -> memref<64x128xf32, #tpu.memory_space<vmem_shared>>
      %dma_wait3A_91 = arith.constant 0 : i32
      %dma_wait3A_92 = tpu.memref_slice %arg11[%add3A_79, %dma_wait3A_91] : memref<5128x128xf32, #tpu.memory_space<vmem_shared>> -> memref<64x128xf32, #tpu.memory_space<vmem_shared>>
      tpu.wait_dma2 semaphore(%run_scoped3A : memref<!tpu.dma_semaphore, #tpu.memory_space<semaphore_mem>>) src(%dma_wait3A_92 : memref<64x128xf32, #tpu.memory_space<vmem_shared>>) dst(%arg10 : memref<64x128xf32, #tpu.memory_space<vmem>>)
      tpu.yield
    }) : () -> ()
    %mul3A_80 = arith.constant 5120 : i32
    %mul3A_81 = arith.muli %arg0, %mul3A_80 : i32
    %mul3A_82 = arith.constant 320 : i32
    %mul3A_83 = arith.muli %arg1, %mul3A_82 : i32
    %add3A_84 = arith.addi %mul3A_81, %mul3A_83 : i32
    %add3A_85 = arith.constant 256 : i32
    %add3A_86 = arith.addi %add3A_84, %add3A_85 : i32
    "tpu.region"() ({
      %run_scoped3A = tpu.sem_alloc : memref<!tpu.dma_semaphore, #tpu.memory_space<semaphore_mem>>
      %dma_start3A = arith.constant 0 : i32
      %dma_start3A_87 = tpu.memref_slice %arg5[%add3A_86, %dma_start3A] : memref<10240x128xf32, #tpu.memory_space<hbm>> -> memref<64x128xf32, #tpu.memory_space<hbm>>
      %dma_start3A_88 = arith.constant 0 : i32
      %dma_start3A_89 = tpu.memref_slice %arg5[%add3A_86, %dma_start3A_88] : memref<10240x128xf32, #tpu.memory_space<hbm>> -> memref<64x128xf32, #tpu.memory_space<hbm>>
      tpu.enqueue_dma source(%arg10 : memref<64x128xf32, #tpu.memory_space<vmem>>) target(%dma_start3A_89 : memref<64x128xf32, #tpu.memory_space<hbm>>) target_semaphore(%run_scoped3A : memref<!tpu.dma_semaphore, #tpu.memory_space<semaphore_mem>>)
      %dma_wait3A = arith.constant 0 : i32
      %dma_wait3A_90 = tpu.memref_slice %arg5[%add3A_86, %dma_wait3A] : memref<10240x128xf32, #tpu.memory_space<hbm>> -> memref<64x128xf32, #tpu.memory_space<hbm>>
      %dma_wait3A_91 = arith.constant 0 : i32
      %dma_wait3A_92 = tpu.memref_slice %arg5[%add3A_86, %dma_wait3A_91] : memref<10240x128xf32, #tpu.memory_space<hbm>> -> memref<64x128xf32, #tpu.memory_space<hbm>>
      tpu.wait_dma2 semaphore(%run_scoped3A : memref<!tpu.dma_semaphore, #tpu.memory_space<semaphore_mem>>) src(%arg10 : memref<64x128xf32, #tpu.memory_space<vmem>>) dst(%dma_wait3A_92 : memref<64x128xf32, #tpu.memory_space<hbm>>)
      tpu.yield
    }) : () -> ()
    return
  }
}

#map = affine_map<(d0, d1) -> (0, 0, 0, 0)>
#map1 = affine_map<(d0, d1) -> (0, 0)>
module attributes {stable_mosaic.version = 14 : i64} {
  func.func @_sc_deg(%arg0: i32, %arg1: i32, %arg2: memref<2x16x158x128xi32, #tpu.memory_space<hbm>>, %arg3: memref<10240x128xf32, #tpu.memory_space<hbm>>, %arg4: memref<158x128xi32, #tpu.memory_space<vmem>>, %arg5: memref<128x128xf32, #tpu.memory_space<vmem>>, %arg6: memref<64x128xf32, #tpu.memory_space<vmem>>, %arg7: memref<5128x128xf32, #tpu.memory_space<vmem_shared>>, %arg8: memref<!tpu.dma_semaphore, #tpu.memory_space<semaphore_mem>>, %arg9: memref<!tpu.dma_semaphore, #tpu.memory_space<semaphore_mem>>) attributes {dimension_semantics = [#tpu.dimension_semantics<core_parallel>, #tpu.dimension_semantics<subcore_parallel>], iteration_bounds = array<i64: 2, 16>, scalar_prefetch = 0 : i64, scratch_operands = 6 : i64, tpu.core_type = #tpu.core_type<sc_vector_subcore>, window_params = [{transform_indices = #map}, {transform_indices = #map1}]} {
    %scan3A = arith.constant 0 : i32
    %scan3A_0 = arith.constant 0 : i32
    %scan3A_1 = arith.constant 512 : i32
    %scan3A_2 = arith.addi %scan3A_0, %scan3A_1 : i32
    %scan3A_3 = arith.constant 1 : i32
    %scan3A_4 = scf.for %scan3A_94 = %scan3A_0 to %scan3A_2 step %scan3A_3 iter_args(%scan3A_95 = %scan3A) -> (i32)  : i32 {
      %broadcast_in_dim3A = arith.constant 0.000000e+00 : f32
      %broadcast_in_dim3A_96 = vector.broadcast %broadcast_in_dim3A : f32 to vector<16xf32>
      %jit3A = arith.constant 8 : i32
      %div3A = arith.divsi %scan3A_94, %jit3A : i32
      %sign3A = arith.constant 0 : i32
      %sign3A_97 = arith.cmpi sgt, %scan3A_94, %sign3A : i32
      %sign3A_98 = arith.extui %sign3A_97 : i1 to i32
      %sign3A_99 = arith.constant 0 : i32
      %sign3A_100 = arith.cmpi slt, %scan3A_94, %sign3A_99 : i32
      %sign3A_101 = arith.extui %sign3A_100 : i1 to i32
      %sign3A_102 = arith.subi %sign3A_98, %sign3A_101 : i32
      %sign3A_103 = arith.constant 0 : i32
      %sign3A_104 = arith.cmpi sgt, %jit3A, %sign3A_103 : i32
      %sign3A_105 = arith.extui %sign3A_104 : i1 to i32
      %sign3A_106 = arith.constant 0 : i32
      %sign3A_107 = arith.cmpi slt, %jit3A, %sign3A_106 : i32
      %sign3A_108 = arith.extui %sign3A_107 : i1 to i32
      %sign3A_109 = arith.subi %sign3A_105, %sign3A_108 : i32
      %ne3A = arith.cmpi ne, %sign3A_102, %sign3A_109 : i32
      %rem3A = arith.remsi %scan3A_94, %jit3A : i32
      %ne3A_110 = arith.constant 0 : i32
      %ne3A_111 = arith.cmpi ne, %rem3A, %ne3A_110 : i32
      %and3A = arith.andi %ne3A, %ne3A_111 : i1
      %sub3A = arith.constant 1 : i32
      %sub3A_112 = arith.subi %div3A, %sub3A : i32
      %select_n3A = arith.select %and3A, %sub3A_112, %div3A : i32
      %jit3A_113 = arith.constant 8 : i32
      %eq3A = arith.constant 0 : i32
      %eq3A_114 = arith.cmpi eq, %jit3A_113, %eq3A : i32
      %jit3A_115 = arith.constant 1 : i32
      %select_n3A_116 = arith.select %eq3A_114, %jit3A_115, %jit3A_113 : i32
      %rem3A_117 = arith.remsi %scan3A_94, %select_n3A_116 : i32
      %ne3A_118 = arith.constant 0 : i32
      %ne3A_119 = arith.cmpi ne, %rem3A_117, %ne3A_118 : i32
      %lt3A = arith.constant 0 : i32
      %lt3A_120 = arith.cmpi slt, %rem3A_117, %lt3A : i32
      %lt3A_121 = arith.constant 0 : i32
      %lt3A_122 = arith.cmpi slt, %select_n3A_116, %lt3A_121 : i32
      %ne3A_123 = arith.xori %lt3A_120, %lt3A_122 : i1
      %and3A_124 = arith.andi %ne3A_123, %ne3A_119 : i1
      %add3A_125 = arith.addi %rem3A_117, %select_n3A_116 : i32
      %select_n3A_126 = arith.select %and3A_124, %add3A_125, %rem3A_117 : i32
      %mul3A_127 = arith.constant 16 : i32
      %mul3A_128 = arith.muli %select_n3A_126, %mul3A_127 : i32
      %swap3A = arith.index_cast %select_n3A : i32 to index
      %swap3A_129 = arith.index_cast %mul3A_128 : i32 to index
      %swap3A_130 = tpu.vector_load %arg6[%swap3A, %swap3A_129] {strides = array<i32>} : memref<64x128xf32, #tpu.memory_space<vmem>>, vector<1x16xf32>,
      %swap3A_131 = vector.shape_cast %swap3A_130 : vector<1x16xf32> to vector<16xf32>
      %swap3A_132 = vector.shape_cast %broadcast_in_dim3A_96 : vector<16xf32> to vector<1x16xf32>
      tpu.vector_store %arg6[%swap3A, %swap3A_129], %swap3A_132 {strides = array<i32>} : memref<64x128xf32, #tpu.memory_space<vmem>>, vector<1x16xf32>,
      %scan3A_133 = arith.constant 0 : i32
      scf.yield %scan3A_133 : i32
    }
    %scan3A_5 = arith.constant 512 : i32
    %mul3A = arith.constant 320 : i32
    %mul3A_6 = arith.muli %arg1, %mul3A : i32
    %add3A = arith.constant 0 : i32
    %add3A_7 = arith.addi %mul3A_6, %add3A : i32
    "tpu.region"() ({
      %run_scoped3A = tpu.sem_alloc : memref<!tpu.dma_semaphore, #tpu.memory_space<semaphore_mem>>
      %dma_start3A = arith.constant 0 : i32
      %dma_start3A_94 = tpu.memref_slice %arg7[%add3A_7, %dma_start3A] : memref<5128x128xf32, #tpu.memory_space<vmem_shared>> -> memref<64x128xf32, #tpu.memory_space<vmem_shared>>
      %dma_start3A_95 = arith.constant 0 : i32
      %dma_start3A_96 = tpu.memref_slice %arg7[%add3A_7, %dma_start3A_95] : memref<5128x128xf32, #tpu.memory_space<vmem_shared>> -> memref<64x128xf32, #tpu.memory_space<vmem_shared>>
      tpu.enqueue_dma source(%arg6 : memref<64x128xf32, #tpu.memory_space<vmem>>) target(%dma_start3A_96 : memref<64x128xf32, #tpu.memory_space<vmem_shared>>) target_semaphore(%run_scoped3A : memref<!tpu.dma_semaphore, #tpu.memory_space<semaphore_mem>>)
      %dma_wait3A = arith.constant 0 : i32
      %dma_wait3A_97 = tpu.memref_slice %arg7[%add3A_7, %dma_wait3A] : memref<5128x128xf32, #tpu.memory_space<vmem_shared>> -> memref<64x128xf32, #tpu.memory_space<vmem_shared>>
      %dma_wait3A_98 = arith.constant 0 : i32
      %dma_wait3A_99 = tpu.memref_slice %arg7[%add3A_7, %dma_wait3A_98] : memref<5128x128xf32, #tpu.memory_space<vmem_shared>> -> memref<64x128xf32, #tpu.memory_space<vmem_shared>>
      tpu.wait_dma2 semaphore(%run_scoped3A : memref<!tpu.dma_semaphore, #tpu.memory_space<semaphore_mem>>) src(%arg6 : memref<64x128xf32, #tpu.memory_space<vmem>>) dst(%dma_wait3A_99 : memref<64x128xf32, #tpu.memory_space<vmem_shared>>)
      tpu.yield
    }) : () -> ()
    %mul3A_8 = arith.constant 320 : i32
    %mul3A_9 = arith.muli %arg1, %mul3A_8 : i32
    %add3A_10 = arith.constant 64 : i32
    %add3A_11 = arith.addi %mul3A_9, %add3A_10 : i32
    "tpu.region"() ({
      %run_scoped3A = tpu.sem_alloc : memref<!tpu.dma_semaphore, #tpu.memory_space<semaphore_mem>>
      %dma_start3A = arith.constant 0 : i32
      %dma_start3A_94 = tpu.memref_slice %arg7[%add3A_11, %dma_start3A] : memref<5128x128xf32, #tpu.memory_space<vmem_shared>> -> memref<64x128xf32, #tpu.memory_space<vmem_shared>>
      %dma_start3A_95 = arith.constant 0 : i32
      %dma_start3A_96 = tpu.memref_slice %arg7[%add3A_11, %dma_start3A_95] : memref<5128x128xf32, #tpu.memory_space<vmem_shared>> -> memref<64x128xf32, #tpu.memory_space<vmem_shared>>
      tpu.enqueue_dma source(%arg6 : memref<64x128xf32, #tpu.memory_space<vmem>>) target(%dma_start3A_96 : memref<64x128xf32, #tpu.memory_space<vmem_shared>>) target_semaphore(%run_scoped3A : memref<!tpu.dma_semaphore, #tpu.memory_space<semaphore_mem>>)
      %dma_wait3A = arith.constant 0 : i32
      %dma_wait3A_97 = tpu.memref_slice %arg7[%add3A_11, %dma_wait3A] : memref<5128x128xf32, #tpu.memory_space<vmem_shared>> -> memref<64x128xf32, #tpu.memory_space<vmem_shared>>
      %dma_wait3A_98 = arith.constant 0 : i32
      %dma_wait3A_99 = tpu.memref_slice %arg7[%add3A_11, %dma_wait3A_98] : memref<5128x128xf32, #tpu.memory_space<vmem_shared>> -> memref<64x128xf32, #tpu.memory_space<vmem_shared>>
      tpu.wait_dma2 semaphore(%run_scoped3A : memref<!tpu.dma_semaphore, #tpu.memory_space<semaphore_mem>>) src(%arg6 : memref<64x128xf32, #tpu.memory_space<vmem>>) dst(%dma_wait3A_99 : memref<64x128xf32, #tpu.memory_space<vmem_shared>>)
      tpu.yield
    }) : () -> ()
    %mul3A_12 = arith.constant 320 : i32
    %mul3A_13 = arith.muli %arg1, %mul3A_12 : i32
    %add3A_14 = arith.constant 128 : i32
    %add3A_15 = arith.addi %mul3A_13, %add3A_14 : i32
    "tpu.region"() ({
      %run_scoped3A = tpu.sem_alloc : memref<!tpu.dma_semaphore, #tpu.memory_space<semaphore_mem>>
      %dma_start3A = arith.constant 0 : i32
      %dma_start3A_94 = tpu.memref_slice %arg7[%add3A_15, %dma_start3A] : memref<5128x128xf32, #tpu.memory_space<vmem_shared>> -> memref<64x128xf32, #tpu.memory_space<vmem_shared>>
      %dma_start3A_95 = arith.constant 0 : i32
      %dma_start3A_96 = tpu.memref_slice %arg7[%add3A_15, %dma_start3A_95] : memref<5128x128xf32, #tpu.memory_space<vmem_shared>> -> memref<64x128xf32, #tpu.memory_space<vmem_shared>>
      tpu.enqueue_dma source(%arg6 : memref<64x128xf32, #tpu.memory_space<vmem>>) target(%dma_start3A_96 : memref<64x128xf32, #tpu.memory_space<vmem_shared>>) target_semaphore(%run_scoped3A : memref<!tpu.dma_semaphore, #tpu.memory_space<semaphore_mem>>)
      %dma_wait3A = arith.constant 0 : i32
      %dma_wait3A_97 = tpu.memref_slice %arg7[%add3A_15, %dma_wait3A] : memref<5128x128xf32, #tpu.memory_space<vmem_shared>> -> memref<64x128xf32, #tpu.memory_space<vmem_shared>>
      %dma_wait3A_98 = arith.constant 0 : i32
      %dma_wait3A_99 = tpu.memref_slice %arg7[%add3A_15, %dma_wait3A_98] : memref<5128x128xf32, #tpu.memory_space<vmem_shared>> -> memref<64x128xf32, #tpu.memory_space<vmem_shared>>
      tpu.wait_dma2 semaphore(%run_scoped3A : memref<!tpu.dma_semaphore, #tpu.memory_space<semaphore_mem>>) src(%arg6 : memref<64x128xf32, #tpu.memory_space<vmem>>) dst(%dma_wait3A_99 : memref<64x128xf32, #tpu.memory_space<vmem_shared>>)
      tpu.yield
    }) : () -> ()
    %mul3A_16 = arith.constant 320 : i32
    %mul3A_17 = arith.muli %arg1, %mul3A_16 : i32
    %add3A_18 = arith.constant 192 : i32
    %add3A_19 = arith.addi %mul3A_17, %add3A_18 : i32
    "tpu.region"() ({
      %run_scoped3A = tpu.sem_alloc : memref<!tpu.dma_semaphore, #tpu.memory_space<semaphore_mem>>
      %dma_start3A = arith.constant 0 : i32
      %dma_start3A_94 = tpu.memref_slice %arg7[%add3A_19, %dma_start3A] : memref<5128x128xf32, #tpu.memory_space<vmem_shared>> -> memref<64x128xf32, #tpu.memory_space<vmem_shared>>
      %dma_start3A_95 = arith.constant 0 : i32
      %dma_start3A_96 = tpu.memref_slice %arg7[%add3A_19, %dma_start3A_95] : memref<5128x128xf32, #tpu.memory_space<vmem_shared>> -> memref<64x128xf32, #tpu.memory_space<vmem_shared>>
      tpu.enqueue_dma source(%arg6 : memref<64x128xf32, #tpu.memory_space<vmem>>) target(%dma_start3A_96 : memref<64x128xf32, #tpu.memory_space<vmem_shared>>) target_semaphore(%run_scoped3A : memref<!tpu.dma_semaphore, #tpu.memory_space<semaphore_mem>>)
      %dma_wait3A = arith.constant 0 : i32
      %dma_wait3A_97 = tpu.memref_slice %arg7[%add3A_19, %dma_wait3A] : memref<5128x128xf32, #tpu.memory_space<vmem_shared>> -> memref<64x128xf32, #tpu.memory_space<vmem_shared>>
      %dma_wait3A_98 = arith.constant 0 : i32
      %dma_wait3A_99 = tpu.memref_slice %arg7[%add3A_19, %dma_wait3A_98] : memref<5128x128xf32, #tpu.memory_space<vmem_shared>> -> memref<64x128xf32, #tpu.memory_space<vmem_shared>>
      tpu.wait_dma2 semaphore(%run_scoped3A : memref<!tpu.dma_semaphore, #tpu.memory_space<semaphore_mem>>) src(%arg6 : memref<64x128xf32, #tpu.memory_space<vmem>>) dst(%dma_wait3A_99 : memref<64x128xf32, #tpu.memory_space<vmem_shared>>)
      tpu.yield
    }) : () -> ()
    %mul3A_20 = arith.constant 320 : i32
    %mul3A_21 = arith.muli %arg1, %mul3A_20 : i32
    %add3A_22 = arith.constant 256 : i32
    %add3A_23 = arith.addi %mul3A_21, %add3A_22 : i32
    "tpu.region"() ({
      %run_scoped3A = tpu.sem_alloc : memref<!tpu.dma_semaphore, #tpu.memory_space<semaphore_mem>>
      %dma_start3A = arith.constant 0 : i32
      %dma_start3A_94 = tpu.memref_slice %arg7[%add3A_23, %dma_start3A] : memref<5128x128xf32, #tpu.memory_space<vmem_shared>> -> memref<64x128xf32, #tpu.memory_space<vmem_shared>>
      %dma_start3A_95 = arith.constant 0 : i32
      %dma_start3A_96 = tpu.memref_slice %arg7[%add3A_23, %dma_start3A_95] : memref<5128x128xf32, #tpu.memory_space<vmem_shared>> -> memref<64x128xf32, #tpu.memory_space<vmem_shared>>
      tpu.enqueue_dma source(%arg6 : memref<64x128xf32, #tpu.memory_space<vmem>>) target(%dma_start3A_96 : memref<64x128xf32, #tpu.memory_space<vmem_shared>>) target_semaphore(%run_scoped3A : memref<!tpu.dma_semaphore, #tpu.memory_space<semaphore_mem>>)
      %dma_wait3A = arith.constant 0 : i32
      %dma_wait3A_97 = tpu.memref_slice %arg7[%add3A_23, %dma_wait3A] : memref<5128x128xf32, #tpu.memory_space<vmem_shared>> -> memref<64x128xf32, #tpu.memory_space<vmem_shared>>
      %dma_wait3A_98 = arith.constant 0 : i32
      %dma_wait3A_99 = tpu.memref_slice %arg7[%add3A_23, %dma_wait3A_98] : memref<5128x128xf32, #tpu.memory_space<vmem_shared>> -> memref<64x128xf32, #tpu.memory_space<vmem_shared>>
      tpu.wait_dma2 semaphore(%run_scoped3A : memref<!tpu.dma_semaphore, #tpu.memory_space<semaphore_mem>>) src(%arg6 : memref<64x128xf32, #tpu.memory_space<vmem>>) dst(%dma_wait3A_99 : memref<64x128xf32, #tpu.memory_space<vmem_shared>>)
      tpu.yield
    }) : () -> ()
    %barrier3A = arith.constant 0 : index
    tpu.barrier barrier_id(%barrier3A)
    %scan3A_24 = arith.constant 0 : i32
    %scan3A_25 = arith.constant 0 : i32
    %scan3A_26 = arith.constant 1024 : i32
    %scan3A_27 = arith.addi %scan3A_25, %scan3A_26 : i32
    %scan3A_28 = arith.constant 1 : i32
    %scan3A_29 = scf.for %scan3A_94 = %scan3A_25 to %scan3A_27 step %scan3A_28 iter_args(%scan3A_95 = %scan3A_24) -> (i32)  : i32 {
      %broadcast_in_dim3A = arith.constant 1.000000e+00 : f32
      %broadcast_in_dim3A_96 = vector.broadcast %broadcast_in_dim3A : f32 to vector<16xf32>
      %jit3A = arith.constant 8 : i32
      %div3A = arith.divsi %scan3A_94, %jit3A : i32
      %sign3A = arith.constant 0 : i32
      %sign3A_97 = arith.cmpi sgt, %scan3A_94, %sign3A : i32
      %sign3A_98 = arith.extui %sign3A_97 : i1 to i32
      %sign3A_99 = arith.constant 0 : i32
      %sign3A_100 = arith.cmpi slt, %scan3A_94, %sign3A_99 : i32
      %sign3A_101 = arith.extui %sign3A_100 : i1 to i32
      %sign3A_102 = arith.subi %sign3A_98, %sign3A_101 : i32
      %sign3A_103 = arith.constant 0 : i32
      %sign3A_104 = arith.cmpi sgt, %jit3A, %sign3A_103 : i32
      %sign3A_105 = arith.extui %sign3A_104 : i1 to i32
      %sign3A_106 = arith.constant 0 : i32
      %sign3A_107 = arith.cmpi slt, %jit3A, %sign3A_106 : i32
      %sign3A_108 = arith.extui %sign3A_107 : i1 to i32
      %sign3A_109 = arith.subi %sign3A_105, %sign3A_108 : i32
      %ne3A = arith.cmpi ne, %sign3A_102, %sign3A_109 : i32
      %rem3A = arith.remsi %scan3A_94, %jit3A : i32
      %ne3A_110 = arith.constant 0 : i32
      %ne3A_111 = arith.cmpi ne, %rem3A, %ne3A_110 : i32
      %and3A = arith.andi %ne3A, %ne3A_111 : i1
      %sub3A = arith.constant 1 : i32
      %sub3A_112 = arith.subi %div3A, %sub3A : i32
      %select_n3A = arith.select %and3A, %sub3A_112, %div3A : i32
      %jit3A_113 = arith.constant 8 : i32
      %eq3A = arith.constant 0 : i32
      %eq3A_114 = arith.cmpi eq, %jit3A_113, %eq3A : i32
      %jit3A_115 = arith.constant 1 : i32
      %select_n3A_116 = arith.select %eq3A_114, %jit3A_115, %jit3A_113 : i32
      %rem3A_117 = arith.remsi %scan3A_94, %select_n3A_116 : i32
      %ne3A_118 = arith.constant 0 : i32
      %ne3A_119 = arith.cmpi ne, %rem3A_117, %ne3A_118 : i32
      %lt3A = arith.constant 0 : i32
      %lt3A_120 = arith.cmpi slt, %rem3A_117, %lt3A : i32
      %lt3A_121 = arith.constant 0 : i32
      %lt3A_122 = arith.cmpi slt, %select_n3A_116, %lt3A_121 : i32
      %ne3A_123 = arith.xori %lt3A_120, %lt3A_122 : i1
      %and3A_124 = arith.andi %ne3A_123, %ne3A_119 : i1
      %add3A_125 = arith.addi %rem3A_117, %select_n3A_116 : i32
      %select_n3A_126 = arith.select %and3A_124, %add3A_125, %rem3A_117 : i32
      %mul3A_127 = arith.constant 16 : i32
      %mul3A_128 = arith.muli %select_n3A_126, %mul3A_127 : i32
      %swap3A = arith.index_cast %select_n3A : i32 to index
      %swap3A_129 = arith.index_cast %mul3A_128 : i32 to index
      %swap3A_130 = tpu.vector_load %arg5[%swap3A, %swap3A_129] {strides = array<i32>} : memref<128x128xf32, #tpu.memory_space<vmem>>, vector<1x16xf32>,
      %swap3A_131 = vector.shape_cast %swap3A_130 : vector<1x16xf32> to vector<16xf32>
      %swap3A_132 = vector.shape_cast %broadcast_in_dim3A_96 : vector<16xf32> to vector<1x16xf32>
      tpu.vector_store %arg5[%swap3A, %swap3A_129], %swap3A_132 {strides = array<i32>} : memref<128x128xf32, #tpu.memory_space<vmem>>, vector<1x16xf32>,
      %scan3A_133 = arith.constant 0 : i32
      scf.yield %scan3A_133 : i32
    }
    %scan3A_30 = arith.constant 1024 : i32
    "tpu.region"() ({
      %run_scoped3A = tpu.sem_alloc : memref<!tpu.dma_semaphore, #tpu.memory_space<semaphore_mem>>
      %dma_start3A = arith.constant 0 : i32
      %dma_start3A_94 = arith.constant 0 : i32
      %dma_start3A_95 = tpu.memref_slice %arg2[%arg0, %arg1, %dma_start3A, %dma_start3A_94] : memref<2x16x158x128xi32, #tpu.memory_space<hbm>> -> memref<1x1x158x128xi32, #tpu.memory_space<hbm>>
      %dma_start3A_96 = tpu.memref_squeeze %dma_start3A_95 : memref<1x1x158x128xi32, #tpu.memory_space<hbm>> -> memref<158x128xi32, #tpu.memory_space<hbm>>
      %dma_start3A_97 = arith.constant 0 : i32
      %dma_start3A_98 = arith.constant 0 : i32
      %dma_start3A_99 = tpu.memref_slice %arg2[%arg0, %arg1, %dma_start3A_97, %dma_start3A_98] : memref<2x16x158x128xi32, #tpu.memory_space<hbm>> -> memref<1x1x158x128xi32, #tpu.memory_space<hbm>>
      %dma_start3A_100 = tpu.memref_squeeze %dma_start3A_99 : memref<1x1x158x128xi32, #tpu.memory_space<hbm>> -> memref<158x128xi32, #tpu.memory_space<hbm>>
      tpu.enqueue_dma source(%dma_start3A_100 : memref<158x128xi32, #tpu.memory_space<hbm>>) target(%arg4 : memref<158x128xi32, #tpu.memory_space<vmem>>) target_semaphore(%run_scoped3A : memref<!tpu.dma_semaphore, #tpu.memory_space<semaphore_mem>>)
      %dma_wait3A = arith.constant 0 : i32
      %dma_wait3A_101 = arith.constant 0 : i32
      %dma_wait3A_102 = tpu.memref_slice %arg2[%arg0, %arg1, %dma_wait3A, %dma_wait3A_101] : memref<2x16x158x128xi32, #tpu.memory_space<hbm>> -> memref<1x1x158x128xi32, #tpu.memory_space<hbm>>
      %dma_wait3A_103 = tpu.memref_squeeze %dma_wait3A_102 : memref<1x1x158x128xi32, #tpu.memory_space<hbm>> -> memref<158x128xi32, #tpu.memory_space<hbm>>
      %dma_wait3A_104 = arith.constant 0 : i32
      %dma_wait3A_105 = arith.constant 0 : i32
      %dma_wait3A_106 = tpu.memref_slice %arg2[%arg0, %arg1, %dma_wait3A_104, %dma_wait3A_105] : memref<2x16x158x128xi32, #tpu.memory_space<hbm>> -> memref<1x1x158x128xi32, #tpu.memory_space<hbm>>
      %dma_wait3A_107 = tpu.memref_squeeze %dma_wait3A_106 : memref<1x1x158x128xi32, #tpu.memory_space<hbm>> -> memref<158x128xi32, #tpu.memory_space<hbm>>
      tpu.wait_dma2 semaphore(%run_scoped3A : memref<!tpu.dma_semaphore, #tpu.memory_space<semaphore_mem>>) src(%dma_wait3A_107 : memref<158x128xi32, #tpu.memory_space<hbm>>) dst(%arg4 : memref<158x128xi32, #tpu.memory_space<vmem>>)
      tpu.yield
    }) : () -> ()
    %scan3A_31 = arith.constant 0 : i32
    %scan3A_32 = arith.constant 0 : i32
    %scan3A_33 = arith.constant 79 : i32
    %scan3A_34 = arith.addi %scan3A_32, %scan3A_33 : i32
    %scan3A_35 = arith.constant 1 : i32
    %scan3A_36 = scf.for %scan3A_94 = %scan3A_32 to %scan3A_34 step %scan3A_35 iter_args(%scan3A_95 = %scan3A_31) -> (i32)  : i32 {
      %mul3A_96 = arith.constant 2 : i32
      %mul3A_97 = arith.muli %mul3A_96, %scan3A_94 : i32
      %dma_start3A = arith.constant 0 : i32
      %dma_start3A_98 = tpu.memref_slice %arg4[%mul3A_97, %dma_start3A] : memref<158x128xi32, #tpu.memory_space<vmem>> -> memref<1x128xi32, #tpu.memory_space<vmem>>
      %dma_start3A_99 = tpu.memref_squeeze %dma_start3A_98 : memref<1x128xi32, #tpu.memory_space<vmem>> -> memref<128xi32, #tpu.memory_space<vmem>>
      %dma_start3A_100 = arith.constant 0 : i32
      %dma_start3A_101 = arith.constant 0 : i32
      %dma_start3A_102 = tpu.memref_slice %arg7[%dma_start3A_100, %dma_start3A_101] : memref<5128x128xf32, #tpu.memory_space<vmem_shared>> -> memref<5128x128xf32, #tpu.memory_space<vmem_shared>>
      tpu.enqueue_indirect_dma source(%arg5 : memref<128x128xf32, #tpu.memory_space<vmem>>) target(%dma_start3A_102 : memref<5128x128xf32, #tpu.memory_space<vmem_shared>>) offsets(%dma_start3A_99 : memref<128xi32, #tpu.memory_space<vmem>>) semaphore(%arg8 : memref<!tpu.dma_semaphore, #tpu.memory_space<semaphore_mem>>) {add = true}
      %mul3A_103 = arith.constant 2 : i32
      %mul3A_104 = arith.muli %mul3A_103, %scan3A_94 : i32
      %add3A_105 = arith.constant 1 : i32
      %add3A_106 = arith.addi %mul3A_104, %add3A_105 : i32
      %dma_start3A_107 = arith.constant 0 : i32
      %dma_start3A_108 = tpu.memref_slice %arg4[%add3A_106, %dma_start3A_107] : memref<158x128xi32, #tpu.memory_space<vmem>> -> memref<1x128xi32, #tpu.memory_space<vmem>>
      %dma_start3A_109 = tpu.memref_squeeze %dma_start3A_108 : memref<1x128xi32, #tpu.memory_space<vmem>> -> memref<128xi32, #tpu.memory_space<vmem>>
      %dma_start3A_110 = arith.constant 0 : i32
      %dma_start3A_111 = arith.constant 0 : i32
      %dma_start3A_112 = tpu.memref_slice %arg7[%dma_start3A_110, %dma_start3A_111] : memref<5128x128xf32, #tpu.memory_space<vmem_shared>> -> memref<5128x128xf32, #tpu.memory_space<vmem_shared>>
      tpu.enqueue_indirect_dma source(%arg5 : memref<128x128xf32, #tpu.memory_space<vmem>>) target(%dma_start3A_112 : memref<5128x128xf32, #tpu.memory_space<vmem_shared>>) offsets(%dma_start3A_109 : memref<128xi32, #tpu.memory_space<vmem>>) semaphore(%arg9 : memref<!tpu.dma_semaphore, #tpu.memory_space<semaphore_mem>>) {add = true}
      %dma_wait3A = arith.constant 0 : i32
      %dma_wait3A_113 = tpu.memref_slice %arg4[%mul3A_97, %dma_wait3A] : memref<158x128xi32, #tpu.memory_space<vmem>> -> memref<1x128xi32, #tpu.memory_space<vmem>>
      %dma_wait3A_114 = tpu.memref_squeeze %dma_wait3A_113 : memref<1x128xi32, #tpu.memory_space<vmem>> -> memref<128xi32, #tpu.memory_space<vmem>>
      %dma_wait3A_115 = arith.constant 0 : i32
      %dma_wait3A_116 = arith.constant 0 : i32
      %dma_wait3A_117 = tpu.memref_slice %arg7[%dma_wait3A_115, %dma_wait3A_116] : memref<5128x128xf32, #tpu.memory_space<vmem_shared>> -> memref<5128x128xf32, #tpu.memory_space<vmem_shared>>
      tpu.wait_indirect_dma semaphore(%arg8 : memref<!tpu.dma_semaphore, #tpu.memory_space<semaphore_mem>>) src(%arg5 : memref<128x128xf32, #tpu.memory_space<vmem>>) dst(%dma_wait3A_117 : memref<5128x128xf32, #tpu.memory_space<vmem_shared>>)
      %dma_wait3A_118 = arith.constant 0 : i32
      %dma_wait3A_119 = tpu.memref_slice %arg4[%add3A_106, %dma_wait3A_118] : memref<158x128xi32, #tpu.memory_space<vmem>> -> memref<1x128xi32, #tpu.memory_space<vmem>>
      %dma_wait3A_120 = tpu.memref_squeeze %dma_wait3A_119 : memref<1x128xi32, #tpu.memory_space<vmem>> -> memref<128xi32, #tpu.memory_space<vmem>>
      %dma_wait3A_121 = arith.constant 0 : i32
      %dma_wait3A_122 = arith.constant 0 : i32
      %dma_wait3A_123 = tpu.memref_slice %arg7[%dma_wait3A_121, %dma_wait3A_122] : memref<5128x128xf32, #tpu.memory_space<vmem_shared>> -> memref<5128x128xf32, #tpu.memory_space<vmem_shared>>
      tpu.wait_indirect_dma semaphore(%arg9 : memref<!tpu.dma_semaphore, #tpu.memory_space<semaphore_mem>>) src(%arg5 : memref<128x128xf32, #tpu.memory_space<vmem>>) dst(%dma_wait3A_123 : memref<5128x128xf32, #tpu.memory_space<vmem_shared>>)
      %scan3A_124 = arith.constant 0 : i32
      scf.yield %scan3A_124 : i32
    }
    %scan3A_37 = arith.constant 79 : i32
    %barrier3A_38 = arith.constant 0 : index
    tpu.barrier barrier_id(%barrier3A_38)
    %mul3A_39 = arith.constant 320 : i32
    %mul3A_40 = arith.muli %arg1, %mul3A_39 : i32
    %add3A_41 = arith.constant 0 : i32
    %add3A_42 = arith.addi %mul3A_40, %add3A_41 : i32
    "tpu.region"() ({
      %run_scoped3A = tpu.sem_alloc : memref<!tpu.dma_semaphore, #tpu.memory_space<semaphore_mem>>
      %dma_start3A = arith.constant 0 : i32
      %dma_start3A_94 = tpu.memref_slice %arg7[%add3A_42, %dma_start3A] : memref<5128x128xf32, #tpu.memory_space<vmem_shared>> -> memref<64x128xf32, #tpu.memory_space<vmem_shared>>
      %dma_start3A_95 = arith.constant 0 : i32
      %dma_start3A_96 = tpu.memref_slice %arg7[%add3A_42, %dma_start3A_95] : memref<5128x128xf32, #tpu.memory_space<vmem_shared>> -> memref<64x128xf32, #tpu.memory_space<vmem_shared>>
      tpu.enqueue_dma source(%dma_start3A_96 : memref<64x128xf32, #tpu.memory_space<vmem_shared>>) target(%arg6 : memref<64x128xf32, #tpu.memory_space<vmem>>) target_semaphore(%run_scoped3A : memref<!tpu.dma_semaphore, #tpu.memory_space<semaphore_mem>>)
      %dma_wait3A = arith.constant 0 : i32
      %dma_wait3A_97 = tpu.memref_slice %arg7[%add3A_42, %dma_wait3A] : memref<5128x128xf32, #tpu.memory_space<vmem_shared>> -> memref<64x128xf32, #tpu.memory_space<vmem_shared>>
      %dma_wait3A_98 = arith.constant 0 : i32
      %dma_wait3A_99 = tpu.memref_slice %arg7[%add3A_42, %dma_wait3A_98] : memref<5128x128xf32, #tpu.memory_space<vmem_shared>> -> memref<64x128xf32, #tpu.memory_space<vmem_shared>>
      tpu.wait_dma2 semaphore(%run_scoped3A : memref<!tpu.dma_semaphore, #tpu.memory_space<semaphore_mem>>) src(%dma_wait3A_99 : memref<64x128xf32, #tpu.memory_space<vmem_shared>>) dst(%arg6 : memref<64x128xf32, #tpu.memory_space<vmem>>)
      tpu.yield
    }) : () -> ()
    %mul3A_43 = arith.constant 5120 : i32
    %mul3A_44 = arith.muli %arg0, %mul3A_43 : i32
    %mul3A_45 = arith.constant 320 : i32
    %mul3A_46 = arith.muli %arg1, %mul3A_45 : i32
    %add3A_47 = arith.addi %mul3A_44, %mul3A_46 : i32
    %add3A_48 = arith.constant 0 : i32
    %add3A_49 = arith.addi %add3A_47, %add3A_48 : i32
    "tpu.region"() ({
      %run_scoped3A = tpu.sem_alloc : memref<!tpu.dma_semaphore, #tpu.memory_space<semaphore_mem>>
      %dma_start3A = arith.constant 0 : i32
      %dma_start3A_94 = tpu.memref_slice %arg3[%add3A_49, %dma_start3A] : memref<10240x128xf32, #tpu.memory_space<hbm>> -> memref<64x128xf32, #tpu.memory_space<hbm>>
      %dma_start3A_95 = arith.constant 0 : i32
      %dma_start3A_96 = tpu.memref_slice %arg3[%add3A_49, %dma_start3A_95] : memref<10240x128xf32, #tpu.memory_space<hbm>> -> memref<64x128xf32, #tpu.memory_space<hbm>>
      tpu.enqueue_dma source(%arg6 : memref<64x128xf32, #tpu.memory_space<vmem>>) target(%dma_start3A_96 : memref<64x128xf32, #tpu.memory_space<hbm>>) target_semaphore(%run_scoped3A : memref<!tpu.dma_semaphore, #tpu.memory_space<semaphore_mem>>)
      %dma_wait3A = arith.constant 0 : i32
      %dma_wait3A_97 = tpu.memref_slice %arg3[%add3A_49, %dma_wait3A] : memref<10240x128xf32, #tpu.memory_space<hbm>> -> memref<64x128xf32, #tpu.memory_space<hbm>>
      %dma_wait3A_98 = arith.constant 0 : i32
      %dma_wait3A_99 = tpu.memref_slice %arg3[%add3A_49, %dma_wait3A_98] : memref<10240x128xf32, #tpu.memory_space<hbm>> -> memref<64x128xf32, #tpu.memory_space<hbm>>
      tpu.wait_dma2 semaphore(%run_scoped3A : memref<!tpu.dma_semaphore, #tpu.memory_space<semaphore_mem>>) src(%arg6 : memref<64x128xf32, #tpu.memory_space<vmem>>) dst(%dma_wait3A_99 : memref<64x128xf32, #tpu.memory_space<hbm>>)
      tpu.yield
    }) : () -> ()
    %mul3A_50 = arith.constant 320 : i32
    %mul3A_51 = arith.muli %arg1, %mul3A_50 : i32
    %add3A_52 = arith.constant 64 : i32
    %add3A_53 = arith.addi %mul3A_51, %add3A_52 : i32
    "tpu.region"() ({
      %run_scoped3A = tpu.sem_alloc : memref<!tpu.dma_semaphore, #tpu.memory_space<semaphore_mem>>
      %dma_start3A = arith.constant 0 : i32
      %dma_start3A_94 = tpu.memref_slice %arg7[%add3A_53, %dma_start3A] : memref<5128x128xf32, #tpu.memory_space<vmem_shared>> -> memref<64x128xf32, #tpu.memory_space<vmem_shared>>
      %dma_start3A_95 = arith.constant 0 : i32
      %dma_start3A_96 = tpu.memref_slice %arg7[%add3A_53, %dma_start3A_95] : memref<5128x128xf32, #tpu.memory_space<vmem_shared>> -> memref<64x128xf32, #tpu.memory_space<vmem_shared>>
      tpu.enqueue_dma source(%dma_start3A_96 : memref<64x128xf32, #tpu.memory_space<vmem_shared>>) target(%arg6 : memref<64x128xf32, #tpu.memory_space<vmem>>) target_semaphore(%run_scoped3A : memref<!tpu.dma_semaphore, #tpu.memory_space<semaphore_mem>>)
      %dma_wait3A = arith.constant 0 : i32
      %dma_wait3A_97 = tpu.memref_slice %arg7[%add3A_53, %dma_wait3A] : memref<5128x128xf32, #tpu.memory_space<vmem_shared>> -> memref<64x128xf32, #tpu.memory_space<vmem_shared>>
      %dma_wait3A_98 = arith.constant 0 : i32
      %dma_wait3A_99 = tpu.memref_slice %arg7[%add3A_53, %dma_wait3A_98] : memref<5128x128xf32, #tpu.memory_space<vmem_shared>> -> memref<64x128xf32, #tpu.memory_space<vmem_shared>>
      tpu.wait_dma2 semaphore(%run_scoped3A : memref<!tpu.dma_semaphore, #tpu.memory_space<semaphore_mem>>) src(%dma_wait3A_99 : memref<64x128xf32, #tpu.memory_space<vmem_shared>>) dst(%arg6 : memref<64x128xf32, #tpu.memory_space<vmem>>)
      tpu.yield
    }) : () -> ()
    %mul3A_54 = arith.constant 5120 : i32
    %mul3A_55 = arith.muli %arg0, %mul3A_54 : i32
    %mul3A_56 = arith.constant 320 : i32
    %mul3A_57 = arith.muli %arg1, %mul3A_56 : i32
    %add3A_58 = arith.addi %mul3A_55, %mul3A_57 : i32
    %add3A_59 = arith.constant 64 : i32
    %add3A_60 = arith.addi %add3A_58, %add3A_59 : i32
    "tpu.region"() ({
      %run_scoped3A = tpu.sem_alloc : memref<!tpu.dma_semaphore, #tpu.memory_space<semaphore_mem>>
      %dma_start3A = arith.constant 0 : i32
      %dma_start3A_94 = tpu.memref_slice %arg3[%add3A_60, %dma_start3A] : memref<10240x128xf32, #tpu.memory_space<hbm>> -> memref<64x128xf32, #tpu.memory_space<hbm>>
      %dma_start3A_95 = arith.constant 0 : i32
      %dma_start3A_96 = tpu.memref_slice %arg3[%add3A_60, %dma_start3A_95] : memref<10240x128xf32, #tpu.memory_space<hbm>> -> memref<64x128xf32, #tpu.memory_space<hbm>>
      tpu.enqueue_dma source(%arg6 : memref<64x128xf32, #tpu.memory_space<vmem>>) target(%dma_start3A_96 : memref<64x128xf32, #tpu.memory_space<hbm>>) target_semaphore(%run_scoped3A : memref<!tpu.dma_semaphore, #tpu.memory_space<semaphore_mem>>)
      %dma_wait3A = arith.constant 0 : i32
      %dma_wait3A_97 = tpu.memref_slice %arg3[%add3A_60, %dma_wait3A] : memref<10240x128xf32, #tpu.memory_space<hbm>> -> memref<64x128xf32, #tpu.memory_space<hbm>>
      %dma_wait3A_98 = arith.constant 0 : i32
      %dma_wait3A_99 = tpu.memref_slice %arg3[%add3A_60, %dma_wait3A_98] : memref<10240x128xf32, #tpu.memory_space<hbm>> -> memref<64x128xf32, #tpu.memory_space<hbm>>
      tpu.wait_dma2 semaphore(%run_scoped3A : memref<!tpu.dma_semaphore, #tpu.memory_space<semaphore_mem>>) src(%arg6 : memref<64x128xf32, #tpu.memory_space<vmem>>) dst(%dma_wait3A_99 : memref<64x128xf32, #tpu.memory_space<hbm>>)
      tpu.yield
    }) : () -> ()
    %mul3A_61 = arith.constant 320 : i32
    %mul3A_62 = arith.muli %arg1, %mul3A_61 : i32
    %add3A_63 = arith.constant 128 : i32
    %add3A_64 = arith.addi %mul3A_62, %add3A_63 : i32
    "tpu.region"() ({
      %run_scoped3A = tpu.sem_alloc : memref<!tpu.dma_semaphore, #tpu.memory_space<semaphore_mem>>
      %dma_start3A = arith.constant 0 : i32
      %dma_start3A_94 = tpu.memref_slice %arg7[%add3A_64, %dma_start3A] : memref<5128x128xf32, #tpu.memory_space<vmem_shared>> -> memref<64x128xf32, #tpu.memory_space<vmem_shared>>
      %dma_start3A_95 = arith.constant 0 : i32
      %dma_start3A_96 = tpu.memref_slice %arg7[%add3A_64, %dma_start3A_95] : memref<5128x128xf32, #tpu.memory_space<vmem_shared>> -> memref<64x128xf32, #tpu.memory_space<vmem_shared>>
      tpu.enqueue_dma source(%dma_start3A_96 : memref<64x128xf32, #tpu.memory_space<vmem_shared>>) target(%arg6 : memref<64x128xf32, #tpu.memory_space<vmem>>) target_semaphore(%run_scoped3A : memref<!tpu.dma_semaphore, #tpu.memory_space<semaphore_mem>>)
      %dma_wait3A = arith.constant 0 : i32
      %dma_wait3A_97 = tpu.memref_slice %arg7[%add3A_64, %dma_wait3A] : memref<5128x128xf32, #tpu.memory_space<vmem_shared>> -> memref<64x128xf32, #tpu.memory_space<vmem_shared>>
      %dma_wait3A_98 = arith.constant 0 : i32
      %dma_wait3A_99 = tpu.memref_slice %arg7[%add3A_64, %dma_wait3A_98] : memref<5128x128xf32, #tpu.memory_space<vmem_shared>> -> memref<64x128xf32, #tpu.memory_space<vmem_shared>>
      tpu.wait_dma2 semaphore(%run_scoped3A : memref<!tpu.dma_semaphore, #tpu.memory_space<semaphore_mem>>) src(%dma_wait3A_99 : memref<64x128xf32, #tpu.memory_space<vmem_shared>>) dst(%arg6 : memref<64x128xf32, #tpu.memory_space<vmem>>)
      tpu.yield
    }) : () -> ()
    %mul3A_65 = arith.constant 5120 : i32
    %mul3A_66 = arith.muli %arg0, %mul3A_65 : i32
    %mul3A_67 = arith.constant 320 : i32
    %mul3A_68 = arith.muli %arg1, %mul3A_67 : i32
    %add3A_69 = arith.addi %mul3A_66, %mul3A_68 : i32
    %add3A_70 = arith.constant 128 : i32
    %add3A_71 = arith.addi %add3A_69, %add3A_70 : i32
    "tpu.region"() ({
      %run_scoped3A = tpu.sem_alloc : memref<!tpu.dma_semaphore, #tpu.memory_space<semaphore_mem>>
      %dma_start3A = arith.constant 0 : i32
      %dma_start3A_94 = tpu.memref_slice %arg3[%add3A_71, %dma_start3A] : memref<10240x128xf32, #tpu.memory_space<hbm>> -> memref<64x128xf32, #tpu.memory_space<hbm>>
      %dma_start3A_95 = arith.constant 0 : i32
      %dma_start3A_96 = tpu.memref_slice %arg3[%add3A_71, %dma_start3A_95] : memref<10240x128xf32, #tpu.memory_space<hbm>> -> memref<64x128xf32, #tpu.memory_space<hbm>>
      tpu.enqueue_dma source(%arg6 : memref<64x128xf32, #tpu.memory_space<vmem>>) target(%dma_start3A_96 : memref<64x128xf32, #tpu.memory_space<hbm>>) target_semaphore(%run_scoped3A : memref<!tpu.dma_semaphore, #tpu.memory_space<semaphore_mem>>)
      %dma_wait3A = arith.constant 0 : i32
      %dma_wait3A_97 = tpu.memref_slice %arg3[%add3A_71, %dma_wait3A] : memref<10240x128xf32, #tpu.memory_space<hbm>> -> memref<64x128xf32, #tpu.memory_space<hbm>>
      %dma_wait3A_98 = arith.constant 0 : i32
      %dma_wait3A_99 = tpu.memref_slice %arg3[%add3A_71, %dma_wait3A_98] : memref<10240x128xf32, #tpu.memory_space<hbm>> -> memref<64x128xf32, #tpu.memory_space<hbm>>
      tpu.wait_dma2 semaphore(%run_scoped3A : memref<!tpu.dma_semaphore, #tpu.memory_space<semaphore_mem>>) src(%arg6 : memref<64x128xf32, #tpu.memory_space<vmem>>) dst(%dma_wait3A_99 : memref<64x128xf32, #tpu.memory_space<hbm>>)
      tpu.yield
    }) : () -> ()
    %mul3A_72 = arith.constant 320 : i32
    %mul3A_73 = arith.muli %arg1, %mul3A_72 : i32
    %add3A_74 = arith.constant 192 : i32
    %add3A_75 = arith.addi %mul3A_73, %add3A_74 : i32
    "tpu.region"() ({
      %run_scoped3A = tpu.sem_alloc : memref<!tpu.dma_semaphore, #tpu.memory_space<semaphore_mem>>
      %dma_start3A = arith.constant 0 : i32
      %dma_start3A_94 = tpu.memref_slice %arg7[%add3A_75, %dma_start3A] : memref<5128x128xf32, #tpu.memory_space<vmem_shared>> -> memref<64x128xf32, #tpu.memory_space<vmem_shared>>
      %dma_start3A_95 = arith.constant 0 : i32
      %dma_start3A_96 = tpu.memref_slice %arg7[%add3A_75, %dma_start3A_95] : memref<5128x128xf32, #tpu.memory_space<vmem_shared>> -> memref<64x128xf32, #tpu.memory_space<vmem_shared>>
      tpu.enqueue_dma source(%dma_start3A_96 : memref<64x128xf32, #tpu.memory_space<vmem_shared>>) target(%arg6 : memref<64x128xf32, #tpu.memory_space<vmem>>) target_semaphore(%run_scoped3A : memref<!tpu.dma_semaphore, #tpu.memory_space<semaphore_mem>>)
      %dma_wait3A = arith.constant 0 : i32
      %dma_wait3A_97 = tpu.memref_slice %arg7[%add3A_75, %dma_wait3A] : memref<5128x128xf32, #tpu.memory_space<vmem_shared>> -> memref<64x128xf32, #tpu.memory_space<vmem_shared>>
      %dma_wait3A_98 = arith.constant 0 : i32
      %dma_wait3A_99 = tpu.memref_slice %arg7[%add3A_75, %dma_wait3A_98] : memref<5128x128xf32, #tpu.memory_space<vmem_shared>> -> memref<64x128xf32, #tpu.memory_space<vmem_shared>>
      tpu.wait_dma2 semaphore(%run_scoped3A : memref<!tpu.dma_semaphore, #tpu.memory_space<semaphore_mem>>) src(%dma_wait3A_99 : memref<64x128xf32, #tpu.memory_space<vmem_shared>>) dst(%arg6 : memref<64x128xf32, #tpu.memory_space<vmem>>)
      tpu.yield
    }) : () -> ()
    %mul3A_76 = arith.constant 5120 : i32
    %mul3A_77 = arith.muli %arg0, %mul3A_76 : i32
    %mul3A_78 = arith.constant 320 : i32
    %mul3A_79 = arith.muli %arg1, %mul3A_78 : i32
    %add3A_80 = arith.addi %mul3A_77, %mul3A_79 : i32
    %add3A_81 = arith.constant 192 : i32
    %add3A_82 = arith.addi %add3A_80, %add3A_81 : i32
    "tpu.region"() ({
      %run_scoped3A = tpu.sem_alloc : memref<!tpu.dma_semaphore, #tpu.memory_space<semaphore_mem>>
      %dma_start3A = arith.constant 0 : i32
      %dma_start3A_94 = tpu.memref_slice %arg3[%add3A_82, %dma_start3A] : memref<10240x128xf32, #tpu.memory_space<hbm>> -> memref<64x128xf32, #tpu.memory_space<hbm>>
      %dma_start3A_95 = arith.constant 0 : i32
      %dma_start3A_96 = tpu.memref_slice %arg3[%add3A_82, %dma_start3A_95] : memref<10240x128xf32, #tpu.memory_space<hbm>> -> memref<64x128xf32, #tpu.memory_space<hbm>>
      tpu.enqueue_dma source(%arg6 : memref<64x128xf32, #tpu.memory_space<vmem>>) target(%dma_start3A_96 : memref<64x128xf32, #tpu.memory_space<hbm>>) target_semaphore(%run_scoped3A : memref<!tpu.dma_semaphore, #tpu.memory_space<semaphore_mem>>)
      %dma_wait3A = arith.constant 0 : i32
      %dma_wait3A_97 = tpu.memref_slice %arg3[%add3A_82, %dma_wait3A] : memref<10240x128xf32, #tpu.memory_space<hbm>> -> memref<64x128xf32, #tpu.memory_space<hbm>>
      %dma_wait3A_98 = arith.constant 0 : i32
      %dma_wait3A_99 = tpu.memref_slice %arg3[%add3A_82, %dma_wait3A_98] : memref<10240x128xf32, #tpu.memory_space<hbm>> -> memref<64x128xf32, #tpu.memory_space<hbm>>
      tpu.wait_dma2 semaphore(%run_scoped3A : memref<!tpu.dma_semaphore, #tpu.memory_space<semaphore_mem>>) src(%arg6 : memref<64x128xf32, #tpu.memory_space<vmem>>) dst(%dma_wait3A_99 : memref<64x128xf32, #tpu.memory_space<hbm>>)
      tpu.yield
    }) : () -> ()
    %mul3A_83 = arith.constant 320 : i32
    %mul3A_84 = arith.muli %arg1, %mul3A_83 : i32
    %add3A_85 = arith.constant 256 : i32
    %add3A_86 = arith.addi %mul3A_84, %add3A_85 : i32
    "tpu.region"() ({
      %run_scoped3A = tpu.sem_alloc : memref<!tpu.dma_semaphore, #tpu.memory_space<semaphore_mem>>
      %dma_start3A = arith.constant 0 : i32
      %dma_start3A_94 = tpu.memref_slice %arg7[%add3A_86, %dma_start3A] : memref<5128x128xf32, #tpu.memory_space<vmem_shared>> -> memref<64x128xf32, #tpu.memory_space<vmem_shared>>
      %dma_start3A_95 = arith.constant 0 : i32
      %dma_start3A_96 = tpu.memref_slice %arg7[%add3A_86, %dma_start3A_95] : memref<5128x128xf32, #tpu.memory_space<vmem_shared>> -> memref<64x128xf32, #tpu.memory_space<vmem_shared>>
      tpu.enqueue_dma source(%dma_start3A_96 : memref<64x128xf32, #tpu.memory_space<vmem_shared>>) target(%arg6 : memref<64x128xf32, #tpu.memory_space<vmem>>) target_semaphore(%run_scoped3A : memref<!tpu.dma_semaphore, #tpu.memory_space<semaphore_mem>>)
      %dma_wait3A = arith.constant 0 : i32
      %dma_wait3A_97 = tpu.memref_slice %arg7[%add3A_86, %dma_wait3A] : memref<5128x128xf32, #tpu.memory_space<vmem_shared>> -> memref<64x128xf32, #tpu.memory_space<vmem_shared>>
      %dma_wait3A_98 = arith.constant 0 : i32
      %dma_wait3A_99 = tpu.memref_slice %arg7[%add3A_86, %dma_wait3A_98] : memref<5128x128xf32, #tpu.memory_space<vmem_shared>> -> memref<64x128xf32, #tpu.memory_space<vmem_shared>>
      tpu.wait_dma2 semaphore(%run_scoped3A : memref<!tpu.dma_semaphore, #tpu.memory_space<semaphore_mem>>) src(%dma_wait3A_99 : memref<64x128xf32, #tpu.memory_space<vmem_shared>>) dst(%arg6 : memref<64x128xf32, #tpu.memory_space<vmem>>)
      tpu.yield
    }) : () -> ()
    %mul3A_87 = arith.constant 5120 : i32
    %mul3A_88 = arith.muli %arg0, %mul3A_87 : i32
    %mul3A_89 = arith.constant 320 : i32
    %mul3A_90 = arith.muli %arg1, %mul3A_89 : i32
    %add3A_91 = arith.addi %mul3A_88, %mul3A_90 : i32
    %add3A_92 = arith.constant 256 : i32
    %add3A_93 = arith.addi %add3A_91, %add3A_92 : i32
    "tpu.region"() ({
      %run_scoped3A = tpu.sem_alloc : memref<!tpu.dma_semaphore, #tpu.memory_space<semaphore_mem>>
      %dma_start3A = arith.constant 0 : i32
      %dma_start3A_94 = tpu.memref_slice %arg3[%add3A_93, %dma_start3A] : memref<10240x128xf32, #tpu.memory_space<hbm>> -> memref<64x128xf32, #tpu.memory_space<hbm>>
      %dma_start3A_95 = arith.constant 0 : i32
      %dma_start3A_96 = tpu.memref_slice %arg3[%add3A_93, %dma_start3A_95] : memref<10240x128xf32, #tpu.memory_space<hbm>> -> memref<64x128xf32, #tpu.memory_space<hbm>>
      tpu.enqueue_dma source(%arg6 : memref<64x128xf32, #tpu.memory_space<vmem>>) target(%dma_start3A_96 : memref<64x128xf32, #tpu.memory_space<hbm>>) target_semaphore(%run_scoped3A : memref<!tpu.dma_semaphore, #tpu.memory_space<semaphore_mem>>)
      %dma_wait3A = arith.constant 0 : i32
      %dma_wait3A_97 = tpu.memref_slice %arg3[%add3A_93, %dma_wait3A] : memref<10240x128xf32, #tpu.memory_space<hbm>> -> memref<64x128xf32, #tpu.memory_space<hbm>>
      %dma_wait3A_98 = arith.constant 0 : i32
      %dma_wait3A_99 = tpu.memref_slice %arg3[%add3A_93, %dma_wait3A_98] : memref<10240x128xf32, #tpu.memory_space<hbm>> -> memref<64x128xf32, #tpu.memory_space<hbm>>
      tpu.wait_dma2 semaphore(%run_scoped3A : memref<!tpu.dma_semaphore, #tpu.memory_space<semaphore_mem>>) src(%arg6 : memref<64x128xf32, #tpu.memory_space<vmem>>) dst(%dma_wait3A_99 : memref<64x128xf32, #tpu.memory_space<hbm>>)
      tpu.yield
    }) : () -> ()
    return
  }
}

#map = affine_map<(d0, d1) -> (0, 0)>
#map1 = affine_map<(d0, d1) -> (0, 0, 0)>
#map2 = affine_map<(d0, d1) -> (0, 0, 0, 0)>
module attributes {stable_mosaic.version = 14 : i64} {
  func.func @_sc_agg(%arg0: i32, %arg1: i32, %arg2: memref<10240x128xf32, #tpu.memory_space<hbm>>, %arg3: memref<16x158x128xi32, #tpu.memory_space<hbm>>, %arg4: memref<2x16x158x128xi32, #tpu.memory_space<hbm>>, %arg5: memref<10240x128xf32, #tpu.memory_space<hbm>>, %arg6: memref<158x128xi32, #tpu.memory_space<vmem>>, %arg7: memref<158x128xi32, #tpu.memory_space<vmem>>, %arg8: memref<128x128xf32, #tpu.memory_space<vmem>>, %arg9: memref<128x128xf32, #tpu.memory_space<vmem>>, %arg10: memref<64x128xf32, #tpu.memory_space<vmem>>, %arg11: memref<5128x128xf32, #tpu.memory_space<vmem_shared>>, %arg12: memref<!tpu.dma_semaphore, #tpu.memory_space<semaphore_mem>>, %arg13: memref<!tpu.dma_semaphore, #tpu.memory_space<semaphore_mem>>, %arg14: memref<!tpu.dma_semaphore, #tpu.memory_space<semaphore_mem>>, %arg15: memref<!tpu.dma_semaphore, #tpu.memory_space<semaphore_mem>>) attributes {dimension_semantics = [#tpu.dimension_semantics<core_parallel>, #tpu.dimension_semantics<subcore_parallel>], iteration_bounds = array<i64: 2, 16>, scalar_prefetch = 0 : i64, scratch_operands = 10 : i64, tpu.core_type = #tpu.core_type<sc_vector_subcore>, window_params = [{transform_indices = #map}, {transform_indices = #map1}, {transform_indices = #map2}, {transform_indices = #map}]} {
    %scan3A = arith.constant 0 : i32
    %scan3A_0 = arith.constant 0 : i32
    %scan3A_1 = arith.constant 512 : i32
    %scan3A_2 = arith.addi %scan3A_0, %scan3A_1 : i32
    %scan3A_3 = arith.constant 1 : i32
    %scan3A_4 = scf.for %scan3A_87 = %scan3A_0 to %scan3A_2 step %scan3A_3 iter_args(%scan3A_88 = %scan3A) -> (i32)  : i32 {
      %broadcast_in_dim3A = arith.constant 0.000000e+00 : f32
      %broadcast_in_dim3A_89 = vector.broadcast %broadcast_in_dim3A : f32 to vector<16xf32>
      %jit3A = arith.constant 8 : i32
      %div3A = arith.divsi %scan3A_87, %jit3A : i32
      %sign3A = arith.constant 0 : i32
      %sign3A_90 = arith.cmpi sgt, %scan3A_87, %sign3A : i32
      %sign3A_91 = arith.extui %sign3A_90 : i1 to i32
      %sign3A_92 = arith.constant 0 : i32
      %sign3A_93 = arith.cmpi slt, %scan3A_87, %sign3A_92 : i32
      %sign3A_94 = arith.extui %sign3A_93 : i1 to i32
      %sign3A_95 = arith.subi %sign3A_91, %sign3A_94 : i32
      %sign3A_96 = arith.constant 0 : i32
      %sign3A_97 = arith.cmpi sgt, %jit3A, %sign3A_96 : i32
      %sign3A_98 = arith.extui %sign3A_97 : i1 to i32
      %sign3A_99 = arith.constant 0 : i32
      %sign3A_100 = arith.cmpi slt, %jit3A, %sign3A_99 : i32
      %sign3A_101 = arith.extui %sign3A_100 : i1 to i32
      %sign3A_102 = arith.subi %sign3A_98, %sign3A_101 : i32
      %ne3A = arith.cmpi ne, %sign3A_95, %sign3A_102 : i32
      %rem3A = arith.remsi %scan3A_87, %jit3A : i32
      %ne3A_103 = arith.constant 0 : i32
      %ne3A_104 = arith.cmpi ne, %rem3A, %ne3A_103 : i32
      %and3A = arith.andi %ne3A, %ne3A_104 : i1
      %sub3A = arith.constant 1 : i32
      %sub3A_105 = arith.subi %div3A, %sub3A : i32
      %select_n3A = arith.select %and3A, %sub3A_105, %div3A : i32
      %jit3A_106 = arith.constant 8 : i32
      %eq3A = arith.constant 0 : i32
      %eq3A_107 = arith.cmpi eq, %jit3A_106, %eq3A : i32
      %jit3A_108 = arith.constant 1 : i32
      %select_n3A_109 = arith.select %eq3A_107, %jit3A_108, %jit3A_106 : i32
      %rem3A_110 = arith.remsi %scan3A_87, %select_n3A_109 : i32
      %ne3A_111 = arith.constant 0 : i32
      %ne3A_112 = arith.cmpi ne, %rem3A_110, %ne3A_111 : i32
      %lt3A = arith.constant 0 : i32
      %lt3A_113 = arith.cmpi slt, %rem3A_110, %lt3A : i32
      %lt3A_114 = arith.constant 0 : i32
      %lt3A_115 = arith.cmpi slt, %select_n3A_109, %lt3A_114 : i32
      %ne3A_116 = arith.xori %lt3A_113, %lt3A_115 : i1
      %and3A_117 = arith.andi %ne3A_116, %ne3A_112 : i1
      %add3A_118 = arith.addi %rem3A_110, %select_n3A_109 : i32
      %select_n3A_119 = arith.select %and3A_117, %add3A_118, %rem3A_110 : i32
      %mul3A_120 = arith.constant 16 : i32
      %mul3A_121 = arith.muli %select_n3A_119, %mul3A_120 : i32
      %swap3A = arith.index_cast %select_n3A : i32 to index
      %swap3A_122 = arith.index_cast %mul3A_121 : i32 to index
      %swap3A_123 = tpu.vector_load %arg10[%swap3A, %swap3A_122] {strides = array<i32>} : memref<64x128xf32, #tpu.memory_space<vmem>>, vector<1x16xf32>,
      %swap3A_124 = vector.shape_cast %swap3A_123 : vector<1x16xf32> to vector<16xf32>
      %swap3A_125 = vector.shape_cast %broadcast_in_dim3A_89 : vector<16xf32> to vector<1x16xf32>
      tpu.vector_store %arg10[%swap3A, %swap3A_122], %swap3A_125 {strides = array<i32>} : memref<64x128xf32, #tpu.memory_space<vmem>>, vector<1x16xf32>,
      %scan3A_126 = arith.constant 0 : i32
      scf.yield %scan3A_126 : i32
    }
    %scan3A_5 = arith.constant 512 : i32
    %mul3A = arith.constant 320 : i32
    %mul3A_6 = arith.muli %arg1, %mul3A : i32
    %add3A = arith.constant 0 : i32
    %add3A_7 = arith.addi %mul3A_6, %add3A : i32
    "tpu.region"() ({
      %run_scoped3A = tpu.sem_alloc : memref<!tpu.dma_semaphore, #tpu.memory_space<semaphore_mem>>
      %dma_start3A = arith.constant 0 : i32
      %dma_start3A_87 = tpu.memref_slice %arg11[%add3A_7, %dma_start3A] : memref<5128x128xf32, #tpu.memory_space<vmem_shared>> -> memref<64x128xf32, #tpu.memory_space<vmem_shared>>
      %dma_start3A_88 = arith.constant 0 : i32
      %dma_start3A_89 = tpu.memref_slice %arg11[%add3A_7, %dma_start3A_88] : memref<5128x128xf32, #tpu.memory_space<vmem_shared>> -> memref<64x128xf32, #tpu.memory_space<vmem_shared>>
      tpu.enqueue_dma source(%arg10 : memref<64x128xf32, #tpu.memory_space<vmem>>) target(%dma_start3A_89 : memref<64x128xf32, #tpu.memory_space<vmem_shared>>) target_semaphore(%run_scoped3A : memref<!tpu.dma_semaphore, #tpu.memory_space<semaphore_mem>>)
      %dma_wait3A = arith.constant 0 : i32
      %dma_wait3A_90 = tpu.memref_slice %arg11[%add3A_7, %dma_wait3A] : memref<5128x128xf32, #tpu.memory_space<vmem_shared>> -> memref<64x128xf32, #tpu.memory_space<vmem_shared>>
      %dma_wait3A_91 = arith.constant 0 : i32
      %dma_wait3A_92 = tpu.memref_slice %arg11[%add3A_7, %dma_wait3A_91] : memref<5128x128xf32, #tpu.memory_space<vmem_shared>> -> memref<64x128xf32, #tpu.memory_space<vmem_shared>>
      tpu.wait_dma2 semaphore(%run_scoped3A : memref<!tpu.dma_semaphore, #tpu.memory_space<semaphore_mem>>) src(%arg10 : memref<64x128xf32, #tpu.memory_space<vmem>>) dst(%dma_wait3A_92 : memref<64x128xf32, #tpu.memory_space<vmem_shared>>)
      tpu.yield
    }) : () -> ()
    %mul3A_8 = arith.constant 320 : i32
    %mul3A_9 = arith.muli %arg1, %mul3A_8 : i32
    %add3A_10 = arith.constant 64 : i32
    %add3A_11 = arith.addi %mul3A_9, %add3A_10 : i32
    "tpu.region"() ({
      %run_scoped3A = tpu.sem_alloc : memref<!tpu.dma_semaphore, #tpu.memory_space<semaphore_mem>>
      %dma_start3A = arith.constant 0 : i32
      %dma_start3A_87 = tpu.memref_slice %arg11[%add3A_11, %dma_start3A] : memref<5128x128xf32, #tpu.memory_space<vmem_shared>> -> memref<64x128xf32, #tpu.memory_space<vmem_shared>>
      %dma_start3A_88 = arith.constant 0 : i32
      %dma_start3A_89 = tpu.memref_slice %arg11[%add3A_11, %dma_start3A_88] : memref<5128x128xf32, #tpu.memory_space<vmem_shared>> -> memref<64x128xf32, #tpu.memory_space<vmem_shared>>
      tpu.enqueue_dma source(%arg10 : memref<64x128xf32, #tpu.memory_space<vmem>>) target(%dma_start3A_89 : memref<64x128xf32, #tpu.memory_space<vmem_shared>>) target_semaphore(%run_scoped3A : memref<!tpu.dma_semaphore, #tpu.memory_space<semaphore_mem>>)
      %dma_wait3A = arith.constant 0 : i32
      %dma_wait3A_90 = tpu.memref_slice %arg11[%add3A_11, %dma_wait3A] : memref<5128x128xf32, #tpu.memory_space<vmem_shared>> -> memref<64x128xf32, #tpu.memory_space<vmem_shared>>
      %dma_wait3A_91 = arith.constant 0 : i32
      %dma_wait3A_92 = tpu.memref_slice %arg11[%add3A_11, %dma_wait3A_91] : memref<5128x128xf32, #tpu.memory_space<vmem_shared>> -> memref<64x128xf32, #tpu.memory_space<vmem_shared>>
      tpu.wait_dma2 semaphore(%run_scoped3A : memref<!tpu.dma_semaphore, #tpu.memory_space<semaphore_mem>>) src(%arg10 : memref<64x128xf32, #tpu.memory_space<vmem>>) dst(%dma_wait3A_92 : memref<64x128xf32, #tpu.memory_space<vmem_shared>>)
      tpu.yield
    }) : () -> ()
    %mul3A_12 = arith.constant 320 : i32
    %mul3A_13 = arith.muli %arg1, %mul3A_12 : i32
    %add3A_14 = arith.constant 128 : i32
    %add3A_15 = arith.addi %mul3A_13, %add3A_14 : i32
    "tpu.region"() ({
      %run_scoped3A = tpu.sem_alloc : memref<!tpu.dma_semaphore, #tpu.memory_space<semaphore_mem>>
      %dma_start3A = arith.constant 0 : i32
      %dma_start3A_87 = tpu.memref_slice %arg11[%add3A_15, %dma_start3A] : memref<5128x128xf32, #tpu.memory_space<vmem_shared>> -> memref<64x128xf32, #tpu.memory_space<vmem_shared>>
      %dma_start3A_88 = arith.constant 0 : i32
      %dma_start3A_89 = tpu.memref_slice %arg11[%add3A_15, %dma_start3A_88] : memref<5128x128xf32, #tpu.memory_space<vmem_shared>> -> memref<64x128xf32, #tpu.memory_space<vmem_shared>>
      tpu.enqueue_dma source(%arg10 : memref<64x128xf32, #tpu.memory_space<vmem>>) target(%dma_start3A_89 : memref<64x128xf32, #tpu.memory_space<vmem_shared>>) target_semaphore(%run_scoped3A : memref<!tpu.dma_semaphore, #tpu.memory_space<semaphore_mem>>)
      %dma_wait3A = arith.constant 0 : i32
      %dma_wait3A_90 = tpu.memref_slice %arg11[%add3A_15, %dma_wait3A] : memref<5128x128xf32, #tpu.memory_space<vmem_shared>> -> memref<64x128xf32, #tpu.memory_space<vmem_shared>>
      %dma_wait3A_91 = arith.constant 0 : i32
      %dma_wait3A_92 = tpu.memref_slice %arg11[%add3A_15, %dma_wait3A_91] : memref<5128x128xf32, #tpu.memory_space<vmem_shared>> -> memref<64x128xf32, #tpu.memory_space<vmem_shared>>
      tpu.wait_dma2 semaphore(%run_scoped3A : memref<!tpu.dma_semaphore, #tpu.memory_space<semaphore_mem>>) src(%arg10 : memref<64x128xf32, #tpu.memory_space<vmem>>) dst(%dma_wait3A_92 : memref<64x128xf32, #tpu.memory_space<vmem_shared>>)
      tpu.yield
    }) : () -> ()
    %mul3A_16 = arith.constant 320 : i32
    %mul3A_17 = arith.muli %arg1, %mul3A_16 : i32
    %add3A_18 = arith.constant 192 : i32
    %add3A_19 = arith.addi %mul3A_17, %add3A_18 : i32
    "tpu.region"() ({
      %run_scoped3A = tpu.sem_alloc : memref<!tpu.dma_semaphore, #tpu.memory_space<semaphore_mem>>
      %dma_start3A = arith.constant 0 : i32
      %dma_start3A_87 = tpu.memref_slice %arg11[%add3A_19, %dma_start3A] : memref<5128x128xf32, #tpu.memory_space<vmem_shared>> -> memref<64x128xf32, #tpu.memory_space<vmem_shared>>
      %dma_start3A_88 = arith.constant 0 : i32
      %dma_start3A_89 = tpu.memref_slice %arg11[%add3A_19, %dma_start3A_88] : memref<5128x128xf32, #tpu.memory_space<vmem_shared>> -> memref<64x128xf32, #tpu.memory_space<vmem_shared>>
      tpu.enqueue_dma source(%arg10 : memref<64x128xf32, #tpu.memory_space<vmem>>) target(%dma_start3A_89 : memref<64x128xf32, #tpu.memory_space<vmem_shared>>) target_semaphore(%run_scoped3A : memref<!tpu.dma_semaphore, #tpu.memory_space<semaphore_mem>>)
      %dma_wait3A = arith.constant 0 : i32
      %dma_wait3A_90 = tpu.memref_slice %arg11[%add3A_19, %dma_wait3A] : memref<5128x128xf32, #tpu.memory_space<vmem_shared>> -> memref<64x128xf32, #tpu.memory_space<vmem_shared>>
      %dma_wait3A_91 = arith.constant 0 : i32
      %dma_wait3A_92 = tpu.memref_slice %arg11[%add3A_19, %dma_wait3A_91] : memref<5128x128xf32, #tpu.memory_space<vmem_shared>> -> memref<64x128xf32, #tpu.memory_space<vmem_shared>>
      tpu.wait_dma2 semaphore(%run_scoped3A : memref<!tpu.dma_semaphore, #tpu.memory_space<semaphore_mem>>) src(%arg10 : memref<64x128xf32, #tpu.memory_space<vmem>>) dst(%dma_wait3A_92 : memref<64x128xf32, #tpu.memory_space<vmem_shared>>)
      tpu.yield
    }) : () -> ()
    %mul3A_20 = arith.constant 320 : i32
    %mul3A_21 = arith.muli %arg1, %mul3A_20 : i32
    %add3A_22 = arith.constant 256 : i32
    %add3A_23 = arith.addi %mul3A_21, %add3A_22 : i32
    "tpu.region"() ({
      %run_scoped3A = tpu.sem_alloc : memref<!tpu.dma_semaphore, #tpu.memory_space<semaphore_mem>>
      %dma_start3A = arith.constant 0 : i32
      %dma_start3A_87 = tpu.memref_slice %arg11[%add3A_23, %dma_start3A] : memref<5128x128xf32, #tpu.memory_space<vmem_shared>> -> memref<64x128xf32, #tpu.memory_space<vmem_shared>>
      %dma_start3A_88 = arith.constant 0 : i32
      %dma_start3A_89 = tpu.memref_slice %arg11[%add3A_23, %dma_start3A_88] : memref<5128x128xf32, #tpu.memory_space<vmem_shared>> -> memref<64x128xf32, #tpu.memory_space<vmem_shared>>
      tpu.enqueue_dma source(%arg10 : memref<64x128xf32, #tpu.memory_space<vmem>>) target(%dma_start3A_89 : memref<64x128xf32, #tpu.memory_space<vmem_shared>>) target_semaphore(%run_scoped3A : memref<!tpu.dma_semaphore, #tpu.memory_space<semaphore_mem>>)
      %dma_wait3A = arith.constant 0 : i32
      %dma_wait3A_90 = tpu.memref_slice %arg11[%add3A_23, %dma_wait3A] : memref<5128x128xf32, #tpu.memory_space<vmem_shared>> -> memref<64x128xf32, #tpu.memory_space<vmem_shared>>
      %dma_wait3A_91 = arith.constant 0 : i32
      %dma_wait3A_92 = tpu.memref_slice %arg11[%add3A_23, %dma_wait3A_91] : memref<5128x128xf32, #tpu.memory_space<vmem_shared>> -> memref<64x128xf32, #tpu.memory_space<vmem_shared>>
      tpu.wait_dma2 semaphore(%run_scoped3A : memref<!tpu.dma_semaphore, #tpu.memory_space<semaphore_mem>>) src(%arg10 : memref<64x128xf32, #tpu.memory_space<vmem>>) dst(%dma_wait3A_92 : memref<64x128xf32, #tpu.memory_space<vmem_shared>>)
      tpu.yield
    }) : () -> ()
    %barrier3A = arith.constant 0 : index
    tpu.barrier barrier_id(%barrier3A)
    "tpu.region"() ({
      %run_scoped3A = tpu.sem_alloc : memref<!tpu.dma_semaphore, #tpu.memory_space<semaphore_mem>>
      %dma_start3A = arith.constant 0 : i32
      %dma_start3A_87 = arith.constant 0 : i32
      %dma_start3A_88 = tpu.memref_slice %arg3[%arg1, %dma_start3A, %dma_start3A_87] : memref<16x158x128xi32, #tpu.memory_space<hbm>> -> memref<1x158x128xi32, #tpu.memory_space<hbm>>
      %dma_start3A_89 = tpu.memref_squeeze %dma_start3A_88 : memref<1x158x128xi32, #tpu.memory_space<hbm>> -> memref<158x128xi32, #tpu.memory_space<hbm>>
      %dma_start3A_90 = arith.constant 0 : i32
      %dma_start3A_91 = arith.constant 0 : i32
      %dma_start3A_92 = tpu.memref_slice %arg3[%arg1, %dma_start3A_90, %dma_start3A_91] : memref<16x158x128xi32, #tpu.memory_space<hbm>> -> memref<1x158x128xi32, #tpu.memory_space<hbm>>
      %dma_start3A_93 = tpu.memref_squeeze %dma_start3A_92 : memref<1x158x128xi32, #tpu.memory_space<hbm>> -> memref<158x128xi32, #tpu.memory_space<hbm>>
      tpu.enqueue_dma source(%dma_start3A_93 : memref<158x128xi32, #tpu.memory_space<hbm>>) target(%arg6 : memref<158x128xi32, #tpu.memory_space<vmem>>) target_semaphore(%run_scoped3A : memref<!tpu.dma_semaphore, #tpu.memory_space<semaphore_mem>>)
      %dma_wait3A = arith.constant 0 : i32
      %dma_wait3A_94 = arith.constant 0 : i32
      %dma_wait3A_95 = tpu.memref_slice %arg3[%arg1, %dma_wait3A, %dma_wait3A_94] : memref<16x158x128xi32, #tpu.memory_space<hbm>> -> memref<1x158x128xi32, #tpu.memory_space<hbm>>
      %dma_wait3A_96 = tpu.memref_squeeze %dma_wait3A_95 : memref<1x158x128xi32, #tpu.memory_space<hbm>> -> memref<158x128xi32, #tpu.memory_space<hbm>>
      %dma_wait3A_97 = arith.constant 0 : i32
      %dma_wait3A_98 = arith.constant 0 : i32
      %dma_wait3A_99 = tpu.memref_slice %arg3[%arg1, %dma_wait3A_97, %dma_wait3A_98] : memref<16x158x128xi32, #tpu.memory_space<hbm>> -> memref<1x158x128xi32, #tpu.memory_space<hbm>>
      %dma_wait3A_100 = tpu.memref_squeeze %dma_wait3A_99 : memref<1x158x128xi32, #tpu.memory_space<hbm>> -> memref<158x128xi32, #tpu.memory_space<hbm>>
      tpu.wait_dma2 semaphore(%run_scoped3A : memref<!tpu.dma_semaphore, #tpu.memory_space<semaphore_mem>>) src(%dma_wait3A_100 : memref<158x128xi32, #tpu.memory_space<hbm>>) dst(%arg6 : memref<158x128xi32, #tpu.memory_space<vmem>>)
      tpu.yield
    }) : () -> ()
    "tpu.region"() ({
      %run_scoped3A = tpu.sem_alloc : memref<!tpu.dma_semaphore, #tpu.memory_space<semaphore_mem>>
      %dma_start3A = arith.constant 0 : i32
      %dma_start3A_87 = arith.constant 0 : i32
      %dma_start3A_88 = tpu.memref_slice %arg4[%arg0, %arg1, %dma_start3A, %dma_start3A_87] : memref<2x16x158x128xi32, #tpu.memory_space<hbm>> -> memref<1x1x158x128xi32, #tpu.memory_space<hbm>>
      %dma_start3A_89 = tpu.memref_squeeze %dma_start3A_88 : memref<1x1x158x128xi32, #tpu.memory_space<hbm>> -> memref<158x128xi32, #tpu.memory_space<hbm>>
      %dma_start3A_90 = arith.constant 0 : i32
      %dma_start3A_91 = arith.constant 0 : i32
      %dma_start3A_92 = tpu.memref_slice %arg4[%arg0, %arg1, %dma_start3A_90, %dma_start3A_91] : memref<2x16x158x128xi32, #tpu.memory_space<hbm>> -> memref<1x1x158x128xi32, #tpu.memory_space<hbm>>
      %dma_start3A_93 = tpu.memref_squeeze %dma_start3A_92 : memref<1x1x158x128xi32, #tpu.memory_space<hbm>> -> memref<158x128xi32, #tpu.memory_space<hbm>>
      tpu.enqueue_dma source(%dma_start3A_93 : memref<158x128xi32, #tpu.memory_space<hbm>>) target(%arg7 : memref<158x128xi32, #tpu.memory_space<vmem>>) target_semaphore(%run_scoped3A : memref<!tpu.dma_semaphore, #tpu.memory_space<semaphore_mem>>)
      %dma_wait3A = arith.constant 0 : i32
      %dma_wait3A_94 = arith.constant 0 : i32
      %dma_wait3A_95 = tpu.memref_slice %arg4[%arg0, %arg1, %dma_wait3A, %dma_wait3A_94] : memref<2x16x158x128xi32, #tpu.memory_space<hbm>> -> memref<1x1x158x128xi32, #tpu.memory_space<hbm>>
      %dma_wait3A_96 = tpu.memref_squeeze %dma_wait3A_95 : memref<1x1x158x128xi32, #tpu.memory_space<hbm>> -> memref<158x128xi32, #tpu.memory_space<hbm>>
      %dma_wait3A_97 = arith.constant 0 : i32
      %dma_wait3A_98 = arith.constant 0 : i32
      %dma_wait3A_99 = tpu.memref_slice %arg4[%arg0, %arg1, %dma_wait3A_97, %dma_wait3A_98] : memref<2x16x158x128xi32, #tpu.memory_space<hbm>> -> memref<1x1x158x128xi32, #tpu.memory_space<hbm>>
      %dma_wait3A_100 = tpu.memref_squeeze %dma_wait3A_99 : memref<1x1x158x128xi32, #tpu.memory_space<hbm>> -> memref<158x128xi32, #tpu.memory_space<hbm>>
      tpu.wait_dma2 semaphore(%run_scoped3A : memref<!tpu.dma_semaphore, #tpu.memory_space<semaphore_mem>>) src(%dma_wait3A_100 : memref<158x128xi32, #tpu.memory_space<hbm>>) dst(%arg7 : memref<158x128xi32, #tpu.memory_space<vmem>>)
      tpu.yield
    }) : () -> ()
    %scan3A_24 = arith.constant 0 : i32
    %scan3A_25 = arith.constant 0 : i32
    %scan3A_26 = arith.constant 79 : i32
    %scan3A_27 = arith.addi %scan3A_25, %scan3A_26 : i32
    %scan3A_28 = arith.constant 1 : i32
    %scan3A_29 = scf.for %scan3A_87 = %scan3A_25 to %scan3A_27 step %scan3A_28 iter_args(%scan3A_88 = %scan3A_24) -> (i32)  : i32 {
      %mul3A_89 = arith.constant 2 : i32
      %mul3A_90 = arith.muli %mul3A_89, %scan3A_87 : i32
      %dma_start3A = arith.constant 0 : i32
      %dma_start3A_91 = tpu.memref_slice %arg6[%mul3A_90, %dma_start3A] : memref<158x128xi32, #tpu.memory_space<vmem>> -> memref<1x128xi32, #tpu.memory_space<vmem>>
      %dma_start3A_92 = tpu.memref_squeeze %dma_start3A_91 : memref<1x128xi32, #tpu.memory_space<vmem>> -> memref<128xi32, #tpu.memory_space<vmem>>
      %dma_start3A_93 = arith.constant 0 : i32
      %dma_start3A_94 = arith.constant 0 : i32
      %dma_start3A_95 = tpu.memref_slice %arg2[%dma_start3A_93, %dma_start3A_94] : memref<10240x128xf32, #tpu.memory_space<hbm>> -> memref<10240x128xf32, #tpu.memory_space<hbm>>
      tpu.enqueue_indirect_dma source(%dma_start3A_95 : memref<10240x128xf32, #tpu.memory_space<hbm>>) target(%arg8 : memref<128x128xf32, #tpu.memory_space<vmem>>) offsets(%dma_start3A_92 : memref<128xi32, #tpu.memory_space<vmem>>) semaphore(%arg12 : memref<!tpu.dma_semaphore, #tpu.memory_space<semaphore_mem>>)
      %mul3A_96 = arith.constant 2 : i32
      %mul3A_97 = arith.muli %mul3A_96, %scan3A_87 : i32
      %add3A_98 = arith.constant 1 : i32
      %add3A_99 = arith.addi %mul3A_97, %add3A_98 : i32
      %dma_start3A_100 = arith.constant 0 : i32
      %dma_start3A_101 = tpu.memref_slice %arg6[%add3A_99, %dma_start3A_100] : memref<158x128xi32, #tpu.memory_space<vmem>> -> memref<1x128xi32, #tpu.memory_space<vmem>>
      %dma_start3A_102 = tpu.memref_squeeze %dma_start3A_101 : memref<1x128xi32, #tpu.memory_space<vmem>> -> memref<128xi32, #tpu.memory_space<vmem>>
      %dma_start3A_103 = arith.constant 0 : i32
      %dma_start3A_104 = arith.constant 0 : i32
      %dma_start3A_105 = tpu.memref_slice %arg2[%dma_start3A_103, %dma_start3A_104] : memref<10240x128xf32, #tpu.memory_space<hbm>> -> memref<10240x128xf32, #tpu.memory_space<hbm>>
      tpu.enqueue_indirect_dma source(%dma_start3A_105 : memref<10240x128xf32, #tpu.memory_space<hbm>>) target(%arg9 : memref<128x128xf32, #tpu.memory_space<vmem>>) offsets(%dma_start3A_102 : memref<128xi32, #tpu.memory_space<vmem>>) semaphore(%arg13 : memref<!tpu.dma_semaphore, #tpu.memory_space<semaphore_mem>>)
      %dma_wait3A = arith.constant 0 : i32
      %dma_wait3A_106 = tpu.memref_slice %arg6[%mul3A_90, %dma_wait3A] : memref<158x128xi32, #tpu.memory_space<vmem>> -> memref<1x128xi32, #tpu.memory_space<vmem>>
      %dma_wait3A_107 = tpu.memref_squeeze %dma_wait3A_106 : memref<1x128xi32, #tpu.memory_space<vmem>> -> memref<128xi32, #tpu.memory_space<vmem>>
      %dma_wait3A_108 = arith.constant 0 : i32
      %dma_wait3A_109 = arith.constant 0 : i32
      %dma_wait3A_110 = tpu.memref_slice %arg2[%dma_wait3A_108, %dma_wait3A_109] : memref<10240x128xf32, #tpu.memory_space<hbm>> -> memref<10240x128xf32, #tpu.memory_space<hbm>>
      tpu.wait_indirect_dma semaphore(%arg12 : memref<!tpu.dma_semaphore, #tpu.memory_space<semaphore_mem>>) src(%dma_wait3A_110 : memref<10240x128xf32, #tpu.memory_space<hbm>>) dst(%arg8 : memref<128x128xf32, #tpu.memory_space<vmem>>)
      %mul3A_111 = arith.constant 2 : i32
      %mul3A_112 = arith.muli %mul3A_111, %scan3A_87 : i32
      %dma_start3A_113 = arith.constant 0 : i32
      %dma_start3A_114 = tpu.memref_slice %arg7[%mul3A_112, %dma_start3A_113] : memref<158x128xi32, #tpu.memory_space<vmem>> -> memref<1x128xi32, #tpu.memory_space<vmem>>
      %dma_start3A_115 = tpu.memref_squeeze %dma_start3A_114 : memref<1x128xi32, #tpu.memory_space<vmem>> -> memref<128xi32, #tpu.memory_space<vmem>>
      %dma_start3A_116 = arith.constant 0 : i32
      %dma_start3A_117 = arith.constant 0 : i32
      %dma_start3A_118 = tpu.memref_slice %arg11[%dma_start3A_116, %dma_start3A_117] : memref<5128x128xf32, #tpu.memory_space<vmem_shared>> -> memref<5128x128xf32, #tpu.memory_space<vmem_shared>>
      tpu.enqueue_indirect_dma source(%arg8 : memref<128x128xf32, #tpu.memory_space<vmem>>) target(%dma_start3A_118 : memref<5128x128xf32, #tpu.memory_space<vmem_shared>>) offsets(%dma_start3A_115 : memref<128xi32, #tpu.memory_space<vmem>>) semaphore(%arg14 : memref<!tpu.dma_semaphore, #tpu.memory_space<semaphore_mem>>) {add = true}
      %dma_wait3A_119 = arith.constant 0 : i32
      %dma_wait3A_120 = tpu.memref_slice %arg6[%add3A_99, %dma_wait3A_119] : memref<158x128xi32, #tpu.memory_space<vmem>> -> memref<1x128xi32, #tpu.memory_space<vmem>>
      %dma_wait3A_121 = tpu.memref_squeeze %dma_wait3A_120 : memref<1x128xi32, #tpu.memory_space<vmem>> -> memref<128xi32, #tpu.memory_space<vmem>>
      %dma_wait3A_122 = arith.constant 0 : i32
      %dma_wait3A_123 = arith.constant 0 : i32
      %dma_wait3A_124 = tpu.memref_slice %arg2[%dma_wait3A_122, %dma_wait3A_123] : memref<10240x128xf32, #tpu.memory_space<hbm>> -> memref<10240x128xf32, #tpu.memory_space<hbm>>
      tpu.wait_indirect_dma semaphore(%arg13 : memref<!tpu.dma_semaphore, #tpu.memory_space<semaphore_mem>>) src(%dma_wait3A_124 : memref<10240x128xf32, #tpu.memory_space<hbm>>) dst(%arg9 : memref<128x128xf32, #tpu.memory_space<vmem>>)
      %mul3A_125 = arith.constant 2 : i32
      %mul3A_126 = arith.muli %mul3A_125, %scan3A_87 : i32
      %add3A_127 = arith.constant 1 : i32
      %add3A_128 = arith.addi %mul3A_126, %add3A_127 : i32
      %dma_start3A_129 = arith.constant 0 : i32
      %dma_start3A_130 = tpu.memref_slice %arg7[%add3A_128, %dma_start3A_129] : memref<158x128xi32, #tpu.memory_space<vmem>> -> memref<1x128xi32, #tpu.memory_space<vmem>>
      %dma_start3A_131 = tpu.memref_squeeze %dma_start3A_130 : memref<1x128xi32, #tpu.memory_space<vmem>> -> memref<128xi32, #tpu.memory_space<vmem>>
      %dma_start3A_132 = arith.constant 0 : i32
      %dma_start3A_133 = arith.constant 0 : i32
      %dma_start3A_134 = tpu.memref_slice %arg11[%dma_start3A_132, %dma_start3A_133] : memref<5128x128xf32, #tpu.memory_space<vmem_shared>> -> memref<5128x128xf32, #tpu.memory_space<vmem_shared>>
      tpu.enqueue_indirect_dma source(%arg9 : memref<128x128xf32, #tpu.memory_space<vmem>>) target(%dma_start3A_134 : memref<5128x128xf32, #tpu.memory_space<vmem_shared>>) offsets(%dma_start3A_131 : memref<128xi32, #tpu.memory_space<vmem>>) semaphore(%arg15 : memref<!tpu.dma_semaphore, #tpu.memory_space<semaphore_mem>>) {add = true}
      %dma_wait3A_135 = arith.constant 0 : i32
      %dma_wait3A_136 = tpu.memref_slice %arg7[%mul3A_112, %dma_wait3A_135] : memref<158x128xi32, #tpu.memory_space<vmem>> -> memref<1x128xi32, #tpu.memory_space<vmem>>
      %dma_wait3A_137 = tpu.memref_squeeze %dma_wait3A_136 : memref<1x128xi32, #tpu.memory_space<vmem>> -> memref<128xi32, #tpu.memory_space<vmem>>
      %dma_wait3A_138 = arith.constant 0 : i32
      %dma_wait3A_139 = arith.constant 0 : i32
      %dma_wait3A_140 = tpu.memref_slice %arg11[%dma_wait3A_138, %dma_wait3A_139] : memref<5128x128xf32, #tpu.memory_space<vmem_shared>> -> memref<5128x128xf32, #tpu.memory_space<vmem_shared>>
      tpu.wait_indirect_dma semaphore(%arg14 : memref<!tpu.dma_semaphore, #tpu.memory_space<semaphore_mem>>) src(%arg8 : memref<128x128xf32, #tpu.memory_space<vmem>>) dst(%dma_wait3A_140 : memref<5128x128xf32, #tpu.memory_space<vmem_shared>>)
      %dma_wait3A_141 = arith.constant 0 : i32
      %dma_wait3A_142 = tpu.memref_slice %arg7[%add3A_128, %dma_wait3A_141] : memref<158x128xi32, #tpu.memory_space<vmem>> -> memref<1x128xi32, #tpu.memory_space<vmem>>
      %dma_wait3A_143 = tpu.memref_squeeze %dma_wait3A_142 : memref<1x128xi32, #tpu.memory_space<vmem>> -> memref<128xi32, #tpu.memory_space<vmem>>
      %dma_wait3A_144 = arith.constant 0 : i32
      %dma_wait3A_145 = arith.constant 0 : i32
      %dma_wait3A_146 = tpu.memref_slice %arg11[%dma_wait3A_144, %dma_wait3A_145] : memref<5128x128xf32, #tpu.memory_space<vmem_shared>> -> memref<5128x128xf32, #tpu.memory_space<vmem_shared>>
      tpu.wait_indirect_dma semaphore(%arg15 : memref<!tpu.dma_semaphore, #tpu.memory_space<semaphore_mem>>) src(%arg9 : memref<128x128xf32, #tpu.memory_space<vmem>>) dst(%dma_wait3A_146 : memref<5128x128xf32, #tpu.memory_space<vmem_shared>>)
      %scan3A_147 = arith.constant 0 : i32
      scf.yield %scan3A_147 : i32
    }
    %scan3A_30 = arith.constant 79 : i32
    %barrier3A_31 = arith.constant 0 : index
    tpu.barrier barrier_id(%barrier3A_31)
    %mul3A_32 = arith.constant 320 : i32
    %mul3A_33 = arith.muli %arg1, %mul3A_32 : i32
    %add3A_34 = arith.constant 0 : i32
    %add3A_35 = arith.addi %mul3A_33, %add3A_34 : i32
    "tpu.region"() ({
      %run_scoped3A = tpu.sem_alloc : memref<!tpu.dma_semaphore, #tpu.memory_space<semaphore_mem>>
      %dma_start3A = arith.constant 0 : i32
      %dma_start3A_87 = tpu.memref_slice %arg11[%add3A_35, %dma_start3A] : memref<5128x128xf32, #tpu.memory_space<vmem_shared>> -> memref<64x128xf32, #tpu.memory_space<vmem_shared>>
      %dma_start3A_88 = arith.constant 0 : i32
      %dma_start3A_89 = tpu.memref_slice %arg11[%add3A_35, %dma_start3A_88] : memref<5128x128xf32, #tpu.memory_space<vmem_shared>> -> memref<64x128xf32, #tpu.memory_space<vmem_shared>>
      tpu.enqueue_dma source(%dma_start3A_89 : memref<64x128xf32, #tpu.memory_space<vmem_shared>>) target(%arg10 : memref<64x128xf32, #tpu.memory_space<vmem>>) target_semaphore(%run_scoped3A : memref<!tpu.dma_semaphore, #tpu.memory_space<semaphore_mem>>)
      %dma_wait3A = arith.constant 0 : i32
      %dma_wait3A_90 = tpu.memref_slice %arg11[%add3A_35, %dma_wait3A] : memref<5128x128xf32, #tpu.memory_space<vmem_shared>> -> memref<64x128xf32, #tpu.memory_space<vmem_shared>>
      %dma_wait3A_91 = arith.constant 0 : i32
      %dma_wait3A_92 = tpu.memref_slice %arg11[%add3A_35, %dma_wait3A_91] : memref<5128x128xf32, #tpu.memory_space<vmem_shared>> -> memref<64x128xf32, #tpu.memory_space<vmem_shared>>
      tpu.wait_dma2 semaphore(%run_scoped3A : memref<!tpu.dma_semaphore, #tpu.memory_space<semaphore_mem>>) src(%dma_wait3A_92 : memref<64x128xf32, #tpu.memory_space<vmem_shared>>) dst(%arg10 : memref<64x128xf32, #tpu.memory_space<vmem>>)
      tpu.yield
    }) : () -> ()
    %mul3A_36 = arith.constant 5120 : i32
    %mul3A_37 = arith.muli %arg0, %mul3A_36 : i32
    %mul3A_38 = arith.constant 320 : i32
    %mul3A_39 = arith.muli %arg1, %mul3A_38 : i32
    %add3A_40 = arith.addi %mul3A_37, %mul3A_39 : i32
    %add3A_41 = arith.constant 0 : i32
    %add3A_42 = arith.addi %add3A_40, %add3A_41 : i32
    "tpu.region"() ({
      %run_scoped3A = tpu.sem_alloc : memref<!tpu.dma_semaphore, #tpu.memory_space<semaphore_mem>>
      %dma_start3A = arith.constant 0 : i32
      %dma_start3A_87 = tpu.memref_slice %arg5[%add3A_42, %dma_start3A] : memref<10240x128xf32, #tpu.memory_space<hbm>> -> memref<64x128xf32, #tpu.memory_space<hbm>>
      %dma_start3A_88 = arith.constant 0 : i32
      %dma_start3A_89 = tpu.memref_slice %arg5[%add3A_42, %dma_start3A_88] : memref<10240x128xf32, #tpu.memory_space<hbm>> -> memref<64x128xf32, #tpu.memory_space<hbm>>
      tpu.enqueue_dma source(%arg10 : memref<64x128xf32, #tpu.memory_space<vmem>>) target(%dma_start3A_89 : memref<64x128xf32, #tpu.memory_space<hbm>>) target_semaphore(%run_scoped3A : memref<!tpu.dma_semaphore, #tpu.memory_space<semaphore_mem>>)
      %dma_wait3A = arith.constant 0 : i32
      %dma_wait3A_90 = tpu.memref_slice %arg5[%add3A_42, %dma_wait3A] : memref<10240x128xf32, #tpu.memory_space<hbm>> -> memref<64x128xf32, #tpu.memory_space<hbm>>
      %dma_wait3A_91 = arith.constant 0 : i32
      %dma_wait3A_92 = tpu.memref_slice %arg5[%add3A_42, %dma_wait3A_91] : memref<10240x128xf32, #tpu.memory_space<hbm>> -> memref<64x128xf32, #tpu.memory_space<hbm>>
      tpu.wait_dma2 semaphore(%run_scoped3A : memref<!tpu.dma_semaphore, #tpu.memory_space<semaphore_mem>>) src(%arg10 : memref<64x128xf32, #tpu.memory_space<vmem>>) dst(%dma_wait3A_92 : memref<64x128xf32, #tpu.memory_space<hbm>>)
      tpu.yield
    }) : () -> ()
    %mul3A_43 = arith.constant 320 : i32
    %mul3A_44 = arith.muli %arg1, %mul3A_43 : i32
    %add3A_45 = arith.constant 64 : i32
    %add3A_46 = arith.addi %mul3A_44, %add3A_45 : i32
    "tpu.region"() ({
      %run_scoped3A = tpu.sem_alloc : memref<!tpu.dma_semaphore, #tpu.memory_space<semaphore_mem>>
      %dma_start3A = arith.constant 0 : i32
      %dma_start3A_87 = tpu.memref_slice %arg11[%add3A_46, %dma_start3A] : memref<5128x128xf32, #tpu.memory_space<vmem_shared>> -> memref<64x128xf32, #tpu.memory_space<vmem_shared>>
      %dma_start3A_88 = arith.constant 0 : i32
      %dma_start3A_89 = tpu.memref_slice %arg11[%add3A_46, %dma_start3A_88] : memref<5128x128xf32, #tpu.memory_space<vmem_shared>> -> memref<64x128xf32, #tpu.memory_space<vmem_shared>>
      tpu.enqueue_dma source(%dma_start3A_89 : memref<64x128xf32, #tpu.memory_space<vmem_shared>>) target(%arg10 : memref<64x128xf32, #tpu.memory_space<vmem>>) target_semaphore(%run_scoped3A : memref<!tpu.dma_semaphore, #tpu.memory_space<semaphore_mem>>)
      %dma_wait3A = arith.constant 0 : i32
      %dma_wait3A_90 = tpu.memref_slice %arg11[%add3A_46, %dma_wait3A] : memref<5128x128xf32, #tpu.memory_space<vmem_shared>> -> memref<64x128xf32, #tpu.memory_space<vmem_shared>>
      %dma_wait3A_91 = arith.constant 0 : i32
      %dma_wait3A_92 = tpu.memref_slice %arg11[%add3A_46, %dma_wait3A_91] : memref<5128x128xf32, #tpu.memory_space<vmem_shared>> -> memref<64x128xf32, #tpu.memory_space<vmem_shared>>
      tpu.wait_dma2 semaphore(%run_scoped3A : memref<!tpu.dma_semaphore, #tpu.memory_space<semaphore_mem>>) src(%dma_wait3A_92 : memref<64x128xf32, #tpu.memory_space<vmem_shared>>) dst(%arg10 : memref<64x128xf32, #tpu.memory_space<vmem>>)
      tpu.yield
    }) : () -> ()
    %mul3A_47 = arith.constant 5120 : i32
    %mul3A_48 = arith.muli %arg0, %mul3A_47 : i32
    %mul3A_49 = arith.constant 320 : i32
    %mul3A_50 = arith.muli %arg1, %mul3A_49 : i32
    %add3A_51 = arith.addi %mul3A_48, %mul3A_50 : i32
    %add3A_52 = arith.constant 64 : i32
    %add3A_53 = arith.addi %add3A_51, %add3A_52 : i32
    "tpu.region"() ({
      %run_scoped3A = tpu.sem_alloc : memref<!tpu.dma_semaphore, #tpu.memory_space<semaphore_mem>>
      %dma_start3A = arith.constant 0 : i32
      %dma_start3A_87 = tpu.memref_slice %arg5[%add3A_53, %dma_start3A] : memref<10240x128xf32, #tpu.memory_space<hbm>> -> memref<64x128xf32, #tpu.memory_space<hbm>>
      %dma_start3A_88 = arith.constant 0 : i32
      %dma_start3A_89 = tpu.memref_slice %arg5[%add3A_53, %dma_start3A_88] : memref<10240x128xf32, #tpu.memory_space<hbm>> -> memref<64x128xf32, #tpu.memory_space<hbm>>
      tpu.enqueue_dma source(%arg10 : memref<64x128xf32, #tpu.memory_space<vmem>>) target(%dma_start3A_89 : memref<64x128xf32, #tpu.memory_space<hbm>>) target_semaphore(%run_scoped3A : memref<!tpu.dma_semaphore, #tpu.memory_space<semaphore_mem>>)
      %dma_wait3A = arith.constant 0 : i32
      %dma_wait3A_90 = tpu.memref_slice %arg5[%add3A_53, %dma_wait3A] : memref<10240x128xf32, #tpu.memory_space<hbm>> -> memref<64x128xf32, #tpu.memory_space<hbm>>
      %dma_wait3A_91 = arith.constant 0 : i32
      %dma_wait3A_92 = tpu.memref_slice %arg5[%add3A_53, %dma_wait3A_91] : memref<10240x128xf32, #tpu.memory_space<hbm>> -> memref<64x128xf32, #tpu.memory_space<hbm>>
      tpu.wait_dma2 semaphore(%run_scoped3A : memref<!tpu.dma_semaphore, #tpu.memory_space<semaphore_mem>>) src(%arg10 : memref<64x128xf32, #tpu.memory_space<vmem>>) dst(%dma_wait3A_92 : memref<64x128xf32, #tpu.memory_space<hbm>>)
      tpu.yield
    }) : () -> ()
    %mul3A_54 = arith.constant 320 : i32
    %mul3A_55 = arith.muli %arg1, %mul3A_54 : i32
    %add3A_56 = arith.constant 128 : i32
    %add3A_57 = arith.addi %mul3A_55, %add3A_56 : i32
    "tpu.region"() ({
      %run_scoped3A = tpu.sem_alloc : memref<!tpu.dma_semaphore, #tpu.memory_space<semaphore_mem>>
      %dma_start3A = arith.constant 0 : i32
      %dma_start3A_87 = tpu.memref_slice %arg11[%add3A_57, %dma_start3A] : memref<5128x128xf32, #tpu.memory_space<vmem_shared>> -> memref<64x128xf32, #tpu.memory_space<vmem_shared>>
      %dma_start3A_88 = arith.constant 0 : i32
      %dma_start3A_89 = tpu.memref_slice %arg11[%add3A_57, %dma_start3A_88] : memref<5128x128xf32, #tpu.memory_space<vmem_shared>> -> memref<64x128xf32, #tpu.memory_space<vmem_shared>>
      tpu.enqueue_dma source(%dma_start3A_89 : memref<64x128xf32, #tpu.memory_space<vmem_shared>>) target(%arg10 : memref<64x128xf32, #tpu.memory_space<vmem>>) target_semaphore(%run_scoped3A : memref<!tpu.dma_semaphore, #tpu.memory_space<semaphore_mem>>)
      %dma_wait3A = arith.constant 0 : i32
      %dma_wait3A_90 = tpu.memref_slice %arg11[%add3A_57, %dma_wait3A] : memref<5128x128xf32, #tpu.memory_space<vmem_shared>> -> memref<64x128xf32, #tpu.memory_space<vmem_shared>>
      %dma_wait3A_91 = arith.constant 0 : i32
      %dma_wait3A_92 = tpu.memref_slice %arg11[%add3A_57, %dma_wait3A_91] : memref<5128x128xf32, #tpu.memory_space<vmem_shared>> -> memref<64x128xf32, #tpu.memory_space<vmem_shared>>
      tpu.wait_dma2 semaphore(%run_scoped3A : memref<!tpu.dma_semaphore, #tpu.memory_space<semaphore_mem>>) src(%dma_wait3A_92 : memref<64x128xf32, #tpu.memory_space<vmem_shared>>) dst(%arg10 : memref<64x128xf32, #tpu.memory_space<vmem>>)
      tpu.yield
    }) : () -> ()
    %mul3A_58 = arith.constant 5120 : i32
    %mul3A_59 = arith.muli %arg0, %mul3A_58 : i32
    %mul3A_60 = arith.constant 320 : i32
    %mul3A_61 = arith.muli %arg1, %mul3A_60 : i32
    %add3A_62 = arith.addi %mul3A_59, %mul3A_61 : i32
    %add3A_63 = arith.constant 128 : i32
    %add3A_64 = arith.addi %add3A_62, %add3A_63 : i32
    "tpu.region"() ({
      %run_scoped3A = tpu.sem_alloc : memref<!tpu.dma_semaphore, #tpu.memory_space<semaphore_mem>>
      %dma_start3A = arith.constant 0 : i32
      %dma_start3A_87 = tpu.memref_slice %arg5[%add3A_64, %dma_start3A] : memref<10240x128xf32, #tpu.memory_space<hbm>> -> memref<64x128xf32, #tpu.memory_space<hbm>>
      %dma_start3A_88 = arith.constant 0 : i32
      %dma_start3A_89 = tpu.memref_slice %arg5[%add3A_64, %dma_start3A_88] : memref<10240x128xf32, #tpu.memory_space<hbm>> -> memref<64x128xf32, #tpu.memory_space<hbm>>
      tpu.enqueue_dma source(%arg10 : memref<64x128xf32, #tpu.memory_space<vmem>>) target(%dma_start3A_89 : memref<64x128xf32, #tpu.memory_space<hbm>>) target_semaphore(%run_scoped3A : memref<!tpu.dma_semaphore, #tpu.memory_space<semaphore_mem>>)
      %dma_wait3A = arith.constant 0 : i32
      %dma_wait3A_90 = tpu.memref_slice %arg5[%add3A_64, %dma_wait3A] : memref<10240x128xf32, #tpu.memory_space<hbm>> -> memref<64x128xf32, #tpu.memory_space<hbm>>
      %dma_wait3A_91 = arith.constant 0 : i32
      %dma_wait3A_92 = tpu.memref_slice %arg5[%add3A_64, %dma_wait3A_91] : memref<10240x128xf32, #tpu.memory_space<hbm>> -> memref<64x128xf32, #tpu.memory_space<hbm>>
      tpu.wait_dma2 semaphore(%run_scoped3A : memref<!tpu.dma_semaphore, #tpu.memory_space<semaphore_mem>>) src(%arg10 : memref<64x128xf32, #tpu.memory_space<vmem>>) dst(%dma_wait3A_92 : memref<64x128xf32, #tpu.memory_space<hbm>>)
      tpu.yield
    }) : () -> ()
    %mul3A_65 = arith.constant 320 : i32
    %mul3A_66 = arith.muli %arg1, %mul3A_65 : i32
    %add3A_67 = arith.constant 192 : i32
    %add3A_68 = arith.addi %mul3A_66, %add3A_67 : i32
    "tpu.region"() ({
      %run_scoped3A = tpu.sem_alloc : memref<!tpu.dma_semaphore, #tpu.memory_space<semaphore_mem>>
      %dma_start3A = arith.constant 0 : i32
      %dma_start3A_87 = tpu.memref_slice %arg11[%add3A_68, %dma_start3A] : memref<5128x128xf32, #tpu.memory_space<vmem_shared>> -> memref<64x128xf32, #tpu.memory_space<vmem_shared>>
      %dma_start3A_88 = arith.constant 0 : i32
      %dma_start3A_89 = tpu.memref_slice %arg11[%add3A_68, %dma_start3A_88] : memref<5128x128xf32, #tpu.memory_space<vmem_shared>> -> memref<64x128xf32, #tpu.memory_space<vmem_shared>>
      tpu.enqueue_dma source(%dma_start3A_89 : memref<64x128xf32, #tpu.memory_space<vmem_shared>>) target(%arg10 : memref<64x128xf32, #tpu.memory_space<vmem>>) target_semaphore(%run_scoped3A : memref<!tpu.dma_semaphore, #tpu.memory_space<semaphore_mem>>)
      %dma_wait3A = arith.constant 0 : i32
      %dma_wait3A_90 = tpu.memref_slice %arg11[%add3A_68, %dma_wait3A] : memref<5128x128xf32, #tpu.memory_space<vmem_shared>> -> memref<64x128xf32, #tpu.memory_space<vmem_shared>>
      %dma_wait3A_91 = arith.constant 0 : i32
      %dma_wait3A_92 = tpu.memref_slice %arg11[%add3A_68, %dma_wait3A_91] : memref<5128x128xf32, #tpu.memory_space<vmem_shared>> -> memref<64x128xf32, #tpu.memory_space<vmem_shared>>
      tpu.wait_dma2 semaphore(%run_scoped3A : memref<!tpu.dma_semaphore, #tpu.memory_space<semaphore_mem>>) src(%dma_wait3A_92 : memref<64x128xf32, #tpu.memory_space<vmem_shared>>) dst(%arg10 : memref<64x128xf32, #tpu.memory_space<vmem>>)
      tpu.yield
    }) : () -> ()
    %mul3A_69 = arith.constant 5120 : i32
    %mul3A_70 = arith.muli %arg0, %mul3A_69 : i32
    %mul3A_71 = arith.constant 320 : i32
    %mul3A_72 = arith.muli %arg1, %mul3A_71 : i32
    %add3A_73 = arith.addi %mul3A_70, %mul3A_72 : i32
    %add3A_74 = arith.constant 192 : i32
    %add3A_75 = arith.addi %add3A_73, %add3A_74 : i32
    "tpu.region"() ({
      %run_scoped3A = tpu.sem_alloc : memref<!tpu.dma_semaphore, #tpu.memory_space<semaphore_mem>>
      %dma_start3A = arith.constant 0 : i32
      %dma_start3A_87 = tpu.memref_slice %arg5[%add3A_75, %dma_start3A] : memref<10240x128xf32, #tpu.memory_space<hbm>> -> memref<64x128xf32, #tpu.memory_space<hbm>>
      %dma_start3A_88 = arith.constant 0 : i32
      %dma_start3A_89 = tpu.memref_slice %arg5[%add3A_75, %dma_start3A_88] : memref<10240x128xf32, #tpu.memory_space<hbm>> -> memref<64x128xf32, #tpu.memory_space<hbm>>
      tpu.enqueue_dma source(%arg10 : memref<64x128xf32, #tpu.memory_space<vmem>>) target(%dma_start3A_89 : memref<64x128xf32, #tpu.memory_space<hbm>>) target_semaphore(%run_scoped3A : memref<!tpu.dma_semaphore, #tpu.memory_space<semaphore_mem>>)
      %dma_wait3A = arith.constant 0 : i32
      %dma_wait3A_90 = tpu.memref_slice %arg5[%add3A_75, %dma_wait3A] : memref<10240x128xf32, #tpu.memory_space<hbm>> -> memref<64x128xf32, #tpu.memory_space<hbm>>
      %dma_wait3A_91 = arith.constant 0 : i32
      %dma_wait3A_92 = tpu.memref_slice %arg5[%add3A_75, %dma_wait3A_91] : memref<10240x128xf32, #tpu.memory_space<hbm>> -> memref<64x128xf32, #tpu.memory_space<hbm>>
      tpu.wait_dma2 semaphore(%run_scoped3A : memref<!tpu.dma_semaphore, #tpu.memory_space<semaphore_mem>>) src(%arg10 : memref<64x128xf32, #tpu.memory_space<vmem>>) dst(%dma_wait3A_92 : memref<64x128xf32, #tpu.memory_space<hbm>>)
      tpu.yield
    }) : () -> ()
    %mul3A_76 = arith.constant 320 : i32
    %mul3A_77 = arith.muli %arg1, %mul3A_76 : i32
    %add3A_78 = arith.constant 256 : i32
    %add3A_79 = arith.addi %mul3A_77, %add3A_78 : i32
    "tpu.region"() ({
      %run_scoped3A = tpu.sem_alloc : memref<!tpu.dma_semaphore, #tpu.memory_space<semaphore_mem>>
      %dma_start3A = arith.constant 0 : i32
      %dma_start3A_87 = tpu.memref_slice %arg11[%add3A_79, %dma_start3A] : memref<5128x128xf32, #tpu.memory_space<vmem_shared>> -> memref<64x128xf32, #tpu.memory_space<vmem_shared>>
      %dma_start3A_88 = arith.constant 0 : i32
      %dma_start3A_89 = tpu.memref_slice %arg11[%add3A_79, %dma_start3A_88] : memref<5128x128xf32, #tpu.memory_space<vmem_shared>> -> memref<64x128xf32, #tpu.memory_space<vmem_shared>>
      tpu.enqueue_dma source(%dma_start3A_89 : memref<64x128xf32, #tpu.memory_space<vmem_shared>>) target(%arg10 : memref<64x128xf32, #tpu.memory_space<vmem>>) target_semaphore(%run_scoped3A : memref<!tpu.dma_semaphore, #tpu.memory_space<semaphore_mem>>)
      %dma_wait3A = arith.constant 0 : i32
      %dma_wait3A_90 = tpu.memref_slice %arg11[%add3A_79, %dma_wait3A] : memref<5128x128xf32, #tpu.memory_space<vmem_shared>> -> memref<64x128xf32, #tpu.memory_space<vmem_shared>>
      %dma_wait3A_91 = arith.constant 0 : i32
      %dma_wait3A_92 = tpu.memref_slice %arg11[%add3A_79, %dma_wait3A_91] : memref<5128x128xf32, #tpu.memory_space<vmem_shared>> -> memref<64x128xf32, #tpu.memory_space<vmem_shared>>
      tpu.wait_dma2 semaphore(%run_scoped3A : memref<!tpu.dma_semaphore, #tpu.memory_space<semaphore_mem>>) src(%dma_wait3A_92 : memref<64x128xf32, #tpu.memory_space<vmem_shared>>) dst(%arg10 : memref<64x128xf32, #tpu.memory_space<vmem>>)
      tpu.yield
    }) : () -> ()
    %mul3A_80 = arith.constant 5120 : i32
    %mul3A_81 = arith.muli %arg0, %mul3A_80 : i32
    %mul3A_82 = arith.constant 320 : i32
    %mul3A_83 = arith.muli %arg1, %mul3A_82 : i32
    %add3A_84 = arith.addi %mul3A_81, %mul3A_83 : i32
    %add3A_85 = arith.constant 256 : i32
    %add3A_86 = arith.addi %add3A_84, %add3A_85 : i32
    "tpu.region"() ({
      %run_scoped3A = tpu.sem_alloc : memref<!tpu.dma_semaphore, #tpu.memory_space<semaphore_mem>>
      %dma_start3A = arith.constant 0 : i32
      %dma_start3A_87 = tpu.memref_slice %arg5[%add3A_86, %dma_start3A] : memref<10240x128xf32, #tpu.memory_space<hbm>> -> memref<64x128xf32, #tpu.memory_space<hbm>>
      %dma_start3A_88 = arith.constant 0 : i32
      %dma_start3A_89 = tpu.memref_slice %arg5[%add3A_86, %dma_start3A_88] : memref<10240x128xf32, #tpu.memory_space<hbm>> -> memref<64x128xf32, #tpu.memory_space<hbm>>
      tpu.enqueue_dma source(%arg10 : memref<64x128xf32, #tpu.memory_space<vmem>>) target(%dma_start3A_89 : memref<64x128xf32, #tpu.memory_space<hbm>>) target_semaphore(%run_scoped3A : memref<!tpu.dma_semaphore, #tpu.memory_space<semaphore_mem>>)
      %dma_wait3A = arith.constant 0 : i32
      %dma_wait3A_90 = tpu.memref_slice %arg5[%add3A_86, %dma_wait3A] : memref<10240x128xf32, #tpu.memory_space<hbm>> -> memref<64x128xf32, #tpu.memory_space<hbm>>
      %dma_wait3A_91 = arith.constant 0 : i32
      %dma_wait3A_92 = tpu.memref_slice %arg5[%add3A_86, %dma_wait3A_91] : memref<10240x128xf32, #tpu.memory_space<hbm>> -> memref<64x128xf32, #tpu.memory_space<hbm>>
      tpu.wait_dma2 semaphore(%run_scoped3A : memref<!tpu.dma_semaphore, #tpu.memory_space<semaphore_mem>>) src(%arg10 : memref<64x128xf32, #tpu.memory_space<vmem>>) dst(%dma_wait3A_92 : memref<64x128xf32, #tpu.memory_space<hbm>>)
      tpu.yield
    }) : () -> ()
    return
  }
}

#map = affine_map<(d0, d1) -> (0, 0, 0)>
#map1 = affine_map<(d0, d1) -> (0, 0)>
#map2 = affine_map<(d0, d1) -> (0, 0, 0, 0)>
module attributes {stable_mosaic.version = 14 : i64} {
  func.func @_sc_emb(%arg0: i32, %arg1: i32, %arg2: memref<32x10x32xi32, #tpu.memory_space<hbm>>, %arg3: memref<100000x128xf32, #tpu.memory_space<hbm>>, %arg4: memref<16x158x128xi32, #tpu.memory_space<hbm>>, %arg5: memref<10240x128xf32, #tpu.memory_space<hbm>>, %arg6: memref<2x16x158x128xi32, #tpu.memory_space<hbm>>, %arg7: memref<10x32xi32, #tpu.memory_space<vmem>>, %arg8: memref<32x128xf32, #tpu.memory_space<vmem>>, %arg9: memref<158x128xi32, #tpu.memory_space<vmem>>, %arg10: memref<!tpu.dma_semaphore, #tpu.memory_space<semaphore_mem>>) attributes {dimension_semantics = [#tpu.dimension_semantics<core_parallel>, #tpu.dimension_semantics<subcore_parallel>], iteration_bounds = array<i64: 2, 16>, scalar_prefetch = 0 : i64, scratch_operands = 4 : i64, tpu.core_type = #tpu.core_type<sc_vector_subcore>, window_params = [{transform_indices = #map}, {transform_indices = #map1}, {transform_indices = #map}, {transform_indices = #map1}, {transform_indices = #map2}]} {
    %mul3A = arith.constant 2 : i32
    %mul3A_0 = arith.muli %arg1, %mul3A : i32
    %add3A = arith.addi %mul3A_0, %arg0 : i32
    "tpu.region"() ({
      %run_scoped3A = tpu.sem_alloc : memref<!tpu.dma_semaphore, #tpu.memory_space<semaphore_mem>>
      %dma_start3A = arith.constant 0 : i32
      %dma_start3A_16 = arith.constant 0 : i32
      %dma_start3A_17 = tpu.memref_slice %arg2[%add3A, %dma_start3A, %dma_start3A_16] : memref<32x10x32xi32, #tpu.memory_space<hbm>> -> memref<1x10x32xi32, #tpu.memory_space<hbm>>
      %dma_start3A_18 = tpu.memref_squeeze %dma_start3A_17 : memref<1x10x32xi32, #tpu.memory_space<hbm>> -> memref<10x32xi32, #tpu.memory_space<hbm>>
      %dma_start3A_19 = arith.constant 0 : i32
      %dma_start3A_20 = arith.constant 0 : i32
      %dma_start3A_21 = tpu.memref_slice %arg2[%add3A, %dma_start3A_19, %dma_start3A_20] : memref<32x10x32xi32, #tpu.memory_space<hbm>> -> memref<1x10x32xi32, #tpu.memory_space<hbm>>
      %dma_start3A_22 = tpu.memref_squeeze %dma_start3A_21 : memref<1x10x32xi32, #tpu.memory_space<hbm>> -> memref<10x32xi32, #tpu.memory_space<hbm>>
      tpu.enqueue_dma source(%dma_start3A_22 : memref<10x32xi32, #tpu.memory_space<hbm>>) target(%arg7 : memref<10x32xi32, #tpu.memory_space<vmem>>) target_semaphore(%run_scoped3A : memref<!tpu.dma_semaphore, #tpu.memory_space<semaphore_mem>>)
      %dma_wait3A = arith.constant 0 : i32
      %dma_wait3A_23 = arith.constant 0 : i32
      %dma_wait3A_24 = tpu.memref_slice %arg2[%add3A, %dma_wait3A, %dma_wait3A_23] : memref<32x10x32xi32, #tpu.memory_space<hbm>> -> memref<1x10x32xi32, #tpu.memory_space<hbm>>
      %dma_wait3A_25 = tpu.memref_squeeze %dma_wait3A_24 : memref<1x10x32xi32, #tpu.memory_space<hbm>> -> memref<10x32xi32, #tpu.memory_space<hbm>>
      %dma_wait3A_26 = arith.constant 0 : i32
      %dma_wait3A_27 = arith.constant 0 : i32
      %dma_wait3A_28 = tpu.memref_slice %arg2[%add3A, %dma_wait3A_26, %dma_wait3A_27] : memref<32x10x32xi32, #tpu.memory_space<hbm>> -> memref<1x10x32xi32, #tpu.memory_space<hbm>>
      %dma_wait3A_29 = tpu.memref_squeeze %dma_wait3A_28 : memref<1x10x32xi32, #tpu.memory_space<hbm>> -> memref<10x32xi32, #tpu.memory_space<hbm>>
      tpu.wait_dma2 semaphore(%run_scoped3A : memref<!tpu.dma_semaphore, #tpu.memory_space<semaphore_mem>>) src(%dma_wait3A_29 : memref<10x32xi32, #tpu.memory_space<hbm>>) dst(%arg7 : memref<10x32xi32, #tpu.memory_space<vmem>>)
      tpu.yield
    }) : () -> ()
    %scan3A = arith.constant 0 : i32
    %scan3A_1 = arith.constant 0 : i32
    %scan3A_2 = arith.constant 10 : i32
    %scan3A_3 = arith.addi %scan3A_1, %scan3A_2 : i32
    %scan3A_4 = arith.constant 1 : i32
    %scan3A_5 = scf.for %scan3A_16 = %scan3A_1 to %scan3A_3 step %scan3A_4 iter_args(%scan3A_17 = %scan3A) -> (i32)  : i32 {
      %dma_start3A = arith.constant 0 : i32
      %dma_start3A_18 = tpu.memref_slice %arg7[%scan3A_16, %dma_start3A] : memref<10x32xi32, #tpu.memory_space<vmem>> -> memref<1x32xi32, #tpu.memory_space<vmem>>
      %dma_start3A_19 = tpu.memref_squeeze %dma_start3A_18 : memref<1x32xi32, #tpu.memory_space<vmem>> -> memref<32xi32, #tpu.memory_space<vmem>>
      %dma_start3A_20 = arith.constant 0 : i32
      %dma_start3A_21 = arith.constant 0 : i32
      %dma_start3A_22 = tpu.memref_slice %arg3[%dma_start3A_20, %dma_start3A_21] : memref<100000x128xf32, #tpu.memory_space<hbm>> -> memref<100000x128xf32, #tpu.memory_space<hbm>>
      tpu.enqueue_indirect_dma source(%dma_start3A_22 : memref<100000x128xf32, #tpu.memory_space<hbm>>) target(%arg8 : memref<32x128xf32, #tpu.memory_space<vmem>>) offsets(%dma_start3A_19 : memref<32xi32, #tpu.memory_space<vmem>>) semaphore(%arg10 : memref<!tpu.dma_semaphore, #tpu.memory_space<semaphore_mem>>)
      %dma_wait3A = arith.constant 0 : i32
      %dma_wait3A_23 = tpu.memref_slice %arg7[%scan3A_16, %dma_wait3A] : memref<10x32xi32, #tpu.memory_space<vmem>> -> memref<1x32xi32, #tpu.memory_space<vmem>>
      %dma_wait3A_24 = tpu.memref_squeeze %dma_wait3A_23 : memref<1x32xi32, #tpu.memory_space<vmem>> -> memref<32xi32, #tpu.memory_space<vmem>>
      %dma_wait3A_25 = arith.constant 0 : i32
      %dma_wait3A_26 = arith.constant 0 : i32
      %dma_wait3A_27 = tpu.memref_slice %arg3[%dma_wait3A_25, %dma_wait3A_26] : memref<100000x128xf32, #tpu.memory_space<hbm>> -> memref<100000x128xf32, #tpu.memory_space<hbm>>
      tpu.wait_indirect_dma semaphore(%arg10 : memref<!tpu.dma_semaphore, #tpu.memory_space<semaphore_mem>>) src(%dma_wait3A_27 : memref<100000x128xf32, #tpu.memory_space<hbm>>) dst(%arg8 : memref<32x128xf32, #tpu.memory_space<vmem>>)
      %mul3A_28 = arith.constant 320 : i32
      %mul3A_29 = arith.muli %add3A, %mul3A_28 : i32
      %mul3A_30 = arith.constant 32 : i32
      %mul3A_31 = arith.muli %scan3A_16, %mul3A_30 : i32
      %add3A_32 = arith.addi %mul3A_29, %mul3A_31 : i32
      "tpu.region"() ({
        %run_scoped3A = tpu.sem_alloc : memref<!tpu.dma_semaphore, #tpu.memory_space<semaphore_mem>>
        %dma_start3A_34 = arith.constant 0 : i32
        %dma_start3A_35 = tpu.memref_slice %arg5[%add3A_32, %dma_start3A_34] : memref<10240x128xf32, #tpu.memory_space<hbm>> -> memref<32x128xf32, #tpu.memory_space<hbm>>
        %dma_start3A_36 = arith.constant 0 : i32
        %dma_start3A_37 = tpu.memref_slice %arg5[%add3A_32, %dma_start3A_36] : memref<10240x128xf32, #tpu.memory_space<hbm>> -> memref<32x128xf32, #tpu.memory_space<hbm>>
        tpu.enqueue_dma source(%arg8 : memref<32x128xf32, #tpu.memory_space<vmem>>) target(%dma_start3A_37 : memref<32x128xf32, #tpu.memory_space<hbm>>) target_semaphore(%run_scoped3A : memref<!tpu.dma_semaphore, #tpu.memory_space<semaphore_mem>>)
        %dma_wait3A_38 = arith.constant 0 : i32
        %dma_wait3A_39 = tpu.memref_slice %arg5[%add3A_32, %dma_wait3A_38] : memref<10240x128xf32, #tpu.memory_space<hbm>> -> memref<32x128xf32, #tpu.memory_space<hbm>>
        %dma_wait3A_40 = arith.constant 0 : i32
        %dma_wait3A_41 = tpu.memref_slice %arg5[%add3A_32, %dma_wait3A_40] : memref<10240x128xf32, #tpu.memory_space<hbm>> -> memref<32x128xf32, #tpu.memory_space<hbm>>
        tpu.wait_dma2 semaphore(%run_scoped3A : memref<!tpu.dma_semaphore, #tpu.memory_space<semaphore_mem>>) src(%arg8 : memref<32x128xf32, #tpu.memory_space<vmem>>) dst(%dma_wait3A_41 : memref<32x128xf32, #tpu.memory_space<hbm>>)
        tpu.yield
      }) : () -> ()
      %scan3A_33 = arith.constant 0 : i32
      scf.yield %scan3A_33 : i32
    }
    %scan3A_6 = arith.constant 10 : i32
    "tpu.region"() ({
      %run_scoped3A = tpu.sem_alloc : memref<!tpu.dma_semaphore, #tpu.memory_space<semaphore_mem>>
      %dma_start3A = arith.constant 0 : i32
      %dma_start3A_16 = arith.constant 0 : i32
      %dma_start3A_17 = tpu.memref_slice %arg4[%arg1, %dma_start3A, %dma_start3A_16] : memref<16x158x128xi32, #tpu.memory_space<hbm>> -> memref<1x158x128xi32, #tpu.memory_space<hbm>>
      %dma_start3A_18 = tpu.memref_squeeze %dma_start3A_17 : memref<1x158x128xi32, #tpu.memory_space<hbm>> -> memref<158x128xi32, #tpu.memory_space<hbm>>
      %dma_start3A_19 = arith.constant 0 : i32
      %dma_start3A_20 = arith.constant 0 : i32
      %dma_start3A_21 = tpu.memref_slice %arg4[%arg1, %dma_start3A_19, %dma_start3A_20] : memref<16x158x128xi32, #tpu.memory_space<hbm>> -> memref<1x158x128xi32, #tpu.memory_space<hbm>>
      %dma_start3A_22 = tpu.memref_squeeze %dma_start3A_21 : memref<1x158x128xi32, #tpu.memory_space<hbm>> -> memref<158x128xi32, #tpu.memory_space<hbm>>
      tpu.enqueue_dma source(%dma_start3A_22 : memref<158x128xi32, #tpu.memory_space<hbm>>) target(%arg9 : memref<158x128xi32, #tpu.memory_space<vmem>>) target_semaphore(%run_scoped3A : memref<!tpu.dma_semaphore, #tpu.memory_space<semaphore_mem>>)
      %dma_wait3A = arith.constant 0 : i32
      %dma_wait3A_23 = arith.constant 0 : i32
      %dma_wait3A_24 = tpu.memref_slice %arg4[%arg1, %dma_wait3A, %dma_wait3A_23] : memref<16x158x128xi32, #tpu.memory_space<hbm>> -> memref<1x158x128xi32, #tpu.memory_space<hbm>>
      %dma_wait3A_25 = tpu.memref_squeeze %dma_wait3A_24 : memref<1x158x128xi32, #tpu.memory_space<hbm>> -> memref<158x128xi32, #tpu.memory_space<hbm>>
      %dma_wait3A_26 = arith.constant 0 : i32
      %dma_wait3A_27 = arith.constant 0 : i32
      %dma_wait3A_28 = tpu.memref_slice %arg4[%arg1, %dma_wait3A_26, %dma_wait3A_27] : memref<16x158x128xi32, #tpu.memory_space<hbm>> -> memref<1x158x128xi32, #tpu.memory_space<hbm>>
      %dma_wait3A_29 = tpu.memref_squeeze %dma_wait3A_28 : memref<1x158x128xi32, #tpu.memory_space<hbm>> -> memref<158x128xi32, #tpu.memory_space<hbm>>
      tpu.wait_dma2 semaphore(%run_scoped3A : memref<!tpu.dma_semaphore, #tpu.memory_space<semaphore_mem>>) src(%dma_wait3A_29 : memref<158x128xi32, #tpu.memory_space<hbm>>) dst(%arg9 : memref<158x128xi32, #tpu.memory_space<vmem>>)
      tpu.yield
    }) : () -> ()
    %mul3A_7 = arith.constant 5120 : i32
    %mul3A_8 = arith.muli %arg0, %mul3A_7 : i32
    %scan3A_9 = arith.constant 0 : i32
    %scan3A_10 = arith.constant 0 : i32
    %scan3A_11 = arith.constant 1264 : i32
    %scan3A_12 = arith.addi %scan3A_10, %scan3A_11 : i32
    %scan3A_13 = arith.constant 1 : i32
    %scan3A_14 = scf.for %scan3A_16 = %scan3A_10 to %scan3A_12 step %scan3A_13 iter_args(%scan3A_17 = %scan3A_9) -> (i32)  : i32 {
      %jit3A = arith.constant 8 : i32
      %div3A = arith.divsi %scan3A_16, %jit3A : i32
      %sign3A = arith.constant 0 : i32
      %sign3A_18 = arith.cmpi sgt, %scan3A_16, %sign3A : i32
      %sign3A_19 = arith.extui %sign3A_18 : i1 to i32
      %sign3A_20 = arith.constant 0 : i32
      %sign3A_21 = arith.cmpi slt, %scan3A_16, %sign3A_20 : i32
      %sign3A_22 = arith.extui %sign3A_21 : i1 to i32
      %sign3A_23 = arith.subi %sign3A_19, %sign3A_22 : i32
      %sign3A_24 = arith.constant 0 : i32
      %sign3A_25 = arith.cmpi sgt, %jit3A, %sign3A_24 : i32
      %sign3A_26 = arith.extui %sign3A_25 : i1 to i32
      %sign3A_27 = arith.constant 0 : i32
      %sign3A_28 = arith.cmpi slt, %jit3A, %sign3A_27 : i32
      %sign3A_29 = arith.extui %sign3A_28 : i1 to i32
      %sign3A_30 = arith.subi %sign3A_26, %sign3A_29 : i32
      %ne3A = arith.cmpi ne, %sign3A_23, %sign3A_30 : i32
      %rem3A = arith.remsi %scan3A_16, %jit3A : i32
      %ne3A_31 = arith.constant 0 : i32
      %ne3A_32 = arith.cmpi ne, %rem3A, %ne3A_31 : i32
      %and3A = arith.andi %ne3A, %ne3A_32 : i1
      %sub3A = arith.constant 1 : i32
      %sub3A_33 = arith.subi %div3A, %sub3A : i32
      %select_n3A = arith.select %and3A, %sub3A_33, %div3A : i32
      %jit3A_34 = arith.constant 8 : i32
      %eq3A = arith.constant 0 : i32
      %eq3A_35 = arith.cmpi eq, %jit3A_34, %eq3A : i32
      %jit3A_36 = arith.constant 1 : i32
      %select_n3A_37 = arith.select %eq3A_35, %jit3A_36, %jit3A_34 : i32
      %rem3A_38 = arith.remsi %scan3A_16, %select_n3A_37 : i32
      %ne3A_39 = arith.constant 0 : i32
      %ne3A_40 = arith.cmpi ne, %rem3A_38, %ne3A_39 : i32
      %lt3A = arith.constant 0 : i32
      %lt3A_41 = arith.cmpi slt, %rem3A_38, %lt3A : i32
      %lt3A_42 = arith.constant 0 : i32
      %lt3A_43 = arith.cmpi slt, %select_n3A_37, %lt3A_42 : i32
      %ne3A_44 = arith.xori %lt3A_41, %lt3A_43 : i1
      %and3A_45 = arith.andi %ne3A_44, %ne3A_40 : i1
      %add3A_46 = arith.addi %rem3A_38, %select_n3A_37 : i32
      %select_n3A_47 = arith.select %and3A_45, %add3A_46, %rem3A_38 : i32
      %mul3A_48 = arith.constant 16 : i32
      %mul3A_49 = arith.muli %select_n3A_47, %mul3A_48 : i32
      %get3A = arith.index_cast %select_n3A : i32 to index
      %get3A_50 = arith.index_cast %mul3A_49 : i32 to index
      %get3A_51 = tpu.vector_load %arg9[%get3A, %get3A_50] {strides = array<i32>} : memref<158x128xi32, #tpu.memory_space<vmem>>, vector<1x16xi32>,
      %get3A_52 = vector.shape_cast %get3A_51 : vector<1x16xi32> to vector<16xi32>
      %sub3A_53 = vector.broadcast %mul3A_8 : i32 to vector<16xi32>
      %sub3A_54 = arith.subi %get3A_52, %sub3A_53 : vector<16xi32>
      %ge3A = arith.constant 0 : i32
      %ge3A_55 = vector.broadcast %ge3A : i32 to vector<16xi32>
      %ge3A_56 = arith.cmpi sge, %sub3A_54, %ge3A_55 : vector<16xi32>
      %lt3A_57 = arith.constant 5120 : i32
      %lt3A_58 = vector.broadcast %lt3A_57 : i32 to vector<16xi32>
      %lt3A_59 = arith.cmpi slt, %sub3A_54, %lt3A_58 : vector<16xi32>
      %and3A_60 = arith.andi %ge3A_56, %lt3A_59 : vector<16xi1>
      %jit3A_61 = arith.constant 5120 : i32
      %broadcast_in_dim3A = vector.broadcast %jit3A_61 : i32 to vector<16xi32>
      %select_n3A_62 = arith.select %and3A_60, %sub3A_54, %broadcast_in_dim3A : vector<16xi1>, vector<16xi32>
      %jit3A_63 = arith.constant 8 : i32
      %div3A_64 = arith.divsi %scan3A_16, %jit3A_63 : i32
      %sign3A_65 = arith.constant 0 : i32
      %sign3A_66 = arith.cmpi sgt, %scan3A_16, %sign3A_65 : i32
      %sign3A_67 = arith.extui %sign3A_66 : i1 to i32
      %sign3A_68 = arith.constant 0 : i32
      %sign3A_69 = arith.cmpi slt, %scan3A_16, %sign3A_68 : i32
      %sign3A_70 = arith.extui %sign3A_69 : i1 to i32
      %sign3A_71 = arith.subi %sign3A_67, %sign3A_70 : i32
      %sign3A_72 = arith.constant 0 : i32
      %sign3A_73 = arith.cmpi sgt, %jit3A_63, %sign3A_72 : i32
      %sign3A_74 = arith.extui %sign3A_73 : i1 to i32
      %sign3A_75 = arith.constant 0 : i32
      %sign3A_76 = arith.cmpi slt, %jit3A_63, %sign3A_75 : i32
      %sign3A_77 = arith.extui %sign3A_76 : i1 to i32
      %sign3A_78 = arith.subi %sign3A_74, %sign3A_77 : i32
      %ne3A_79 = arith.cmpi ne, %sign3A_71, %sign3A_78 : i32
      %rem3A_80 = arith.remsi %scan3A_16, %jit3A_63 : i32
      %ne3A_81 = arith.constant 0 : i32
      %ne3A_82 = arith.cmpi ne, %rem3A_80, %ne3A_81 : i32
      %and3A_83 = arith.andi %ne3A_79, %ne3A_82 : i1
      %sub3A_84 = arith.constant 1 : i32
      %sub3A_85 = arith.subi %div3A_64, %sub3A_84 : i32
      %select_n3A_86 = arith.select %and3A_83, %sub3A_85, %div3A_64 : i32
      %jit3A_87 = arith.constant 8 : i32
      %eq3A_88 = arith.constant 0 : i32
      %eq3A_89 = arith.cmpi eq, %jit3A_87, %eq3A_88 : i32
      %jit3A_90 = arith.constant 1 : i32
      %select_n3A_91 = arith.select %eq3A_89, %jit3A_90, %jit3A_87 : i32
      %rem3A_92 = arith.remsi %scan3A_16, %select_n3A_91 : i32
      %ne3A_93 = arith.constant 0 : i32
      %ne3A_94 = arith.cmpi ne, %rem3A_92, %ne3A_93 : i32
      %lt3A_95 = arith.constant 0 : i32
      %lt3A_96 = arith.cmpi slt, %rem3A_92, %lt3A_95 : i32
      %lt3A_97 = arith.constant 0 : i32
      %lt3A_98 = arith.cmpi slt, %select_n3A_91, %lt3A_97 : i32
      %ne3A_99 = arith.xori %lt3A_96, %lt3A_98 : i1
      %and3A_100 = arith.andi %ne3A_99, %ne3A_94 : i1
      %add3A_101 = arith.addi %rem3A_92, %select_n3A_91 : i32
      %select_n3A_102 = arith.select %and3A_100, %add3A_101, %rem3A_92 : i32
      %mul3A_103 = arith.constant 16 : i32
      %mul3A_104 = arith.muli %select_n3A_102, %mul3A_103 : i32
      %swap3A = arith.index_cast %select_n3A_86 : i32 to index
      %swap3A_105 = arith.index_cast %mul3A_104 : i32 to index
      %swap3A_106 = tpu.vector_load %arg9[%swap3A, %swap3A_105] {strides = array<i32>} : memref<158x128xi32, #tpu.memory_space<vmem>>, vector<1x16xi32>,
      %swap3A_107 = vector.shape_cast %swap3A_106 : vector<1x16xi32> to vector<16xi32>
      %swap3A_108 = vector.shape_cast %select_n3A_62 : vector<16xi32> to vector<1x16xi32>
      tpu.vector_store %arg9[%swap3A, %swap3A_105], %swap3A_108 {strides = array<i32>} : memref<158x128xi32, #tpu.memory_space<vmem>>, vector<1x16xi32>,
      %scan3A_109 = arith.constant 0 : i32
      scf.yield %scan3A_109 : i32
    }
    %scan3A_15 = arith.constant 1264 : i32
    "tpu.region"() ({
      %run_scoped3A = tpu.sem_alloc : memref<!tpu.dma_semaphore, #tpu.memory_space<semaphore_mem>>
      %dma_start3A = arith.constant 0 : i32
      %dma_start3A_16 = arith.constant 0 : i32
      %dma_start3A_17 = tpu.memref_slice %arg6[%arg0, %arg1, %dma_start3A, %dma_start3A_16] : memref<2x16x158x128xi32, #tpu.memory_space<hbm>> -> memref<1x1x158x128xi32, #tpu.memory_space<hbm>>
      %dma_start3A_18 = tpu.memref_squeeze %dma_start3A_17 : memref<1x1x158x128xi32, #tpu.memory_space<hbm>> -> memref<158x128xi32, #tpu.memory_space<hbm>>
      %dma_start3A_19 = arith.constant 0 : i32
      %dma_start3A_20 = arith.constant 0 : i32
      %dma_start3A_21 = tpu.memref_slice %arg6[%arg0, %arg1, %dma_start3A_19, %dma_start3A_20] : memref<2x16x158x128xi32, #tpu.memory_space<hbm>> -> memref<1x1x158x128xi32, #tpu.memory_space<hbm>>
      %dma_start3A_22 = tpu.memref_squeeze %dma_start3A_21 : memref<1x1x158x128xi32, #tpu.memory_space<hbm>> -> memref<158x128xi32, #tpu.memory_space<hbm>>
      tpu.enqueue_dma source(%arg9 : memref<158x128xi32, #tpu.memory_space<vmem>>) target(%dma_start3A_22 : memref<158x128xi32, #tpu.memory_space<hbm>>) target_semaphore(%run_scoped3A : memref<!tpu.dma_semaphore, #tpu.memory_space<semaphore_mem>>)
      %dma_wait3A = arith.constant 0 : i32
      %dma_wait3A_23 = arith.constant 0 : i32
      %dma_wait3A_24 = tpu.memref_slice %arg6[%arg0, %arg1, %dma_wait3A, %dma_wait3A_23] : memref<2x16x158x128xi32, #tpu.memory_space<hbm>> -> memref<1x1x158x128xi32, #tpu.memory_space<hbm>>
      %dma_wait3A_25 = tpu.memref_squeeze %dma_wait3A_24 : memref<1x1x158x128xi32, #tpu.memory_space<hbm>> -> memref<158x128xi32, #tpu.memory_space<hbm>>
      %dma_wait3A_26 = arith.constant 0 : i32
      %dma_wait3A_27 = arith.constant 0 : i32
      %dma_wait3A_28 = tpu.memref_slice %arg6[%arg0, %arg1, %dma_wait3A_26, %dma_wait3A_27] : memref<2x16x158x128xi32, #tpu.memory_space<hbm>> -> memref<1x1x158x128xi32, #tpu.memory_space<hbm>>
      %dma_wait3A_29 = tpu.memref_squeeze %dma_wait3A_28 : memref<1x1x158x128xi32, #tpu.memory_space<hbm>> -> memref<158x128xi32, #tpu.memory_space<hbm>>
      tpu.wait_dma2 semaphore(%run_scoped3A : memref<!tpu.dma_semaphore, #tpu.memory_space<semaphore_mem>>) src(%arg9 : memref<158x128xi32, #tpu.memory_space<vmem>>) dst(%dma_wait3A_29 : memref<158x128xi32, #tpu.memory_space<hbm>>)
      tpu.yield
    }) : () -> ()
    return
  }
}

#map = affine_map<(d0, d1) -> (0, 0)>
#map1 = affine_map<(d0, d1) -> (0, 0, 0)>
#map2 = affine_map<(d0, d1) -> (0, 0, 0, 0)>
module attributes {stable_mosaic.version = 14 : i64} {
  func.func @_sc_agg(%arg0: i32, %arg1: i32, %arg2: memref<10240x128xf32, #tpu.memory_space<hbm>>, %arg3: memref<16x158x128xi32, #tpu.memory_space<hbm>>, %arg4: memref<2x16x158x128xi32, #tpu.memory_space<hbm>>, %arg5: memref<10240x128xf32, #tpu.memory_space<hbm>>, %arg6: memref<158x128xi32, #tpu.memory_space<vmem>>, %arg7: memref<158x128xi32, #tpu.memory_space<vmem>>, %arg8: memref<128x128xf32, #tpu.memory_space<vmem>>, %arg9: memref<128x128xf32, #tpu.memory_space<vmem>>, %arg10: memref<64x128xf32, #tpu.memory_space<vmem>>, %arg11: memref<5128x128xf32, #tpu.memory_space<vmem_shared>>, %arg12: memref<!tpu.dma_semaphore, #tpu.memory_space<semaphore_mem>>, %arg13: memref<!tpu.dma_semaphore, #tpu.memory_space<semaphore_mem>>, %arg14: memref<!tpu.dma_semaphore, #tpu.memory_space<semaphore_mem>>, %arg15: memref<!tpu.dma_semaphore, #tpu.memory_space<semaphore_mem>>) attributes {dimension_semantics = [#tpu.dimension_semantics<core_parallel>, #tpu.dimension_semantics<subcore_parallel>], iteration_bounds = array<i64: 2, 16>, scalar_prefetch = 0 : i64, scratch_operands = 10 : i64, tpu.core_type = #tpu.core_type<sc_vector_subcore>, window_params = [{transform_indices = #map}, {transform_indices = #map1}, {transform_indices = #map2}, {transform_indices = #map}]} {
    %scan3A = arith.constant 0 : i32
    %scan3A_0 = arith.constant 0 : i32
    %scan3A_1 = arith.constant 512 : i32
    %scan3A_2 = arith.addi %scan3A_0, %scan3A_1 : i32
    %scan3A_3 = arith.constant 1 : i32
    %scan3A_4 = scf.for %scan3A_87 = %scan3A_0 to %scan3A_2 step %scan3A_3 iter_args(%scan3A_88 = %scan3A) -> (i32)  : i32 {
      %broadcast_in_dim3A = arith.constant 0.000000e+00 : f32
      %broadcast_in_dim3A_89 = vector.broadcast %broadcast_in_dim3A : f32 to vector<16xf32>
      %jit3A = arith.constant 8 : i32
      %div3A = arith.divsi %scan3A_87, %jit3A : i32
      %sign3A = arith.constant 0 : i32
      %sign3A_90 = arith.cmpi sgt, %scan3A_87, %sign3A : i32
      %sign3A_91 = arith.extui %sign3A_90 : i1 to i32
      %sign3A_92 = arith.constant 0 : i32
      %sign3A_93 = arith.cmpi slt, %scan3A_87, %sign3A_92 : i32
      %sign3A_94 = arith.extui %sign3A_93 : i1 to i32
      %sign3A_95 = arith.subi %sign3A_91, %sign3A_94 : i32
      %sign3A_96 = arith.constant 0 : i32
      %sign3A_97 = arith.cmpi sgt, %jit3A, %sign3A_96 : i32
      %sign3A_98 = arith.extui %sign3A_97 : i1 to i32
      %sign3A_99 = arith.constant 0 : i32
      %sign3A_100 = arith.cmpi slt, %jit3A, %sign3A_99 : i32
      %sign3A_101 = arith.extui %sign3A_100 : i1 to i32
      %sign3A_102 = arith.subi %sign3A_98, %sign3A_101 : i32
      %ne3A = arith.cmpi ne, %sign3A_95, %sign3A_102 : i32
      %rem3A = arith.remsi %scan3A_87, %jit3A : i32
      %ne3A_103 = arith.constant 0 : i32
      %ne3A_104 = arith.cmpi ne, %rem3A, %ne3A_103 : i32
      %and3A = arith.andi %ne3A, %ne3A_104 : i1
      %sub3A = arith.constant 1 : i32
      %sub3A_105 = arith.subi %div3A, %sub3A : i32
      %select_n3A = arith.select %and3A, %sub3A_105, %div3A : i32
      %jit3A_106 = arith.constant 8 : i32
      %eq3A = arith.constant 0 : i32
      %eq3A_107 = arith.cmpi eq, %jit3A_106, %eq3A : i32
      %jit3A_108 = arith.constant 1 : i32
      %select_n3A_109 = arith.select %eq3A_107, %jit3A_108, %jit3A_106 : i32
      %rem3A_110 = arith.remsi %scan3A_87, %select_n3A_109 : i32
      %ne3A_111 = arith.constant 0 : i32
      %ne3A_112 = arith.cmpi ne, %rem3A_110, %ne3A_111 : i32
      %lt3A = arith.constant 0 : i32
      %lt3A_113 = arith.cmpi slt, %rem3A_110, %lt3A : i32
      %lt3A_114 = arith.constant 0 : i32
      %lt3A_115 = arith.cmpi slt, %select_n3A_109, %lt3A_114 : i32
      %ne3A_116 = arith.xori %lt3A_113, %lt3A_115 : i1
      %and3A_117 = arith.andi %ne3A_116, %ne3A_112 : i1
      %add3A_118 = arith.addi %rem3A_110, %select_n3A_109 : i32
      %select_n3A_119 = arith.select %and3A_117, %add3A_118, %rem3A_110 : i32
      %mul3A_120 = arith.constant 16 : i32
      %mul3A_121 = arith.muli %select_n3A_119, %mul3A_120 : i32
      %swap3A = arith.index_cast %select_n3A : i32 to index
      %swap3A_122 = arith.index_cast %mul3A_121 : i32 to index
      %swap3A_123 = tpu.vector_load %arg10[%swap3A, %swap3A_122] {strides = array<i32>} : memref<64x128xf32, #tpu.memory_space<vmem>>, vector<1x16xf32>,
      %swap3A_124 = vector.shape_cast %swap3A_123 : vector<1x16xf32> to vector<16xf32>
      %swap3A_125 = vector.shape_cast %broadcast_in_dim3A_89 : vector<16xf32> to vector<1x16xf32>
      tpu.vector_store %arg10[%swap3A, %swap3A_122], %swap3A_125 {strides = array<i32>} : memref<64x128xf32, #tpu.memory_space<vmem>>, vector<1x16xf32>,
      %scan3A_126 = arith.constant 0 : i32
      scf.yield %scan3A_126 : i32
    }
    %scan3A_5 = arith.constant 512 : i32
    %mul3A = arith.constant 320 : i32
    %mul3A_6 = arith.muli %arg1, %mul3A : i32
    %add3A = arith.constant 0 : i32
    %add3A_7 = arith.addi %mul3A_6, %add3A : i32
    "tpu.region"() ({
      %run_scoped3A = tpu.sem_alloc : memref<!tpu.dma_semaphore, #tpu.memory_space<semaphore_mem>>
      %dma_start3A = arith.constant 0 : i32
      %dma_start3A_87 = tpu.memref_slice %arg11[%add3A_7, %dma_start3A] : memref<5128x128xf32, #tpu.memory_space<vmem_shared>> -> memref<64x128xf32, #tpu.memory_space<vmem_shared>>
      %dma_start3A_88 = arith.constant 0 : i32
      %dma_start3A_89 = tpu.memref_slice %arg11[%add3A_7, %dma_start3A_88] : memref<5128x128xf32, #tpu.memory_space<vmem_shared>> -> memref<64x128xf32, #tpu.memory_space<vmem_shared>>
      tpu.enqueue_dma source(%arg10 : memref<64x128xf32, #tpu.memory_space<vmem>>) target(%dma_start3A_89 : memref<64x128xf32, #tpu.memory_space<vmem_shared>>) target_semaphore(%run_scoped3A : memref<!tpu.dma_semaphore, #tpu.memory_space<semaphore_mem>>)
      %dma_wait3A = arith.constant 0 : i32
      %dma_wait3A_90 = tpu.memref_slice %arg11[%add3A_7, %dma_wait3A] : memref<5128x128xf32, #tpu.memory_space<vmem_shared>> -> memref<64x128xf32, #tpu.memory_space<vmem_shared>>
      %dma_wait3A_91 = arith.constant 0 : i32
      %dma_wait3A_92 = tpu.memref_slice %arg11[%add3A_7, %dma_wait3A_91] : memref<5128x128xf32, #tpu.memory_space<vmem_shared>> -> memref<64x128xf32, #tpu.memory_space<vmem_shared>>
      tpu.wait_dma2 semaphore(%run_scoped3A : memref<!tpu.dma_semaphore, #tpu.memory_space<semaphore_mem>>) src(%arg10 : memref<64x128xf32, #tpu.memory_space<vmem>>) dst(%dma_wait3A_92 : memref<64x128xf32, #tpu.memory_space<vmem_shared>>)
      tpu.yield
    }) : () -> ()
    %mul3A_8 = arith.constant 320 : i32
    %mul3A_9 = arith.muli %arg1, %mul3A_8 : i32
    %add3A_10 = arith.constant 64 : i32
    %add3A_11 = arith.addi %mul3A_9, %add3A_10 : i32
    "tpu.region"() ({
      %run_scoped3A = tpu.sem_alloc : memref<!tpu.dma_semaphore, #tpu.memory_space<semaphore_mem>>
      %dma_start3A = arith.constant 0 : i32
      %dma_start3A_87 = tpu.memref_slice %arg11[%add3A_11, %dma_start3A] : memref<5128x128xf32, #tpu.memory_space<vmem_shared>> -> memref<64x128xf32, #tpu.memory_space<vmem_shared>>
      %dma_start3A_88 = arith.constant 0 : i32
      %dma_start3A_89 = tpu.memref_slice %arg11[%add3A_11, %dma_start3A_88] : memref<5128x128xf32, #tpu.memory_space<vmem_shared>> -> memref<64x128xf32, #tpu.memory_space<vmem_shared>>
      tpu.enqueue_dma source(%arg10 : memref<64x128xf32, #tpu.memory_space<vmem>>) target(%dma_start3A_89 : memref<64x128xf32, #tpu.memory_space<vmem_shared>>) target_semaphore(%run_scoped3A : memref<!tpu.dma_semaphore, #tpu.memory_space<semaphore_mem>>)
      %dma_wait3A = arith.constant 0 : i32
      %dma_wait3A_90 = tpu.memref_slice %arg11[%add3A_11, %dma_wait3A] : memref<5128x128xf32, #tpu.memory_space<vmem_shared>> -> memref<64x128xf32, #tpu.memory_space<vmem_shared>>
      %dma_wait3A_91 = arith.constant 0 : i32
      %dma_wait3A_92 = tpu.memref_slice %arg11[%add3A_11, %dma_wait3A_91] : memref<5128x128xf32, #tpu.memory_space<vmem_shared>> -> memref<64x128xf32, #tpu.memory_space<vmem_shared>>
      tpu.wait_dma2 semaphore(%run_scoped3A : memref<!tpu.dma_semaphore, #tpu.memory_space<semaphore_mem>>) src(%arg10 : memref<64x128xf32, #tpu.memory_space<vmem>>) dst(%dma_wait3A_92 : memref<64x128xf32, #tpu.memory_space<vmem_shared>>)
      tpu.yield
    }) : () -> ()
    %mul3A_12 = arith.constant 320 : i32
    %mul3A_13 = arith.muli %arg1, %mul3A_12 : i32
    %add3A_14 = arith.constant 128 : i32
    %add3A_15 = arith.addi %mul3A_13, %add3A_14 : i32
    "tpu.region"() ({
      %run_scoped3A = tpu.sem_alloc : memref<!tpu.dma_semaphore, #tpu.memory_space<semaphore_mem>>
      %dma_start3A = arith.constant 0 : i32
      %dma_start3A_87 = tpu.memref_slice %arg11[%add3A_15, %dma_start3A] : memref<5128x128xf32, #tpu.memory_space<vmem_shared>> -> memref<64x128xf32, #tpu.memory_space<vmem_shared>>
      %dma_start3A_88 = arith.constant 0 : i32
      %dma_start3A_89 = tpu.memref_slice %arg11[%add3A_15, %dma_start3A_88] : memref<5128x128xf32, #tpu.memory_space<vmem_shared>> -> memref<64x128xf32, #tpu.memory_space<vmem_shared>>
      tpu.enqueue_dma source(%arg10 : memref<64x128xf32, #tpu.memory_space<vmem>>) target(%dma_start3A_89 : memref<64x128xf32, #tpu.memory_space<vmem_shared>>) target_semaphore(%run_scoped3A : memref<!tpu.dma_semaphore, #tpu.memory_space<semaphore_mem>>)
      %dma_wait3A = arith.constant 0 : i32
      %dma_wait3A_90 = tpu.memref_slice %arg11[%add3A_15, %dma_wait3A] : memref<5128x128xf32, #tpu.memory_space<vmem_shared>> -> memref<64x128xf32, #tpu.memory_space<vmem_shared>>
      %dma_wait3A_91 = arith.constant 0 : i32
      %dma_wait3A_92 = tpu.memref_slice %arg11[%add3A_15, %dma_wait3A_91] : memref<5128x128xf32, #tpu.memory_space<vmem_shared>> -> memref<64x128xf32, #tpu.memory_space<vmem_shared>>
      tpu.wait_dma2 semaphore(%run_scoped3A : memref<!tpu.dma_semaphore, #tpu.memory_space<semaphore_mem>>) src(%arg10 : memref<64x128xf32, #tpu.memory_space<vmem>>) dst(%dma_wait3A_92 : memref<64x128xf32, #tpu.memory_space<vmem_shared>>)
      tpu.yield
    }) : () -> ()
    %mul3A_16 = arith.constant 320 : i32
    %mul3A_17 = arith.muli %arg1, %mul3A_16 : i32
    %add3A_18 = arith.constant 192 : i32
    %add3A_19 = arith.addi %mul3A_17, %add3A_18 : i32
    "tpu.region"() ({
      %run_scoped3A = tpu.sem_alloc : memref<!tpu.dma_semaphore, #tpu.memory_space<semaphore_mem>>
      %dma_start3A = arith.constant 0 : i32
      %dma_start3A_87 = tpu.memref_slice %arg11[%add3A_19, %dma_start3A] : memref<5128x128xf32, #tpu.memory_space<vmem_shared>> -> memref<64x128xf32, #tpu.memory_space<vmem_shared>>
      %dma_start3A_88 = arith.constant 0 : i32
      %dma_start3A_89 = tpu.memref_slice %arg11[%add3A_19, %dma_start3A_88] : memref<5128x128xf32, #tpu.memory_space<vmem_shared>> -> memref<64x128xf32, #tpu.memory_space<vmem_shared>>
      tpu.enqueue_dma source(%arg10 : memref<64x128xf32, #tpu.memory_space<vmem>>) target(%dma_start3A_89 : memref<64x128xf32, #tpu.memory_space<vmem_shared>>) target_semaphore(%run_scoped3A : memref<!tpu.dma_semaphore, #tpu.memory_space<semaphore_mem>>)
      %dma_wait3A = arith.constant 0 : i32
      %dma_wait3A_90 = tpu.memref_slice %arg11[%add3A_19, %dma_wait3A] : memref<5128x128xf32, #tpu.memory_space<vmem_shared>> -> memref<64x128xf32, #tpu.memory_space<vmem_shared>>
      %dma_wait3A_91 = arith.constant 0 : i32
      %dma_wait3A_92 = tpu.memref_slice %arg11[%add3A_19, %dma_wait3A_91] : memref<5128x128xf32, #tpu.memory_space<vmem_shared>> -> memref<64x128xf32, #tpu.memory_space<vmem_shared>>
      tpu.wait_dma2 semaphore(%run_scoped3A : memref<!tpu.dma_semaphore, #tpu.memory_space<semaphore_mem>>) src(%arg10 : memref<64x128xf32, #tpu.memory_space<vmem>>) dst(%dma_wait3A_92 : memref<64x128xf32, #tpu.memory_space<vmem_shared>>)
      tpu.yield
    }) : () -> ()
    %mul3A_20 = arith.constant 320 : i32
    %mul3A_21 = arith.muli %arg1, %mul3A_20 : i32
    %add3A_22 = arith.constant 256 : i32
    %add3A_23 = arith.addi %mul3A_21, %add3A_22 : i32
    "tpu.region"() ({
      %run_scoped3A = tpu.sem_alloc : memref<!tpu.dma_semaphore, #tpu.memory_space<semaphore_mem>>
      %dma_start3A = arith.constant 0 : i32
      %dma_start3A_87 = tpu.memref_slice %arg11[%add3A_23, %dma_start3A] : memref<5128x128xf32, #tpu.memory_space<vmem_shared>> -> memref<64x128xf32, #tpu.memory_space<vmem_shared>>
      %dma_start3A_88 = arith.constant 0 : i32
      %dma_start3A_89 = tpu.memref_slice %arg11[%add3A_23, %dma_start3A_88] : memref<5128x128xf32, #tpu.memory_space<vmem_shared>> -> memref<64x128xf32, #tpu.memory_space<vmem_shared>>
      tpu.enqueue_dma source(%arg10 : memref<64x128xf32, #tpu.memory_space<vmem>>) target(%dma_start3A_89 : memref<64x128xf32, #tpu.memory_space<vmem_shared>>) target_semaphore(%run_scoped3A : memref<!tpu.dma_semaphore, #tpu.memory_space<semaphore_mem>>)
      %dma_wait3A = arith.constant 0 : i32
      %dma_wait3A_90 = tpu.memref_slice %arg11[%add3A_23, %dma_wait3A] : memref<5128x128xf32, #tpu.memory_space<vmem_shared>> -> memref<64x128xf32, #tpu.memory_space<vmem_shared>>
      %dma_wait3A_91 = arith.constant 0 : i32
      %dma_wait3A_92 = tpu.memref_slice %arg11[%add3A_23, %dma_wait3A_91] : memref<5128x128xf32, #tpu.memory_space<vmem_shared>> -> memref<64x128xf32, #tpu.memory_space<vmem_shared>>
      tpu.wait_dma2 semaphore(%run_scoped3A : memref<!tpu.dma_semaphore, #tpu.memory_space<semaphore_mem>>) src(%arg10 : memref<64x128xf32, #tpu.memory_space<vmem>>) dst(%dma_wait3A_92 : memref<64x128xf32, #tpu.memory_space<vmem_shared>>)
      tpu.yield
    }) : () -> ()
    %barrier3A = arith.constant 0 : index
    tpu.barrier barrier_id(%barrier3A)
    "tpu.region"() ({
      %run_scoped3A = tpu.sem_alloc : memref<!tpu.dma_semaphore, #tpu.memory_space<semaphore_mem>>
      %dma_start3A = arith.constant 0 : i32
      %dma_start3A_87 = arith.constant 0 : i32
      %dma_start3A_88 = tpu.memref_slice %arg3[%arg1, %dma_start3A, %dma_start3A_87] : memref<16x158x128xi32, #tpu.memory_space<hbm>> -> memref<1x158x128xi32, #tpu.memory_space<hbm>>
      %dma_start3A_89 = tpu.memref_squeeze %dma_start3A_88 : memref<1x158x128xi32, #tpu.memory_space<hbm>> -> memref<158x128xi32, #tpu.memory_space<hbm>>
      %dma_start3A_90 = arith.constant 0 : i32
      %dma_start3A_91 = arith.constant 0 : i32
      %dma_start3A_92 = tpu.memref_slice %arg3[%arg1, %dma_start3A_90, %dma_start3A_91] : memref<16x158x128xi32, #tpu.memory_space<hbm>> -> memref<1x158x128xi32, #tpu.memory_space<hbm>>
      %dma_start3A_93 = tpu.memref_squeeze %dma_start3A_92 : memref<1x158x128xi32, #tpu.memory_space<hbm>> -> memref<158x128xi32, #tpu.memory_space<hbm>>
      tpu.enqueue_dma source(%dma_start3A_93 : memref<158x128xi32, #tpu.memory_space<hbm>>) target(%arg6 : memref<158x128xi32, #tpu.memory_space<vmem>>) target_semaphore(%run_scoped3A : memref<!tpu.dma_semaphore, #tpu.memory_space<semaphore_mem>>)
      %dma_wait3A = arith.constant 0 : i32
      %dma_wait3A_94 = arith.constant 0 : i32
      %dma_wait3A_95 = tpu.memref_slice %arg3[%arg1, %dma_wait3A, %dma_wait3A_94] : memref<16x158x128xi32, #tpu.memory_space<hbm>> -> memref<1x158x128xi32, #tpu.memory_space<hbm>>
      %dma_wait3A_96 = tpu.memref_squeeze %dma_wait3A_95 : memref<1x158x128xi32, #tpu.memory_space<hbm>> -> memref<158x128xi32, #tpu.memory_space<hbm>>
      %dma_wait3A_97 = arith.constant 0 : i32
      %dma_wait3A_98 = arith.constant 0 : i32
      %dma_wait3A_99 = tpu.memref_slice %arg3[%arg1, %dma_wait3A_97, %dma_wait3A_98] : memref<16x158x128xi32, #tpu.memory_space<hbm>> -> memref<1x158x128xi32, #tpu.memory_space<hbm>>
      %dma_wait3A_100 = tpu.memref_squeeze %dma_wait3A_99 : memref<1x158x128xi32, #tpu.memory_space<hbm>> -> memref<158x128xi32, #tpu.memory_space<hbm>>
      tpu.wait_dma2 semaphore(%run_scoped3A : memref<!tpu.dma_semaphore, #tpu.memory_space<semaphore_mem>>) src(%dma_wait3A_100 : memref<158x128xi32, #tpu.memory_space<hbm>>) dst(%arg6 : memref<158x128xi32, #tpu.memory_space<vmem>>)
      tpu.yield
    }) : () -> ()
    "tpu.region"() ({
      %run_scoped3A = tpu.sem_alloc : memref<!tpu.dma_semaphore, #tpu.memory_space<semaphore_mem>>
      %dma_start3A = arith.constant 0 : i32
      %dma_start3A_87 = arith.constant 0 : i32
      %dma_start3A_88 = tpu.memref_slice %arg4[%arg0, %arg1, %dma_start3A, %dma_start3A_87] : memref<2x16x158x128xi32, #tpu.memory_space<hbm>> -> memref<1x1x158x128xi32, #tpu.memory_space<hbm>>
      %dma_start3A_89 = tpu.memref_squeeze %dma_start3A_88 : memref<1x1x158x128xi32, #tpu.memory_space<hbm>> -> memref<158x128xi32, #tpu.memory_space<hbm>>
      %dma_start3A_90 = arith.constant 0 : i32
      %dma_start3A_91 = arith.constant 0 : i32
      %dma_start3A_92 = tpu.memref_slice %arg4[%arg0, %arg1, %dma_start3A_90, %dma_start3A_91] : memref<2x16x158x128xi32, #tpu.memory_space<hbm>> -> memref<1x1x158x128xi32, #tpu.memory_space<hbm>>
      %dma_start3A_93 = tpu.memref_squeeze %dma_start3A_92 : memref<1x1x158x128xi32, #tpu.memory_space<hbm>> -> memref<158x128xi32, #tpu.memory_space<hbm>>
      tpu.enqueue_dma source(%dma_start3A_93 : memref<158x128xi32, #tpu.memory_space<hbm>>) target(%arg7 : memref<158x128xi32, #tpu.memory_space<vmem>>) target_semaphore(%run_scoped3A : memref<!tpu.dma_semaphore, #tpu.memory_space<semaphore_mem>>)
      %dma_wait3A = arith.constant 0 : i32
      %dma_wait3A_94 = arith.constant 0 : i32
      %dma_wait3A_95 = tpu.memref_slice %arg4[%arg0, %arg1, %dma_wait3A, %dma_wait3A_94] : memref<2x16x158x128xi32, #tpu.memory_space<hbm>> -> memref<1x1x158x128xi32, #tpu.memory_space<hbm>>
      %dma_wait3A_96 = tpu.memref_squeeze %dma_wait3A_95 : memref<1x1x158x128xi32, #tpu.memory_space<hbm>> -> memref<158x128xi32, #tpu.memory_space<hbm>>
      %dma_wait3A_97 = arith.constant 0 : i32
      %dma_wait3A_98 = arith.constant 0 : i32
      %dma_wait3A_99 = tpu.memref_slice %arg4[%arg0, %arg1, %dma_wait3A_97, %dma_wait3A_98] : memref<2x16x158x128xi32, #tpu.memory_space<hbm>> -> memref<1x1x158x128xi32, #tpu.memory_space<hbm>>
      %dma_wait3A_100 = tpu.memref_squeeze %dma_wait3A_99 : memref<1x1x158x128xi32, #tpu.memory_space<hbm>> -> memref<158x128xi32, #tpu.memory_space<hbm>>
      tpu.wait_dma2 semaphore(%run_scoped3A : memref<!tpu.dma_semaphore, #tpu.memory_space<semaphore_mem>>) src(%dma_wait3A_100 : memref<158x128xi32, #tpu.memory_space<hbm>>) dst(%arg7 : memref<158x128xi32, #tpu.memory_space<vmem>>)
      tpu.yield
    }) : () -> ()
    %scan3A_24 = arith.constant 0 : i32
    %scan3A_25 = arith.constant 0 : i32
    %scan3A_26 = arith.constant 79 : i32
    %scan3A_27 = arith.addi %scan3A_25, %scan3A_26 : i32
    %scan3A_28 = arith.constant 1 : i32
    %scan3A_29 = scf.for %scan3A_87 = %scan3A_25 to %scan3A_27 step %scan3A_28 iter_args(%scan3A_88 = %scan3A_24) -> (i32)  : i32 {
      %mul3A_89 = arith.constant 2 : i32
      %mul3A_90 = arith.muli %mul3A_89, %scan3A_87 : i32
      %dma_start3A = arith.constant 0 : i32
      %dma_start3A_91 = tpu.memref_slice %arg6[%mul3A_90, %dma_start3A] : memref<158x128xi32, #tpu.memory_space<vmem>> -> memref<1x128xi32, #tpu.memory_space<vmem>>
      %dma_start3A_92 = tpu.memref_squeeze %dma_start3A_91 : memref<1x128xi32, #tpu.memory_space<vmem>> -> memref<128xi32, #tpu.memory_space<vmem>>
      %dma_start3A_93 = arith.constant 0 : i32
      %dma_start3A_94 = arith.constant 0 : i32
      %dma_start3A_95 = tpu.memref_slice %arg2[%dma_start3A_93, %dma_start3A_94] : memref<10240x128xf32, #tpu.memory_space<hbm>> -> memref<10240x128xf32, #tpu.memory_space<hbm>>
      tpu.enqueue_indirect_dma source(%dma_start3A_95 : memref<10240x128xf32, #tpu.memory_space<hbm>>) target(%arg8 : memref<128x128xf32, #tpu.memory_space<vmem>>) offsets(%dma_start3A_92 : memref<128xi32, #tpu.memory_space<vmem>>) semaphore(%arg12 : memref<!tpu.dma_semaphore, #tpu.memory_space<semaphore_mem>>)
      %mul3A_96 = arith.constant 2 : i32
      %mul3A_97 = arith.muli %mul3A_96, %scan3A_87 : i32
      %add3A_98 = arith.constant 1 : i32
      %add3A_99 = arith.addi %mul3A_97, %add3A_98 : i32
      %dma_start3A_100 = arith.constant 0 : i32
      %dma_start3A_101 = tpu.memref_slice %arg6[%add3A_99, %dma_start3A_100] : memref<158x128xi32, #tpu.memory_space<vmem>> -> memref<1x128xi32, #tpu.memory_space<vmem>>
      %dma_start3A_102 = tpu.memref_squeeze %dma_start3A_101 : memref<1x128xi32, #tpu.memory_space<vmem>> -> memref<128xi32, #tpu.memory_space<vmem>>
      %dma_start3A_103 = arith.constant 0 : i32
      %dma_start3A_104 = arith.constant 0 : i32
      %dma_start3A_105 = tpu.memref_slice %arg2[%dma_start3A_103, %dma_start3A_104] : memref<10240x128xf32, #tpu.memory_space<hbm>> -> memref<10240x128xf32, #tpu.memory_space<hbm>>
      tpu.enqueue_indirect_dma source(%dma_start3A_105 : memref<10240x128xf32, #tpu.memory_space<hbm>>) target(%arg9 : memref<128x128xf32, #tpu.memory_space<vmem>>) offsets(%dma_start3A_102 : memref<128xi32, #tpu.memory_space<vmem>>) semaphore(%arg13 : memref<!tpu.dma_semaphore, #tpu.memory_space<semaphore_mem>>)
      %dma_wait3A = arith.constant 0 : i32
      %dma_wait3A_106 = tpu.memref_slice %arg6[%mul3A_90, %dma_wait3A] : memref<158x128xi32, #tpu.memory_space<vmem>> -> memref<1x128xi32, #tpu.memory_space<vmem>>
      %dma_wait3A_107 = tpu.memref_squeeze %dma_wait3A_106 : memref<1x128xi32, #tpu.memory_space<vmem>> -> memref<128xi32, #tpu.memory_space<vmem>>
      %dma_wait3A_108 = arith.constant 0 : i32
      %dma_wait3A_109 = arith.constant 0 : i32
      %dma_wait3A_110 = tpu.memref_slice %arg2[%dma_wait3A_108, %dma_wait3A_109] : memref<10240x128xf32, #tpu.memory_space<hbm>> -> memref<10240x128xf32, #tpu.memory_space<hbm>>
      tpu.wait_indirect_dma semaphore(%arg12 : memref<!tpu.dma_semaphore, #tpu.memory_space<semaphore_mem>>) src(%dma_wait3A_110 : memref<10240x128xf32, #tpu.memory_space<hbm>>) dst(%arg8 : memref<128x128xf32, #tpu.memory_space<vmem>>)
      %mul3A_111 = arith.constant 2 : i32
      %mul3A_112 = arith.muli %mul3A_111, %scan3A_87 : i32
      %dma_start3A_113 = arith.constant 0 : i32
      %dma_start3A_114 = tpu.memref_slice %arg7[%mul3A_112, %dma_start3A_113] : memref<158x128xi32, #tpu.memory_space<vmem>> -> memref<1x128xi32, #tpu.memory_space<vmem>>
      %dma_start3A_115 = tpu.memref_squeeze %dma_start3A_114 : memref<1x128xi32, #tpu.memory_space<vmem>> -> memref<128xi32, #tpu.memory_space<vmem>>
      %dma_start3A_116 = arith.constant 0 : i32
      %dma_start3A_117 = arith.constant 0 : i32
      %dma_start3A_118 = tpu.memref_slice %arg11[%dma_start3A_116, %dma_start3A_117] : memref<5128x128xf32, #tpu.memory_space<vmem_shared>> -> memref<5128x128xf32, #tpu.memory_space<vmem_shared>>
      tpu.enqueue_indirect_dma source(%arg8 : memref<128x128xf32, #tpu.memory_space<vmem>>) target(%dma_start3A_118 : memref<5128x128xf32, #tpu.memory_space<vmem_shared>>) offsets(%dma_start3A_115 : memref<128xi32, #tpu.memory_space<vmem>>) semaphore(%arg14 : memref<!tpu.dma_semaphore, #tpu.memory_space<semaphore_mem>>) {add = true}
      %dma_wait3A_119 = arith.constant 0 : i32
      %dma_wait3A_120 = tpu.memref_slice %arg6[%add3A_99, %dma_wait3A_119] : memref<158x128xi32, #tpu.memory_space<vmem>> -> memref<1x128xi32, #tpu.memory_space<vmem>>
      %dma_wait3A_121 = tpu.memref_squeeze %dma_wait3A_120 : memref<1x128xi32, #tpu.memory_space<vmem>> -> memref<128xi32, #tpu.memory_space<vmem>>
      %dma_wait3A_122 = arith.constant 0 : i32
      %dma_wait3A_123 = arith.constant 0 : i32
      %dma_wait3A_124 = tpu.memref_slice %arg2[%dma_wait3A_122, %dma_wait3A_123] : memref<10240x128xf32, #tpu.memory_space<hbm>> -> memref<10240x128xf32, #tpu.memory_space<hbm>>
      tpu.wait_indirect_dma semaphore(%arg13 : memref<!tpu.dma_semaphore, #tpu.memory_space<semaphore_mem>>) src(%dma_wait3A_124 : memref<10240x128xf32, #tpu.memory_space<hbm>>) dst(%arg9 : memref<128x128xf32, #tpu.memory_space<vmem>>)
      %mul3A_125 = arith.constant 2 : i32
      %mul3A_126 = arith.muli %mul3A_125, %scan3A_87 : i32
      %add3A_127 = arith.constant 1 : i32
      %add3A_128 = arith.addi %mul3A_126, %add3A_127 : i32
      %dma_start3A_129 = arith.constant 0 : i32
      %dma_start3A_130 = tpu.memref_slice %arg7[%add3A_128, %dma_start3A_129] : memref<158x128xi32, #tpu.memory_space<vmem>> -> memref<1x128xi32, #tpu.memory_space<vmem>>
      %dma_start3A_131 = tpu.memref_squeeze %dma_start3A_130 : memref<1x128xi32, #tpu.memory_space<vmem>> -> memref<128xi32, #tpu.memory_space<vmem>>
      %dma_start3A_132 = arith.constant 0 : i32
      %dma_start3A_133 = arith.constant 0 : i32
      %dma_start3A_134 = tpu.memref_slice %arg11[%dma_start3A_132, %dma_start3A_133] : memref<5128x128xf32, #tpu.memory_space<vmem_shared>> -> memref<5128x128xf32, #tpu.memory_space<vmem_shared>>
      tpu.enqueue_indirect_dma source(%arg9 : memref<128x128xf32, #tpu.memory_space<vmem>>) target(%dma_start3A_134 : memref<5128x128xf32, #tpu.memory_space<vmem_shared>>) offsets(%dma_start3A_131 : memref<128xi32, #tpu.memory_space<vmem>>) semaphore(%arg15 : memref<!tpu.dma_semaphore, #tpu.memory_space<semaphore_mem>>) {add = true}
      %dma_wait3A_135 = arith.constant 0 : i32
      %dma_wait3A_136 = tpu.memref_slice %arg7[%mul3A_112, %dma_wait3A_135] : memref<158x128xi32, #tpu.memory_space<vmem>> -> memref<1x128xi32, #tpu.memory_space<vmem>>
      %dma_wait3A_137 = tpu.memref_squeeze %dma_wait3A_136 : memref<1x128xi32, #tpu.memory_space<vmem>> -> memref<128xi32, #tpu.memory_space<vmem>>
      %dma_wait3A_138 = arith.constant 0 : i32
      %dma_wait3A_139 = arith.constant 0 : i32
      %dma_wait3A_140 = tpu.memref_slice %arg11[%dma_wait3A_138, %dma_wait3A_139] : memref<5128x128xf32, #tpu.memory_space<vmem_shared>> -> memref<5128x128xf32, #tpu.memory_space<vmem_shared>>
      tpu.wait_indirect_dma semaphore(%arg14 : memref<!tpu.dma_semaphore, #tpu.memory_space<semaphore_mem>>) src(%arg8 : memref<128x128xf32, #tpu.memory_space<vmem>>) dst(%dma_wait3A_140 : memref<5128x128xf32, #tpu.memory_space<vmem_shared>>)
      %dma_wait3A_141 = arith.constant 0 : i32
      %dma_wait3A_142 = tpu.memref_slice %arg7[%add3A_128, %dma_wait3A_141] : memref<158x128xi32, #tpu.memory_space<vmem>> -> memref<1x128xi32, #tpu.memory_space<vmem>>
      %dma_wait3A_143 = tpu.memref_squeeze %dma_wait3A_142 : memref<1x128xi32, #tpu.memory_space<vmem>> -> memref<128xi32, #tpu.memory_space<vmem>>
      %dma_wait3A_144 = arith.constant 0 : i32
      %dma_wait3A_145 = arith.constant 0 : i32
      %dma_wait3A_146 = tpu.memref_slice %arg11[%dma_wait3A_144, %dma_wait3A_145] : memref<5128x128xf32, #tpu.memory_space<vmem_shared>> -> memref<5128x128xf32, #tpu.memory_space<vmem_shared>>
      tpu.wait_indirect_dma semaphore(%arg15 : memref<!tpu.dma_semaphore, #tpu.memory_space<semaphore_mem>>) src(%arg9 : memref<128x128xf32, #tpu.memory_space<vmem>>) dst(%dma_wait3A_146 : memref<5128x128xf32, #tpu.memory_space<vmem_shared>>)
      %scan3A_147 = arith.constant 0 : i32
      scf.yield %scan3A_147 : i32
    }
    %scan3A_30 = arith.constant 79 : i32
    %barrier3A_31 = arith.constant 0 : index
    tpu.barrier barrier_id(%barrier3A_31)
    %mul3A_32 = arith.constant 320 : i32
    %mul3A_33 = arith.muli %arg1, %mul3A_32 : i32
    %add3A_34 = arith.constant 0 : i32
    %add3A_35 = arith.addi %mul3A_33, %add3A_34 : i32
    "tpu.region"() ({
      %run_scoped3A = tpu.sem_alloc : memref<!tpu.dma_semaphore, #tpu.memory_space<semaphore_mem>>
      %dma_start3A = arith.constant 0 : i32
      %dma_start3A_87 = tpu.memref_slice %arg11[%add3A_35, %dma_start3A] : memref<5128x128xf32, #tpu.memory_space<vmem_shared>> -> memref<64x128xf32, #tpu.memory_space<vmem_shared>>
      %dma_start3A_88 = arith.constant 0 : i32
      %dma_start3A_89 = tpu.memref_slice %arg11[%add3A_35, %dma_start3A_88] : memref<5128x128xf32, #tpu.memory_space<vmem_shared>> -> memref<64x128xf32, #tpu.memory_space<vmem_shared>>
      tpu.enqueue_dma source(%dma_start3A_89 : memref<64x128xf32, #tpu.memory_space<vmem_shared>>) target(%arg10 : memref<64x128xf32, #tpu.memory_space<vmem>>) target_semaphore(%run_scoped3A : memref<!tpu.dma_semaphore, #tpu.memory_space<semaphore_mem>>)
      %dma_wait3A = arith.constant 0 : i32
      %dma_wait3A_90 = tpu.memref_slice %arg11[%add3A_35, %dma_wait3A] : memref<5128x128xf32, #tpu.memory_space<vmem_shared>> -> memref<64x128xf32, #tpu.memory_space<vmem_shared>>
      %dma_wait3A_91 = arith.constant 0 : i32
      %dma_wait3A_92 = tpu.memref_slice %arg11[%add3A_35, %dma_wait3A_91] : memref<5128x128xf32, #tpu.memory_space<vmem_shared>> -> memref<64x128xf32, #tpu.memory_space<vmem_shared>>
      tpu.wait_dma2 semaphore(%run_scoped3A : memref<!tpu.dma_semaphore, #tpu.memory_space<semaphore_mem>>) src(%dma_wait3A_92 : memref<64x128xf32, #tpu.memory_space<vmem_shared>>) dst(%arg10 : memref<64x128xf32, #tpu.memory_space<vmem>>)
      tpu.yield
    }) : () -> ()
    %mul3A_36 = arith.constant 5120 : i32
    %mul3A_37 = arith.muli %arg0, %mul3A_36 : i32
    %mul3A_38 = arith.constant 320 : i32
    %mul3A_39 = arith.muli %arg1, %mul3A_38 : i32
    %add3A_40 = arith.addi %mul3A_37, %mul3A_39 : i32
    %add3A_41 = arith.constant 0 : i32
    %add3A_42 = arith.addi %add3A_40, %add3A_41 : i32
    "tpu.region"() ({
      %run_scoped3A = tpu.sem_alloc : memref<!tpu.dma_semaphore, #tpu.memory_space<semaphore_mem>>
      %dma_start3A = arith.constant 0 : i32
      %dma_start3A_87 = tpu.memref_slice %arg5[%add3A_42, %dma_start3A] : memref<10240x128xf32, #tpu.memory_space<hbm>> -> memref<64x128xf32, #tpu.memory_space<hbm>>
      %dma_start3A_88 = arith.constant 0 : i32
      %dma_start3A_89 = tpu.memref_slice %arg5[%add3A_42, %dma_start3A_88] : memref<10240x128xf32, #tpu.memory_space<hbm>> -> memref<64x128xf32, #tpu.memory_space<hbm>>
      tpu.enqueue_dma source(%arg10 : memref<64x128xf32, #tpu.memory_space<vmem>>) target(%dma_start3A_89 : memref<64x128xf32, #tpu.memory_space<hbm>>) target_semaphore(%run_scoped3A : memref<!tpu.dma_semaphore, #tpu.memory_space<semaphore_mem>>)
      %dma_wait3A = arith.constant 0 : i32
      %dma_wait3A_90 = tpu.memref_slice %arg5[%add3A_42, %dma_wait3A] : memref<10240x128xf32, #tpu.memory_space<hbm>> -> memref<64x128xf32, #tpu.memory_space<hbm>>
      %dma_wait3A_91 = arith.constant 0 : i32
      %dma_wait3A_92 = tpu.memref_slice %arg5[%add3A_42, %dma_wait3A_91] : memref<10240x128xf32, #tpu.memory_space<hbm>> -> memref<64x128xf32, #tpu.memory_space<hbm>>
      tpu.wait_dma2 semaphore(%run_scoped3A : memref<!tpu.dma_semaphore, #tpu.memory_space<semaphore_mem>>) src(%arg10 : memref<64x128xf32, #tpu.memory_space<vmem>>) dst(%dma_wait3A_92 : memref<64x128xf32, #tpu.memory_space<hbm>>)
      tpu.yield
    }) : () -> ()
    %mul3A_43 = arith.constant 320 : i32
    %mul3A_44 = arith.muli %arg1, %mul3A_43 : i32
    %add3A_45 = arith.constant 64 : i32
    %add3A_46 = arith.addi %mul3A_44, %add3A_45 : i32
    "tpu.region"() ({
      %run_scoped3A = tpu.sem_alloc : memref<!tpu.dma_semaphore, #tpu.memory_space<semaphore_mem>>
      %dma_start3A = arith.constant 0 : i32
      %dma_start3A_87 = tpu.memref_slice %arg11[%add3A_46, %dma_start3A] : memref<5128x128xf32, #tpu.memory_space<vmem_shared>> -> memref<64x128xf32, #tpu.memory_space<vmem_shared>>
      %dma_start3A_88 = arith.constant 0 : i32
      %dma_start3A_89 = tpu.memref_slice %arg11[%add3A_46, %dma_start3A_88] : memref<5128x128xf32, #tpu.memory_space<vmem_shared>> -> memref<64x128xf32, #tpu.memory_space<vmem_shared>>
      tpu.enqueue_dma source(%dma_start3A_89 : memref<64x128xf32, #tpu.memory_space<vmem_shared>>) target(%arg10 : memref<64x128xf32, #tpu.memory_space<vmem>>) target_semaphore(%run_scoped3A : memref<!tpu.dma_semaphore, #tpu.memory_space<semaphore_mem>>)
      %dma_wait3A = arith.constant 0 : i32
      %dma_wait3A_90 = tpu.memref_slice %arg11[%add3A_46, %dma_wait3A] : memref<5128x128xf32, #tpu.memory_space<vmem_shared>> -> memref<64x128xf32, #tpu.memory_space<vmem_shared>>
      %dma_wait3A_91 = arith.constant 0 : i32
      %dma_wait3A_92 = tpu.memref_slice %arg11[%add3A_46, %dma_wait3A_91] : memref<5128x128xf32, #tpu.memory_space<vmem_shared>> -> memref<64x128xf32, #tpu.memory_space<vmem_shared>>
      tpu.wait_dma2 semaphore(%run_scoped3A : memref<!tpu.dma_semaphore, #tpu.memory_space<semaphore_mem>>) src(%dma_wait3A_92 : memref<64x128xf32, #tpu.memory_space<vmem_shared>>) dst(%arg10 : memref<64x128xf32, #tpu.memory_space<vmem>>)
      tpu.yield
    }) : () -> ()
    %mul3A_47 = arith.constant 5120 : i32
    %mul3A_48 = arith.muli %arg0, %mul3A_47 : i32
    %mul3A_49 = arith.constant 320 : i32
    %mul3A_50 = arith.muli %arg1, %mul3A_49 : i32
    %add3A_51 = arith.addi %mul3A_48, %mul3A_50 : i32
    %add3A_52 = arith.constant 64 : i32
    %add3A_53 = arith.addi %add3A_51, %add3A_52 : i32
    "tpu.region"() ({
      %run_scoped3A = tpu.sem_alloc : memref<!tpu.dma_semaphore, #tpu.memory_space<semaphore_mem>>
      %dma_start3A = arith.constant 0 : i32
      %dma_start3A_87 = tpu.memref_slice %arg5[%add3A_53, %dma_start3A] : memref<10240x128xf32, #tpu.memory_space<hbm>> -> memref<64x128xf32, #tpu.memory_space<hbm>>
      %dma_start3A_88 = arith.constant 0 : i32
      %dma_start3A_89 = tpu.memref_slice %arg5[%add3A_53, %dma_start3A_88] : memref<10240x128xf32, #tpu.memory_space<hbm>> -> memref<64x128xf32, #tpu.memory_space<hbm>>
      tpu.enqueue_dma source(%arg10 : memref<64x128xf32, #tpu.memory_space<vmem>>) target(%dma_start3A_89 : memref<64x128xf32, #tpu.memory_space<hbm>>) target_semaphore(%run_scoped3A : memref<!tpu.dma_semaphore, #tpu.memory_space<semaphore_mem>>)
      %dma_wait3A = arith.constant 0 : i32
      %dma_wait3A_90 = tpu.memref_slice %arg5[%add3A_53, %dma_wait3A] : memref<10240x128xf32, #tpu.memory_space<hbm>> -> memref<64x128xf32, #tpu.memory_space<hbm>>
      %dma_wait3A_91 = arith.constant 0 : i32
      %dma_wait3A_92 = tpu.memref_slice %arg5[%add3A_53, %dma_wait3A_91] : memref<10240x128xf32, #tpu.memory_space<hbm>> -> memref<64x128xf32, #tpu.memory_space<hbm>>
      tpu.wait_dma2 semaphore(%run_scoped3A : memref<!tpu.dma_semaphore, #tpu.memory_space<semaphore_mem>>) src(%arg10 : memref<64x128xf32, #tpu.memory_space<vmem>>) dst(%dma_wait3A_92 : memref<64x128xf32, #tpu.memory_space<hbm>>)
      tpu.yield
    }) : () -> ()
    %mul3A_54 = arith.constant 320 : i32
    %mul3A_55 = arith.muli %arg1, %mul3A_54 : i32
    %add3A_56 = arith.constant 128 : i32
    %add3A_57 = arith.addi %mul3A_55, %add3A_56 : i32
    "tpu.region"() ({
      %run_scoped3A = tpu.sem_alloc : memref<!tpu.dma_semaphore, #tpu.memory_space<semaphore_mem>>
      %dma_start3A = arith.constant 0 : i32
      %dma_start3A_87 = tpu.memref_slice %arg11[%add3A_57, %dma_start3A] : memref<5128x128xf32, #tpu.memory_space<vmem_shared>> -> memref<64x128xf32, #tpu.memory_space<vmem_shared>>
      %dma_start3A_88 = arith.constant 0 : i32
      %dma_start3A_89 = tpu.memref_slice %arg11[%add3A_57, %dma_start3A_88] : memref<5128x128xf32, #tpu.memory_space<vmem_shared>> -> memref<64x128xf32, #tpu.memory_space<vmem_shared>>
      tpu.enqueue_dma source(%dma_start3A_89 : memref<64x128xf32, #tpu.memory_space<vmem_shared>>) target(%arg10 : memref<64x128xf32, #tpu.memory_space<vmem>>) target_semaphore(%run_scoped3A : memref<!tpu.dma_semaphore, #tpu.memory_space<semaphore_mem>>)
      %dma_wait3A = arith.constant 0 : i32
      %dma_wait3A_90 = tpu.memref_slice %arg11[%add3A_57, %dma_wait3A] : memref<5128x128xf32, #tpu.memory_space<vmem_shared>> -> memref<64x128xf32, #tpu.memory_space<vmem_shared>>
      %dma_wait3A_91 = arith.constant 0 : i32
      %dma_wait3A_92 = tpu.memref_slice %arg11[%add3A_57, %dma_wait3A_91] : memref<5128x128xf32, #tpu.memory_space<vmem_shared>> -> memref<64x128xf32, #tpu.memory_space<vmem_shared>>
      tpu.wait_dma2 semaphore(%run_scoped3A : memref<!tpu.dma_semaphore, #tpu.memory_space<semaphore_mem>>) src(%dma_wait3A_92 : memref<64x128xf32, #tpu.memory_space<vmem_shared>>) dst(%arg10 : memref<64x128xf32, #tpu.memory_space<vmem>>)
      tpu.yield
    }) : () -> ()
    %mul3A_58 = arith.constant 5120 : i32
    %mul3A_59 = arith.muli %arg0, %mul3A_58 : i32
    %mul3A_60 = arith.constant 320 : i32
    %mul3A_61 = arith.muli %arg1, %mul3A_60 : i32
    %add3A_62 = arith.addi %mul3A_59, %mul3A_61 : i32
    %add3A_63 = arith.constant 128 : i32
    %add3A_64 = arith.addi %add3A_62, %add3A_63 : i32
    "tpu.region"() ({
      %run_scoped3A = tpu.sem_alloc : memref<!tpu.dma_semaphore, #tpu.memory_space<semaphore_mem>>
      %dma_start3A = arith.constant 0 : i32
      %dma_start3A_87 = tpu.memref_slice %arg5[%add3A_64, %dma_start3A] : memref<10240x128xf32, #tpu.memory_space<hbm>> -> memref<64x128xf32, #tpu.memory_space<hbm>>
      %dma_start3A_88 = arith.constant 0 : i32
      %dma_start3A_89 = tpu.memref_slice %arg5[%add3A_64, %dma_start3A_88] : memref<10240x128xf32, #tpu.memory_space<hbm>> -> memref<64x128xf32, #tpu.memory_space<hbm>>
      tpu.enqueue_dma source(%arg10 : memref<64x128xf32, #tpu.memory_space<vmem>>) target(%dma_start3A_89 : memref<64x128xf32, #tpu.memory_space<hbm>>) target_semaphore(%run_scoped3A : memref<!tpu.dma_semaphore, #tpu.memory_space<semaphore_mem>>)
      %dma_wait3A = arith.constant 0 : i32
      %dma_wait3A_90 = tpu.memref_slice %arg5[%add3A_64, %dma_wait3A] : memref<10240x128xf32, #tpu.memory_space<hbm>> -> memref<64x128xf32, #tpu.memory_space<hbm>>
      %dma_wait3A_91 = arith.constant 0 : i32
      %dma_wait3A_92 = tpu.memref_slice %arg5[%add3A_64, %dma_wait3A_91] : memref<10240x128xf32, #tpu.memory_space<hbm>> -> memref<64x128xf32, #tpu.memory_space<hbm>>
      tpu.wait_dma2 semaphore(%run_scoped3A : memref<!tpu.dma_semaphore, #tpu.memory_space<semaphore_mem>>) src(%arg10 : memref<64x128xf32, #tpu.memory_space<vmem>>) dst(%dma_wait3A_92 : memref<64x128xf32, #tpu.memory_space<hbm>>)
      tpu.yield
    }) : () -> ()
    %mul3A_65 = arith.constant 320 : i32
    %mul3A_66 = arith.muli %arg1, %mul3A_65 : i32
    %add3A_67 = arith.constant 192 : i32
    %add3A_68 = arith.addi %mul3A_66, %add3A_67 : i32
    "tpu.region"() ({
      %run_scoped3A = tpu.sem_alloc : memref<!tpu.dma_semaphore, #tpu.memory_space<semaphore_mem>>
      %dma_start3A = arith.constant 0 : i32
      %dma_start3A_87 = tpu.memref_slice %arg11[%add3A_68, %dma_start3A] : memref<5128x128xf32, #tpu.memory_space<vmem_shared>> -> memref<64x128xf32, #tpu.memory_space<vmem_shared>>
      %dma_start3A_88 = arith.constant 0 : i32
      %dma_start3A_89 = tpu.memref_slice %arg11[%add3A_68, %dma_start3A_88] : memref<5128x128xf32, #tpu.memory_space<vmem_shared>> -> memref<64x128xf32, #tpu.memory_space<vmem_shared>>
      tpu.enqueue_dma source(%dma_start3A_89 : memref<64x128xf32, #tpu.memory_space<vmem_shared>>) target(%arg10 : memref<64x128xf32, #tpu.memory_space<vmem>>) target_semaphore(%run_scoped3A : memref<!tpu.dma_semaphore, #tpu.memory_space<semaphore_mem>>)
      %dma_wait3A = arith.constant 0 : i32
      %dma_wait3A_90 = tpu.memref_slice %arg11[%add3A_68, %dma_wait3A] : memref<5128x128xf32, #tpu.memory_space<vmem_shared>> -> memref<64x128xf32, #tpu.memory_space<vmem_shared>>
      %dma_wait3A_91 = arith.constant 0 : i32
      %dma_wait3A_92 = tpu.memref_slice %arg11[%add3A_68, %dma_wait3A_91] : memref<5128x128xf32, #tpu.memory_space<vmem_shared>> -> memref<64x128xf32, #tpu.memory_space<vmem_shared>>
      tpu.wait_dma2 semaphore(%run_scoped3A : memref<!tpu.dma_semaphore, #tpu.memory_space<semaphore_mem>>) src(%dma_wait3A_92 : memref<64x128xf32, #tpu.memory_space<vmem_shared>>) dst(%arg10 : memref<64x128xf32, #tpu.memory_space<vmem>>)
      tpu.yield
    }) : () -> ()
    %mul3A_69 = arith.constant 5120 : i32
    %mul3A_70 = arith.muli %arg0, %mul3A_69 : i32
    %mul3A_71 = arith.constant 320 : i32
    %mul3A_72 = arith.muli %arg1, %mul3A_71 : i32
    %add3A_73 = arith.addi %mul3A_70, %mul3A_72 : i32
    %add3A_74 = arith.constant 192 : i32
    %add3A_75 = arith.addi %add3A_73, %add3A_74 : i32
    "tpu.region"() ({
      %run_scoped3A = tpu.sem_alloc : memref<!tpu.dma_semaphore, #tpu.memory_space<semaphore_mem>>
      %dma_start3A = arith.constant 0 : i32
      %dma_start3A_87 = tpu.memref_slice %arg5[%add3A_75, %dma_start3A] : memref<10240x128xf32, #tpu.memory_space<hbm>> -> memref<64x128xf32, #tpu.memory_space<hbm>>
      %dma_start3A_88 = arith.constant 0 : i32
      %dma_start3A_89 = tpu.memref_slice %arg5[%add3A_75, %dma_start3A_88] : memref<10240x128xf32, #tpu.memory_space<hbm>> -> memref<64x128xf32, #tpu.memory_space<hbm>>
      tpu.enqueue_dma source(%arg10 : memref<64x128xf32, #tpu.memory_space<vmem>>) target(%dma_start3A_89 : memref<64x128xf32, #tpu.memory_space<hbm>>) target_semaphore(%run_scoped3A : memref<!tpu.dma_semaphore, #tpu.memory_space<semaphore_mem>>)
      %dma_wait3A = arith.constant 0 : i32
      %dma_wait3A_90 = tpu.memref_slice %arg5[%add3A_75, %dma_wait3A] : memref<10240x128xf32, #tpu.memory_space<hbm>> -> memref<64x128xf32, #tpu.memory_space<hbm>>
      %dma_wait3A_91 = arith.constant 0 : i32
      %dma_wait3A_92 = tpu.memref_slice %arg5[%add3A_75, %dma_wait3A_91] : memref<10240x128xf32, #tpu.memory_space<hbm>> -> memref<64x128xf32, #tpu.memory_space<hbm>>
      tpu.wait_dma2 semaphore(%run_scoped3A : memref<!tpu.dma_semaphore, #tpu.memory_space<semaphore_mem>>) src(%arg10 : memref<64x128xf32, #tpu.memory_space<vmem>>) dst(%dma_wait3A_92 : memref<64x128xf32, #tpu.memory_space<hbm>>)
      tpu.yield
    }) : () -> ()
    %mul3A_76 = arith.constant 320 : i32
    %mul3A_77 = arith.muli %arg1, %mul3A_76 : i32
    %add3A_78 = arith.constant 256 : i32
    %add3A_79 = arith.addi %mul3A_77, %add3A_78 : i32
    "tpu.region"() ({
      %run_scoped3A = tpu.sem_alloc : memref<!tpu.dma_semaphore, #tpu.memory_space<semaphore_mem>>
      %dma_start3A = arith.constant 0 : i32
      %dma_start3A_87 = tpu.memref_slice %arg11[%add3A_79, %dma_start3A] : memref<5128x128xf32, #tpu.memory_space<vmem_shared>> -> memref<64x128xf32, #tpu.memory_space<vmem_shared>>
      %dma_start3A_88 = arith.constant 0 : i32
      %dma_start3A_89 = tpu.memref_slice %arg11[%add3A_79, %dma_start3A_88] : memref<5128x128xf32, #tpu.memory_space<vmem_shared>> -> memref<64x128xf32, #tpu.memory_space<vmem_shared>>
      tpu.enqueue_dma source(%dma_start3A_89 : memref<64x128xf32, #tpu.memory_space<vmem_shared>>) target(%arg10 : memref<64x128xf32, #tpu.memory_space<vmem>>) target_semaphore(%run_scoped3A : memref<!tpu.dma_semaphore, #tpu.memory_space<semaphore_mem>>)
      %dma_wait3A = arith.constant 0 : i32
      %dma_wait3A_90 = tpu.memref_slice %arg11[%add3A_79, %dma_wait3A] : memref<5128x128xf32, #tpu.memory_space<vmem_shared>> -> memref<64x128xf32, #tpu.memory_space<vmem_shared>>
      %dma_wait3A_91 = arith.constant 0 : i32
      %dma_wait3A_92 = tpu.memref_slice %arg11[%add3A_79, %dma_wait3A_91] : memref<5128x128xf32, #tpu.memory_space<vmem_shared>> -> memref<64x128xf32, #tpu.memory_space<vmem_shared>>
      tpu.wait_dma2 semaphore(%run_scoped3A : memref<!tpu.dma_semaphore, #tpu.memory_space<semaphore_mem>>) src(%dma_wait3A_92 : memref<64x128xf32, #tpu.memory_space<vmem_shared>>) dst(%arg10 : memref<64x128xf32, #tpu.memory_space<vmem>>)
      tpu.yield
    }) : () -> ()
    %mul3A_80 = arith.constant 5120 : i32
    %mul3A_81 = arith.muli %arg0, %mul3A_80 : i32
    %mul3A_82 = arith.constant 320 : i32
    %mul3A_83 = arith.muli %arg1, %mul3A_82 : i32
    %add3A_84 = arith.addi %mul3A_81, %mul3A_83 : i32
    %add3A_85 = arith.constant 256 : i32
    %add3A_86 = arith.addi %add3A_84, %add3A_85 : i32
    "tpu.region"() ({
      %run_scoped3A = tpu.sem_alloc : memref<!tpu.dma_semaphore, #tpu.memory_space<semaphore_mem>>
      %dma_start3A = arith.constant 0 : i32
      %dma_start3A_87 = tpu.memref_slice %arg5[%add3A_86, %dma_start3A] : memref<10240x128xf32, #tpu.memory_space<hbm>> -> memref<64x128xf32, #tpu.memory_space<hbm>>
      %dma_start3A_88 = arith.constant 0 : i32
      %dma_start3A_89 = tpu.memref_slice %arg5[%add3A_86, %dma_start3A_88] : memref<10240x128xf32, #tpu.memory_space<hbm>> -> memref<64x128xf32, #tpu.memory_space<hbm>>
      tpu.enqueue_dma source(%arg10 : memref<64x128xf32, #tpu.memory_space<vmem>>) target(%dma_start3A_89 : memref<64x128xf32, #tpu.memory_space<hbm>>) target_semaphore(%run_scoped3A : memref<!tpu.dma_semaphore, #tpu.memory_space<semaphore_mem>>)
      %dma_wait3A = arith.constant 0 : i32
      %dma_wait3A_90 = tpu.memref_slice %arg5[%add3A_86, %dma_wait3A] : memref<10240x128xf32, #tpu.memory_space<hbm>> -> memref<64x128xf32, #tpu.memory_space<hbm>>
      %dma_wait3A_91 = arith.constant 0 : i32
      %dma_wait3A_92 = tpu.memref_slice %arg5[%add3A_86, %dma_wait3A_91] : memref<10240x128xf32, #tpu.memory_space<hbm>> -> memref<64x128xf32, #tpu.memory_space<hbm>>
      tpu.wait_dma2 semaphore(%run_scoped3A : memref<!tpu.dma_semaphore, #tpu.memory_space<semaphore_mem>>) src(%arg10 : memref<64x128xf32, #tpu.memory_space<vmem>>) dst(%dma_wait3A_92 : memref<64x128xf32, #tpu.memory_space<hbm>>)
      tpu.yield
    }) : () -> ()
    return
  }
}

module attributes {stable_mosaic.version = 14 : i64} {
  func.func @_tc_mid_body(%arg0: i32, %arg1: memref<256x128xf32, #tpu.memory_space<vmem>>, %arg2: memref<256x128xf32, #tpu.memory_space<vmem>>, %arg3: memref<256x128xf32, #tpu.memory_space<vmem>>, %arg4: memref<1x128xf32, #tpu.memory_space<vmem>>, %arg5: memref<128x128xf32, #tpu.memory_space<vmem>>, %arg6: memref<256x128xf32, #tpu.memory_space<vmem>>) attributes {dimension_semantics = [#tpu.dimension_semantics<arbitrary>], iteration_bounds = array<i64: 40>, scalar_prefetch = 0 : i64, scratch_operands = 0 : i64, tpu.core_type = #tpu.core_type<tc>, window_params = [{transform_indices = @transform_0, window_bounds = array<i64: 256, 128>}, {transform_indices = @transform_1, window_bounds = array<i64: 256, 128>}, {transform_indices = @transform_2, window_bounds = array<i64: 256, 128>}, {pipeline_mode = #tpu.pipeline_mode<synchronous>, transform_indices = @transform_3, window_bounds = array<i64: 1, 128>}, {pipeline_mode = #tpu.pipeline_mode<synchronous>, transform_indices = @transform_4, window_bounds = array<i64: 128, 128>}, {transform_indices = @transform_5, window_bounds = array<i64: 256, 128>}]} {
    %get3A = arith.constant 0 : index
    %get3A_0 = arith.constant 0 : index
    %get3A_1 = vector.load %arg3[%get3A, %get3A_0] : memref<256x128xf32, #tpu.memory_space<vmem>>, vector<256x128xf32>
    %slice3A = vector.extract_strided_slice %get3A_1 {offsets = [0, 0], sizes = [256, 1], strides = [1, 1]} : vector<256x128xf32> to vector<256x1xf32>
    %add3A = arith.constant 1.000000e+00 : f32
    %add3A_2 = vector.broadcast %add3A : f32 to vector<256x1xf32>
    %add3A_3 = arith.addf %slice3A, %add3A_2 : vector<256x1xf32>
    %rsqrt3A = math.rsqrt %add3A_3 : vector<256x1xf32>
    %get3A_4 = arith.constant 0 : index
    %get3A_5 = arith.constant 0 : index
    %get3A_6 = vector.load %arg1[%get3A_4, %get3A_5] : memref<256x128xf32, #tpu.memory_space<vmem>>, vector<256x128xf32>
    %get3A_7 = arith.constant 0 : index
    %get3A_8 = arith.constant 0 : index
    %get3A_9 = vector.load %arg2[%get3A_7, %get3A_8] : memref<256x128xf32, #tpu.memory_space<vmem>>, vector<256x128xf32>
    %add3A_10 = arith.addf %get3A_6, %get3A_9 : vector<256x128xf32>
    %mul3A = vector.broadcast %rsqrt3A : vector<256x1xf32> to vector<256x128xf32>
    %mul3A_11 = arith.mulf %mul3A, %add3A_10 : vector<256x128xf32>
    %get3A_12 = arith.constant 0 : index
    %get3A_13 = arith.constant 0 : index
    %get3A_14 = vector.load %arg4[%get3A_12, %get3A_13] : memref<1x128xf32, #tpu.memory_space<vmem>>, vector<1x128xf32>
    %add3A_15 = vector.broadcast %get3A_14 : vector<1x128xf32> to vector<256x128xf32>
    %add3A_16 = arith.addf %mul3A_11, %add3A_15 : vector<256x128xf32>
    %max3A = arith.constant 0.000000e+00 : f32
    %max3A_17 = vector.broadcast %max3A : f32 to vector<256x128xf32>
    %max3A_18 = arith.maximumf %add3A_16, %max3A_17 : vector<256x128xf32>
    %get3A_19 = arith.constant 0 : index
    %get3A_20 = arith.constant 0 : index
    %get3A_21 = vector.load %arg5[%get3A_19, %get3A_20] : memref<128x128xf32, #tpu.memory_space<vmem>>, vector<128x128xf32>
    %dot_general3A = arith.constant dense<0.000000e+00> : vector<256x128xf32>
    %dot_general3A_22 = tpu.matmul %max3A_18, %get3A_21, %dot_general3A {dimension_numbers = #tpu.dot_dimension_numbers<[1], [0], [0], [1], [0, 0, 1, 1], [], []>, transpose_lhs_hint = false} : vector<256x128xf32>, vector<128x128xf32>, vector<256x128xf32> -> vector<256x128xf32>
    %mul3A_23 = vector.broadcast %rsqrt3A : vector<256x1xf32> to vector<256x128xf32>
    %mul3A_24 = arith.mulf %dot_general3A_22, %mul3A_23 : vector<256x128xf32>
    %swap3A = arith.constant 0 : index
    %swap3A_25 = arith.constant 0 : index
    %swap3A_26 = vector.load %arg6[%swap3A, %swap3A_25] : memref<256x128xf32, #tpu.memory_space<vmem>>, vector<256x128xf32>
    tpu.vector_store %arg6[%swap3A, %swap3A_25], %mul3A_24 {strides = array<i32>} : memref<256x128xf32, #tpu.memory_space<vmem>>, vector<256x128xf32>,
    return
  }
  func.func @transform_0(%arg0: i32) -> (i32, i32) {
    %c0_i32 = arith.constant 0 : i32
    %c0_i32_0 = arith.constant 0 : i32
    return %arg0, %c0_i32 : i32, i32
  }
  func.func @transform_1(%arg0: i32) -> (i32, i32) {
    %c0_i32 = arith.constant 0 : i32
    %c0_i32_0 = arith.constant 0 : i32
    return %arg0, %c0_i32 : i32, i32
  }
  func.func @transform_2(%arg0: i32) -> (i32, i32) {
    %c0_i32 = arith.constant 0 : i32
    %c0_i32_0 = arith.constant 0 : i32
    return %arg0, %c0_i32 : i32, i32
  }
  func.func @transform_3(%arg0: i32) -> (i32, i32) {
    %c0_i32 = arith.constant 0 : i32
    %c0_i32_0 = arith.constant 0 : i32
    %c0_i32_1 = arith.constant 0 : i32
    return %c0_i32, %c0_i32_0 : i32, i32
  }
  func.func @transform_4(%arg0: i32) -> (i32, i32) {
    %c0_i32 = arith.constant 0 : i32
    %c0_i32_0 = arith.constant 0 : i32
    %c0_i32_1 = arith.constant 0 : i32
    return %c0_i32, %c0_i32_0 : i32, i32
  }
  func.func @transform_5(%arg0: i32) -> (i32, i32) {
    %c0_i32 = arith.constant 0 : i32
    %c0_i32_0 = arith.constant 0 : i32
    return %arg0, %c0_i32 : i32, i32
  }
}

module attributes {stable_mosaic.version = 14 : i64} {
  func.func @_tc_head_body(%arg0: i32, %arg1: memref<1000x128xf32, #tpu.memory_space<vmem>>, %arg2: memref<1000x128xf32, #tpu.memory_space<vmem>>, %arg3: memref<1000x128xf32, #tpu.memory_space<vmem>>, %arg4: memref<1000x128xf32, #tpu.memory_space<vmem>>, %arg5: memref<1000x128xf32, #tpu.memory_space<vmem>>, %arg6: memref<1000x128xf32, #tpu.memory_space<vmem>>, %arg7: memref<1x128xf32, #tpu.memory_space<vmem>>, %arg8: memref<256x512xf32, #tpu.memory_space<vmem>>, %arg9: memref<1x512xf32, #tpu.memory_space<vmem>>, %arg10: memref<512x256xf32, #tpu.memory_space<vmem>>, %arg11: memref<1x256xf32, #tpu.memory_space<vmem>>, %arg12: memref<256x1xf32, #tpu.memory_space<vmem>>, %arg13: memref<1x1xf32, #tpu.memory_space<vmem>>, %arg14: memref<1000x1xf32, #tpu.memory_space<vmem>>) attributes {dimension_semantics = [#tpu.dimension_semantics<arbitrary>], iteration_bounds = array<i64: 5>, scalar_prefetch = 0 : i64, scratch_operands = 0 : i64, tpu.core_type = #tpu.core_type<tc>, window_params = [{transform_indices = @transform_0, window_bounds = array<i64: 1000, 128>}, {transform_indices = @transform_1, window_bounds = array<i64: 1000, 128>}, {transform_indices = @transform_2, window_bounds = array<i64: 1000, 128>}, {transform_indices = @transform_3, window_bounds = array<i64: 1000, 128>}, {transform_indices = @transform_4, window_bounds = array<i64: 1000, 128>}, {transform_indices = @transform_5, window_bounds = array<i64: 1000, 128>}, {pipeline_mode = #tpu.pipeline_mode<synchronous>, transform_indices = @transform_6, window_bounds = array<i64: 1, 128>}, {pipeline_mode = #tpu.pipeline_mode<synchronous>, transform_indices = @transform_7, window_bounds = array<i64: 256, 512>}, {pipeline_mode = #tpu.pipeline_mode<synchronous>, transform_indices = @transform_8, window_bounds = array<i64: 1, 512>}, {pipeline_mode = #tpu.pipeline_mode<synchronous>, transform_indices = @transform_9, window_bounds = array<i64: 512, 256>}, {pipeline_mode = #tpu.pipeline_mode<synchronous>, transform_indices = @transform_10, window_bounds = array<i64: 1, 256>}, {pipeline_mode = #tpu.pipeline_mode<synchronous>, transform_indices = @transform_11, window_bounds = array<i64: 256, 1>}, {pipeline_mode = #tpu.pipeline_mode<synchronous>, transform_indices = @transform_12, window_bounds = array<i64: 1, 1>}, {transform_indices = @transform_13, window_bounds = array<i64: 1000, 1>}]} {
    %get3A = arith.constant 0 : index
    %get3A_0 = arith.constant 0 : index
    %get3A_1 = vector.load %arg3[%get3A, %get3A_0] : memref<1000x128xf32, #tpu.memory_space<vmem>>, vector<1000x128xf32>
    %slice3A = vector.extract_strided_slice %get3A_1 {offsets = [0, 0], sizes = [1000, 1], strides = [1, 1]} : vector<1000x128xf32> to vector<1000x1xf32>
    %add3A = arith.constant 1.000000e+00 : f32
    %add3A_2 = vector.broadcast %add3A : f32 to vector<1000x1xf32>
    %add3A_3 = arith.addf %slice3A, %add3A_2 : vector<1000x1xf32>
    %rsqrt3A = math.rsqrt %add3A_3 : vector<1000x1xf32>
    %get3A_4 = arith.constant 0 : index
    %get3A_5 = arith.constant 0 : index
    %get3A_6 = vector.load %arg6[%get3A_4, %get3A_5] : memref<1000x128xf32, #tpu.memory_space<vmem>>, vector<1000x128xf32>
    %slice3A_7 = vector.extract_strided_slice %get3A_6 {offsets = [0, 0], sizes = [1000, 1], strides = [1, 1]} : vector<1000x128xf32> to vector<1000x1xf32>
    %add3A_8 = arith.constant 1.000000e+00 : f32
    %add3A_9 = vector.broadcast %add3A_8 : f32 to vector<1000x1xf32>
    %add3A_10 = arith.addf %slice3A_7, %add3A_9 : vector<1000x1xf32>
    %rsqrt3A_11 = math.rsqrt %add3A_10 : vector<1000x1xf32>
    %get3A_12 = arith.constant 0 : index
    %get3A_13 = arith.constant 0 : index
    %get3A_14 = vector.load %arg1[%get3A_12, %get3A_13] : memref<1000x128xf32, #tpu.memory_space<vmem>>, vector<1000x128xf32>
    %get3A_15 = arith.constant 0 : index
    %get3A_16 = arith.constant 0 : index
    %get3A_17 = vector.load %arg2[%get3A_15, %get3A_16] : memref<1000x128xf32, #tpu.memory_space<vmem>>, vector<1000x128xf32>
    %add3A_18 = arith.addf %get3A_14, %get3A_17 : vector<1000x128xf32>
    %mul3A = vector.broadcast %rsqrt3A : vector<1000x1xf32> to vector<1000x128xf32>
    %mul3A_19 = arith.mulf %mul3A, %add3A_18 : vector<1000x128xf32>
    %get3A_20 = arith.constant 0 : index
    %get3A_21 = arith.constant 0 : index
    %get3A_22 = vector.load %arg7[%get3A_20, %get3A_21] : memref<1x128xf32, #tpu.memory_space<vmem>>, vector<1x128xf32>
    %add3A_23 = vector.broadcast %get3A_22 : vector<1x128xf32> to vector<1000x128xf32>
    %add3A_24 = arith.addf %mul3A_19, %add3A_23 : vector<1000x128xf32>
    %get3A_25 = arith.constant 0 : index
    %get3A_26 = arith.constant 0 : index
    %get3A_27 = vector.load %arg4[%get3A_25, %get3A_26] : memref<1000x128xf32, #tpu.memory_space<vmem>>, vector<1000x128xf32>
    %get3A_28 = arith.constant 0 : index
    %get3A_29 = arith.constant 0 : index
    %get3A_30 = vector.load %arg5[%get3A_28, %get3A_29] : memref<1000x128xf32, #tpu.memory_space<vmem>>, vector<1000x128xf32>
    %add3A_31 = arith.addf %get3A_27, %get3A_30 : vector<1000x128xf32>
    %mul3A_32 = vector.broadcast %rsqrt3A_11 : vector<1000x1xf32> to vector<1000x128xf32>
    %mul3A_33 = arith.mulf %mul3A_32, %add3A_31 : vector<1000x128xf32>
    %get3A_34 = arith.constant 0 : index
    %get3A_35 = arith.constant 0 : index
    %get3A_36 = vector.load %arg7[%get3A_34, %get3A_35] : memref<1x128xf32, #tpu.memory_space<vmem>>, vector<1x128xf32>
    %add3A_37 = vector.broadcast %get3A_36 : vector<1x128xf32> to vector<1000x128xf32>
    %add3A_38 = arith.addf %mul3A_33, %add3A_37 : vector<1000x128xf32>
    %concatenate3A = tpu.concatenate %add3A_24, %add3A_38 in 1 : vector<1000x128xf32>, vector<1000x128xf32> -> vector<1000x256xf32>
    %get3A_39 = arith.constant 0 : index
    %get3A_40 = arith.constant 0 : index
    %get3A_41 = vector.load %arg8[%get3A_39, %get3A_40] : memref<256x512xf32, #tpu.memory_space<vmem>>, vector<256x512xf32>
    %dot_general3A = arith.constant dense<0.000000e+00> : vector<1000x512xf32>
    %dot_general3A_42 = tpu.matmul %concatenate3A, %get3A_41, %dot_general3A {dimension_numbers = #tpu.dot_dimension_numbers<[1], [0], [0], [1], [0, 0, 1, 1], [], []>, transpose_lhs_hint = false} : vector<1000x256xf32>, vector<256x512xf32>, vector<1000x512xf32> -> vector<1000x512xf32>
    %get3A_43 = arith.constant 0 : index
    %get3A_44 = arith.constant 0 : index
    %get3A_45 = vector.load %arg9[%get3A_43, %get3A_44] : memref<1x512xf32, #tpu.memory_space<vmem>>, vector<1x512xf32>
    %add3A_46 = vector.broadcast %get3A_45 : vector<1x512xf32> to vector<1000x512xf32>
    %add3A_47 = arith.addf %dot_general3A_42, %add3A_46 : vector<1000x512xf32>
    %max3A = arith.constant 0.000000e+00 : f32
    %max3A_48 = vector.broadcast %max3A : f32 to vector<1000x512xf32>
    %max3A_49 = arith.maximumf %add3A_47, %max3A_48 : vector<1000x512xf32>
    %get3A_50 = arith.constant 0 : index
    %get3A_51 = arith.constant 0 : index
    %get3A_52 = vector.load %arg10[%get3A_50, %get3A_51] : memref<512x256xf32, #tpu.memory_space<vmem>>, vector<512x256xf32>
    %dot_general3A_53 = arith.constant dense<0.000000e+00> : vector<1000x256xf32>
    %dot_general3A_54 = tpu.matmul %max3A_49, %get3A_52, %dot_general3A_53 {dimension_numbers = #tpu.dot_dimension_numbers<[1], [0], [0], [1], [0, 0, 1, 1], [], []>, transpose_lhs_hint = false} : vector<1000x512xf32>, vector<512x256xf32>, vector<1000x256xf32> -> vector<1000x256xf32>
    %get3A_55 = arith.constant 0 : index
    %get3A_56 = arith.constant 0 : index
    %get3A_57 = vector.load %arg11[%get3A_55, %get3A_56] : memref<1x256xf32, #tpu.memory_space<vmem>>, vector<1x256xf32>
    %add3A_58 = vector.broadcast %get3A_57 : vector<1x256xf32> to vector<1000x256xf32>
    %add3A_59 = arith.addf %dot_general3A_54, %add3A_58 : vector<1000x256xf32>
    %max3A_60 = arith.constant 0.000000e+00 : f32
    %max3A_61 = vector.broadcast %max3A_60 : f32 to vector<1000x256xf32>
    %max3A_62 = arith.maximumf %add3A_59, %max3A_61 : vector<1000x256xf32>
    %get3A_63 = arith.constant 0 : index
    %get3A_64 = arith.constant 0 : index
    %get3A_65 = vector.load %arg12[%get3A_63, %get3A_64] : memref<256x1xf32, #tpu.memory_space<vmem>>, vector<256x1xf32>
    %dot_general3A_66 = arith.constant dense<0.000000e+00> : vector<1000x1xf32>
    %dot_general3A_67 = tpu.matmul %max3A_62, %get3A_65, %dot_general3A_66 {dimension_numbers = #tpu.dot_dimension_numbers<[1], [0], [0], [1], [0, 0, 1, 1], [], []>, transpose_lhs_hint = false} : vector<1000x256xf32>, vector<256x1xf32>, vector<1000x1xf32> -> vector<1000x1xf32>
    %get3A_68 = arith.constant 0 : index
    %get3A_69 = arith.constant 0 : index
    %get3A_70 = vector.load %arg13[%get3A_68, %get3A_69] : memref<1x1xf32, #tpu.memory_space<vmem>>, vector<1x1xf32>
    %add3A_71 = vector.broadcast %get3A_70 : vector<1x1xf32> to vector<1000x1xf32>
    %add3A_72 = arith.addf %dot_general3A_67, %add3A_71 : vector<1000x1xf32>
    %neg3A = arith.constant 0.000000e+00 : f32
    %neg3A_73 = vector.broadcast %neg3A : f32 to vector<1000x1xf32>
    %neg3A_74 = arith.subf %neg3A_73, %add3A_72 : vector<1000x1xf32>
    %exp3A = math.exp %neg3A_74 : vector<1000x1xf32>
    %add3A_75 = arith.constant 1.000000e+00 : f32
    %add3A_76 = vector.broadcast %add3A_75 : f32 to vector<1000x1xf32>
    %add3A_77 = arith.addf %add3A_76, %exp3A : vector<1000x1xf32>
    %div3A = arith.constant 1.000000e+00 : f32
    %div3A_78 = vector.broadcast %div3A : f32 to vector<1000x1xf32>
    %div3A_79 = arith.divf %div3A_78, %add3A_77 : vector<1000x1xf32>
    %swap3A = arith.constant 0 : index
    %swap3A_80 = arith.constant 0 : index
    %swap3A_81 = vector.load %arg14[%swap3A, %swap3A_80] : memref<1000x1xf32, #tpu.memory_space<vmem>>, vector<1000x1xf32>
    tpu.vector_store %arg14[%swap3A, %swap3A_80], %div3A_79 {strides = array<i32>} : memref<1000x1xf32, #tpu.memory_space<vmem>>, vector<1000x1xf32>,
    return
  }
  func.func @transform_0(%arg0: i32) -> (i32, i32) {
    %c0_i32 = arith.constant 0 : i32
    %c0_i32_0 = arith.constant 0 : i32
    return %arg0, %c0_i32 : i32, i32
  }
  func.func @transform_1(%arg0: i32) -> (i32, i32) {
    %c0_i32 = arith.constant 0 : i32
    %c0_i32_0 = arith.constant 0 : i32
    return %arg0, %c0_i32 : i32, i32
  }
  func.func @transform_2(%arg0: i32) -> (i32, i32) {
    %c0_i32 = arith.constant 0 : i32
    %c0_i32_0 = arith.constant 0 : i32
    return %arg0, %c0_i32 : i32, i32
  }
  func.func @transform_3(%arg0: i32) -> (i32, i32) {
    %add3A = arith.constant 5 : i32
    %add3A_0 = arith.addi %arg0, %add3A : i32
    %c0_i32 = arith.constant 0 : i32
    %c0_i32_1 = arith.constant 0 : i32
    return %add3A_0, %c0_i32 : i32, i32
  }
  func.func @transform_4(%arg0: i32) -> (i32, i32) {
    %add3A = arith.constant 5 : i32
    %add3A_0 = arith.addi %arg0, %add3A : i32
    %c0_i32 = arith.constant 0 : i32
    %c0_i32_1 = arith.constant 0 : i32
    return %add3A_0, %c0_i32 : i32, i32
  }
  func.func @transform_5(%arg0: i32) -> (i32, i32) {
    %add3A = arith.constant 5 : i32
    %add3A_0 = arith.addi %arg0, %add3A : i32
    %c0_i32 = arith.constant 0 : i32
    %c0_i32_1 = arith.constant 0 : i32
    return %add3A_0, %c0_i32 : i32, i32
  }
  func.func @transform_6(%arg0: i32) -> (i32, i32) {
    %c0_i32 = arith.constant 0 : i32
    %c0_i32_0 = arith.constant 0 : i32
    %c0_i32_1 = arith.constant 0 : i32
    return %c0_i32, %c0_i32_0 : i32, i32
  }
  func.func @transform_7(%arg0: i32) -> (i32, i32) {
    %c0_i32 = arith.constant 0 : i32
    %c0_i32_0 = arith.constant 0 : i32
    %c0_i32_1 = arith.constant 0 : i32
    return %c0_i32, %c0_i32_0 : i32, i32
  }
  func.func @transform_8(%arg0: i32) -> (i32, i32) {
    %c0_i32 = arith.constant 0 : i32
    %c0_i32_0 = arith.constant 0 : i32
    %c0_i32_1 = arith.constant 0 : i32
    return %c0_i32, %c0_i32_0 : i32, i32
  }
  func.func @transform_9(%arg0: i32) -> (i32, i32) {
    %c0_i32 = arith.constant 0 : i32
    %c0_i32_0 = arith.constant 0 : i32
    %c0_i32_1 = arith.constant 0 : i32
    return %c0_i32, %c0_i32_0 : i32, i32
  }
  func.func @transform_10(%arg0: i32) -> (i32, i32) {
    %c0_i32 = arith.constant 0 : i32
    %c0_i32_0 = arith.constant 0 : i32
    %c0_i32_1 = arith.constant 0 : i32
    return %c0_i32, %c0_i32_0 : i32, i32
  }
  func.func @transform_11(%arg0: i32) -> (i32, i32) {
    %c0_i32 = arith.constant 0 : i32
    %c0_i32_0 = arith.constant 0 : i32
    %c0_i32_1 = arith.constant 0 : i32
    return %c0_i32, %c0_i32_0 : i32, i32
  }
  func.func @transform_12(%arg0: i32) -> (i32, i32) {
    %c0_i32 = arith.constant 0 : i32
    %c0_i32_0 = arith.constant 0 : i32
    %c0_i32_1 = arith.constant 0 : i32
    return %c0_i32, %c0_i32_0 : i32, i32
  }
  func.func @transform_13(%arg0: i32) -> (i32, i32) {
    %c0_i32 = arith.constant 0 : i32
    %c0_i32_0 = arith.constant 0 : i32
    return %arg0, %c0_i32 : i32, i32
  }
}

module attributes {stable_mosaic.version = 14 : i64} {
  func.func @_tc_first_body(%arg0: i32, %arg1: memref<256x128xf32, #tpu.memory_space<vmem>>, %arg2: memref<128x128xf32, #tpu.memory_space<vmem>>, %arg3: memref<256x128xf32, #tpu.memory_space<vmem>>, %arg4: memref<256x128xf32, #tpu.memory_space<vmem>>) attributes {dimension_semantics = [#tpu.dimension_semantics<arbitrary>], iteration_bounds = array<i64: 40>, scalar_prefetch = 0 : i64, scratch_operands = 0 : i64, tpu.core_type = #tpu.core_type<tc>, window_params = [{transform_indices = @transform_0, window_bounds = array<i64: 256, 128>}, {pipeline_mode = #tpu.pipeline_mode<synchronous>, transform_indices = @transform_1, window_bounds = array<i64: 128, 128>}, {transform_indices = @transform_2, window_bounds = array<i64: 256, 128>}, {transform_indices = @transform_3, window_bounds = array<i64: 256, 128>}]} {
    %get3A = arith.constant 0 : index
    %get3A_0 = arith.constant 0 : index
    %get3A_1 = vector.load %arg3[%get3A, %get3A_0] : memref<256x128xf32, #tpu.memory_space<vmem>>, vector<256x128xf32>
    %slice3A = vector.extract_strided_slice %get3A_1 {offsets = [0, 0], sizes = [256, 1], strides = [1, 1]} : vector<256x128xf32> to vector<256x1xf32>
    %add3A = arith.constant 1.000000e+00 : f32
    %add3A_2 = vector.broadcast %add3A : f32 to vector<256x1xf32>
    %add3A_3 = arith.addf %slice3A, %add3A_2 : vector<256x1xf32>
    %rsqrt3A = math.rsqrt %add3A_3 : vector<256x1xf32>
    %get3A_4 = arith.constant 0 : index
    %get3A_5 = arith.constant 0 : index
    %get3A_6 = vector.load %arg1[%get3A_4, %get3A_5] : memref<256x128xf32, #tpu.memory_space<vmem>>, vector<256x128xf32>
    %get3A_7 = arith.constant 0 : index
    %get3A_8 = arith.constant 0 : index
    %get3A_9 = vector.load %arg2[%get3A_7, %get3A_8] : memref<128x128xf32, #tpu.memory_space<vmem>>, vector<128x128xf32>
    %dot_general3A = arith.constant dense<0.000000e+00> : vector<256x128xf32>
    %dot_general3A_10 = tpu.matmul %get3A_6, %get3A_9, %dot_general3A {dimension_numbers = #tpu.dot_dimension_numbers<[1], [0], [0], [1], [0, 0, 1, 1], [], []>, transpose_lhs_hint = false} : vector<256x128xf32>, vector<128x128xf32>, vector<256x128xf32> -> vector<256x128xf32>
    %mul3A = vector.broadcast %rsqrt3A : vector<256x1xf32> to vector<256x128xf32>
    %mul3A_11 = arith.mulf %dot_general3A_10, %mul3A : vector<256x128xf32>
    %swap3A = arith.constant 0 : index
    %swap3A_12 = arith.constant 0 : index
    %swap3A_13 = vector.load %arg4[%swap3A, %swap3A_12] : memref<256x128xf32, #tpu.memory_space<vmem>>, vector<256x128xf32>
    tpu.vector_store %arg4[%swap3A, %swap3A_12], %mul3A_11 {strides = array<i32>} : memref<256x128xf32, #tpu.memory_space<vmem>>, vector<256x128xf32>,
    return
  }
  func.func @transform_0(%arg0: i32) -> (i32, i32) {
    %c0_i32 = arith.constant 0 : i32
    %c0_i32_0 = arith.constant 0 : i32
    return %arg0, %c0_i32 : i32, i32
  }
  func.func @transform_1(%arg0: i32) -> (i32, i32) {
    %c0_i32 = arith.constant 0 : i32
    %c0_i32_0 = arith.constant 0 : i32
    %c0_i32_1 = arith.constant 0 : i32
    return %c0_i32, %c0_i32_0 : i32, i32
  }
  func.func @transform_2(%arg0: i32) -> (i32, i32) {
    %c0_i32 = arith.constant 0 : i32
    %c0_i32_0 = arith.constant 0 : i32
    return %arg0, %c0_i32 : i32, i32
  }
  func.func @transform_3(%arg0: i32) -> (i32, i32) {
    %c0_i32 = arith.constant 0 : i32
    %c0_i32_0 = arith.constant 0 : i32
    return %arg0, %c0_i32 : i32, i32
  }
}

</mosaic_0001>

<sc_bundles>
// kernel: kernel.11.cloned.1.call-start
scs
__scs_entry_jumppad:
0x0: {  	(pc) =	sbr.rel $0x88, $3  }
0x1: {  	(tag) =	ssettag $0x0;
	lr =	simm.s32 $0x1  }
0x2: {  	[smem:$0x3F91] =	sst lr;
	_ =	strace $0xD0000000  }
0x3: {  	_ = 	snop  }
0x4: {  	_ = 	snop  }
0x5: {  	_ = 	snop  }
0x6: {  	_ = 	snop  }
0x7: {  	_ = 	snop  }
__scs_overlays_trampoline_lowered:
0x8: {  	[smem:$0x3FA0] =	sst s0  }
0x9: {  	[smem:$0x3FA1] =	sst s1  }
0xa: {  	[smem:$0x3FA2] =	sst s2  }
0xb: {  	[smem:$0x3FA3] =	sst s3  }
0xc: {  	[smem:$0x3FA4] =	sst s4  }
0xd: {  	[smem:$0x3FA5] =	sst s5  }
0xe: {  	[smem:$0x3FA6] =	sst s6  }
0xf: {  	[smem:$0x3FA7] =	sst s7  }
0x10: {  	[smem:$0x3FA8] =	sst s8  }
0x11: {  	[smem:$0x3FA9] =	sst s9;
	s0 =	simm.s32 @!p0 $0x0  }
0x12: {  	s1 =	sld [smem:$0x3F8F];
	s0 =	simm.s32 @p0 $0x1  }
0x13: {  	[smem:$0x3FAA] =	sst s0;
	s0 =	simm.s32 @!p1 $0x0  }
0x14: {  	s2 =	sld [smem:$0x3F8E];
	s0 =	simm.s32 @p1 $0x1  }
0x15: {  	[smem:$0x3FAB] =	sst s0;
	s0 =	simm.s32 @!p2 $0x0  }
0x16: {  	s3 =	sld [smem:$0x3FDB];
	s0 =	simm.s32 @p2 $0x1  }
0x17: {  	s4 =	simm.s32 $0x1BF5;
	[smem:$0x3FAD] =	sst s0  }
0x18: {  	s0 =	sld [smem:$0x3F90];
	_ =	swait.ge [sflag:s4], $0x0  }
0x19: {  	s7 =	sld [smem:$0x3F91]  }
0x1a: {  	s8 =	sadd.s32 $0xFFFFE003, lr  }
0x1b: {  	s9 =	sadd.s32 $0xFFFFFEF7, lr;
	s5 =	simm.s32 $0xFFFFFFFF;
	p2 =	slt.u32 s8, $0xFFFFF086  }
0x1c: {  	p1 =	slt.u32 s9, $0xF7A;
	s5 =	simm.s32 @!p2 $0x0  }
0x1d: {  	s5 =	simm.s32 @p1 $0x1;
	p0 =	seq.s32 s7, s2  }
0x1e: {  	s7 =	smul.u32 @!p0 $0xF7A, s2;
	p2 =	seq.s32 @!p0 s5, $0x0  }
0x1f: {  	s9 =	smul.u32 $0xF7A, s1;
	s8 =	simm.s32 @!p0 $0x1BF5;
	p2 =	por !p2, p0  }
0x20: {  	[sflag:s8] =	ssyncset.s32 @!p0 $0xFFFFF086;
	s6 =	sadd.s32 @!p0 s3, s7;
	s7 =	simm.s32 @!p0 $0x108  }
0x21: {  	s3 =	sadd.s32 s3, s9;
	s6 =	sadd.s32 @!p0 $0x88, s6;
	s7 =	simm.s32 @p2 $0x1082  }
0x22: {  	[simem:s7], [sflag:s8] =	dma.local @!p0 [hbm:s6], $0xF7A  }
0x23: {  	s9 =	sor.u32 $0xD0000000, s2;
	s6 =	simm.s32 $0x108;
	_ =	swait.ge @!p0 [sflag:s8], $0x0  }
0x24: {  	s3 =	sadd.s32 $0x88, s3;
	s6 =	simm.s32 @!p1 $0x1082;
	[sflag:s4] =	ssyncset.s32 $0xFFFFF086  }
0x25: {  	[simem:s6], [sflag:s4] =	dma.local [hbm:s3], $0xF7A  }
0x26: {  	[smem:$0x3F91] =	sst s1;
	(tag) =	ssettag s2;
	_ =	strace s9  }
0x27: {  	s1 =	sld [smem:$0x3FA1]  }
0x28: {  	s2 =	sld [smem:$0x3FA2]  }
0x29: {  	s4 =	sld [smem:$0x3FA4]  }
0x2a: {  	p0 =	seq.s32 s5, $0x0;
	s5 =	sld [smem:$0x3FA5]  }
0x2b: {  	s6 =	sld [smem:$0x3FA6]  }
0x2c: {  	s7 =	sld [smem:$0x3FA7]  }
0x2d: {  	s3 =	simm.s32 $0x108;
	s8 =	sld [smem:$0x3FA8]  }
0x2e: {  	s3 =	simm.s32 @!p0 $0x1082;
	s9 =	sld [smem:$0x3FA9]  }
0x2f: {  	lr =	sadd.s32 s0, s3;
	s0 =	sld [smem:$0x3FA0]  }
0x30: {  	s3 =	sld [smem:$0x3FA3]  }
0x31: {  	[smem:$0x3FAC] =	sst s10  }
0x32: {  	s10 =	sld [smem:$0x3FAA];
	_ =	sdelay $0x3  }
0x33: {  	p0 =	seq.s32 s10, $0x1;
	s10 =	sld [smem:$0x3FAC];
	_ =	sdelay $0x3  }
0x34: {  	[smem:$0x3FAC] =	sst s10  }
0x35: {  	s10 =	sld [smem:$0x3FAB];
	_ =	sdelay $0x3  }
0x36: {  	p1 =	seq.s32 s10, $0x1;
	s10 =	sld [smem:$0x3FAC];
	_ =	sdelay $0x3  }
0x37: {  	[smem:$0x3FAC] =	sst s10  }
0x38: {  	s10 =	sld [smem:$0x3FAD]  }
0x39: {  	_ = 	snop;
	(pc) =	sbr.ind lr, $3  }
0x3a: {  	_ = 	snop  }
0x3b: {  	_ = 	snop  }
0x3c: {  	p2 =	seq.s32 s10, $0x1;
	s10 =	sld [smem:$0x3FAC]  }
0x3d: {  	_ =	shalt  }
0x3e: {  	_ =	shalt  }
0x3f: {  	_ =	shalt  }
0x40: {  	_ =	shalt  }
0x41: {  	_ =	shalt  }
0x42: {  	_ =	shalt  }
0x43: {  	_ =	shalt  }
0x44: {  	_ =	shalt  }
0x45: {  	_ =	shalt  }
0x46: {  	_ =	shalt  }
0x47: {  	_ =	shalt  }
0x48: {  	_ =	shalt  }
0x49: {  	_ =	shalt  }
0x4a: {  	_ =	shalt  }
0x4b: {  	_ =	shalt  }
0x4c: {  	_ =	shalt  }
0x4d: {  	_ =	shalt  }
0x4e: {  	_ =	shalt  }
0x4f: {  	_ =	shalt  }
0x50: {  	_ =	shalt  }
0x51: {  	_ =	shalt  }
0x52: {  	_ =	shalt  }
0x53: {  	_ =	shalt  }
0x54: {  	_ =	shalt  }
0x55: {  	_ =	shalt  }
0x56: {  	_ =	shalt  }
0x57: {  	_ =	shalt  }
0x58: {  	_ =	shalt  }
0x59: {  	_ =	shalt  }
0x5a: {  	_ =	shalt  }
0x5b: {  	_ =	shalt  }
0x5c: {  	_ =	shalt  }
0x5d: {  	_ =	shalt  }
0x5e: {  	_ =	shalt  }
0x5f: {  	_ =	shalt  }
0x60: {  	_ =	shalt  }
0x61: {  	_ =	shalt  }
0x62: {  	_ =	shalt  }
0x63: {  	_ =	shalt  }
0x64: {  	_ =	shalt  }
0x65: {  	_ =	shalt  }
0x66: {  	_ =	shalt  }
0x67: {  	_ =	shalt  }
0x68: {  	_ =	shalt  }
0x69: {  	_ =	shalt  }
0x6a: {  	_ =	shalt  }
0x6b: {  	_ =	shalt  }
0x6c: {  	_ =	shalt  }
0x6d: {  	_ =	shalt  }
0x6e: {  	_ =	shalt  }
0x6f: {  	_ =	shalt  }
0x70: {  	_ =	shalt  }
0x71: {  	_ =	shalt  }
0x72: {  	_ =	shalt  }
0x73: {  	_ =	shalt  }
0x74: {  	_ =	shalt  }
0x75: {  	_ =	shalt  }
0x76: {  	_ =	shalt  }
0x77: {  	_ =	shalt  }
0x78: {  	_ =	shalt  }
0x79: {  	_ =	shalt  }
0x7a: {  	_ =	shalt  }
0x7b: {  	_ =	shalt  }
0x7c: {  	_ =	shalt  }
0x7d: {  	_ =	shalt  }
0x7e: {  	_ =	shalt  }
0x7f: {  	_ =	shalt  }
0x80: {  	_ =	shalt  }
0x81: {  	_ =	shalt  }
0x82: {  	_ =	shalt  }
0x83: {  	_ =	shalt  }
0x84: {  	_ =	shalt  }
0x85: {  	_ =	shalt  }
0x86: {  	_ =	shalt  }
0x87: {  	_ =	shalt  }
.Lfunc_end0:
.L_simem_size_0:
called_computation_lowered:
.L_overlay_start_0:
0x88: {  	s2 =	sld [smem:$0x3FD9]  }
0x89: {  	s3 =	sld [smem:$0x3FFE];
	_ =	sdelay $0x1  }
0x8a: {  	s1 =	srdreg.scid  }
0x8b: {  	s0 =	sand.u32 $0x1, s1  }
0x8c: {  	s17 =	sshll.u32 s0, $0xA;
	s2 =	sadd.s32 s3, s2  }
0x8d: {  	s2 =	sadd.s32 s2, s17  }
0x8e: {  	[smem:$0x3FB8] =	sst s2  }
0x8f: {  	_ = 	snop  }
0x90: {  	s2 =	sld [smem:$0x3FC6];
	(tm) =	ssettm $0x1  }
0x91: {  	s18 =	sld [smem:$0x3FFB];
	_ =	sdelay $0x3  }
0x92: {  	_ =	strace s18  }
0x93: {  	s3 =	sld [smem:$0x3FFC];
	_ =	sdelay $0x3  }
0x94: {  	_ =	strace s3  }
0x95: {  	s3 =	sld [smem:$0x3FFD];
	_ =	sdelay $0x3  }
0x96: {  	_ =	strace s3  }
0x97: {  	_ =	strace $0x8FFFFFFF  }
0x98: {  	s19 =	sld [smem:$0x3FDB];
	_ =	sdelay $0x1  }
0x99: {  	s4 =	simm.s32 $_scs_section_size  }
0x9a: {  	s5 =	simm.s32 $_size__tile_overlayer_lowered;
	s6 =	simm.s32 $_tile_overlayer_lowered  }
0x9b: {  	s22 =	simm.s32 $0x1BFF;
	s21 =	sshll.u32 s6, $0x1;
	s3 =	sadd.s32 s4, s19  }
0x9c: {  	s7 =	simm.s32 $0x0;
	s20 =	sshll.u32 s5, $0x1;
	s5 =	sadd.s32 s21, s3  }
0x9d: {  	[timem:s7], [sflag:s22] =	dma.local [hbm:s5], s20  }
0x9e: {  	_ =	swait.ge [sflag:s22], s20  }
0x9f: {  	s4 =	ssub.s32 $0x0, s20;
	[sflag:s22] =	ssyncset.done $0x0  }
0xa0: {  	[sflag:s22] =	ssyncadd.s32 s4;
	_ =	sdelay $0x1  }
0xa1: {  	s23 =	simm.s32 $0x1B8B  }
0xa2: {  	_ =	swait.ge [sflag:s23], $0x1  }
0xa3: {  	[sflag:s23] =	ssyncset.done $0x0  }
0xa4: {  	s25 =	simm.s32 $0x1B8E;
	s24 =	sld [smem:$0x3FFE];
	[sflag:s23] =	ssyncadd.s32 $0xFFFFFFFF  }
0xa5: {  	s26 =	simm.s32 $execute0_lowered;
	[smem:$0x3FD2] =	sst s25  }
0xa6: {  	s5 =	sshll.u32 s26, $0x1;
	_ =	strace $0x80000046;
	[dreg:$0x1] =	wrdreg $0xFFFFFFFF  }
0xa7: {  	s28 =	simm.s32 $_size_execute0_lowered;
	s3 =	sadd.s32 s3, s5;
	[dreg:$0x0] =	wrdreg $0x0  }
0xa8: {  	s5 =	sshll.u32 s28, $0x1;
	[dreg:$0x2] =	wrdreg s3  }
0xa9: {  	[dreg:$0x3] =	wrdreg s5  }
0xaa: {  	[dreg:$0x4] =	wrdreg $0xC0  }
0xab: {  	_ =	task [dreg:s7], $0x5FFFF  }
0xac: {  	[dreg:$0x1] =	wrdreg $0xFFFFFFFF  }
0xad: {  	[dreg:$0x0] =	wrdreg $0x60  }
0xae: {  	[dreg:$0x2] =	wrdreg s24  }
0xaf: {  	[dreg:$0x3] =	wrdreg s2  }
0xb0: {  	[dreg:$0x4] =	wrdreg $0x9  }
0xb1: {  	_ =	task.clear_ibuf [dreg:s7], $0x5FFFF;
	_ =	strace $0x90000046  }
0xb2: {  	s29 =	simm.s32 $0x9;
	_ =	strace $0x80000048  }
0xb3: {  	_ =	swait.ge [sflag:s29], $0x1  }
0xb4: {  	[sflag:s29] =	ssyncadd.s32 $0xFFFFFFFF  }
0xb5: {  	_ =	strace $0x90000048  }
0xb6: {  	_ =	sfence  }
0xb7: {  	s30 =	sld [smem:$0x0];
	_ =	sdelay $0x2  }
0xb8: {  	s31 =	sshll.u32 s1, $0xD;
	s1 =	sshrl.u32 s1, $0x2  }
0xb9: {  	s3 =	sand.u32 $0x4000, s31;
	s1 =	sadd.s32 s1, s30  }
0xba: {  	s0 =	sor.u32 s3, s0;
	s1 =	sshll.u32 s1, $0x11  }
0xbb: {  	s0 =	sor.u32 s1, s0  }
0xbc: {  	s0 =	sadd.s32 $0x8F2B, s0  }
0xbd: {  	[sflag:s0] =	ssyncadd.remote.s32 $0x1  }
0xbe: {  	_ =	sfence.sel $0xFFFF  }
0xbf: {  	[dreg:$0x0] =	wrdreg $0xFFFFFFFF;
	(pc) =	sbr.abs _section_cstart, $3  }
0xc0: {  	[dreg:$0x1] =	wrdreg $0xFFFFFFFF  }
0xc1: {  	_ =	task.clear_ibuf [dreg:s7], $0x2FFFF;
	_ =	strace $0x9FFFFFFF  }
0xc2: {  	(tm) =	ssettm $0x7FFFFFFF  }
0xc3: {  	_ =	shalt  }
tec
execute0_lowered:
.L_overlay_start_1:
0x0: {  	(tag) =	ssettag $0x1  }
0x1: {  	s0 =	rddreg [dreg:$0x0]  }
0x2: {  	s2 =	rddreg [dreg:$0x1]  }
0x3: {  	s1 =	srdreg.scid;
	s5 =	stileid.u32;
	s3 =	simm.s32 $0x0  }
0x4: {  	s18 =	simm.s32 $0x2;
	s19 =	simm.s32 $0x20;
	s20 =	simm.s32 $0x800  }
0x5: {  	s21 =	simm.s32 $0x1;
	s28 =	simm.s32 $0x300;
	s29 =	simm.s32 $0x380  }
0x6: {  	s30 =	simm.s32 $0x400;
	s31 =	simm.s32 $0x480;
	s1 =	sand.u32 $0x1, s1  }
0x7: {  	s4 =	sshll.u32 s5, $0x1;
	[smem:$0x7FF] =	sst s3;
	s5 =	smul.u32 $0x5000, s5  }
0x8: {  	s4 =	sor.u32 s1, s4;
	_ =	strace $0x80000047;
	s7 =	smul.u32 $0x50000, s1  }
0x9: {  	s26 =	ssub.s32 $0x2, s1;
	s1 =	smul.u32 $0xFFFFEC00, s1;
	s6 =	sshll.u32 s4, $0x8  }
0xa: {  	s8 =	sshrl.u32 s5, $0x3;
	s4 =	smul.u32 $0xA000, s4;
	s9 =	sshrl.u32 s26, $0x1  }
0xb: {  	s6 =	sadd.s32 s6, s0;
	s8 =	sadd.s32 s8, s0;
	s5 =	sadd.s32 s5, s7  }
0xc: {  	s7 =	ssub.s32 s26, s9;
	v0 =	vmov s1;
	s1 =	simm.s32 $0x0;
	s4 =	sshrl.u32 s4, $0x3  }
0xd: {  	s5 =	sshrl.u32 s5, $0x3;
	s7 =	smax.u32 s7, $0x1;
	s17 =	sadd.s32 s4, s0  }
0xe: {  	s0 =	sadd.s32 s5, s0;
	s4 =	sadd.s32 $0xEE00, s6;
	s5 =	sadd.s32 $0x4E00, s8  }
0xf: {  	s6 =	sadd.s32 $0x38E00, s0;
	s8 =	sadd.s32 $0x10E00, s17;
	s9 =	sadd.s32 $0x11000, s17  }
0x10: {  	s10 =	sadd.s32 $0x11200, s17;
	s11 =	sadd.s32 $0x11400, s17;
	s12 =	sadd.s32 $0x11600, s17  }
0x11: {  	s13 =	sadd.s32 $0x11800, s17;
	s14 =	sadd.s32 $0x11A00, s17;
	s15 =	sadd.s32 $0x11C00, s17  }
0x12: {  	s16 =	sadd.s32 $0x11E00, s17;
	s17 =	sadd.s32 $0x12000, s17;
	s0 =	simm.s32 $0x1800  }
.LBB2_1:
0x13: {  	[tilespmem:s3], [sflag:$0x2] =	stream.linear.gather [hbm4b:s4+s3], $0x500, $0x38;
	[tilespmem:$0x6800] =	vst v63  }
0x14: {  	_ =	swait.ge [sflag:s18], $0x500  }
0x15: {  	[sflag:s18] =	ssyncset.done $0x0  }
0x16: {  	[sflag:s18] =	ssyncadd.s32 $0xFFFFFB00  }
0x17: {  	[tilespmem:s20], [sflag:$0x1] =	stream.indirect.gather [hbm4b:s2+s19], $0x80, s3, s19, $0xb8;
	[tilespmem:$0x6800] =	vst v63  }
0x18: {  	_ =	swait.ge [sflag:s21], $0x1000  }
0x19: {  	[sflag:s21] =	ssyncset.done $0x0  }
0x1a: {  	[sflag:s21] =	ssyncadd.s32 $0xFFFFF000  }
0x1b: {  	[hbm4b:s8+s3] =	stream.linear.scatter [tilespmem:s20], [sflag:$0x2], $0x1000, $0x38;
	[tilespmem:$0x6800] =	vst v63  }
0x1c: {  	_ =	swait.ge [sflag:s18], $0x1000  }
0x1d: {  	[sflag:s18] =	ssyncset.done $0x0  }
0x1e: {  	s22 =	simm.s32 $0x80;
	[sflag:s18] =	ssyncadd.s32 $0xFFFFF000  }
0x1f: {  	[tilespmem:s20], [sflag:$0x1] =	stream.indirect.gather [hbm4b:s2+s19], $0x80, s22, s19, $0xb8;
	[tilespmem:$0x6800] =	vst v63  }
0x20: {  	_ =	swait.ge [sflag:s21], $0x1000  }
0x21: {  	[sflag:s21] =	ssyncset.done $0x0  }
0x22: {  	[sflag:s21] =	ssyncadd.s32 $0xFFFFF000  }
0x23: {  	[hbm4b:s9+s3] =	stream.linear.scatter [tilespmem:s20], [sflag:$0x2], $0x1000, $0x38;
	[tilespmem:$0x6800] =	vst v63  }
0x24: {  	_ =	swait.ge [sflag:s18], $0x1000  }
0x25: {  	[sflag:s18] =	ssyncset.done $0x0  }
0x26: {  	s25 =	simm.s32 $0x100;
	[sflag:s18] =	ssyncadd.s32 $0xFFFFF000  }
0x27: {  	[tilespmem:s20], [sflag:$0x1] =	stream.indirect.gather [hbm4b:s2+s19], $0x80, s25, s19, $0xb8;
	[tilespmem:$0x6800] =	vst v63  }
0x28: {  	_ =	swait.ge [sflag:s21], $0x1000  }
0x29: {  	[sflag:s21] =	ssyncset.done $0x0  }
0x2a: {  	[sflag:s21] =	ssyncadd.s32 $0xFFFFF000  }
0x2b: {  	[hbm4b:s10+s3] =	stream.linear.scatter [tilespmem:s20], [sflag:$0x2], $0x1000, $0x38;
	[tilespmem:$0x6800] =	vst v63  }
0x2c: {  	_ =	swait.ge [sflag:s18], $0x1000  }
0x2d: {  	[sflag:s18] =	ssyncset.done $0x0  }
0x2e: {  	s26 =	simm.s32 $0x180;
	[sflag:s18] =	ssyncadd.s32 $0xFFFFF000  }
0x2f: {  	[tilespmem:s20], [sflag:$0x1] =	stream.indirect.gather [hbm4b:s2+s19], $0x80, s26, s19, $0xb8;
	[tilespmem:$0x6800] =	vst v63  }
0x30: {  	_ =	swait.ge [sflag:s21], $0x1000  }
0x31: {  	[sflag:s21] =	ssyncset.done $0x0  }
0x32: {  	[sflag:s21] =	ssyncadd.s32 $0xFFFFF000  }
0x33: {  	[hbm4b:s11+s3] =	stream.linear.scatter [tilespmem:s20], [sflag:$0x2], $0x1000, $0x38;
	[tilespmem:$0x6800] =	vst v63  }
0x34: {  	_ =	swait.ge [sflag:s18], $0x1000  }
0x35: {  	[sflag:s18] =	ssyncset.done $0x0  }
0x36: {  	s23 =	simm.s32 $0x200;
	[sflag:s18] =	ssyncadd.s32 $0xFFFFF000  }
0x37: {  	[tilespmem:s20], [sflag:$0x1] =	stream.indirect.gather [hbm4b:s2+s19], $0x80, s23, s19, $0xb8;
	[tilespmem:$0x6800] =	vst v63  }
0x38: {  	_ =	swait.ge [sflag:s21], $0x1000  }
0x39: {  	[sflag:s21] =	ssyncset.done $0x0  }
0x3a: {  	[sflag:s21] =	ssyncadd.s32 $0xFFFFF000  }
0x3b: {  	[hbm4b:s12+s3] =	stream.linear.scatter [tilespmem:s20], [sflag:$0x2], $0x1000, $0x38;
	[tilespmem:$0x6800] =	vst v63  }
0x3c: {  	_ =	swait.ge [sflag:s18], $0x1000  }
0x3d: {  	[sflag:s18] =	ssyncset.done $0x0  }
0x3e: {  	s24 =	simm.s32 $0x280;
	[sflag:s18] =	ssyncadd.s32 $0xFFFFF000  }
0x3f: {  	[tilespmem:s20], [sflag:$0x1] =	stream.indirect.gather [hbm4b:s2+s19], $0x80, s24, s19, $0xb8;
	[tilespmem:$0x6800] =	vst v63  }
0x40: {  	_ =	swait.ge [sflag:s21], $0x1000  }
0x41: {  	[sflag:s21] =	ssyncset.done $0x0  }
0x42: {  	[sflag:s21] =	ssyncadd.s32 $0xFFFFF000  }
0x43: {  	[hbm4b:s13+s3] =	stream.linear.scatter [tilespmem:s20], [sflag:$0x2], $0x1000, $0x38;
	[tilespmem:$0x6800] =	vst v63  }
0x44: {  	_ =	swait.ge [sflag:s18], $0x1000  }
0x45: {  	[sflag:s18] =	ssyncset.done $0x0  }
0x46: {  	[sflag:s18] =	ssyncadd.s32 $0xFFFFF000  }
0x47: {  	[tilespmem:s20], [sflag:$0x1] =	stream.indirect.gather [hbm4b:s2+s19], $0x80, s28, s19, $0xb8;
	[tilespmem:$0x6800] =	vst v63  }
0x48: {  	_ =	swait.ge [sflag:s21], $0x1000  }
0x49: {  	[sflag:s21] =	ssyncset.done $0x0  }
0x4a: {  	[sflag:s21] =	ssyncadd.s32 $0xFFFFF000  }
0x4b: {  	[hbm4b:s14+s3] =	stream.linear.scatter [tilespmem:s20], [sflag:$0x2], $0x1000, $0x38;
	[tilespmem:$0x6800] =	vst v63  }
0x4c: {  	_ =	swait.ge [sflag:s18], $0x1000  }
0x4d: {  	[sflag:s18] =	ssyncset.done $0x0  }
0x4e: {  	[sflag:s18] =	ssyncadd.s32 $0xFFFFF000  }
0x4f: {  	[tilespmem:s20], [sflag:$0x1] =	stream.indirect.gather [hbm4b:s2+s19], $0x80, s29, s19, $0xb8;
	[tilespmem:$0x6800] =	vst v63  }
0x50: {  	_ =	swait.ge [sflag:s21], $0x1000  }
0x51: {  	[sflag:s21] =	ssyncset.done $0x0  }
0x52: {  	[sflag:s21] =	ssyncadd.s32 $0xFFFFF000  }
0x53: {  	[hbm4b:s15+s3] =	stream.linear.scatter [tilespmem:s20], [sflag:$0x2], $0x1000, $0x38;
	[tilespmem:$0x6800] =	vst v63  }
0x54: {  	_ =	swait.ge [sflag:s18], $0x1000  }
0x55: {  	[sflag:s18] =	ssyncset.done $0x0  }
0x56: {  	[sflag:s18] =	ssyncadd.s32 $0xFFFFF000  }
0x57: {  	[tilespmem:s20], [sflag:$0x1] =	stream.indirect.gather [hbm4b:s2+s19], $0x80, s30, s19, $0xb8;
	[tilespmem:$0x6800] =	vst v63  }
0x58: {  	_ =	swait.ge [sflag:s21], $0x1000  }
0x59: {  	[sflag:s21] =	ssyncset.done $0x0  }
0x5a: {  	[sflag:s21] =	ssyncadd.s32 $0xFFFFF000  }
0x5b: {  	[hbm4b:s16+s3] =	stream.linear.scatter [tilespmem:s20], [sflag:$0x2], $0x1000, $0x38;
	[tilespmem:$0x6800] =	vst v63  }
0x5c: {  	_ =	swait.ge [sflag:s18], $0x1000  }
0x5d: {  	[sflag:s18] =	ssyncset.done $0x0  }
0x5e: {  	[sflag:s18] =	ssyncadd.s32 $0xFFFFF000  }
0x5f: {  	[tilespmem:s20], [sflag:$0x1] =	stream.indirect.gather [hbm4b:s2+s19], $0x80, s31, s19, $0xb8;
	[tilespmem:$0x6800] =	vst v63  }
0x60: {  	_ =	swait.ge [sflag:s21], $0x1000  }
0x61: {  	[sflag:s21] =	ssyncset.done $0x0  }
0x62: {  	[sflag:s21] =	ssyncadd.s32 $0xFFFFF000  }
0x63: {  	[hbm4b:s17+s3] =	stream.linear.scatter [tilespmem:s20], [sflag:$0x2], $0x1000, $0x38;
	[tilespmem:$0x6800] =	vst v63  }
0x64: {  	_ =	swait.ge [sflag:s18], $0x1000  }
0x65: {  	[sflag:s18] =	ssyncset.done $0x0  }
0x66: {  	[sflag:s18] =	ssyncadd.s32 $0xFFFFF000  }
0x67: {  	[tilespmem:s0], [sflag:$0x2] =	stream.linear.gather [hbm4b:s5+s3], $0x4F00, $0x38;
	[tilespmem:$0x6800] =	vst v63  }
0x68: {  	s25 =	sand.u32 $0x1FE00, s3;
	_ =	swait.ge [sflag:s18], $0x4F00  }
0x69: {  	s22 =	sshrl.u32 s25, $0x2;
	s23 =	sand.u32 $0x70, s3;
	[sflag:s18] =	ssyncset.done $0x0  }
0x6a: {  	s22 =	sor.u32 s23, s22;
	[sflag:s18] =	ssyncadd.s32 $0xFFFFB100  }
0x6b: {  	v1 =	vld [tilespmem:s22+$0x1800];
	_ =	sdelay $0x3  }
0x6c: {  	s26 =	simm.s32 $0x40  }
0x6d: {  	s25 =	sand.u32 $0x1FE00, s26;
	s23 =	simm.s32 $0x80;
	s24 =	simm.s32 $0x10;
	v1 =	vadd.s32 v0, v1  }
.LBB2_2:
0x6e: {  	p0 =	sne.s32 s23, $0x13BC0;
	s26 =	sand.u32 $0x70, s24;
	s25 =	sshrl.u32 s25, $0x2;
	v1 =	vmin.u32 v1, $0x1400  }
0x6f: {  	[tilespmem:s22+$0x1800] =	vst v1;
	s22 =	sor.u32 s26, s25  }
0x70: {  	v1 =	vld [tilespmem:s22+$0x1800]  }
.Ltmp0:
0x71: {  	(pc) =	sbr.rel @p0 .LBB2_2-.Ltmp0, $2  }
0x72: {  	_ =	sdelay $0x2  }
0x73: {  	s24 =	sadd.s32 $0x10, s24;
	s25 =	sand.u32 $0x1FE00, s23;
	s23 =	sadd.s32 $0x40, s23;
	v1 =	vadd.s32 v0, v1  }
0x74: {  	s23 =	sand.u32 $0x70, s24;
	s26 =	sshrl.u32 s25, $0x2;
	v1 =	vmin.u32 v1, $0x1400  }
0x75: {  	s23 =	sor.u32 s23, s26;
	[tilespmem:s22+$0x1800] =	vst v1  }
0x76: {  	v1 =	vld [tilespmem:s23+$0x1800];
	_ =	sdelay $0x4  }
0x77: {  	s1 =	sadd.s32 $0x1, s1;
	v1 =	vadd.s32 v0, v1  }
0x78: {  	p0 =	sne.s32 s1, s7;
	v1 =	vmin.u32 v1, $0x1400  }
.Ltmp1:
0x79: {  	[tilespmem:s23+$0x1800] =	vst v1;
	(pc) =	sbr.rel @p0 .LBB2_1-.Ltmp1, $4  }
0x7a: {  	[hbm4b:s6+s3] =	stream.linear.scatter [tilespmem:s0], [sflag:$0x2], $0x4F00, $0x38;
	[tilespmem:$0x6800] =	vst v63  }
0x7b: {  	_ =	swait.ge [sflag:s18], $0x4F00  }
0x7c: {  	[sflag:s18] =	ssyncset.done $0x0  }
0x7d: {  	[sflag:s18] =	ssyncadd.s32 $0xFFFFB100  }
0x7e: {  	_ =	sfence.sel $0x180000  }
0x7f: {  	[bflag:$0x0] =	sbarrier.arrive $0xFFFF  }
0x80: {  	_ =	strace $0x90000047  }
0x81: {  	s0 =	stileid.u32;
	[bflag:$0x2] =	sbarrier.arrive $0xFFFF  }
0x82: {  	p0 =	sne.s32 s0, $0x0;
	s0 =	rddreg [dreg:$0x2]  }
0x83: {  	s0 =	sadd.s32 @!p0 $0x100000, s0  }
0x84: {  	[sflag:s0] =	ssyncadd.tile.s32 @!p0 $0x1;
	_ =	shalt  }
.Lfunc_end2:
_tile_overlayer_lowered:
.L_overlay_start_2:
0x85: {  	(tag) =	ssettag $0x2  }
0x86: {  	s0 =	rddreg [dreg:$0x0];
	s2 =	stileid.u32  }
0x87: {  	s1 =	rddreg [dreg:$0x1];
	p0 =	sne.s32 s2, $0x0  }
0x88: {  	s3 =	rddreg [dreg:$0x2];
	[bflag:$0x3] =	sbarrier.arrive $0xFFFF;
	s2 =	simm.s32 @!p0 $0x1C02  }
0x89: {  	[timem:s3], [sflag:s2] =	dma.local @!p0 [hbm:s0], s1  }
0x8a: {  	s0 =	simm.s32 @!p0 $0x2  }
0x8b: {  	_ =	swait.ge @!p0 [sflag:s0], s1  }
0x8c: {  	s1 =	ssub.s32 @!p0 $0x0, s1;
	[sflag:s0] =	ssyncset.done @!p0 $0x0  }
0x8d: {  	[sflag:s0] =	ssyncadd.s32 @!p0 s1  }
0x8e: {  	[bflag:$0x3] =	sbarrier.arrive $0xFFFF  }
0x8f: {  	_ =	shalt  }

// kernel: kernel.14.cloned.1.call-start
scs
__scs_entry_jumppad:
0x0: {  	(pc) =	sbr.rel $0x88, $3  }
0x1: {  	(tag) =	ssettag $0x0;
	lr =	simm.s32 $0x1  }
0x2: {  	[smem:$0x3F91] =	sst lr;
	_ =	strace $0xD0000000  }
0x3: {  	_ = 	snop  }
0x4: {  	_ = 	snop  }
0x5: {  	_ = 	snop  }
0x6: {  	_ = 	snop  }
0x7: {  	_ = 	snop  }
__scs_overlays_trampoline_lowered:
0x8: {  	[smem:$0x3FA0] =	sst s0  }
0x9: {  	[smem:$0x3FA1] =	sst s1  }
0xa: {  	[smem:$0x3FA2] =	sst s2  }
0xb: {  	[smem:$0x3FA3] =	sst s3  }
0xc: {  	[smem:$0x3FA4] =	sst s4  }
0xd: {  	[smem:$0x3FA5] =	sst s5  }
0xe: {  	[smem:$0x3FA6] =	sst s6  }
0xf: {  	[smem:$0x3FA7] =	sst s7  }
0x10: {  	[smem:$0x3FA8] =	sst s8  }
0x11: {  	[smem:$0x3FA9] =	sst s9;
	s0 =	simm.s32 @!p0 $0x0  }
0x12: {  	s1 =	sld [smem:$0x3F8F];
	s0 =	simm.s32 @p0 $0x1  }
0x13: {  	[smem:$0x3FAA] =	sst s0;
	s0 =	simm.s32 @!p1 $0x0  }
0x14: {  	s2 =	sld [smem:$0x3F8E];
	s0 =	simm.s32 @p1 $0x1  }
0x15: {  	[smem:$0x3FAB] =	sst s0;
	s0 =	simm.s32 @!p2 $0x0  }
0x16: {  	s3 =	sld [smem:$0x3FDB];
	s0 =	simm.s32 @p2 $0x1  }
0x17: {  	s4 =	simm.s32 $0x1BF5;
	[smem:$0x3FAD] =	sst s0  }
0x18: {  	s0 =	sld [smem:$0x3F90];
	_ =	swait.ge [sflag:s4], $0x0  }
0x19: {  	s7 =	sld [smem:$0x3F91]  }
0x1a: {  	s8 =	sadd.s32 $0xFFFFE003, lr  }
0x1b: {  	s9 =	sadd.s32 $0xFFFFFEF7, lr;
	s5 =	simm.s32 $0xFFFFFFFF;
	p2 =	slt.u32 s8, $0xFFFFF086  }
0x1c: {  	p1 =	slt.u32 s9, $0xF7A;
	s5 =	simm.s32 @!p2 $0x0  }
0x1d: {  	s5 =	simm.s32 @p1 $0x1;
	p0 =	seq.s32 s7, s2  }
0x1e: {  	s7 =	smul.u32 @!p0 $0xF7A, s2;
	p2 =	seq.s32 @!p0 s5, $0x0  }
0x1f: {  	s9 =	smul.u32 $0xF7A, s1;
	s8 =	simm.s32 @!p0 $0x1BF5;
	p2 =	por !p2, p0  }
0x20: {  	[sflag:s8] =	ssyncset.s32 @!p0 $0xFFFFF086;
	s6 =	sadd.s32 @!p0 s3, s7;
	s7 =	simm.s32 @!p0 $0x108  }
0x21: {  	s3 =	sadd.s32 s3, s9;
	s6 =	sadd.s32 @!p0 $0x88, s6;
	s7 =	simm.s32 @p2 $0x1082  }
0x22: {  	[simem:s7], [sflag:s8] =	dma.local @!p0 [hbm:s6], $0xF7A  }
0x23: {  	s9 =	sor.u32 $0xD0000000, s2;
	s6 =	simm.s32 $0x108;
	_ =	swait.ge @!p0 [sflag:s8], $0x0  }
0x24: {  	s3 =	sadd.s32 $0x88, s3;
	s6 =	simm.s32 @!p1 $0x1082;
	[sflag:s4] =	ssyncset.s32 $0xFFFFF086  }
0x25: {  	[simem:s6], [sflag:s4] =	dma.local [hbm:s3], $0xF7A  }
0x26: {  	[smem:$0x3F91] =	sst s1;
	(tag) =	ssettag s2;
	_ =	strace s9  }
0x27: {  	s1 =	sld [smem:$0x3FA1]  }
0x28: {  	s2 =	sld [smem:$0x3FA2]  }
0x29: {  	s4 =	sld [smem:$0x3FA4]  }
0x2a: {  	p0 =	seq.s32 s5, $0x0;
	s5 =	sld [smem:$0x3FA5]  }
0x2b: {  	s6 =	sld [smem:$0x3FA6]  }
0x2c: {  	s7 =	sld [smem:$0x3FA7]  }
0x2d: {  	s3 =	simm.s32 $0x108;
	s8 =	sld [smem:$0x3FA8]  }
0x2e: {  	s3 =	simm.s32 @!p0 $0x1082;
	s9 =	sld [smem:$0x3FA9]  }
0x2f: {  	lr =	sadd.s32 s0, s3;
	s0 =	sld [smem:$0x3FA0]  }
0x30: {  	s3 =	sld [smem:$0x3FA3]  }
0x31: {  	[smem:$0x3FAC] =	sst s10  }
0x32: {  	s10 =	sld [smem:$0x3FAA];
	_ =	sdelay $0x3  }
0x33: {  	p0 =	seq.s32 s10, $0x1;
	s10 =	sld [smem:$0x3FAC];
	_ =	sdelay $0x3  }
0x34: {  	[smem:$0x3FAC] =	sst s10  }
0x35: {  	s10 =	sld [smem:$0x3FAB];
	_ =	sdelay $0x3  }
0x36: {  	p1 =	seq.s32 s10, $0x1;
	s10 =	sld [smem:$0x3FAC];
	_ =	sdelay $0x3  }
0x37: {  	[smem:$0x3FAC] =	sst s10  }
0x38: {  	s10 =	sld [smem:$0x3FAD]  }
0x39: {  	_ = 	snop;
	(pc) =	sbr.ind lr, $3  }
0x3a: {  	_ = 	snop  }
0x3b: {  	_ = 	snop  }
0x3c: {  	p2 =	seq.s32 s10, $0x1;
	s10 =	sld [smem:$0x3FAC]  }
0x3d: {  	_ =	shalt  }
0x3e: {  	_ =	shalt  }
0x3f: {  	_ =	shalt  }
0x40: {  	_ =	shalt  }
0x41: {  	_ =	shalt  }
0x42: {  	_ =	shalt  }
0x43: {  	_ =	shalt  }
0x44: {  	_ =	shalt  }
0x45: {  	_ =	shalt  }
0x46: {  	_ =	shalt  }
0x47: {  	_ =	shalt  }
0x48: {  	_ =	shalt  }
0x49: {  	_ =	shalt  }
0x4a: {  	_ =	shalt  }
0x4b: {  	_ =	shalt  }
0x4c: {  	_ =	shalt  }
0x4d: {  	_ =	shalt  }
0x4e: {  	_ =	shalt  }
0x4f: {  	_ =	shalt  }
0x50: {  	_ =	shalt  }
0x51: {  	_ =	shalt  }
0x52: {  	_ =	shalt  }
0x53: {  	_ =	shalt  }
0x54: {  	_ =	shalt  }
0x55: {  	_ =	shalt  }
0x56: {  	_ =	shalt  }
0x57: {  	_ =	shalt  }
0x58: {  	_ =	shalt  }
0x59: {  	_ =	shalt  }
0x5a: {  	_ =	shalt  }
0x5b: {  	_ =	shalt  }
0x5c: {  	_ =	shalt  }
0x5d: {  	_ =	shalt  }
0x5e: {  	_ =	shalt  }
0x5f: {  	_ =	shalt  }
0x60: {  	_ =	shalt  }
0x61: {  	_ =	shalt  }
0x62: {  	_ =	shalt  }
0x63: {  	_ =	shalt  }
0x64: {  	_ =	shalt  }
0x65: {  	_ =	shalt  }
0x66: {  	_ =	shalt  }
0x67: {  	_ =	shalt  }
0x68: {  	_ =	shalt  }
0x69: {  	_ =	shalt  }
0x6a: {  	_ =	shalt  }
0x6b: {  	_ =	shalt  }
0x6c: {  	_ =	shalt  }
0x6d: {  	_ =	shalt  }
0x6e: {  	_ =	shalt  }
0x6f: {  	_ =	shalt  }
0x70: {  	_ =	shalt  }
0x71: {  	_ =	shalt  }
0x72: {  	_ =	shalt  }
0x73: {  	_ =	shalt  }
0x74: {  	_ =	shalt  }
0x75: {  	_ =	shalt  }
0x76: {  	_ =	shalt  }
0x77: {  	_ =	shalt  }
0x78: {  	_ =	shalt  }
0x79: {  	_ =	shalt  }
0x7a: {  	_ =	shalt  }
0x7b: {  	_ =	shalt  }
0x7c: {  	_ =	shalt  }
0x7d: {  	_ =	shalt  }
0x7e: {  	_ =	shalt  }
0x7f: {  	_ =	shalt  }
0x80: {  	_ =	shalt  }
0x81: {  	_ =	shalt  }
0x82: {  	_ =	shalt  }
0x83: {  	_ =	shalt  }
0x84: {  	_ =	shalt  }
0x85: {  	_ =	shalt  }
0x86: {  	_ =	shalt  }
0x87: {  	_ =	shalt  }
.Lfunc_end0:
.L_simem_size_0:
called_computation.1_lowered:
.L_overlay_start_0:
0x88: {  	s2 =	sld [smem:$0x3FD9]  }
0x89: {  	s3 =	sld [smem:$0x3FFE];
	_ =	sdelay $0x1  }
0x8a: {  	s1 =	srdreg.scid  }
0x8b: {  	s0 =	sand.u32 $0x1, s1  }
0x8c: {  	s16 =	sshll.u32 s0, $0xA;
	s2 =	sadd.s32 s3, s2  }
0x8d: {  	s2 =	sadd.s32 s2, s16  }
0x8e: {  	[smem:$0x3FB8] =	sst s2  }
0x8f: {  	_ = 	snop  }
0x90: {  	(tm) =	ssettm $0x1  }
0x91: {  	s17 =	sld [smem:$0x3FFB];
	_ =	sdelay $0x3  }
0x92: {  	_ =	strace s17  }
0x93: {  	s2 =	sld [smem:$0x3FFC];
	_ =	sdelay $0x3  }
0x94: {  	_ =	strace s2  }
0x95: {  	s2 =	sld [smem:$0x3FFD];
	_ =	sdelay $0x3  }
0x96: {  	_ =	strace s2  }
0x97: {  	_ =	strace $0x8FFFFFFF  }
0x98: {  	s18 =	sld [smem:$0x3FDB];
	_ =	sdelay $0x1  }
0x99: {  	s19 =	simm.s32 $_scs_section_size  }
0x9a: {  	s4 =	simm.s32 $_size__tile_overlayer_lowered;
	s5 =	simm.s32 $_tile_overlayer_lowered  }
0x9b: {  	s22 =	simm.s32 $0x1BFF;
	s21 =	sshll.u32 s5, $0x1;
	s2 =	sadd.s32 s19, s18  }
0x9c: {  	s6 =	simm.s32 $0x0;
	s20 =	sshll.u32 s4, $0x1;
	s4 =	sadd.s32 s21, s2  }
0x9d: {  	[timem:s6], [sflag:s22] =	dma.local [hbm:s4], s20  }
0x9e: {  	_ =	swait.ge [sflag:s22], s20  }
0x9f: {  	s3 =	ssub.s32 $0x0, s20;
	[sflag:s22] =	ssyncset.done $0x0  }
0xa0: {  	[sflag:s22] =	ssyncadd.s32 s3;
	_ =	sdelay $0x1  }
0xa1: {  	s23 =	simm.s32 $0x1B8B  }
0xa2: {  	_ =	swait.ge [sflag:s23], $0x1  }
0xa3: {  	[sflag:s23] =	ssyncset.done $0x0  }
0xa4: {  	s25 =	simm.s32 $0x1B8E;
	s24 =	sld [smem:$0x3FFE];
	[sflag:s23] =	ssyncadd.s32 $0xFFFFFFFF  }
0xa5: {  	s26 =	simm.s32 $execute0_lowered;
	[smem:$0x3FD2] =	sst s25  }
0xa6: {  	s4 =	sshll.u32 s26, $0x1;
	_ =	strace $0x80000049;
	[dreg:$0x1] =	wrdreg $0xFFFFFFFF  }
0xa7: {  	s28 =	simm.s32 $_size_execute0_lowered;
	s2 =	sadd.s32 s2, s4;
	[dreg:$0x0] =	wrdreg $0x0  }
0xa8: {  	s4 =	sshll.u32 s28, $0x1;
	[dreg:$0x2] =	wrdreg s2  }
0xa9: {  	[dreg:$0x3] =	wrdreg s4  }
0xaa: {  	[dreg:$0x4] =	wrdreg $0xC0  }
0xab: {  	_ =	task [dreg:s6], $0x5FFFF  }
0xac: {  	[dreg:$0x1] =	wrdreg $0xFFFFFFFF  }
0xad: {  	[dreg:$0x0] =	wrdreg $0x60  }
0xae: {  	[dreg:$0x2] =	wrdreg s24  }
0xaf: {  	[dreg:$0x3] =	wrdreg $0xB0000  }
0xb0: {  	[dreg:$0x4] =	wrdreg $0x9  }
0xb1: {  	_ =	task.clear_ibuf [dreg:s6], $0x5FFFF;
	_ =	strace $0x90000049  }
0xb2: {  	s29 =	simm.s32 $0x9;
	_ =	strace $0x8000004B  }
0xb3: {  	_ =	swait.ge [sflag:s29], $0x1  }
0xb4: {  	[sflag:s29] =	ssyncadd.s32 $0xFFFFFFFF  }
0xb5: {  	_ =	strace $0x9000004B  }
0xb6: {  	_ =	sfence  }
0xb7: {  	s30 =	sld [smem:$0x0];
	_ =	sdelay $0x2  }
0xb8: {  	s31 =	sshll.u32 s1, $0xD;
	s1 =	sshrl.u32 s1, $0x2  }
0xb9: {  	s3 =	sand.u32 $0x4000, s31;
	s1 =	sadd.s32 s1, s30  }
0xba: {  	s0 =	sor.u32 s3, s0;
	s1 =	sshll.u32 s1, $0x11  }
0xbb: {  	s0 =	sor.u32 s1, s0  }
0xbc: {  	s0 =	sadd.s32 $0x8F2B, s0  }
0xbd: {  	[sflag:s0] =	ssyncadd.remote.s32 $0x1  }
0xbe: {  	_ =	sfence.sel $0xFFFF  }
0xbf: {  	[dreg:$0x0] =	wrdreg $0xFFFFFFFF;
	(pc) =	sbr.abs _section_cstart, $3  }
0xc0: {  	[dreg:$0x1] =	wrdreg $0xFFFFFFFF  }
0xc1: {  	_ =	task.clear_ibuf [dreg:s6], $0x2FFFF;
	_ =	strace $0x9FFFFFFF  }
0xc2: {  	(tm) =	ssettm $0x7FFFFFFF  }
0xc3: {  	_ =	shalt  }
tec
execute0_lowered:
.L_overlay_start_1:
0x0: {  	(tag) =	ssettag $0x1  }
0x1: {  	s4 =	rddreg [dreg:$0x0]  }
0x2: {  	s2 =	rddreg [dreg:$0x1]  }
0x3: {  	s0 =	srdreg.scid;
	s1 =	rddreg [dreg:$0x2]  }
0x4: {  	s3 =	simm.s32 $0x0;
	s16 =	simm.s32 $0x9000;
	s5 =	sand.u32 $0x1, s0  }
0x5: {  	s17 =	simm.s32 $0x3;
	s0 =	stileid.u32;
	s6 =	smul.u32 $0x50000, s5  }
0x6: {  	s18 =	simm.s32 $0x80;
	s19 =	simm.s32 $0x5000;
	s7 =	smul.u32 $0x5000, s0  }
0x7: {  	s20 =	simm.s32 $0x1;
	s21 =	simm.s32 $0x2;
	s8 =	smul.u32 $0x140, s0  }
0x8: {  	s22 =	simm.s32 $0x0;
	[smem:$0x7FF] =	sst s3;
	s28 =	smul.u32 $0x1400, s5  }
0x9: {  	_ =	strace $0x8000004A;
	s9 =	smul.u32 $0x28000, s0;
	s5 =	ssub.s32 $0x2, s5  }
0xa: {  	s30 =	sshrl.u32 s5, $0x1;
	s6 =	sadd.s32 s7, s6;
	s29 =	sadd.s32 s8, s28  }
0xb: {  	s31 =	sshrl.u32 s9, $0x2;
	s15 =	ssub.s32 s5, s30;
	s6 =	sshrl.u32 s6, $0x3  }
0xc: {  	s15 =	smax.u32 s15, $0x1;
	s10 =	sadd.s32 s6, s4;
	s6 =	sshll.u32 s29, $0x4  }
0xd: {  	s14 =	sadd.s32 s6, s4;
	s4 =	sadd.s32 s31, s2;
	s9 =	sadd.s32 $0x38E00, s10  }
0xe: {  	s5 =	sadd.s32 $0x2000, s4;
	s6 =	sadd.s32 $0x4000, s4;
	s7 =	sadd.s32 $0x6000, s4  }
0xf: {  	s8 =	sadd.s32 $0x8000, s4;
	s10 =	sadd.s32 $0x4CE00, s14;
	s11 =	sadd.s32 $0x4D200, s14  }
0x10: {  	v0 =	vimm.f32 $0.0e+00;
	v1 =	vimm.f32 $1.000000000e+00;
	s12 =	sadd.s32 $0x4D600, s14;
	s13 =	sadd.s32 $0x4DA00, s14;
	s14 =	sadd.s32 $0x4DE00, s14  }
.LBB2_1:
0x11: {  	s23 =	sand.u32 $0x7E00, s3  }
0x12: {  	s24 =	sand.u32 $0x70, s3;
	s25 =	sshrl.u32 s23, $0x2  }
0x13: {  	s23 =	simm.s32 $0x40;
	s25 =	sor.u32 s24, s25;
	s24 =	simm.s32 $0x0  }
.LBB2_2:
0x14: {  	p0 =	sne.s32 s23, $0x7FC0  }
0x15: {  	[tilespmem:s25+$0x9000] =	vst v0;
	s24 =	sadd.s32 $0x10, s24;
	s25 =	smov.u32 s23;
	s23 =	sadd.s32 $0x40, s23  }
.Ltmp0:
0x16: {  	(pc) =	sbr.rel @p0 .LBB2_2-.Ltmp0, $4  }
0x17: {  	_ = 	snop  }
0x18: {  	s25 =	sand.u32 $0x7E00, s25  }
0x19: {  	s26 =	sand.u32 $0x70, s24;
	s25 =	sshrl.u32 s25, $0x2  }
0x1a: {  	s25 =	sor.u32 s26, s25  }
0x1b: {  	[tilespmem:s25+$0x9000] =	vst v0  }
0x1c: {  	[spmem:s4] =	stream.linear.scatter [tilespmem:s16], [sflag:$0x3], $0x2000, $0x38;
	[tilespmem:$0x15040] =	vst v63  }
0x1d: {  	_ =	swait.ge [sflag:s17], $0x2000  }
0x1e: {  	[sflag:s17] =	ssyncset.done $0x0  }
0x1f: {  	[sflag:s17] =	ssyncadd.s32 $0xFFFFE000  }
0x20: {  	[spmem:s5] =	stream.linear.scatter [tilespmem:s16], [sflag:$0x3], $0x2000, $0x38;
	[tilespmem:$0x15040] =	vst v63  }
0x21: {  	_ =	swait.ge [sflag:s17], $0x2000  }
0x22: {  	[sflag:s17] =	ssyncset.done $0x0  }
0x23: {  	[sflag:s17] =	ssyncadd.s32 $0xFFFFE000  }
0x24: {  	[spmem:s6] =	stream.linear.scatter [tilespmem:s16], [sflag:$0x3], $0x2000, $0x38;
	[tilespmem:$0x15040] =	vst v63  }
0x25: {  	_ =	swait.ge [sflag:s17], $0x2000  }
0x26: {  	[sflag:s17] =	ssyncset.done $0x0  }
0x27: {  	[sflag:s17] =	ssyncadd.s32 $0xFFFFE000  }
0x28: {  	[spmem:s7] =	stream.linear.scatter [tilespmem:s16], [sflag:$0x3], $0x2000, $0x38;
	[tilespmem:$0x15040] =	vst v63  }
0x29: {  	_ =	swait.ge [sflag:s17], $0x2000  }
0x2a: {  	[sflag:s17] =	ssyncset.done $0x0  }
0x2b: {  	[sflag:s17] =	ssyncadd.s32 $0xFFFFE000  }
0x2c: {  	[spmem:s8] =	stream.linear.scatter [tilespmem:s16], [sflag:$0x3], $0x2000, $0x38;
	[tilespmem:$0x15040] =	vst v63  }
0x2d: {  	s23 =	simm.s32 $0x0;
	_ =	swait.ge [sflag:s17], $0x2000  }
0x2e: {  	s24 =	sand.u32 $0xFE00, s23;
	[sflag:s17] =	ssyncset.done $0x0  }
0x2f: {  	s31 =	sand.u32 $0x70, s23;
	s26 =	sshrl.u32 s24, $0x2;
	[sflag:s17] =	ssyncadd.s32 $0xFFFFE000  }
0x30: {  	s24 =	simm.s32 $0x40;
	s25 =	sor.u32 s31, s26;
	[bflag:$0x0] =	sbarrier.arrive $0xFFFF  }
.LBB2_4:
0x31: {  	p0 =	sne.s32 s24, $0xFFC0  }
0x32: {  	[tilespmem:s25+$0x5000] =	vst v1;
	s23 =	sadd.s32 $0x10, s23;
	s25 =	smov.u32 s24;
	s24 =	sadd.s32 $0x40, s24  }
.Ltmp1:
0x33: {  	(pc) =	sbr.rel @p0 .LBB2_4-.Ltmp1, $4  }
0x34: {  	_ = 	snop  }
0x35: {  	s25 =	sand.u32 $0xFE00, s25  }
0x36: {  	s26 =	sand.u32 $0x70, s23;
	s25 =	sshrl.u32 s25, $0x2  }
0x37: {  	s25 =	sor.u32 s26, s25  }
0x38: {  	[tilespmem:s25+$0x5000] =	vst v1;
	s23 =	simm.s32 $0x0  }
0x39: {  	[tilespmem:s23], [sflag:$0x3] =	stream.linear.gather [hbm4b:s9+s23], $0x4F00, $0x38;
	[tilespmem:$0x15040] =	vst v63  }
0x3a: {  	_ =	swait.ge [sflag:s17], $0x4F00  }
0x3b: {  	[sflag:s17] =	ssyncset.done $0x0  }
0x3c: {  	s30 =	simm.s32 $0x0;
	[sflag:s17] =	ssyncadd.s32 $0xFFFFB100  }
0x3d: {  	[spmem:s2] =	stream.indirect.scatter.add.f32 [tilespmem:s19], [sflag:$0x1], $0x80, s30, s18, $0xb8;
	[tilespmem:$0x15040] =	vst v63  }
0x3e: {  	s31 =	simm.s32 $0x80  }
0x3f: {  	[spmem:s2] =	stream.indirect.scatter.add.f32 [tilespmem:s19], [sflag:$0x2], $0x80, s31, s18, $0xb8;
	[tilespmem:$0x15040] =	vst v63  }
0x40: {  	_ =	swait.ge [sflag:s20], $0x4000  }
0x41: {  	[sflag:s20] =	ssyncset.done $0x0  }
0x42: {  	[sflag:s20] =	ssyncadd.s32 $0xFFFFC000  }
0x43: {  	_ =	swait.ge [sflag:s21], $0x4000  }
0x44: {  	s24 =	simm.s32 $0x800;
	s23 =	simm.s32 $0x400;
	[sflag:s21] =	ssyncset.done $0x0  }
.LBB2_6:
0x45: {  	s25 =	sshra.s32 s23, $0x2  }
0x46: {  	[sflag:s21] =	ssyncadd.s32 $0xFFFFC000;
	s23 =	smov.u32 s24;
	s26 =	sadd.s32 $0x400, s24  }
0x47: {  	[spmem:s2] =	stream.indirect.scatter.add.f32 [tilespmem:s19], [sflag:$0x1], $0x80, s25, s18, $0xb8;
	[tilespmem:$0x15040] =	vst v63  }
0x48: {  	p0 =	sne.s32 s24, $0x13800;
	s24 =	sadd.s32 $0x80, s25  }
0x49: {  	[spmem:s2] =	stream.indirect.scatter.add.f32 [tilespmem:s19], [sflag:$0x2], $0x80, s24, s18, $0xb8;
	[tilespmem:$0x15040] =	vst v63  }
.Ltmp2:
0x4a: {  	_ =	swait.ge [sflag:s20], $0x4000;
	(pc) =	sbr.rel @p0 .LBB2_6-.Ltmp2, $4  }
0x4b: {  	[sflag:s20] =	ssyncset.done $0x0  }
0x4c: {  	[sflag:s20] =	ssyncadd.s32 $0xFFFFC000  }
0x4d: {  	_ =	swait.ge [sflag:s21], $0x4000  }
0x4e: {  	s24 =	smov.u32 s26;
	[sflag:s21] =	ssyncset.done $0x0  }
0x4f: {  	s23 =	sshra.s32 s23, $0x2;
	[sflag:s21] =	ssyncadd.s32 $0xFFFFC000  }
0x50: {  	[spmem:s2] =	stream.indirect.scatter.add.f32 [tilespmem:s19], [sflag:$0x1], $0x80, s23, s18, $0xb8;
	[tilespmem:$0x15040] =	vst v63  }
0x51: {  	s23 =	sadd.s32 $0x80, s23  }
0x52: {  	[spmem:s2] =	stream.indirect.scatter.add.f32 [tilespmem:s19], [sflag:$0x2], $0x80, s23, s18, $0xb8;
	[tilespmem:$0x15040] =	vst v63  }
0x53: {  	_ =	swait.ge [sflag:s20], $0x4000  }
0x54: {  	[sflag:s20] =	ssyncset.done $0x0  }
0x55: {  	[sflag:s20] =	ssyncadd.s32 $0xFFFFC000  }
0x56: {  	_ =	swait.ge [sflag:s21], $0x4000  }
0x57: {  	[sflag:s21] =	ssyncset.done $0x0  }
0x58: {  	[sflag:s21] =	ssyncadd.s32 $0xFFFFC000  }
0x59: {  	[bflag:$0x0] =	sbarrier.arrive $0xFFFF  }
0x5a: {  	[tilespmem:s16], [sflag:$0x3] =	stream.linear.gather [spmem:s4], $0x2000, $0x38;
	[tilespmem:$0x15040] =	vst v63  }
0x5b: {  	_ =	swait.ge [sflag:s17], $0x2000  }
0x5c: {  	[sflag:s17] =	ssyncset.done $0x0  }
0x5d: {  	[sflag:s17] =	ssyncadd.s32 $0xFFFFE000  }
0x5e: {  	[hbm4b:s10+s3] =	stream.linear.scatter [tilespmem:s16], [sflag:$0x3], $0x2000, $0x38;
	[tilespmem:$0x15040] =	vst v63  }
0x5f: {  	_ =	swait.ge [sflag:s17], $0x2000  }
0x60: {  	[sflag:s17] =	ssyncset.done $0x0  }
0x61: {  	[sflag:s17] =	ssyncadd.s32 $0xFFFFE000  }
0x62: {  	[tilespmem:s16], [sflag:$0x3] =	stream.linear.gather [spmem:s5], $0x2000, $0x38;
	[tilespmem:$0x15040] =	vst v63  }
0x63: {  	_ =	swait.ge [sflag:s17], $0x2000  }
0x64: {  	[sflag:s17] =	ssyncset.done $0x0  }
0x65: {  	[sflag:s17] =	ssyncadd.s32 $0xFFFFE000  }
0x66: {  	[hbm4b:s11+s3] =	stream.linear.scatter [tilespmem:s16], [sflag:$0x3], $0x2000, $0x38;
	[tilespmem:$0x15040] =	vst v63  }
0x67: {  	_ =	swait.ge [sflag:s17], $0x2000  }
0x68: {  	[sflag:s17] =	ssyncset.done $0x0  }
0x69: {  	[sflag:s17] =	ssyncadd.s32 $0xFFFFE000  }
0x6a: {  	[tilespmem:s16], [sflag:$0x3] =	stream.linear.gather [spmem:s6], $0x2000, $0x38;
	[tilespmem:$0x15040] =	vst v63  }
0x6b: {  	_ =	swait.ge [sflag:s17], $0x2000  }
0x6c: {  	[sflag:s17] =	ssyncset.done $0x0  }
0x6d: {  	[sflag:s17] =	ssyncadd.s32 $0xFFFFE000  }
0x6e: {  	[hbm4b:s12+s3] =	stream.linear.scatter [tilespmem:s16], [sflag:$0x3], $0x2000, $0x38;
	[tilespmem:$0x15040] =	vst v63  }
0x6f: {  	_ =	swait.ge [sflag:s17], $0x2000  }
0x70: {  	[sflag:s17] =	ssyncset.done $0x0  }
0x71: {  	[sflag:s17] =	ssyncadd.s32 $0xFFFFE000  }
0x72: {  	[tilespmem:s16], [sflag:$0x3] =	stream.linear.gather [spmem:s7], $0x2000, $0x38;
	[tilespmem:$0x15040] =	vst v63  }
0x73: {  	_ =	swait.ge [sflag:s17], $0x2000  }
0x74: {  	[sflag:s17] =	ssyncset.done $0x0  }
0x75: {  	[sflag:s17] =	ssyncadd.s32 $0xFFFFE000  }
0x76: {  	[hbm4b:s13+s3] =	stream.linear.scatter [tilespmem:s16], [sflag:$0x3], $0x2000, $0x38;
	[tilespmem:$0x15040] =	vst v63  }
0x77: {  	_ =	swait.ge [sflag:s17], $0x2000  }
0x78: {  	[sflag:s17] =	ssyncset.done $0x0  }
0x79: {  	[sflag:s17] =	ssyncadd.s32 $0xFFFFE000  }
0x7a: {  	[tilespmem:s16], [sflag:$0x3] =	stream.linear.gather [spmem:s8], $0x2000, $0x38;
	[tilespmem:$0x15040] =	vst v63  }
0x7b: {  	s22 =	sadd.s32 $0x1, s22;
	_ =	swait.ge [sflag:s17], $0x2000  }
0x7c: {  	p0 =	sne.s32 s22, s15;
	[sflag:s17] =	ssyncset.done $0x0  }
.Ltmp3:
0x7d: {  	[sflag:s17] =	ssyncadd.s32 $0xFFFFE000;
	(pc) =	sbr.rel @p0 .LBB2_1-.Ltmp3, $4  }
0x7e: {  	[hbm4b:s14+s3] =	stream.linear.scatter [tilespmem:s16], [sflag:$0x3], $0x2000, $0x38;
	[tilespmem:$0x15040] =	vst v63  }
0x7f: {  	_ =	swait.ge [sflag:s17], $0x2000  }
0x80: {  	[sflag:s17] =	ssyncset.done $0x0  }
0x81: {  	[sflag:s17] =	ssyncadd.s32 $0xFFFFE000  }
0x82: {  	_ =	sfence.sel $0x180000  }
0x83: {  	[bflag:$0x0] =	sbarrier.arrive $0xFFFF  }
0x84: {  	p0 =	sne.s32 s0, $0x0;
	_ =	strace $0x9000004A  }
0x85: {  	s0 =	sadd.s32 @!p0 $0x100000, s1;
	[bflag:$0x2] =	sbarrier.arrive $0xFFFF  }
0x86: {  	[sflag:s0] =	ssyncadd.tile.s32 @!p0 $0x1;
	_ =	shalt  }
.Lfunc_end2:
_tile_overlayer_lowered:
.L_overlay_start_2:
0x87: {  	(tag) =	ssettag $0x2  }
0x88: {  	s0 =	rddreg [dreg:$0x0];
	s2 =	stileid.u32  }
0x89: {  	s1 =	rddreg [dreg:$0x1];
	p0 =	sne.s32 s2, $0x0  }
0x8a: {  	s3 =	rddreg [dreg:$0x2];
	[bflag:$0x3] =	sbarrier.arrive $0xFFFF;
	s2 =	simm.s32 @!p0 $0x1C03  }
0x8b: {  	[timem:s3], [sflag:s2] =	dma.local @!p0 [hbm:s0], s1  }
0x8c: {  	s0 =	simm.s32 @!p0 $0x3  }
0x8d: {  	_ =	swait.ge @!p0 [sflag:s0], s1  }
0x8e: {  	s1 =	ssub.s32 @!p0 $0x0, s1;
	[sflag:s0] =	ssyncset.done @!p0 $0x0  }
0x8f: {  	[sflag:s0] =	ssyncadd.s32 @!p0 s1  }
0x90: {  	[bflag:$0x3] =	sbarrier.arrive $0xFFFF  }
0x91: {  	_ =	shalt  }

// kernel: kernel.17.cloned.1.call-start
scs
__scs_entry_jumppad:
0x0: {  	(pc) =	sbr.rel $0x88, $3  }
0x1: {  	(tag) =	ssettag $0x0;
	lr =	simm.s32 $0x1  }
0x2: {  	[smem:$0x3F91] =	sst lr;
	_ =	strace $0xD0000000  }
0x3: {  	_ = 	snop  }
0x4: {  	_ = 	snop  }
0x5: {  	_ = 	snop  }
0x6: {  	_ = 	snop  }
0x7: {  	_ = 	snop  }
__scs_overlays_trampoline_lowered:
0x8: {  	[smem:$0x3FA0] =	sst s0  }
0x9: {  	[smem:$0x3FA1] =	sst s1  }
0xa: {  	[smem:$0x3FA2] =	sst s2  }
0xb: {  	[smem:$0x3FA3] =	sst s3  }
0xc: {  	[smem:$0x3FA4] =	sst s4  }
0xd: {  	[smem:$0x3FA5] =	sst s5  }
0xe: {  	[smem:$0x3FA6] =	sst s6  }
0xf: {  	[smem:$0x3FA7] =	sst s7  }
0x10: {  	[smem:$0x3FA8] =	sst s8  }
0x11: {  	[smem:$0x3FA9] =	sst s9;
	s0 =	simm.s32 @!p0 $0x0  }
0x12: {  	s1 =	sld [smem:$0x3F8F];
	s0 =	simm.s32 @p0 $0x1  }
0x13: {  	[smem:$0x3FAA] =	sst s0;
	s0 =	simm.s32 @!p1 $0x0  }
0x14: {  	s2 =	sld [smem:$0x3F8E];
	s0 =	simm.s32 @p1 $0x1  }
0x15: {  	[smem:$0x3FAB] =	sst s0;
	s0 =	simm.s32 @!p2 $0x0  }
0x16: {  	s3 =	sld [smem:$0x3FDB];
	s0 =	simm.s32 @p2 $0x1  }
0x17: {  	s4 =	simm.s32 $0x1BF5;
	[smem:$0x3FAD] =	sst s0  }
0x18: {  	s0 =	sld [smem:$0x3F90];
	_ =	swait.ge [sflag:s4], $0x0  }
0x19: {  	s7 =	sld [smem:$0x3F91]  }
0x1a: {  	s8 =	sadd.s32 $0xFFFFE003, lr  }
0x1b: {  	s9 =	sadd.s32 $0xFFFFFEF7, lr;
	s5 =	simm.s32 $0xFFFFFFFF;
	p2 =	slt.u32 s8, $0xFFFFF086  }
0x1c: {  	p1 =	slt.u32 s9, $0xF7A;
	s5 =	simm.s32 @!p2 $0x0  }
0x1d: {  	s5 =	simm.s32 @p1 $0x1;
	p0 =	seq.s32 s7, s2  }
0x1e: {  	s7 =	smul.u32 @!p0 $0xF7A, s2;
	p2 =	seq.s32 @!p0 s5, $0x0  }
0x1f: {  	s9 =	smul.u32 $0xF7A, s1;
	s8 =	simm.s32 @!p0 $0x1BF5;
	p2 =	por !p2, p0  }
0x20: {  	[sflag:s8] =	ssyncset.s32 @!p0 $0xFFFFF086;
	s6 =	sadd.s32 @!p0 s3, s7;
	s7 =	simm.s32 @!p0 $0x108  }
0x21: {  	s3 =	sadd.s32 s3, s9;
	s6 =	sadd.s32 @!p0 $0x88, s6;
	s7 =	simm.s32 @p2 $0x1082  }
0x22: {  	[simem:s7], [sflag:s8] =	dma.local @!p0 [hbm:s6], $0xF7A  }
0x23: {  	s9 =	sor.u32 $0xD0000000, s2;
	s6 =	simm.s32 $0x108;
	_ =	swait.ge @!p0 [sflag:s8], $0x0  }
0x24: {  	s3 =	sadd.s32 $0x88, s3;
	s6 =	simm.s32 @!p1 $0x1082;
	[sflag:s4] =	ssyncset.s32 $0xFFFFF086  }
0x25: {  	[simem:s6], [sflag:s4] =	dma.local [hbm:s3], $0xF7A  }
0x26: {  	[smem:$0x3F91] =	sst s1;
	(tag) =	ssettag s2;
	_ =	strace s9  }
0x27: {  	s1 =	sld [smem:$0x3FA1]  }
0x28: {  	s2 =	sld [smem:$0x3FA2]  }
0x29: {  	s4 =	sld [smem:$0x3FA4]  }
0x2a: {  	p0 =	seq.s32 s5, $0x0;
	s5 =	sld [smem:$0x3FA5]  }
0x2b: {  	s6 =	sld [smem:$0x3FA6]  }
0x2c: {  	s7 =	sld [smem:$0x3FA7]  }
0x2d: {  	s3 =	simm.s32 $0x108;
	s8 =	sld [smem:$0x3FA8]  }
0x2e: {  	s3 =	simm.s32 @!p0 $0x1082;
	s9 =	sld [smem:$0x3FA9]  }
0x2f: {  	lr =	sadd.s32 s0, s3;
	s0 =	sld [smem:$0x3FA0]  }
0x30: {  	s3 =	sld [smem:$0x3FA3]  }
0x31: {  	[smem:$0x3FAC] =	sst s10  }
0x32: {  	s10 =	sld [smem:$0x3FAA];
	_ =	sdelay $0x3  }
0x33: {  	p0 =	seq.s32 s10, $0x1;
	s10 =	sld [smem:$0x3FAC];
	_ =	sdelay $0x3  }
0x34: {  	[smem:$0x3FAC] =	sst s10  }
0x35: {  	s10 =	sld [smem:$0x3FAB];
	_ =	sdelay $0x3  }
0x36: {  	p1 =	seq.s32 s10, $0x1;
	s10 =	sld [smem:$0x3FAC];
	_ =	sdelay $0x3  }
0x37: {  	[smem:$0x3FAC] =	sst s10  }
0x38: {  	s10 =	sld [smem:$0x3FAD]  }
0x39: {  	_ = 	snop;
	(pc) =	sbr.ind lr, $3  }
0x3a: {  	_ = 	snop  }
0x3b: {  	_ = 	snop  }
0x3c: {  	p2 =	seq.s32 s10, $0x1;
	s10 =	sld [smem:$0x3FAC]  }
0x3d: {  	_ =	shalt  }
0x3e: {  	_ =	shalt  }
0x3f: {  	_ =	shalt  }
0x40: {  	_ =	shalt  }
0x41: {  	_ =	shalt  }
0x42: {  	_ =	shalt  }
0x43: {  	_ =	shalt  }
0x44: {  	_ =	shalt  }
0x45: {  	_ =	shalt  }
0x46: {  	_ =	shalt  }
0x47: {  	_ =	shalt  }
0x48: {  	_ =	shalt  }
0x49: {  	_ =	shalt  }
0x4a: {  	_ =	shalt  }
0x4b: {  	_ =	shalt  }
0x4c: {  	_ =	shalt  }
0x4d: {  	_ =	shalt  }
0x4e: {  	_ =	shalt  }
0x4f: {  	_ =	shalt  }
0x50: {  	_ =	shalt  }
0x51: {  	_ =	shalt  }
0x52: {  	_ =	shalt  }
0x53: {  	_ =	shalt  }
0x54: {  	_ =	shalt  }
0x55: {  	_ =	shalt  }
0x56: {  	_ =	shalt  }
0x57: {  	_ =	shalt  }
0x58: {  	_ =	shalt  }
0x59: {  	_ =	shalt  }
0x5a: {  	_ =	shalt  }
0x5b: {  	_ =	shalt  }
0x5c: {  	_ =	shalt  }
0x5d: {  	_ =	shalt  }
0x5e: {  	_ =	shalt  }
0x5f: {  	_ =	shalt  }
0x60: {  	_ =	shalt  }
0x61: {  	_ =	shalt  }
0x62: {  	_ =	shalt  }
0x63: {  	_ =	shalt  }
0x64: {  	_ =	shalt  }
0x65: {  	_ =	shalt  }
0x66: {  	_ =	shalt  }
0x67: {  	_ =	shalt  }
0x68: {  	_ =	shalt  }
0x69: {  	_ =	shalt  }
0x6a: {  	_ =	shalt  }
0x6b: {  	_ =	shalt  }
0x6c: {  	_ =	shalt  }
0x6d: {  	_ =	shalt  }
0x6e: {  	_ =	shalt  }
0x6f: {  	_ =	shalt  }
0x70: {  	_ =	shalt  }
0x71: {  	_ =	shalt  }
0x72: {  	_ =	shalt  }
0x73: {  	_ =	shalt  }
0x74: {  	_ =	shalt  }
0x75: {  	_ =	shalt  }
0x76: {  	_ =	shalt  }
0x77: {  	_ =	shalt  }
0x78: {  	_ =	shalt  }
0x79: {  	_ =	shalt  }
0x7a: {  	_ =	shalt  }
0x7b: {  	_ =	shalt  }
0x7c: {  	_ =	shalt  }
0x7d: {  	_ =	shalt  }
0x7e: {  	_ =	shalt  }
0x7f: {  	_ =	shalt  }
0x80: {  	_ =	shalt  }
0x81: {  	_ =	shalt  }
0x82: {  	_ =	shalt  }
0x83: {  	_ =	shalt  }
0x84: {  	_ =	shalt  }
0x85: {  	_ =	shalt  }
0x86: {  	_ =	shalt  }
0x87: {  	_ =	shalt  }
.Lfunc_end0:
.L_simem_size_0:
called_computation.2_lowered:
.L_overlay_start_0:
0x88: {  	s2 =	sld [smem:$0x3FD9]  }
0x89: {  	s3 =	sld [smem:$0x3FFE];
	_ =	sdelay $0x1  }
0x8a: {  	s1 =	srdreg.scid  }
0x8b: {  	s0 =	sand.u32 $0x1, s1  }
0x8c: {  	s16 =	sshll.u32 s0, $0xA;
	s2 =	sadd.s32 s3, s2  }
0x8d: {  	s2 =	sadd.s32 s2, s16  }
0x8e: {  	[smem:$0x3FB8] =	sst s2  }
0x8f: {  	_ = 	snop  }
0x90: {  	(tm) =	ssettm $0x1  }
0x91: {  	s17 =	sld [smem:$0x3FFB];
	_ =	sdelay $0x3  }
0x92: {  	_ =	strace s17  }
0x93: {  	s2 =	sld [smem:$0x3FFC];
	_ =	sdelay $0x3  }
0x94: {  	_ =	strace s2  }
0x95: {  	s2 =	sld [smem:$0x3FFD];
	_ =	sdelay $0x3  }
0x96: {  	_ =	strace s2  }
0x97: {  	_ =	strace $0x8FFFFFFF  }
0x98: {  	s18 =	sld [smem:$0x3FDB];
	_ =	sdelay $0x1  }
0x99: {  	s19 =	simm.s32 $_scs_section_size  }
0x9a: {  	s4 =	simm.s32 $_size__tile_overlayer_lowered;
	s5 =	simm.s32 $_tile_overlayer_lowered  }
0x9b: {  	s22 =	simm.s32 $0x1BFF;
	s21 =	sshll.u32 s5, $0x1;
	s2 =	sadd.s32 s19, s18  }
0x9c: {  	s6 =	simm.s32 $0x0;
	s20 =	sshll.u32 s4, $0x1;
	s4 =	sadd.s32 s21, s2  }
0x9d: {  	[timem:s6], [sflag:s22] =	dma.local [hbm:s4], s20  }
0x9e: {  	_ =	swait.ge [sflag:s22], s20  }
0x9f: {  	s3 =	ssub.s32 $0x0, s20;
	[sflag:s22] =	ssyncset.done $0x0  }
0xa0: {  	[sflag:s22] =	ssyncadd.s32 s3;
	_ =	sdelay $0x1  }
0xa1: {  	s23 =	simm.s32 $0x1B8B  }
0xa2: {  	_ =	swait.ge [sflag:s23], $0x1  }
0xa3: {  	[sflag:s23] =	ssyncset.done $0x0  }
0xa4: {  	s25 =	simm.s32 $0x1B8E;
	s24 =	sld [smem:$0x3FFE];
	[sflag:s23] =	ssyncadd.s32 $0xFFFFFFFF  }
0xa5: {  	s26 =	simm.s32 $execute0_lowered;
	[smem:$0x3FD2] =	sst s25  }
0xa6: {  	s4 =	sshll.u32 s26, $0x1;
	_ =	strace $0x8000004C;
	[dreg:$0x1] =	wrdreg $0xFFFFFFFF  }
0xa7: {  	s28 =	simm.s32 $_size_execute0_lowered;
	s2 =	sadd.s32 s2, s4;
	[dreg:$0x0] =	wrdreg $0x0  }
0xa8: {  	s4 =	sshll.u32 s28, $0x1;
	[dreg:$0x2] =	wrdreg s2  }
0xa9: {  	[dreg:$0x3] =	wrdreg s4  }
0xaa: {  	[dreg:$0x4] =	wrdreg $0xC0  }
0xab: {  	_ =	task [dreg:s6], $0x5FFFF  }
0xac: {  	[dreg:$0x1] =	wrdreg $0xFFFFFFFF  }
0xad: {  	[dreg:$0x0] =	wrdreg $0x60  }
0xae: {  	[dreg:$0x2] =	wrdreg s24  }
0xaf: {  	[dreg:$0x3] =	wrdreg $0x140000  }
0xb0: {  	[dreg:$0x4] =	wrdreg $0x9  }
0xb1: {  	_ =	task.clear_ibuf [dreg:s6], $0x5FFFF;
	_ =	strace $0x9000004C  }
0xb2: {  	s29 =	simm.s32 $0x9;
	_ =	strace $0x8000004E  }
0xb3: {  	_ =	swait.ge [sflag:s29], $0x1  }
0xb4: {  	[sflag:s29] =	ssyncadd.s32 $0xFFFFFFFF  }
0xb5: {  	_ =	strace $0x9000004E  }
0xb6: {  	_ =	sfence  }
0xb7: {  	s30 =	sld [smem:$0x0];
	_ =	sdelay $0x2  }
0xb8: {  	s31 =	sshll.u32 s1, $0xD;
	s1 =	sshrl.u32 s1, $0x2  }
0xb9: {  	s3 =	sand.u32 $0x4000, s31;
	s1 =	sadd.s32 s1, s30  }
0xba: {  	s0 =	sor.u32 s3, s0;
	s1 =	sshll.u32 s1, $0x11  }
0xbb: {  	s0 =	sor.u32 s1, s0  }
0xbc: {  	s0 =	sadd.s32 $0x8F2B, s0  }
0xbd: {  	[sflag:s0] =	ssyncadd.remote.s32 $0x1  }
0xbe: {  	_ =	sfence.sel $0xFFFF  }
0xbf: {  	[dreg:$0x0] =	wrdreg $0xFFFFFFFF;
	(pc) =	sbr.abs _section_cstart, $3  }
0xc0: {  	[dreg:$0x1] =	wrdreg $0xFFFFFFFF  }
0xc1: {  	_ =	task.clear_ibuf [dreg:s6], $0x2FFFF;
	_ =	strace $0x9FFFFFFF  }
0xc2: {  	(tm) =	ssettm $0x7FFFFFFF  }
0xc3: {  	_ =	shalt  }
tec
execute0_lowered:
.L_overlay_start_1:
0x0: {  	(tag) =	ssettag $0x1  }
0x1: {  	s0 =	rddreg [dreg:$0x0]  }
0x2: {  	s2 =	rddreg [dreg:$0x1]  }
0x3: {  	s1 =	stileid.u32;
	s4 =	srdreg.scid;
	s3 =	simm.s32 $0x0  }
0x4: {  	s18 =	simm.s32 $0x12000;
	s19 =	simm.s32 $0x5;
	s20 =	simm.s32 $0x5000  }
0x5: {  	s21 =	simm.s32 $0x80;
	s22 =	simm.s32 $0xA000;
	s23 =	simm.s32 $0xE000  }
0x6: {  	s24 =	simm.s32 $0x1;
	s25 =	simm.s32 $0x2;
	s5 =	smul.u32 $0x5000, s1  }
0x7: {  	s28 =	simm.s32 $0x4;
	s29 =	simm.s32 $0x0;
	s8 =	smul.u32 $0x140, s1  }
0x8: {  	s6 =	sand.u32 $0x1, s4;
	[smem:$0x7FF] =	sst s3;
	s10 =	smul.u32 $0x28000, s1  }
0x9: {  	s4 =	sadd.s32 $0xEE00, s0;
	s7 =	smul.u32 $0x50000, s6;
	_ =	strace $0x8000004D  }
0xa: {  	s9 =	smul.u32 $0x1400, s6;
	s6 =	ssub.s32 $0x2, s6;
	s30 =	sshrl.u32 s10, $0x2  }
0xb: {  	s31 =	sshrl.u32 s6, $0x1;
	s7 =	sadd.s32 s5, s7;
	s5 =	sshrl.u32 s5, $0x3  }
0xc: {  	s26 =	sadd.s32 s8, s9;
	s17 =	ssub.s32 s6, s31;
	s7 =	sshrl.u32 s7, $0x3  }
0xd: {  	s11 =	sadd.s32 s5, s0;
	s5 =	sshll.u32 s26, $0x4;
	s17 =	smax.u32 s17, $0x1  }
0xe: {  	s12 =	sadd.s32 s7, s0;
	s0 =	sadd.s32 s5, s0;
	s5 =	sadd.s32 s30, s2  }
0xf: {  	s26 =	simm.s32 $0x3;
	s10 =	sadd.s32 $0x4E00, s11;
	s6 =	sadd.s32 $0x2000, s5  }
0x10: {  	s7 =	sadd.s32 $0x4000, s5;
	s8 =	sadd.s32 $0x6000, s5;
	s9 =	sadd.s32 $0x8000, s5  }
0x11: {  	s11 =	sadd.s32 $0x38E00, s12;
	s12 =	sadd.s32 $0x74E00, s0;
	s13 =	sadd.s32 $0x75200, s0  }
0x12: {  	v0 =	vimm.f32 $0.0e+00;
	s14 =	sadd.s32 $0x75600, s0;
	s15 =	sadd.s32 $0x75A00, s0;
	s16 =	sadd.s32 $0x75E00, s0  }
.LBB2_1:
0x13: {  	s0 =	sand.u32 $0x7E00, s3  }
0x14: {  	s31 =	sand.u32 $0x70, s3;
	s0 =	sshrl.u32 s0, $0x2  }
0x15: {  	s30 =	simm.s32 $0x40;
	s0 =	sor.u32 s31, s0;
	s31 =	simm.s32 $0x0  }
.LBB2_2:
0x16: {  	p0 =	sne.s32 s30, $0x7FC0  }
0x17: {  	[tilespmem:s0+$0x12000] =	vst v0;
	s31 =	sadd.s32 $0x10, s31;
	s0 =	smov.u32 s30;
	s30 =	sadd.s32 $0x40, s30  }
.Ltmp0:
0x18: {  	(pc) =	sbr.rel @p0 .LBB2_2-.Ltmp0, $4  }
0x19: {  	_ = 	snop  }
0x1a: {  	s0 =	sand.u32 $0x7E00, s0  }
0x1b: {  	s1 =	sand.u32 $0x70, s31;
	s0 =	sshrl.u32 s0, $0x2  }
0x1c: {  	s0 =	sor.u32 s1, s0  }
0x1d: {  	[tilespmem:s0+$0x12000] =	vst v0  }
0x1e: {  	[spmem:s5] =	stream.linear.scatter [tilespmem:s18], [sflag:$0x5], $0x2000, $0x38;
	[tilespmem:$0x1E040] =	vst v63  }
0x1f: {  	_ =	swait.ge [sflag:s19], $0x2000  }
0x20: {  	[sflag:s19] =	ssyncset.done $0x0  }
0x21: {  	[sflag:s19] =	ssyncadd.s32 $0xFFFFE000  }
0x22: {  	[spmem:s6] =	stream.linear.scatter [tilespmem:s18], [sflag:$0x5], $0x2000, $0x38;
	[tilespmem:$0x1E040] =	vst v63  }
0x23: {  	_ =	swait.ge [sflag:s19], $0x2000  }
0x24: {  	[sflag:s19] =	ssyncset.done $0x0  }
0x25: {  	[sflag:s19] =	ssyncadd.s32 $0xFFFFE000  }
0x26: {  	[spmem:s7] =	stream.linear.scatter [tilespmem:s18], [sflag:$0x5], $0x2000, $0x38;
	[tilespmem:$0x1E040] =	vst v63  }
0x27: {  	_ =	swait.ge [sflag:s19], $0x2000  }
0x28: {  	[sflag:s19] =	ssyncset.done $0x0  }
0x29: {  	[sflag:s19] =	ssyncadd.s32 $0xFFFFE000  }
0x2a: {  	[spmem:s8] =	stream.linear.scatter [tilespmem:s18], [sflag:$0x5], $0x2000, $0x38;
	[tilespmem:$0x1E040] =	vst v63  }
0x2b: {  	_ =	swait.ge [sflag:s19], $0x2000  }
0x2c: {  	[sflag:s19] =	ssyncset.done $0x0  }
0x2d: {  	[sflag:s19] =	ssyncadd.s32 $0xFFFFE000  }
0x2e: {  	[spmem:s9] =	stream.linear.scatter [tilespmem:s18], [sflag:$0x5], $0x2000, $0x38;
	[tilespmem:$0x1E040] =	vst v63  }
0x2f: {  	_ =	swait.ge [sflag:s19], $0x2000  }
0x30: {  	[sflag:s19] =	ssyncset.done $0x0  }
0x31: {  	[sflag:s19] =	ssyncadd.s32 $0xFFFFE000  }
0x32: {  	s1 =	simm.s32 $0x0;
	[bflag:$0x0] =	sbarrier.arrive $0xFFFF  }
0x33: {  	[tilespmem:s1], [sflag:$0x5] =	stream.linear.gather [hbm4b:s10+s1], $0x4F00, $0x38;
	[tilespmem:$0x1E040] =	vst v63  }
0x34: {  	_ =	swait.ge [sflag:s19], $0x4F00  }
0x35: {  	[sflag:s19] =	ssyncset.done $0x0  }
0x36: {  	[sflag:s19] =	ssyncadd.s32 $0xFFFFB100  }
0x37: {  	[tilespmem:s20], [sflag:$0x5] =	stream.linear.gather [hbm4b:s11+s1], $0x4F00, $0x38;
	[tilespmem:$0x1E040] =	vst v63  }
0x38: {  	_ =	swait.ge [sflag:s19], $0x4F00  }
0x39: {  	[sflag:s19] =	ssyncset.done $0x0  }
0x3a: {  	s1 =	simm.s32 $0x0;
	[sflag:s19] =	ssyncadd.s32 $0xFFFFB100  }
0x3b: {  	[tilespmem:s22], [sflag:$0x1] =	stream.indirect.gather [hbm4b:s4+s21], $0x80, s1, s21, $0xb8;
	[tilespmem:$0x1E040] =	vst v63  }
0x3c: {  	s1 =	simm.s32 $0x80  }
0x3d: {  	[tilespmem:s23], [sflag:$0x2] =	stream.indirect.gather [hbm4b:s4+s21], $0x80, s1, s21, $0xb8;
	[tilespmem:$0x1E040] =	vst v63  }
0x3e: {  	_ =	swait.ge [sflag:s24], $0x4000  }
0x3f: {  	[sflag:s24] =	ssyncset.done $0x0  }
0x40: {  	s1 =	simm.s32 $0x5000;
	[sflag:s24] =	ssyncadd.s32 $0xFFFFC000  }
0x41: {  	[spmem:s2] =	stream.indirect.scatter.add.f32 [tilespmem:s22], [sflag:$0x3], $0x80, s1, s21, $0xb8;
	[tilespmem:$0x1E040] =	vst v63  }
0x42: {  	_ =	swait.ge [sflag:s25], $0x4000  }
0x43: {  	[sflag:s25] =	ssyncset.done $0x0  }
0x44: {  	s1 =	simm.s32 $0x5080;
	[sflag:s25] =	ssyncadd.s32 $0xFFFFC000  }
0x45: {  	[spmem:s2] =	stream.indirect.scatter.add.f32 [tilespmem:s23], [sflag:$0x4], $0x80, s1, s21, $0xb8;
	[tilespmem:$0x1E040] =	vst v63  }
0x46: {  	_ =	swait.ge [sflag:s26], $0x4000  }
0x47: {  	[sflag:s26] =	ssyncset.done $0x0  }
0x48: {  	[sflag:s26] =	ssyncadd.s32 $0xFFFFC000  }
0x49: {  	_ =	swait.ge [sflag:s28], $0x4000  }
0x4a: {  	s30 =	simm.s32 $0x400;
	s31 =	simm.s32 $0x800;
	[sflag:s28] =	ssyncset.done $0x0  }
.LBB2_4:
0x4b: {  	s0 =	sshra.s32 s30, $0x2  }
0x4c: {  	[sflag:s28] =	ssyncadd.s32 $0xFFFFC000;
	s30 =	smov.u32 s31;
	s1 =	sadd.s32 $0x400, s31  }
0x4d: {  	[tilespmem:s22], [sflag:$0x1] =	stream.indirect.gather [hbm4b:s4+s21], $0x80, s0, s21, $0xb8;
	[tilespmem:$0x1E040] =	vst v63  }
0x4e: {  	p0 =	sne.s32 s31, $0x13800;
	s31 =	sadd.s32 $0x80, s0  }
0x4f: {  	[tilespmem:s23], [sflag:$0x2] =	stream.indirect.gather [hbm4b:s4+s21], $0x80, s31, s21, $0xb8;
	[tilespmem:$0x1E040] =	vst v63  }
0x50: {  	_ =	swait.ge [sflag:s24], $0x4000  }
0x51: {  	[sflag:s24] =	ssyncset.done $0x0  }
0x52: {  	s31 =	sadd.s32 $0x5000, s0;
	[sflag:s24] =	ssyncadd.s32 $0xFFFFC000  }
0x53: {  	[spmem:s2] =	stream.indirect.scatter.add.f32 [tilespmem:s22], [sflag:$0x3], $0x80, s31, s21, $0xb8;
	[tilespmem:$0x1E040] =	vst v63  }
0x54: {  	_ =	swait.ge [sflag:s25], $0x4000  }
0x55: {  	[sflag:s25] =	ssyncset.done $0x0  }
0x56: {  	s0 =	sadd.s32 $0x5080, s0;
	[sflag:s25] =	ssyncadd.s32 $0xFFFFC000  }
0x57: {  	[spmem:s2] =	stream.indirect.scatter.add.f32 [tilespmem:s23], [sflag:$0x4], $0x80, s0, s21, $0xb8;
	[tilespmem:$0x1E040] =	vst v63  }
.Ltmp1:
0x58: {  	_ =	swait.ge [sflag:s26], $0x4000;
	(pc) =	sbr.rel @p0 .LBB2_4-.Ltmp1, $4  }
0x59: {  	[sflag:s26] =	ssyncset.done $0x0  }
0x5a: {  	[sflag:s26] =	ssyncadd.s32 $0xFFFFC000  }
0x5b: {  	_ =	swait.ge [sflag:s28], $0x4000  }
0x5c: {  	s31 =	smov.u32 s1;
	[sflag:s28] =	ssyncset.done $0x0  }
0x5d: {  	s0 =	sshra.s32 s30, $0x2;
	[sflag:s28] =	ssyncadd.s32 $0xFFFFC000  }
0x5e: {  	[tilespmem:s22], [sflag:$0x1] =	stream.indirect.gather [hbm4b:s4+s21], $0x80, s0, s21, $0xb8;
	[tilespmem:$0x1E040] =	vst v63  }
0x5f: {  	s1 =	sadd.s32 $0x80, s0  }
0x60: {  	[tilespmem:s23], [sflag:$0x2] =	stream.indirect.gather [hbm4b:s4+s21], $0x80, s1, s21, $0xb8;
	[tilespmem:$0x1E040] =	vst v63  }
0x61: {  	_ =	swait.ge [sflag:s24], $0x4000  }
0x62: {  	[sflag:s24] =	ssyncset.done $0x0  }
0x63: {  	s31 =	sadd.s32 $0x5000, s0;
	[sflag:s24] =	ssyncadd.s32 $0xFFFFC000  }
0x64: {  	[spmem:s2] =	stream.indirect.scatter.add.f32 [tilespmem:s22], [sflag:$0x3], $0x80, s31, s21, $0xb8;
	[tilespmem:$0x1E040] =	vst v63  }
0x65: {  	_ =	swait.ge [sflag:s25], $0x4000  }
0x66: {  	[sflag:s25] =	ssyncset.done $0x0  }
0x67: {  	s0 =	sadd.s32 $0x5080, s0;
	[sflag:s25] =	ssyncadd.s32 $0xFFFFC000  }
0x68: {  	[spmem:s2] =	stream.indirect.scatter.add.f32 [tilespmem:s23], [sflag:$0x4], $0x80, s0, s21, $0xb8;
	[tilespmem:$0x1E040] =	vst v63  }
0x69: {  	_ =	swait.ge [sflag:s26], $0x4000  }
0x6a: {  	[sflag:s26] =	ssyncset.done $0x0  }
0x6b: {  	[sflag:s26] =	ssyncadd.s32 $0xFFFFC000  }
0x6c: {  	_ =	swait.ge [sflag:s28], $0x4000  }
0x6d: {  	[sflag:s28] =	ssyncset.done $0x0  }
0x6e: {  	[sflag:s28] =	ssyncadd.s32 $0xFFFFC000  }
0x6f: {  	[bflag:$0x0] =	sbarrier.arrive $0xFFFF  }
0x70: {  	[tilespmem:s18], [sflag:$0x5] =	stream.linear.gather [spmem:s5], $0x2000, $0x38;
	[tilespmem:$0x1E040] =	vst v63  }
0x71: {  	_ =	swait.ge [sflag:s19], $0x2000  }
0x72: {  	[sflag:s19] =	ssyncset.done $0x0  }
0x73: {  	[sflag:s19] =	ssyncadd.s32 $0xFFFFE000  }
0x74: {  	[hbm4b:s12+s3] =	stream.linear.scatter [tilespmem:s18], [sflag:$0x5], $0x2000, $0x38;
	[tilespmem:$0x1E040] =	vst v63  }
0x75: {  	_ =	swait.ge [sflag:s19], $0x2000  }
0x76: {  	[sflag:s19] =	ssyncset.done $0x0  }
0x77: {  	[sflag:s19] =	ssyncadd.s32 $0xFFFFE000  }
0x78: {  	[tilespmem:s18], [sflag:$0x5] =	stream.linear.gather [spmem:s6], $0x2000, $0x38;
	[tilespmem:$0x1E040] =	vst v63  }
0x79: {  	_ =	swait.ge [sflag:s19], $0x2000  }
0x7a: {  	[sflag:s19] =	ssyncset.done $0x0  }
0x7b: {  	[sflag:s19] =	ssyncadd.s32 $0xFFFFE000  }
0x7c: {  	[hbm4b:s13+s3] =	stream.linear.scatter [tilespmem:s18], [sflag:$0x5], $0x2000, $0x38;
	[tilespmem:$0x1E040] =	vst v63  }
0x7d: {  	_ =	swait.ge [sflag:s19], $0x2000  }
0x7e: {  	[sflag:s19] =	ssyncset.done $0x0  }
0x7f: {  	[sflag:s19] =	ssyncadd.s32 $0xFFFFE000  }
0x80: {  	[tilespmem:s18], [sflag:$0x5] =	stream.linear.gather [spmem:s7], $0x2000, $0x38;
	[tilespmem:$0x1E040] =	vst v63  }
0x81: {  	_ =	swait.ge [sflag:s19], $0x2000  }
0x82: {  	[sflag:s19] =	ssyncset.done $0x0  }
0x83: {  	[sflag:s19] =	ssyncadd.s32 $0xFFFFE000  }
0x84: {  	[hbm4b:s14+s3] =	stream.linear.scatter [tilespmem:s18], [sflag:$0x5], $0x2000, $0x38;
	[tilespmem:$0x1E040] =	vst v63  }
0x85: {  	_ =	swait.ge [sflag:s19], $0x2000  }
0x86: {  	[sflag:s19] =	ssyncset.done $0x0  }
0x87: {  	[sflag:s19] =	ssyncadd.s32 $0xFFFFE000  }
0x88: {  	[tilespmem:s18], [sflag:$0x5] =	stream.linear.gather [spmem:s8], $0x2000, $0x38;
	[tilespmem:$0x1E040] =	vst v63  }
0x89: {  	_ =	swait.ge [sflag:s19], $0x2000  }
0x8a: {  	[sflag:s19] =	ssyncset.done $0x0  }
0x8b: {  	[sflag:s19] =	ssyncadd.s32 $0xFFFFE000  }
0x8c: {  	[hbm4b:s15+s3] =	stream.linear.scatter [tilespmem:s18], [sflag:$0x5], $0x2000, $0x38;
	[tilespmem:$0x1E040] =	vst v63  }
0x8d: {  	_ =	swait.ge [sflag:s19], $0x2000  }
0x8e: {  	[sflag:s19] =	ssyncset.done $0x0  }
0x8f: {  	[sflag:s19] =	ssyncadd.s32 $0xFFFFE000  }
0x90: {  	[tilespmem:s18], [sflag:$0x5] =	stream.linear.gather [spmem:s9], $0x2000, $0x38;
	[tilespmem:$0x1E040] =	vst v63  }
0x91: {  	s29 =	sadd.s32 $0x1, s29;
	_ =	swait.ge [sflag:s19], $0x2000  }
0x92: {  	p0 =	sne.s32 s29, s17;
	[sflag:s19] =	ssyncset.done $0x0  }
.Ltmp2:
0x93: {  	[sflag:s19] =	ssyncadd.s32 $0xFFFFE000;
	(pc) =	sbr.rel @p0 .LBB2_1-.Ltmp2, $4  }
0x94: {  	[hbm4b:s16+s3] =	stream.linear.scatter [tilespmem:s18], [sflag:$0x5], $0x2000, $0x38;
	[tilespmem:$0x1E040] =	vst v63  }
0x95: {  	_ =	swait.ge [sflag:s19], $0x2000  }
0x96: {  	[sflag:s19] =	ssyncset.done $0x0  }
0x97: {  	[sflag:s19] =	ssyncadd.s32 $0xFFFFE000  }
0x98: {  	_ =	sfence.sel $0x180000  }
0x99: {  	[bflag:$0x0] =	sbarrier.arrive $0xFFFF  }
0x9a: {  	_ =	strace $0x9000004D  }
0x9b: {  	s0 =	stileid.u32;
	[bflag:$0x2] =	sbarrier.arrive $0xFFFF  }
0x9c: {  	p0 =	sne.s32 s0, $0x0;
	s0 =	rddreg [dreg:$0x2]  }
0x9d: {  	s0 =	sadd.s32 @!p0 $0x100000, s0  }
0x9e: {  	[sflag:s0] =	ssyncadd.tile.s32 @!p0 $0x1;
	_ =	shalt  }
.Lfunc_end2:
_tile_overlayer_lowered:
.L_overlay_start_2:
0x9f: {  	(tag) =	ssettag $0x2  }
0xa0: {  	s0 =	rddreg [dreg:$0x0];
	s2 =	stileid.u32  }
0xa1: {  	s1 =	rddreg [dreg:$0x1];
	p0 =	sne.s32 s2, $0x0  }
0xa2: {  	s3 =	rddreg [dreg:$0x2];
	[bflag:$0x3] =	sbarrier.arrive $0xFFFF;
	s2 =	simm.s32 @!p0 $0x1C05  }
0xa3: {  	[timem:s3], [sflag:s2] =	dma.local @!p0 [hbm:s0], s1  }
0xa4: {  	s0 =	simm.s32 @!p0 $0x5  }
0xa5: {  	_ =	swait.ge @!p0 [sflag:s0], s1  }
0xa6: {  	s1 =	ssub.s32 @!p0 $0x0, s1;
	[sflag:s0] =	ssyncset.done @!p0 $0x0  }
0xa7: {  	[sflag:s0] =	ssyncadd.s32 @!p0 s1  }
0xa8: {  	[bflag:$0x3] =	sbarrier.arrive $0xFFFF  }
0xa9: {  	_ =	shalt  }

// kernel: kernel.20.cloned.1.call-start
scs
__scs_entry_jumppad:
0x0: {  	(pc) =	sbr.rel $0x88, $3  }
0x1: {  	(tag) =	ssettag $0x0;
	lr =	simm.s32 $0x1  }
0x2: {  	[smem:$0x3F91] =	sst lr;
	_ =	strace $0xD0000000  }
0x3: {  	_ = 	snop  }
0x4: {  	_ = 	snop  }
0x5: {  	_ = 	snop  }
0x6: {  	_ = 	snop  }
0x7: {  	_ = 	snop  }
__scs_overlays_trampoline_lowered:
0x8: {  	[smem:$0x3FA0] =	sst s0  }
0x9: {  	[smem:$0x3FA1] =	sst s1  }
0xa: {  	[smem:$0x3FA2] =	sst s2  }
0xb: {  	[smem:$0x3FA3] =	sst s3  }
0xc: {  	[smem:$0x3FA4] =	sst s4  }
0xd: {  	[smem:$0x3FA5] =	sst s5  }
0xe: {  	[smem:$0x3FA6] =	sst s6  }
0xf: {  	[smem:$0x3FA7] =	sst s7  }
0x10: {  	[smem:$0x3FA8] =	sst s8  }
0x11: {  	[smem:$0x3FA9] =	sst s9;
	s0 =	simm.s32 @!p0 $0x0  }
0x12: {  	s1 =	sld [smem:$0x3F8F];
	s0 =	simm.s32 @p0 $0x1  }
0x13: {  	[smem:$0x3FAA] =	sst s0;
	s0 =	simm.s32 @!p1 $0x0  }
0x14: {  	s2 =	sld [smem:$0x3F8E];
	s0 =	simm.s32 @p1 $0x1  }
0x15: {  	[smem:$0x3FAB] =	sst s0;
	s0 =	simm.s32 @!p2 $0x0  }
0x16: {  	s3 =	sld [smem:$0x3FDB];
	s0 =	simm.s32 @p2 $0x1  }
0x17: {  	s4 =	simm.s32 $0x1BF5;
	[smem:$0x3FAD] =	sst s0  }
0x18: {  	s0 =	sld [smem:$0x3F90];
	_ =	swait.ge [sflag:s4], $0x0  }
0x19: {  	s7 =	sld [smem:$0x3F91]  }
0x1a: {  	s8 =	sadd.s32 $0xFFFFE003, lr  }
0x1b: {  	s9 =	sadd.s32 $0xFFFFFEF7, lr;
	s5 =	simm.s32 $0xFFFFFFFF;
	p2 =	slt.u32 s8, $0xFFFFF086  }
0x1c: {  	p1 =	slt.u32 s9, $0xF7A;
	s5 =	simm.s32 @!p2 $0x0  }
0x1d: {  	s5 =	simm.s32 @p1 $0x1;
	p0 =	seq.s32 s7, s2  }
0x1e: {  	s7 =	smul.u32 @!p0 $0xF7A, s2;
	p2 =	seq.s32 @!p0 s5, $0x0  }
0x1f: {  	s9 =	smul.u32 $0xF7A, s1;
	s8 =	simm.s32 @!p0 $0x1BF5;
	p2 =	por !p2, p0  }
0x20: {  	[sflag:s8] =	ssyncset.s32 @!p0 $0xFFFFF086;
	s6 =	sadd.s32 @!p0 s3, s7;
	s7 =	simm.s32 @!p0 $0x108  }
0x21: {  	s3 =	sadd.s32 s3, s9;
	s6 =	sadd.s32 @!p0 $0x88, s6;
	s7 =	simm.s32 @p2 $0x1082  }
0x22: {  	[simem:s7], [sflag:s8] =	dma.local @!p0 [hbm:s6], $0xF7A  }
0x23: {  	s9 =	sor.u32 $0xD0000000, s2;
	s6 =	simm.s32 $0x108;
	_ =	swait.ge @!p0 [sflag:s8], $0x0  }
0x24: {  	s3 =	sadd.s32 $0x88, s3;
	s6 =	simm.s32 @!p1 $0x1082;
	[sflag:s4] =	ssyncset.s32 $0xFFFFF086  }
0x25: {  	[simem:s6], [sflag:s4] =	dma.local [hbm:s3], $0xF7A  }
0x26: {  	[smem:$0x3F91] =	sst s1;
	(tag) =	ssettag s2;
	_ =	strace s9  }
0x27: {  	s1 =	sld [smem:$0x3FA1]  }
0x28: {  	s2 =	sld [smem:$0x3FA2]  }
0x29: {  	s4 =	sld [smem:$0x3FA4]  }
0x2a: {  	p0 =	seq.s32 s5, $0x0;
	s5 =	sld [smem:$0x3FA5]  }
0x2b: {  	s6 =	sld [smem:$0x3FA6]  }
0x2c: {  	s7 =	sld [smem:$0x3FA7]  }
0x2d: {  	s3 =	simm.s32 $0x108;
	s8 =	sld [smem:$0x3FA8]  }
0x2e: {  	s3 =	simm.s32 @!p0 $0x1082;
	s9 =	sld [smem:$0x3FA9]  }
0x2f: {  	lr =	sadd.s32 s0, s3;
	s0 =	sld [smem:$0x3FA0]  }
0x30: {  	s3 =	sld [smem:$0x3FA3]  }
0x31: {  	[smem:$0x3FAC] =	sst s10  }
0x32: {  	s10 =	sld [smem:$0x3FAA];
	_ =	sdelay $0x3  }
0x33: {  	p0 =	seq.s32 s10, $0x1;
	s10 =	sld [smem:$0x3FAC];
	_ =	sdelay $0x3  }
0x34: {  	[smem:$0x3FAC] =	sst s10  }
0x35: {  	s10 =	sld [smem:$0x3FAB];
	_ =	sdelay $0x3  }
0x36: {  	p1 =	seq.s32 s10, $0x1;
	s10 =	sld [smem:$0x3FAC];
	_ =	sdelay $0x3  }
0x37: {  	[smem:$0x3FAC] =	sst s10  }
0x38: {  	s10 =	sld [smem:$0x3FAD]  }
0x39: {  	_ = 	snop;
	(pc) =	sbr.ind lr, $3  }
0x3a: {  	_ = 	snop  }
0x3b: {  	_ = 	snop  }
0x3c: {  	p2 =	seq.s32 s10, $0x1;
	s10 =	sld [smem:$0x3FAC]  }
0x3d: {  	_ =	shalt  }
0x3e: {  	_ =	shalt  }
0x3f: {  	_ =	shalt  }
0x40: {  	_ =	shalt  }
0x41: {  	_ =	shalt  }
0x42: {  	_ =	shalt  }
0x43: {  	_ =	shalt  }
0x44: {  	_ =	shalt  }
0x45: {  	_ =	shalt  }
0x46: {  	_ =	shalt  }
0x47: {  	_ =	shalt  }
0x48: {  	_ =	shalt  }
0x49: {  	_ =	shalt  }
0x4a: {  	_ =	shalt  }
0x4b: {  	_ =	shalt  }
0x4c: {  	_ =	shalt  }
0x4d: {  	_ =	shalt  }
0x4e: {  	_ =	shalt  }
0x4f: {  	_ =	shalt  }
0x50: {  	_ =	shalt  }
0x51: {  	_ =	shalt  }
0x52: {  	_ =	shalt  }
0x53: {  	_ =	shalt  }
0x54: {  	_ =	shalt  }
0x55: {  	_ =	shalt  }
0x56: {  	_ =	shalt  }
0x57: {  	_ =	shalt  }
0x58: {  	_ =	shalt  }
0x59: {  	_ =	shalt  }
0x5a: {  	_ =	shalt  }
0x5b: {  	_ =	shalt  }
0x5c: {  	_ =	shalt  }
0x5d: {  	_ =	shalt  }
0x5e: {  	_ =	shalt  }
0x5f: {  	_ =	shalt  }
0x60: {  	_ =	shalt  }
0x61: {  	_ =	shalt  }
0x62: {  	_ =	shalt  }
0x63: {  	_ =	shalt  }
0x64: {  	_ =	shalt  }
0x65: {  	_ =	shalt  }
0x66: {  	_ =	shalt  }
0x67: {  	_ =	shalt  }
0x68: {  	_ =	shalt  }
0x69: {  	_ =	shalt  }
0x6a: {  	_ =	shalt  }
0x6b: {  	_ =	shalt  }
0x6c: {  	_ =	shalt  }
0x6d: {  	_ =	shalt  }
0x6e: {  	_ =	shalt  }
0x6f: {  	_ =	shalt  }
0x70: {  	_ =	shalt  }
0x71: {  	_ =	shalt  }
0x72: {  	_ =	shalt  }
0x73: {  	_ =	shalt  }
0x74: {  	_ =	shalt  }
0x75: {  	_ =	shalt  }
0x76: {  	_ =	shalt  }
0x77: {  	_ =	shalt  }
0x78: {  	_ =	shalt  }
0x79: {  	_ =	shalt  }
0x7a: {  	_ =	shalt  }
0x7b: {  	_ =	shalt  }
0x7c: {  	_ =	shalt  }
0x7d: {  	_ =	shalt  }
0x7e: {  	_ =	shalt  }
0x7f: {  	_ =	shalt  }
0x80: {  	_ =	shalt  }
0x81: {  	_ =	shalt  }
0x82: {  	_ =	shalt  }
0x83: {  	_ =	shalt  }
0x84: {  	_ =	shalt  }
0x85: {  	_ =	shalt  }
0x86: {  	_ =	shalt  }
0x87: {  	_ =	shalt  }
.Lfunc_end0:
.L_simem_size_0:
called_computation.3_lowered:
.L_overlay_start_0:
0x88: {  	s2 =	sld [smem:$0x3FD9]  }
0x89: {  	s3 =	sld [smem:$0x3FFE];
	_ =	sdelay $0x1  }
0x8a: {  	s1 =	srdreg.scid  }
0x8b: {  	s0 =	sand.u32 $0x1, s1  }
0x8c: {  	s16 =	sshll.u32 s0, $0xA;
	s2 =	sadd.s32 s3, s2  }
0x8d: {  	s2 =	sadd.s32 s2, s16  }
0x8e: {  	[smem:$0x3FB8] =	sst s2  }
0x8f: {  	_ = 	snop  }
0x90: {  	(tm) =	ssettm $0x1  }
0x91: {  	s17 =	sld [smem:$0x3FFB];
	_ =	sdelay $0x3  }
0x92: {  	_ =	strace s17  }
0x93: {  	s2 =	sld [smem:$0x3FFC];
	_ =	sdelay $0x3  }
0x94: {  	_ =	strace s2  }
0x95: {  	s2 =	sld [smem:$0x3FFD];
	_ =	sdelay $0x3  }
0x96: {  	_ =	strace s2  }
0x97: {  	_ =	strace $0x8FFFFFFF  }
0x98: {  	s18 =	sld [smem:$0x3FDB];
	_ =	sdelay $0x1  }
0x99: {  	s19 =	simm.s32 $_scs_section_size  }
0x9a: {  	s4 =	simm.s32 $_size__tile_overlayer_lowered;
	s5 =	simm.s32 $_tile_overlayer_lowered  }
0x9b: {  	s22 =	simm.s32 $0x1BFF;
	s21 =	sshll.u32 s5, $0x1;
	s2 =	sadd.s32 s19, s18  }
0x9c: {  	s6 =	simm.s32 $0x0;
	s20 =	sshll.u32 s4, $0x1;
	s4 =	sadd.s32 s21, s2  }
0x9d: {  	[timem:s6], [sflag:s22] =	dma.local [hbm:s4], s20  }
0x9e: {  	_ =	swait.ge [sflag:s22], s20  }
0x9f: {  	s3 =	ssub.s32 $0x0, s20;
	[sflag:s22] =	ssyncset.done $0x0  }
0xa0: {  	[sflag:s22] =	ssyncadd.s32 s3;
	_ =	sdelay $0x1  }
0xa1: {  	s23 =	simm.s32 $0x1B8B  }
0xa2: {  	_ =	swait.ge [sflag:s23], $0x1  }
0xa3: {  	[sflag:s23] =	ssyncset.done $0x0  }
0xa4: {  	s25 =	simm.s32 $0x1B8E;
	s24 =	sld [smem:$0x3FFE];
	[sflag:s23] =	ssyncadd.s32 $0xFFFFFFFF  }
0xa5: {  	s26 =	simm.s32 $execute0_lowered;
	[smem:$0x3FD2] =	sst s25  }
0xa6: {  	s4 =	sshll.u32 s26, $0x1;
	_ =	strace $0x8000004F;
	[dreg:$0x1] =	wrdreg $0xFFFFFFFF  }
0xa7: {  	s28 =	simm.s32 $_size_execute0_lowered;
	s2 =	sadd.s32 s2, s4;
	[dreg:$0x0] =	wrdreg $0x0  }
0xa8: {  	s4 =	sshll.u32 s28, $0x1;
	[dreg:$0x2] =	wrdreg s2  }
0xa9: {  	[dreg:$0x3] =	wrdreg s4  }
0xaa: {  	[dreg:$0x4] =	wrdreg $0xC0  }
0xab: {  	_ =	task [dreg:s6], $0x5FFFF  }
0xac: {  	[dreg:$0x1] =	wrdreg $0xFFFFFFFF  }
0xad: {  	[dreg:$0x0] =	wrdreg $0x60  }
0xae: {  	[dreg:$0x2] =	wrdreg s24  }
0xaf: {  	[dreg:$0x3] =	wrdreg $0x140000  }
0xb0: {  	[dreg:$0x4] =	wrdreg $0x9  }
0xb1: {  	_ =	task.clear_ibuf [dreg:s6], $0x5FFFF;
	_ =	strace $0x9000004F  }
0xb2: {  	s29 =	simm.s32 $0x9;
	_ =	strace $0x80000051  }
0xb3: {  	_ =	swait.ge [sflag:s29], $0x1  }
0xb4: {  	[sflag:s29] =	ssyncadd.s32 $0xFFFFFFFF  }
0xb5: {  	_ =	strace $0x90000051  }
0xb6: {  	_ =	sfence  }
0xb7: {  	s30 =	sld [smem:$0x0];
	_ =	sdelay $0x2  }
0xb8: {  	s31 =	sshll.u32 s1, $0xD;
	s1 =	sshrl.u32 s1, $0x2  }
0xb9: {  	s3 =	sand.u32 $0x4000, s31;
	s1 =	sadd.s32 s1, s30  }
0xba: {  	s0 =	sor.u32 s3, s0;
	s1 =	sshll.u32 s1, $0x11  }
0xbb: {  	s0 =	sor.u32 s1, s0  }
0xbc: {  	s0 =	sadd.s32 $0x8F2B, s0  }
0xbd: {  	[sflag:s0] =	ssyncadd.remote.s32 $0x1  }
0xbe: {  	_ =	sfence.sel $0xFFFF  }
0xbf: {  	[dreg:$0x0] =	wrdreg $0xFFFFFFFF;
	(pc) =	sbr.abs _section_cstart, $3  }
0xc0: {  	[dreg:$0x1] =	wrdreg $0xFFFFFFFF  }
0xc1: {  	_ =	task.clear_ibuf [dreg:s6], $0x2FFFF;
	_ =	strace $0x9FFFFFFF  }
0xc2: {  	(tm) =	ssettm $0x7FFFFFFF  }
0xc3: {  	_ =	shalt  }
tec
execute0_lowered:
.L_overlay_start_1:
0x0: {  	(tag) =	ssettag $0x1  }
0x1: {  	s0 =	rddreg [dreg:$0x0]  }
0x2: {  	s2 =	rddreg [dreg:$0x1]  }
0x3: {  	s1 =	stileid.u32;
	s4 =	srdreg.scid;
	s3 =	simm.s32 $0x0  }
0x4: {  	s18 =	simm.s32 $0x12000;
	s19 =	simm.s32 $0x5;
	s20 =	simm.s32 $0x5000  }
0x5: {  	s21 =	simm.s32 $0x80;
	s22 =	simm.s32 $0xA000;
	s23 =	simm.s32 $0xE000  }
0x6: {  	s24 =	simm.s32 $0x1;
	s25 =	simm.s32 $0x2;
	s5 =	smul.u32 $0x5000, s1  }
0x7: {  	s28 =	simm.s32 $0x4;
	s29 =	simm.s32 $0x0;
	s8 =	smul.u32 $0x140, s1  }
0x8: {  	s6 =	sand.u32 $0x1, s4;
	[smem:$0x7FF] =	sst s3;
	s10 =	smul.u32 $0x28000, s1  }
0x9: {  	s4 =	sadd.s32 $0xEE00, s0;
	s7 =	smul.u32 $0x50000, s6;
	_ =	strace $0x80000050  }
0xa: {  	s9 =	smul.u32 $0x1400, s6;
	s6 =	ssub.s32 $0x2, s6;
	s30 =	sshrl.u32 s10, $0x2  }
0xb: {  	s31 =	sshrl.u32 s6, $0x1;
	s7 =	sadd.s32 s5, s7;
	s5 =	sshrl.u32 s5, $0x3  }
0xc: {  	s26 =	sadd.s32 s8, s9;
	s17 =	ssub.s32 s6, s31;
	s7 =	sshrl.u32 s7, $0x3  }
0xd: {  	s11 =	sadd.s32 s5, s0;
	s5 =	sshll.u32 s26, $0x4;
	s17 =	smax.u32 s17, $0x1  }
0xe: {  	s12 =	sadd.s32 s7, s0;
	s0 =	sadd.s32 s5, s0;
	s5 =	sadd.s32 s30, s2  }
0xf: {  	s26 =	simm.s32 $0x3;
	s10 =	sadd.s32 $0x4E00, s11;
	s6 =	sadd.s32 $0x2000, s5  }
0x10: {  	s7 =	sadd.s32 $0x4000, s5;
	s8 =	sadd.s32 $0x6000, s5;
	s9 =	sadd.s32 $0x8000, s5  }
0x11: {  	s11 =	sadd.s32 $0x38E00, s12;
	s12 =	sadd.s32 $0x4CE00, s0;
	s13 =	sadd.s32 $0x4D200, s0  }
0x12: {  	v0 =	vimm.f32 $0.0e+00;
	s14 =	sadd.s32 $0x4D600, s0;
	s15 =	sadd.s32 $0x4DA00, s0;
	s16 =	sadd.s32 $0x4DE00, s0  }
.LBB2_1:
0x13: {  	s0 =	sand.u32 $0x7E00, s3  }
0x14: {  	s31 =	sand.u32 $0x70, s3;
	s0 =	sshrl.u32 s0, $0x2  }
0x15: {  	s30 =	simm.s32 $0x40;
	s0 =	sor.u32 s31, s0;
	s31 =	simm.s32 $0x0  }
.LBB2_2:
0x16: {  	p0 =	sne.s32 s30, $0x7FC0  }
0x17: {  	[tilespmem:s0+$0x12000] =	vst v0;
	s31 =	sadd.s32 $0x10, s31;
	s0 =	smov.u32 s30;
	s30 =	sadd.s32 $0x40, s30  }
.Ltmp0:
0x18: {  	(pc) =	sbr.rel @p0 .LBB2_2-.Ltmp0, $4  }
0x19: {  	_ = 	snop  }
0x1a: {  	s0 =	sand.u32 $0x7E00, s0  }
0x1b: {  	s1 =	sand.u32 $0x70, s31;
	s0 =	sshrl.u32 s0, $0x2  }
0x1c: {  	s0 =	sor.u32 s1, s0  }
0x1d: {  	[tilespmem:s0+$0x12000] =	vst v0  }
0x1e: {  	[spmem:s5] =	stream.linear.scatter [tilespmem:s18], [sflag:$0x5], $0x2000, $0x38;
	[tilespmem:$0x1E040] =	vst v63  }
0x1f: {  	_ =	swait.ge [sflag:s19], $0x2000  }
0x20: {  	[sflag:s19] =	ssyncset.done $0x0  }
0x21: {  	[sflag:s19] =	ssyncadd.s32 $0xFFFFE000  }
0x22: {  	[spmem:s6] =	stream.linear.scatter [tilespmem:s18], [sflag:$0x5], $0x2000, $0x38;
	[tilespmem:$0x1E040] =	vst v63  }
0x23: {  	_ =	swait.ge [sflag:s19], $0x2000  }
0x24: {  	[sflag:s19] =	ssyncset.done $0x0  }
0x25: {  	[sflag:s19] =	ssyncadd.s32 $0xFFFFE000  }
0x26: {  	[spmem:s7] =	stream.linear.scatter [tilespmem:s18], [sflag:$0x5], $0x2000, $0x38;
	[tilespmem:$0x1E040] =	vst v63  }
0x27: {  	_ =	swait.ge [sflag:s19], $0x2000  }
0x28: {  	[sflag:s19] =	ssyncset.done $0x0  }
0x29: {  	[sflag:s19] =	ssyncadd.s32 $0xFFFFE000  }
0x2a: {  	[spmem:s8] =	stream.linear.scatter [tilespmem:s18], [sflag:$0x5], $0x2000, $0x38;
	[tilespmem:$0x1E040] =	vst v63  }
0x2b: {  	_ =	swait.ge [sflag:s19], $0x2000  }
0x2c: {  	[sflag:s19] =	ssyncset.done $0x0  }
0x2d: {  	[sflag:s19] =	ssyncadd.s32 $0xFFFFE000  }
0x2e: {  	[spmem:s9] =	stream.linear.scatter [tilespmem:s18], [sflag:$0x5], $0x2000, $0x38;
	[tilespmem:$0x1E040] =	vst v63  }
0x2f: {  	_ =	swait.ge [sflag:s19], $0x2000  }
0x30: {  	[sflag:s19] =	ssyncset.done $0x0  }
0x31: {  	[sflag:s19] =	ssyncadd.s32 $0xFFFFE000  }
0x32: {  	s1 =	simm.s32 $0x0;
	[bflag:$0x0] =	sbarrier.arrive $0xFFFF  }
0x33: {  	[tilespmem:s1], [sflag:$0x5] =	stream.linear.gather [hbm4b:s10+s1], $0x4F00, $0x38;
	[tilespmem:$0x1E040] =	vst v63  }
0x34: {  	_ =	swait.ge [sflag:s19], $0x4F00  }
0x35: {  	[sflag:s19] =	ssyncset.done $0x0  }
0x36: {  	[sflag:s19] =	ssyncadd.s32 $0xFFFFB100  }
0x37: {  	[tilespmem:s20], [sflag:$0x5] =	stream.linear.gather [hbm4b:s11+s1], $0x4F00, $0x38;
	[tilespmem:$0x1E040] =	vst v63  }
0x38: {  	_ =	swait.ge [sflag:s19], $0x4F00  }
0x39: {  	[sflag:s19] =	ssyncset.done $0x0  }
0x3a: {  	s1 =	simm.s32 $0x0;
	[sflag:s19] =	ssyncadd.s32 $0xFFFFB100  }
0x3b: {  	[tilespmem:s22], [sflag:$0x1] =	stream.indirect.gather [hbm4b:s4+s21], $0x80, s1, s21, $0xb8;
	[tilespmem:$0x1E040] =	vst v63  }
0x3c: {  	s1 =	simm.s32 $0x80  }
0x3d: {  	[tilespmem:s23], [sflag:$0x2] =	stream.indirect.gather [hbm4b:s4+s21], $0x80, s1, s21, $0xb8;
	[tilespmem:$0x1E040] =	vst v63  }
0x3e: {  	_ =	swait.ge [sflag:s24], $0x4000  }
0x3f: {  	[sflag:s24] =	ssyncset.done $0x0  }
0x40: {  	s1 =	simm.s32 $0x5000;
	[sflag:s24] =	ssyncadd.s32 $0xFFFFC000  }
0x41: {  	[spmem:s2] =	stream.indirect.scatter.add.f32 [tilespmem:s22], [sflag:$0x3], $0x80, s1, s21, $0xb8;
	[tilespmem:$0x1E040] =	vst v63  }
0x42: {  	_ =	swait.ge [sflag:s25], $0x4000  }
0x43: {  	[sflag:s25] =	ssyncset.done $0x0  }
0x44: {  	s1 =	simm.s32 $0x5080;
	[sflag:s25] =	ssyncadd.s32 $0xFFFFC000  }
0x45: {  	[spmem:s2] =	stream.indirect.scatter.add.f32 [tilespmem:s23], [sflag:$0x4], $0x80, s1, s21, $0xb8;
	[tilespmem:$0x1E040] =	vst v63  }
0x46: {  	_ =	swait.ge [sflag:s26], $0x4000  }
0x47: {  	[sflag:s26] =	ssyncset.done $0x0  }
0x48: {  	[sflag:s26] =	ssyncadd.s32 $0xFFFFC000  }
0x49: {  	_ =	swait.ge [sflag:s28], $0x4000  }
0x4a: {  	s30 =	simm.s32 $0x400;
	s31 =	simm.s32 $0x800;
	[sflag:s28] =	ssyncset.done $0x0  }
.LBB2_4:
0x4b: {  	s0 =	sshra.s32 s30, $0x2  }
0x4c: {  	[sflag:s28] =	ssyncadd.s32 $0xFFFFC000;
	s30 =	smov.u32 s31;
	s1 =	sadd.s32 $0x400, s31  }
0x4d: {  	[tilespmem:s22], [sflag:$0x1] =	stream.indirect.gather [hbm4b:s4+s21], $0x80, s0, s21, $0xb8;
	[tilespmem:$0x1E040] =	vst v63  }
0x4e: {  	p0 =	sne.s32 s31, $0x13800;
	s31 =	sadd.s32 $0x80, s0  }
0x4f: {  	[tilespmem:s23], [sflag:$0x2] =	stream.indirect.gather [hbm4b:s4+s21], $0x80, s31, s21, $0xb8;
	[tilespmem:$0x1E040] =	vst v63  }
0x50: {  	_ =	swait.ge [sflag:s24], $0x4000  }
0x51: {  	[sflag:s24] =	ssyncset.done $0x0  }
0x52: {  	s31 =	sadd.s32 $0x5000, s0;
	[sflag:s24] =	ssyncadd.s32 $0xFFFFC000  }
0x53: {  	[spmem:s2] =	stream.indirect.scatter.add.f32 [tilespmem:s22], [sflag:$0x3], $0x80, s31, s21, $0xb8;
	[tilespmem:$0x1E040] =	vst v63  }
0x54: {  	_ =	swait.ge [sflag:s25], $0x4000  }
0x55: {  	[sflag:s25] =	ssyncset.done $0x0  }
0x56: {  	s0 =	sadd.s32 $0x5080, s0;
	[sflag:s25] =	ssyncadd.s32 $0xFFFFC000  }
0x57: {  	[spmem:s2] =	stream.indirect.scatter.add.f32 [tilespmem:s23], [sflag:$0x4], $0x80, s0, s21, $0xb8;
	[tilespmem:$0x1E040] =	vst v63  }
.Ltmp1:
0x58: {  	_ =	swait.ge [sflag:s26], $0x4000;
	(pc) =	sbr.rel @p0 .LBB2_4-.Ltmp1, $4  }
0x59: {  	[sflag:s26] =	ssyncset.done $0x0  }
0x5a: {  	[sflag:s26] =	ssyncadd.s32 $0xFFFFC000  }
0x5b: {  	_ =	swait.ge [sflag:s28], $0x4000  }
0x5c: {  	s31 =	smov.u32 s1;
	[sflag:s28] =	ssyncset.done $0x0  }
0x5d: {  	s0 =	sshra.s32 s30, $0x2;
	[sflag:s28] =	ssyncadd.s32 $0xFFFFC000  }
0x5e: {  	[tilespmem:s22], [sflag:$0x1] =	stream.indirect.gather [hbm4b:s4+s21], $0x80, s0, s21, $0xb8;
	[tilespmem:$0x1E040] =	vst v63  }
0x5f: {  	s1 =	sadd.s32 $0x80, s0  }
0x60: {  	[tilespmem:s23], [sflag:$0x2] =	stream.indirect.gather [hbm4b:s4+s21], $0x80, s1, s21, $0xb8;
	[tilespmem:$0x1E040] =	vst v63  }
0x61: {  	_ =	swait.ge [sflag:s24], $0x4000  }
0x62: {  	[sflag:s24] =	ssyncset.done $0x0  }
0x63: {  	s31 =	sadd.s32 $0x5000, s0;
	[sflag:s24] =	ssyncadd.s32 $0xFFFFC000  }
0x64: {  	[spmem:s2] =	stream.indirect.scatter.add.f32 [tilespmem:s22], [sflag:$0x3], $0x80, s31, s21, $0xb8;
	[tilespmem:$0x1E040] =	vst v63  }
0x65: {  	_ =	swait.ge [sflag:s25], $0x4000  }
0x66: {  	[sflag:s25] =	ssyncset.done $0x0  }
0x67: {  	s0 =	sadd.s32 $0x5080, s0;
	[sflag:s25] =	ssyncadd.s32 $0xFFFFC000  }
0x68: {  	[spmem:s2] =	stream.indirect.scatter.add.f32 [tilespmem:s23], [sflag:$0x4], $0x80, s0, s21, $0xb8;
	[tilespmem:$0x1E040] =	vst v63  }
0x69: {  	_ =	swait.ge [sflag:s26], $0x4000  }
0x6a: {  	[sflag:s26] =	ssyncset.done $0x0  }
0x6b: {  	[sflag:s26] =	ssyncadd.s32 $0xFFFFC000  }
0x6c: {  	_ =	swait.ge [sflag:s28], $0x4000  }
0x6d: {  	[sflag:s28] =	ssyncset.done $0x0  }
0x6e: {  	[sflag:s28] =	ssyncadd.s32 $0xFFFFC000  }
0x6f: {  	[bflag:$0x0] =	sbarrier.arrive $0xFFFF  }
0x70: {  	[tilespmem:s18], [sflag:$0x5] =	stream.linear.gather [spmem:s5], $0x2000, $0x38;
	[tilespmem:$0x1E040] =	vst v63  }
0x71: {  	_ =	swait.ge [sflag:s19], $0x2000  }
0x72: {  	[sflag:s19] =	ssyncset.done $0x0  }
0x73: {  	[sflag:s19] =	ssyncadd.s32 $0xFFFFE000  }
0x74: {  	[hbm4b:s12+s3] =	stream.linear.scatter [tilespmem:s18], [sflag:$0x5], $0x2000, $0x38;
	[tilespmem:$0x1E040] =	vst v63  }
0x75: {  	_ =	swait.ge [sflag:s19], $0x2000  }
0x76: {  	[sflag:s19] =	ssyncset.done $0x0  }
0x77: {  	[sflag:s19] =	ssyncadd.s32 $0xFFFFE000  }
0x78: {  	[tilespmem:s18], [sflag:$0x5] =	stream.linear.gather [spmem:s6], $0x2000, $0x38;
	[tilespmem:$0x1E040] =	vst v63  }
0x79: {  	_ =	swait.ge [sflag:s19], $0x2000  }
0x7a: {  	[sflag:s19] =	ssyncset.done $0x0  }
0x7b: {  	[sflag:s19] =	ssyncadd.s32 $0xFFFFE000  }
0x7c: {  	[hbm4b:s13+s3] =	stream.linear.scatter [tilespmem:s18], [sflag:$0x5], $0x2000, $0x38;
	[tilespmem:$0x1E040] =	vst v63  }
0x7d: {  	_ =	swait.ge [sflag:s19], $0x2000  }
0x7e: {  	[sflag:s19] =	ssyncset.done $0x0  }
0x7f: {  	[sflag:s19] =	ssyncadd.s32 $0xFFFFE000  }
0x80: {  	[tilespmem:s18], [sflag:$0x5] =	stream.linear.gather [spmem:s7], $0x2000, $0x38;
	[tilespmem:$0x1E040] =	vst v63  }
0x81: {  	_ =	swait.ge [sflag:s19], $0x2000  }
0x82: {  	[sflag:s19] =	ssyncset.done $0x0  }
0x83: {  	[sflag:s19] =	ssyncadd.s32 $0xFFFFE000  }
0x84: {  	[hbm4b:s14+s3] =	stream.linear.scatter [tilespmem:s18], [sflag:$0x5], $0x2000, $0x38;
	[tilespmem:$0x1E040] =	vst v63  }
0x85: {  	_ =	swait.ge [sflag:s19], $0x2000  }
0x86: {  	[sflag:s19] =	ssyncset.done $0x0  }
0x87: {  	[sflag:s19] =	ssyncadd.s32 $0xFFFFE000  }
0x88: {  	[tilespmem:s18], [sflag:$0x5] =	stream.linear.gather [spmem:s8], $0x2000, $0x38;
	[tilespmem:$0x1E040] =	vst v63  }
0x89: {  	_ =	swait.ge [sflag:s19], $0x2000  }
0x8a: {  	[sflag:s19] =	ssyncset.done $0x0  }
0x8b: {  	[sflag:s19] =	ssyncadd.s32 $0xFFFFE000  }
0x8c: {  	[hbm4b:s15+s3] =	stream.linear.scatter [tilespmem:s18], [sflag:$0x5], $0x2000, $0x38;
	[tilespmem:$0x1E040] =	vst v63  }
0x8d: {  	_ =	swait.ge [sflag:s19], $0x2000  }
0x8e: {  	[sflag:s19] =	ssyncset.done $0x0  }
0x8f: {  	[sflag:s19] =	ssyncadd.s32 $0xFFFFE000  }
0x90: {  	[tilespmem:s18], [sflag:$0x5] =	stream.linear.gather [spmem:s9], $0x2000, $0x38;
	[tilespmem:$0x1E040] =	vst v63  }
0x91: {  	s29 =	sadd.s32 $0x1, s29;
	_ =	swait.ge [sflag:s19], $0x2000  }
0x92: {  	p0 =	sne.s32 s29, s17;
	[sflag:s19] =	ssyncset.done $0x0  }
.Ltmp2:
0x93: {  	[sflag:s19] =	ssyncadd.s32 $0xFFFFE000;
	(pc) =	sbr.rel @p0 .LBB2_1-.Ltmp2, $4  }
0x94: {  	[hbm4b:s16+s3] =	stream.linear.scatter [tilespmem:s18], [sflag:$0x5], $0x2000, $0x38;
	[tilespmem:$0x1E040] =	vst v63  }
0x95: {  	_ =	swait.ge [sflag:s19], $0x2000  }
0x96: {  	[sflag:s19] =	ssyncset.done $0x0  }
0x97: {  	[sflag:s19] =	ssyncadd.s32 $0xFFFFE000  }
0x98: {  	_ =	sfence.sel $0x180000  }
0x99: {  	[bflag:$0x0] =	sbarrier.arrive $0xFFFF  }
0x9a: {  	_ =	strace $0x90000050  }
0x9b: {  	s0 =	stileid.u32;
	[bflag:$0x2] =	sbarrier.arrive $0xFFFF  }
0x9c: {  	p0 =	sne.s32 s0, $0x0;
	s0 =	rddreg [dreg:$0x2]  }
0x9d: {  	s0 =	sadd.s32 @!p0 $0x100000, s0  }
0x9e: {  	[sflag:s0] =	ssyncadd.tile.s32 @!p0 $0x1;
	_ =	shalt  }
.Lfunc_end2:
_tile_overlayer_lowered:
.L_overlay_start_2:
0x9f: {  	(tag) =	ssettag $0x2  }
0xa0: {  	s0 =	rddreg [dreg:$0x0];
	s2 =	stileid.u32  }
0xa1: {  	s1 =	rddreg [dreg:$0x1];
	p0 =	sne.s32 s2, $0x0  }
0xa2: {  	s3 =	rddreg [dreg:$0x2];
	[bflag:$0x3] =	sbarrier.arrive $0xFFFF;
	s2 =	simm.s32 @!p0 $0x1C05  }
0xa3: {  	[timem:s3], [sflag:s2] =	dma.local @!p0 [hbm:s0], s1  }
0xa4: {  	s0 =	simm.s32 @!p0 $0x5  }
0xa5: {  	_ =	swait.ge @!p0 [sflag:s0], s1  }
0xa6: {  	s1 =	ssub.s32 @!p0 $0x0, s1;
	[sflag:s0] =	ssyncset.done @!p0 $0x0  }
0xa7: {  	[sflag:s0] =	ssyncadd.s32 @!p0 s1  }
0xa8: {  	[bflag:$0x3] =	sbarrier.arrive $0xFFFF  }
0xa9: {  	_ =	shalt  }

// kernel: kernel.23.cloned.1.call-start
scs
__scs_entry_jumppad:
0x0: {  	(pc) =	sbr.rel $0x88, $3  }
0x1: {  	(tag) =	ssettag $0x0;
	lr =	simm.s32 $0x1  }
0x2: {  	[smem:$0x3F91] =	sst lr;
	_ =	strace $0xD0000000  }
0x3: {  	_ = 	snop  }
0x4: {  	_ = 	snop  }
0x5: {  	_ = 	snop  }
0x6: {  	_ = 	snop  }
0x7: {  	_ = 	snop  }
__scs_overlays_trampoline_lowered:
0x8: {  	[smem:$0x3FA0] =	sst s0  }
0x9: {  	[smem:$0x3FA1] =	sst s1  }
0xa: {  	[smem:$0x3FA2] =	sst s2  }
0xb: {  	[smem:$0x3FA3] =	sst s3  }
0xc: {  	[smem:$0x3FA4] =	sst s4  }
0xd: {  	[smem:$0x3FA5] =	sst s5  }
0xe: {  	[smem:$0x3FA6] =	sst s6  }
0xf: {  	[smem:$0x3FA7] =	sst s7  }
0x10: {  	[smem:$0x3FA8] =	sst s8  }
0x11: {  	[smem:$0x3FA9] =	sst s9;
	s0 =	simm.s32 @!p0 $0x0  }
0x12: {  	s1 =	sld [smem:$0x3F8F];
	s0 =	simm.s32 @p0 $0x1  }
0x13: {  	[smem:$0x3FAA] =	sst s0;
	s0 =	simm.s32 @!p1 $0x0  }
0x14: {  	s2 =	sld [smem:$0x3F8E];
	s0 =	simm.s32 @p1 $0x1  }
0x15: {  	[smem:$0x3FAB] =	sst s0;
	s0 =	simm.s32 @!p2 $0x0  }
0x16: {  	s3 =	sld [smem:$0x3FDB];
	s0 =	simm.s32 @p2 $0x1  }
0x17: {  	s4 =	simm.s32 $0x1BF5;
	[smem:$0x3FAD] =	sst s0  }
0x18: {  	s0 =	sld [smem:$0x3F90];
	_ =	swait.ge [sflag:s4], $0x0  }
0x19: {  	s7 =	sld [smem:$0x3F91]  }
0x1a: {  	s8 =	sadd.s32 $0xFFFFE003, lr  }
0x1b: {  	s9 =	sadd.s32 $0xFFFFFEF7, lr;
	s5 =	simm.s32 $0xFFFFFFFF;
	p2 =	slt.u32 s8, $0xFFFFF086  }
0x1c: {  	p1 =	slt.u32 s9, $0xF7A;
	s5 =	simm.s32 @!p2 $0x0  }
0x1d: {  	s5 =	simm.s32 @p1 $0x1;
	p0 =	seq.s32 s7, s2  }
0x1e: {  	s7 =	smul.u32 @!p0 $0xF7A, s2;
	p2 =	seq.s32 @!p0 s5, $0x0  }
0x1f: {  	s9 =	smul.u32 $0xF7A, s1;
	s8 =	simm.s32 @!p0 $0x1BF5;
	p2 =	por !p2, p0  }
0x20: {  	[sflag:s8] =	ssyncset.s32 @!p0 $0xFFFFF086;
	s6 =	sadd.s32 @!p0 s3, s7;
	s7 =	simm.s32 @!p0 $0x108  }
0x21: {  	s3 =	sadd.s32 s3, s9;
	s6 =	sadd.s32 @!p0 $0x88, s6;
	s7 =	simm.s32 @p2 $0x1082  }
0x22: {  	[simem:s7], [sflag:s8] =	dma.local @!p0 [hbm:s6], $0xF7A  }
0x23: {  	s9 =	sor.u32 $0xD0000000, s2;
	s6 =	simm.s32 $0x108;
	_ =	swait.ge @!p0 [sflag:s8], $0x0  }
0x24: {  	s3 =	sadd.s32 $0x88, s3;
	s6 =	simm.s32 @!p1 $0x1082;
	[sflag:s4] =	ssyncset.s32 $0xFFFFF086  }
0x25: {  	[simem:s6], [sflag:s4] =	dma.local [hbm:s3], $0xF7A  }
0x26: {  	[smem:$0x3F91] =	sst s1;
	(tag) =	ssettag s2;
	_ =	strace s9  }
0x27: {  	s1 =	sld [smem:$0x3FA1]  }
0x28: {  	s2 =	sld [smem:$0x3FA2]  }
0x29: {  	s4 =	sld [smem:$0x3FA4]  }
0x2a: {  	p0 =	seq.s32 s5, $0x0;
	s5 =	sld [smem:$0x3FA5]  }
0x2b: {  	s6 =	sld [smem:$0x3FA6]  }
0x2c: {  	s7 =	sld [smem:$0x3FA7]  }
0x2d: {  	s3 =	simm.s32 $0x108;
	s8 =	sld [smem:$0x3FA8]  }
0x2e: {  	s3 =	simm.s32 @!p0 $0x1082;
	s9 =	sld [smem:$0x3FA9]  }
0x2f: {  	lr =	sadd.s32 s0, s3;
	s0 =	sld [smem:$0x3FA0]  }
0x30: {  	s3 =	sld [smem:$0x3FA3]  }
0x31: {  	[smem:$0x3FAC] =	sst s10  }
0x32: {  	s10 =	sld [smem:$0x3FAA];
	_ =	sdelay $0x3  }
0x33: {  	p0 =	seq.s32 s10, $0x1;
	s10 =	sld [smem:$0x3FAC];
	_ =	sdelay $0x3  }
0x34: {  	[smem:$0x3FAC] =	sst s10  }
0x35: {  	s10 =	sld [smem:$0x3FAB];
	_ =	sdelay $0x3  }
0x36: {  	p1 =	seq.s32 s10, $0x1;
	s10 =	sld [smem:$0x3FAC];
	_ =	sdelay $0x3  }
0x37: {  	[smem:$0x3FAC] =	sst s10  }
0x38: {  	s10 =	sld [smem:$0x3FAD]  }
0x39: {  	_ = 	snop;
	(pc) =	sbr.ind lr, $3  }
0x3a: {  	_ = 	snop  }
0x3b: {  	_ = 	snop  }
0x3c: {  	p2 =	seq.s32 s10, $0x1;
	s10 =	sld [smem:$0x3FAC]  }
0x3d: {  	_ =	shalt  }
0x3e: {  	_ =	shalt  }
0x3f: {  	_ =	shalt  }
0x40: {  	_ =	shalt  }
0x41: {  	_ =	shalt  }
0x42: {  	_ =	shalt  }
0x43: {  	_ =	shalt  }
0x44: {  	_ =	shalt  }
0x45: {  	_ =	shalt  }
0x46: {  	_ =	shalt  }
0x47: {  	_ =	shalt  }
0x48: {  	_ =	shalt  }
0x49: {  	_ =	shalt  }
0x4a: {  	_ =	shalt  }
0x4b: {  	_ =	shalt  }
0x4c: {  	_ =	shalt  }
0x4d: {  	_ =	shalt  }
0x4e: {  	_ =	shalt  }
0x4f: {  	_ =	shalt  }
0x50: {  	_ =	shalt  }
0x51: {  	_ =	shalt  }
0x52: {  	_ =	shalt  }
0x53: {  	_ =	shalt  }
0x54: {  	_ =	shalt  }
0x55: {  	_ =	shalt  }
0x56: {  	_ =	shalt  }
0x57: {  	_ =	shalt  }
0x58: {  	_ =	shalt  }
0x59: {  	_ =	shalt  }
0x5a: {  	_ =	shalt  }
0x5b: {  	_ =	shalt  }
0x5c: {  	_ =	shalt  }
0x5d: {  	_ =	shalt  }
0x5e: {  	_ =	shalt  }
0x5f: {  	_ =	shalt  }
0x60: {  	_ =	shalt  }
0x61: {  	_ =	shalt  }
0x62: {  	_ =	shalt  }
0x63: {  	_ =	shalt  }
0x64: {  	_ =	shalt  }
0x65: {  	_ =	shalt  }
0x66: {  	_ =	shalt  }
0x67: {  	_ =	shalt  }
0x68: {  	_ =	shalt  }
0x69: {  	_ =	shalt  }
0x6a: {  	_ =	shalt  }
0x6b: {  	_ =	shalt  }
0x6c: {  	_ =	shalt  }
0x6d: {  	_ =	shalt  }
0x6e: {  	_ =	shalt  }
0x6f: {  	_ =	shalt  }
0x70: {  	_ =	shalt  }
0x71: {  	_ =	shalt  }
0x72: {  	_ =	shalt  }
0x73: {  	_ =	shalt  }
0x74: {  	_ =	shalt  }
0x75: {  	_ =	shalt  }
0x76: {  	_ =	shalt  }
0x77: {  	_ =	shalt  }
0x78: {  	_ =	shalt  }
0x79: {  	_ =	shalt  }
0x7a: {  	_ =	shalt  }
0x7b: {  	_ =	shalt  }
0x7c: {  	_ =	shalt  }
0x7d: {  	_ =	shalt  }
0x7e: {  	_ =	shalt  }
0x7f: {  	_ =	shalt  }
0x80: {  	_ =	shalt  }
0x81: {  	_ =	shalt  }
0x82: {  	_ =	shalt  }
0x83: {  	_ =	shalt  }
0x84: {  	_ =	shalt  }
0x85: {  	_ =	shalt  }
0x86: {  	_ =	shalt  }
0x87: {  	_ =	shalt  }
.Lfunc_end0:
.L_simem_size_0:
called_computation.4_lowered:
.L_overlay_start_0:
0x88: {  	s2 =	sld [smem:$0x3FD9]  }
0x89: {  	s3 =	sld [smem:$0x3FFE];
	_ =	sdelay $0x1  }
0x8a: {  	s1 =	srdreg.scid  }
0x8b: {  	s0 =	sand.u32 $0x1, s1  }
0x8c: {  	s16 =	sshll.u32 s0, $0xA;
	s2 =	sadd.s32 s3, s2  }
0x8d: {  	s2 =	sadd.s32 s2, s16  }
0x8e: {  	[smem:$0x3FB8] =	sst s2  }
0x8f: {  	_ = 	snop  }
0x90: {  	(tm) =	ssettm $0x1  }
0x91: {  	s17 =	sld [smem:$0x3FFB];
	_ =	sdelay $0x3  }
0x92: {  	_ =	strace s17  }
0x93: {  	s2 =	sld [smem:$0x3FFC];
	_ =	sdelay $0x3  }
0x94: {  	_ =	strace s2  }
0x95: {  	s2 =	sld [smem:$0x3FFD];
	_ =	sdelay $0x3  }
0x96: {  	_ =	strace s2  }
0x97: {  	_ =	strace $0x8FFFFFFF  }
0x98: {  	s18 =	sld [smem:$0x3FDB];
	_ =	sdelay $0x1  }
0x99: {  	s19 =	simm.s32 $_scs_section_size  }
0x9a: {  	s4 =	simm.s32 $_size__tile_overlayer_lowered;
	s5 =	simm.s32 $_tile_overlayer_lowered  }
0x9b: {  	s22 =	simm.s32 $0x1BFF;
	s21 =	sshll.u32 s5, $0x1;
	s2 =	sadd.s32 s19, s18  }
0x9c: {  	s6 =	simm.s32 $0x0;
	s20 =	sshll.u32 s4, $0x1;
	s4 =	sadd.s32 s21, s2  }
0x9d: {  	[timem:s6], [sflag:s22] =	dma.local [hbm:s4], s20  }
0x9e: {  	_ =	swait.ge [sflag:s22], s20  }
0x9f: {  	s3 =	ssub.s32 $0x0, s20;
	[sflag:s22] =	ssyncset.done $0x0  }
0xa0: {  	[sflag:s22] =	ssyncadd.s32 s3;
	_ =	sdelay $0x1  }
0xa1: {  	s23 =	simm.s32 $0x1B8B  }
0xa2: {  	_ =	swait.ge [sflag:s23], $0x1  }
0xa3: {  	[sflag:s23] =	ssyncset.done $0x0  }
0xa4: {  	s25 =	simm.s32 $0x1B8E;
	s24 =	sld [smem:$0x3FFE];
	[sflag:s23] =	ssyncadd.s32 $0xFFFFFFFF  }
0xa5: {  	s26 =	simm.s32 $execute0_lowered;
	[smem:$0x3FD2] =	sst s25  }
0xa6: {  	s4 =	sshll.u32 s26, $0x1;
	_ =	strace $0x80000052;
	[dreg:$0x1] =	wrdreg $0xFFFFFFFF  }
0xa7: {  	s28 =	simm.s32 $_size_execute0_lowered;
	s2 =	sadd.s32 s2, s4;
	[dreg:$0x0] =	wrdreg $0x0  }
0xa8: {  	s4 =	sshll.u32 s28, $0x1;
	[dreg:$0x2] =	wrdreg s2  }
0xa9: {  	[dreg:$0x3] =	wrdreg s4  }
0xaa: {  	[dreg:$0x4] =	wrdreg $0xC0  }
0xab: {  	_ =	task [dreg:s6], $0x5FFFF  }
0xac: {  	[dreg:$0x1] =	wrdreg $0xFFFFFFFF  }
0xad: {  	[dreg:$0x0] =	wrdreg $0x60  }
0xae: {  	[dreg:$0x2] =	wrdreg s24  }
0xaf: {  	[dreg:$0x3] =	wrdreg $0x140000  }
0xb0: {  	[dreg:$0x4] =	wrdreg $0x9  }
0xb1: {  	_ =	task.clear_ibuf [dreg:s6], $0x5FFFF;
	_ =	strace $0x90000052  }
0xb2: {  	s29 =	simm.s32 $0x9;
	_ =	strace $0x80000054  }
0xb3: {  	_ =	swait.ge [sflag:s29], $0x1  }
0xb4: {  	[sflag:s29] =	ssyncadd.s32 $0xFFFFFFFF  }
0xb5: {  	_ =	strace $0x90000054  }
0xb6: {  	_ =	sfence  }
0xb7: {  	s30 =	sld [smem:$0x0];
	_ =	sdelay $0x2  }
0xb8: {  	s31 =	sshll.u32 s1, $0xD;
	s1 =	sshrl.u32 s1, $0x2  }
0xb9: {  	s3 =	sand.u32 $0x4000, s31;
	s1 =	sadd.s32 s1, s30  }
0xba: {  	s0 =	sor.u32 s3, s0;
	s1 =	sshll.u32 s1, $0x11  }
0xbb: {  	s0 =	sor.u32 s1, s0  }
0xbc: {  	s0 =	sadd.s32 $0x8F2B, s0  }
0xbd: {  	[sflag:s0] =	ssyncadd.remote.s32 $0x1  }
0xbe: {  	_ =	sfence.sel $0xFFFF  }
0xbf: {  	[dreg:$0x0] =	wrdreg $0xFFFFFFFF;
	(pc) =	sbr.abs _section_cstart, $3  }
0xc0: {  	[dreg:$0x1] =	wrdreg $0xFFFFFFFF  }
0xc1: {  	_ =	task.clear_ibuf [dreg:s6], $0x2FFFF;
	_ =	strace $0x9FFFFFFF  }
0xc2: {  	(tm) =	ssettm $0x7FFFFFFF  }
0xc3: {  	_ =	shalt  }
tec
execute0_lowered:
.L_overlay_start_1:
0x0: {  	(tag) =	ssettag $0x1  }
0x1: {  	s0 =	rddreg [dreg:$0x0]  }
0x2: {  	s2 =	rddreg [dreg:$0x1]  }
0x3: {  	s1 =	stileid.u32;
	s4 =	srdreg.scid;
	s3 =	simm.s32 $0x0  }
0x4: {  	s18 =	simm.s32 $0x12000;
	s19 =	simm.s32 $0x5;
	s20 =	simm.s32 $0x5000  }
0x5: {  	s21 =	simm.s32 $0x80;
	s22 =	simm.s32 $0xA000;
	s23 =	simm.s32 $0xE000  }
0x6: {  	s24 =	simm.s32 $0x1;
	s25 =	simm.s32 $0x2;
	s5 =	smul.u32 $0x5000, s1  }
0x7: {  	s28 =	simm.s32 $0x4;
	s29 =	simm.s32 $0x0;
	s8 =	smul.u32 $0x140, s1  }
0x8: {  	s6 =	sand.u32 $0x1, s4;
	[smem:$0x7FF] =	sst s3;
	s10 =	smul.u32 $0x28000, s1  }
0x9: {  	s4 =	sadd.s32 $0xEE00, s0;
	s7 =	smul.u32 $0x50000, s6;
	_ =	strace $0x80000053  }
0xa: {  	s9 =	smul.u32 $0x1400, s6;
	s6 =	ssub.s32 $0x2, s6;
	s30 =	sshrl.u32 s10, $0x2  }
0xb: {  	s31 =	sshrl.u32 s6, $0x1;
	s7 =	sadd.s32 s5, s7;
	s5 =	sshrl.u32 s5, $0x3  }
0xc: {  	s26 =	sadd.s32 s8, s9;
	s17 =	ssub.s32 s6, s31;
	s7 =	sshrl.u32 s7, $0x3  }
0xd: {  	s11 =	sadd.s32 s5, s0;
	s5 =	sshll.u32 s26, $0x4;
	s17 =	smax.u32 s17, $0x1  }
0xe: {  	s12 =	sadd.s32 s7, s0;
	s0 =	sadd.s32 s5, s0;
	s5 =	sadd.s32 s30, s2  }
0xf: {  	s26 =	simm.s32 $0x3;
	s10 =	sadd.s32 $0x4E00, s11;
	s6 =	sadd.s32 $0x2000, s5  }
0x10: {  	s7 =	sadd.s32 $0x4000, s5;
	s8 =	sadd.s32 $0x6000, s5;
	s9 =	sadd.s32 $0x8000, s5  }
0x11: {  	s11 =	sadd.s32 $0x38E00, s12;
	s12 =	sadd.s32 $0x4CE00, s0;
	s13 =	sadd.s32 $0x4D200, s0  }
0x12: {  	v0 =	vimm.f32 $0.0e+00;
	s14 =	sadd.s32 $0x4D600, s0;
	s15 =	sadd.s32 $0x4DA00, s0;
	s16 =	sadd.s32 $0x4DE00, s0  }
.LBB2_1:
0x13: {  	s0 =	sand.u32 $0x7E00, s3  }
0x14: {  	s31 =	sand.u32 $0x70, s3;
	s0 =	sshrl.u32 s0, $0x2  }
0x15: {  	s30 =	simm.s32 $0x40;
	s0 =	sor.u32 s31, s0;
	s31 =	simm.s32 $0x0  }
.LBB2_2:
0x16: {  	p0 =	sne.s32 s30, $0x7FC0  }
0x17: {  	[tilespmem:s0+$0x12000] =	vst v0;
	s31 =	sadd.s32 $0x10, s31;
	s0 =	smov.u32 s30;
	s30 =	sadd.s32 $0x40, s30  }
.Ltmp0:
0x18: {  	(pc) =	sbr.rel @p0 .LBB2_2-.Ltmp0, $4  }
0x19: {  	_ = 	snop  }
0x1a: {  	s0 =	sand.u32 $0x7E00, s0  }
0x1b: {  	s1 =	sand.u32 $0x70, s31;
	s0 =	sshrl.u32 s0, $0x2  }
0x1c: {  	s0 =	sor.u32 s1, s0  }
0x1d: {  	[tilespmem:s0+$0x12000] =	vst v0  }
0x1e: {  	[spmem:s5] =	stream.linear.scatter [tilespmem:s18], [sflag:$0x5], $0x2000, $0x38;
	[tilespmem:$0x1E040] =	vst v63  }
0x1f: {  	_ =	swait.ge [sflag:s19], $0x2000  }
0x20: {  	[sflag:s19] =	ssyncset.done $0x0  }
0x21: {  	[sflag:s19] =	ssyncadd.s32 $0xFFFFE000  }
0x22: {  	[spmem:s6] =	stream.linear.scatter [tilespmem:s18], [sflag:$0x5], $0x2000, $0x38;
	[tilespmem:$0x1E040] =	vst v63  }
0x23: {  	_ =	swait.ge [sflag:s19], $0x2000  }
0x24: {  	[sflag:s19] =	ssyncset.done $0x0  }
0x25: {  	[sflag:s19] =	ssyncadd.s32 $0xFFFFE000  }
0x26: {  	[spmem:s7] =	stream.linear.scatter [tilespmem:s18], [sflag:$0x5], $0x2000, $0x38;
	[tilespmem:$0x1E040] =	vst v63  }
0x27: {  	_ =	swait.ge [sflag:s19], $0x2000  }
0x28: {  	[sflag:s19] =	ssyncset.done $0x0  }
0x29: {  	[sflag:s19] =	ssyncadd.s32 $0xFFFFE000  }
0x2a: {  	[spmem:s8] =	stream.linear.scatter [tilespmem:s18], [sflag:$0x5], $0x2000, $0x38;
	[tilespmem:$0x1E040] =	vst v63  }
0x2b: {  	_ =	swait.ge [sflag:s19], $0x2000  }
0x2c: {  	[sflag:s19] =	ssyncset.done $0x0  }
0x2d: {  	[sflag:s19] =	ssyncadd.s32 $0xFFFFE000  }
0x2e: {  	[spmem:s9] =	stream.linear.scatter [tilespmem:s18], [sflag:$0x5], $0x2000, $0x38;
	[tilespmem:$0x1E040] =	vst v63  }
0x2f: {  	_ =	swait.ge [sflag:s19], $0x2000  }
0x30: {  	[sflag:s19] =	ssyncset.done $0x0  }
0x31: {  	[sflag:s19] =	ssyncadd.s32 $0xFFFFE000  }
0x32: {  	s1 =	simm.s32 $0x0;
	[bflag:$0x0] =	sbarrier.arrive $0xFFFF  }
0x33: {  	[tilespmem:s1], [sflag:$0x5] =	stream.linear.gather [hbm4b:s10+s1], $0x4F00, $0x38;
	[tilespmem:$0x1E040] =	vst v63  }
0x34: {  	_ =	swait.ge [sflag:s19], $0x4F00  }
0x35: {  	[sflag:s19] =	ssyncset.done $0x0  }
0x36: {  	[sflag:s19] =	ssyncadd.s32 $0xFFFFB100  }
0x37: {  	[tilespmem:s20], [sflag:$0x5] =	stream.linear.gather [hbm4b:s11+s1], $0x4F00, $0x38;
	[tilespmem:$0x1E040] =	vst v63  }
0x38: {  	_ =	swait.ge [sflag:s19], $0x4F00  }
0x39: {  	[sflag:s19] =	ssyncset.done $0x0  }
0x3a: {  	s1 =	simm.s32 $0x0;
	[sflag:s19] =	ssyncadd.s32 $0xFFFFB100  }
0x3b: {  	[tilespmem:s22], [sflag:$0x1] =	stream.indirect.gather [hbm4b:s4+s21], $0x80, s1, s21, $0xb8;
	[tilespmem:$0x1E040] =	vst v63  }
0x3c: {  	s1 =	simm.s32 $0x80  }
0x3d: {  	[tilespmem:s23], [sflag:$0x2] =	stream.indirect.gather [hbm4b:s4+s21], $0x80, s1, s21, $0xb8;
	[tilespmem:$0x1E040] =	vst v63  }
0x3e: {  	_ =	swait.ge [sflag:s24], $0x4000  }
0x3f: {  	[sflag:s24] =	ssyncset.done $0x0  }
0x40: {  	s1 =	simm.s32 $0x5000;
	[sflag:s24] =	ssyncadd.s32 $0xFFFFC000  }
0x41: {  	[spmem:s2] =	stream.indirect.scatter.add.f32 [tilespmem:s22], [sflag:$0x3], $0x80, s1, s21, $0xb8;
	[tilespmem:$0x1E040] =	vst v63  }
0x42: {  	_ =	swait.ge [sflag:s25], $0x4000  }
0x43: {  	[sflag:s25] =	ssyncset.done $0x0  }
0x44: {  	s1 =	simm.s32 $0x5080;
	[sflag:s25] =	ssyncadd.s32 $0xFFFFC000  }
0x45: {  	[spmem:s2] =	stream.indirect.scatter.add.f32 [tilespmem:s23], [sflag:$0x4], $0x80, s1, s21, $0xb8;
	[tilespmem:$0x1E040] =	vst v63  }
0x46: {  	_ =	swait.ge [sflag:s26], $0x4000  }
0x47: {  	[sflag:s26] =	ssyncset.done $0x0  }
0x48: {  	[sflag:s26] =	ssyncadd.s32 $0xFFFFC000  }
0x49: {  	_ =	swait.ge [sflag:s28], $0x4000  }
0x4a: {  	s30 =	simm.s32 $0x400;
	s31 =	simm.s32 $0x800;
	[sflag:s28] =	ssyncset.done $0x0  }
.LBB2_4:
0x4b: {  	s0 =	sshra.s32 s30, $0x2  }
0x4c: {  	[sflag:s28] =	ssyncadd.s32 $0xFFFFC000;
	s30 =	smov.u32 s31;
	s1 =	sadd.s32 $0x400, s31  }
0x4d: {  	[tilespmem:s22], [sflag:$0x1] =	stream.indirect.gather [hbm4b:s4+s21], $0x80, s0, s21, $0xb8;
	[tilespmem:$0x1E040] =	vst v63  }
0x4e: {  	p0 =	sne.s32 s31, $0x13800;
	s31 =	sadd.s32 $0x80, s0  }
0x4f: {  	[tilespmem:s23], [sflag:$0x2] =	stream.indirect.gather [hbm4b:s4+s21], $0x80, s31, s21, $0xb8;
	[tilespmem:$0x1E040] =	vst v63  }
0x50: {  	_ =	swait.ge [sflag:s24], $0x4000  }
0x51: {  	[sflag:s24] =	ssyncset.done $0x0  }
0x52: {  	s31 =	sadd.s32 $0x5000, s0;
	[sflag:s24] =	ssyncadd.s32 $0xFFFFC000  }
0x53: {  	[spmem:s2] =	stream.indirect.scatter.add.f32 [tilespmem:s22], [sflag:$0x3], $0x80, s31, s21, $0xb8;
	[tilespmem:$0x1E040] =	vst v63  }
0x54: {  	_ =	swait.ge [sflag:s25], $0x4000  }
0x55: {  	[sflag:s25] =	ssyncset.done $0x0  }
0x56: {  	s0 =	sadd.s32 $0x5080, s0;
	[sflag:s25] =	ssyncadd.s32 $0xFFFFC000  }
0x57: {  	[spmem:s2] =	stream.indirect.scatter.add.f32 [tilespmem:s23], [sflag:$0x4], $0x80, s0, s21, $0xb8;
	[tilespmem:$0x1E040] =	vst v63  }
.Ltmp1:
0x58: {  	_ =	swait.ge [sflag:s26], $0x4000;
	(pc) =	sbr.rel @p0 .LBB2_4-.Ltmp1, $4  }
0x59: {  	[sflag:s26] =	ssyncset.done $0x0  }
0x5a: {  	[sflag:s26] =	ssyncadd.s32 $0xFFFFC000  }
0x5b: {  	_ =	swait.ge [sflag:s28], $0x4000  }
0x5c: {  	s31 =	smov.u32 s1;
	[sflag:s28] =	ssyncset.done $0x0  }
0x5d: {  	s0 =	sshra.s32 s30, $0x2;
	[sflag:s28] =	ssyncadd.s32 $0xFFFFC000  }
0x5e: {  	[tilespmem:s22], [sflag:$0x1] =	stream.indirect.gather [hbm4b:s4+s21], $0x80, s0, s21, $0xb8;
	[tilespmem:$0x1E040] =	vst v63  }
0x5f: {  	s1 =	sadd.s32 $0x80, s0  }
0x60: {  	[tilespmem:s23], [sflag:$0x2] =	stream.indirect.gather [hbm4b:s4+s21], $0x80, s1, s21, $0xb8;
	[tilespmem:$0x1E040] =	vst v63  }
0x61: {  	_ =	swait.ge [sflag:s24], $0x4000  }
0x62: {  	[sflag:s24] =	ssyncset.done $0x0  }
0x63: {  	s31 =	sadd.s32 $0x5000, s0;
	[sflag:s24] =	ssyncadd.s32 $0xFFFFC000  }
0x64: {  	[spmem:s2] =	stream.indirect.scatter.add.f32 [tilespmem:s22], [sflag:$0x3], $0x80, s31, s21, $0xb8;
	[tilespmem:$0x1E040] =	vst v63  }
0x65: {  	_ =	swait.ge [sflag:s25], $0x4000  }
0x66: {  	[sflag:s25] =	ssyncset.done $0x0  }
0x67: {  	s0 =	sadd.s32 $0x5080, s0;
	[sflag:s25] =	ssyncadd.s32 $0xFFFFC000  }
0x68: {  	[spmem:s2] =	stream.indirect.scatter.add.f32 [tilespmem:s23], [sflag:$0x4], $0x80, s0, s21, $0xb8;
	[tilespmem:$0x1E040] =	vst v63  }
0x69: {  	_ =	swait.ge [sflag:s26], $0x4000  }
0x6a: {  	[sflag:s26] =	ssyncset.done $0x0  }
0x6b: {  	[sflag:s26] =	ssyncadd.s32 $0xFFFFC000  }
0x6c: {  	_ =	swait.ge [sflag:s28], $0x4000  }
0x6d: {  	[sflag:s28] =	ssyncset.done $0x0  }
0x6e: {  	[sflag:s28] =	ssyncadd.s32 $0xFFFFC000  }
0x6f: {  	[bflag:$0x0] =	sbarrier.arrive $0xFFFF  }
0x70: {  	[tilespmem:s18], [sflag:$0x5] =	stream.linear.gather [spmem:s5], $0x2000, $0x38;
	[tilespmem:$0x1E040] =	vst v63  }
0x71: {  	_ =	swait.ge [sflag:s19], $0x2000  }
0x72: {  	[sflag:s19] =	ssyncset.done $0x0  }
0x73: {  	[sflag:s19] =	ssyncadd.s32 $0xFFFFE000  }
0x74: {  	[hbm4b:s12+s3] =	stream.linear.scatter [tilespmem:s18], [sflag:$0x5], $0x2000, $0x38;
	[tilespmem:$0x1E040] =	vst v63  }
0x75: {  	_ =	swait.ge [sflag:s19], $0x2000  }
0x76: {  	[sflag:s19] =	ssyncset.done $0x0  }
0x77: {  	[sflag:s19] =	ssyncadd.s32 $0xFFFFE000  }
0x78: {  	[tilespmem:s18], [sflag:$0x5] =	stream.linear.gather [spmem:s6], $0x2000, $0x38;
	[tilespmem:$0x1E040] =	vst v63  }
0x79: {  	_ =	swait.ge [sflag:s19], $0x2000  }
0x7a: {  	[sflag:s19] =	ssyncset.done $0x0  }
0x7b: {  	[sflag:s19] =	ssyncadd.s32 $0xFFFFE000  }
0x7c: {  	[hbm4b:s13+s3] =	stream.linear.scatter [tilespmem:s18], [sflag:$0x5], $0x2000, $0x38;
	[tilespmem:$0x1E040] =	vst v63  }
0x7d: {  	_ =	swait.ge [sflag:s19], $0x2000  }
0x7e: {  	[sflag:s19] =	ssyncset.done $0x0  }
0x7f: {  	[sflag:s19] =	ssyncadd.s32 $0xFFFFE000  }
0x80: {  	[tilespmem:s18], [sflag:$0x5] =	stream.linear.gather [spmem:s7], $0x2000, $0x38;
	[tilespmem:$0x1E040] =	vst v63  }
0x81: {  	_ =	swait.ge [sflag:s19], $0x2000  }
0x82: {  	[sflag:s19] =	ssyncset.done $0x0  }
0x83: {  	[sflag:s19] =	ssyncadd.s32 $0xFFFFE000  }
0x84: {  	[hbm4b:s14+s3] =	stream.linear.scatter [tilespmem:s18], [sflag:$0x5], $0x2000, $0x38;
	[tilespmem:$0x1E040] =	vst v63  }
0x85: {  	_ =	swait.ge [sflag:s19], $0x2000  }
0x86: {  	[sflag:s19] =	ssyncset.done $0x0  }
0x87: {  	[sflag:s19] =	ssyncadd.s32 $0xFFFFE000  }
0x88: {  	[tilespmem:s18], [sflag:$0x5] =	stream.linear.gather [spmem:s8], $0x2000, $0x38;
	[tilespmem:$0x1E040] =	vst v63  }
0x89: {  	_ =	swait.ge [sflag:s19], $0x2000  }
0x8a: {  	[sflag:s19] =	ssyncset.done $0x0  }
0x8b: {  	[sflag:s19] =	ssyncadd.s32 $0xFFFFE000  }
0x8c: {  	[hbm4b:s15+s3] =	stream.linear.scatter [tilespmem:s18], [sflag:$0x5], $0x2000, $0x38;
	[tilespmem:$0x1E040] =	vst v63  }
0x8d: {  	_ =	swait.ge [sflag:s19], $0x2000  }
0x8e: {  	[sflag:s19] =	ssyncset.done $0x0  }
0x8f: {  	[sflag:s19] =	ssyncadd.s32 $0xFFFFE000  }
0x90: {  	[tilespmem:s18], [sflag:$0x5] =	stream.linear.gather [spmem:s9], $0x2000, $0x38;
	[tilespmem:$0x1E040] =	vst v63  }
0x91: {  	s29 =	sadd.s32 $0x1, s29;
	_ =	swait.ge [sflag:s19], $0x2000  }
0x92: {  	p0 =	sne.s32 s29, s17;
	[sflag:s19] =	ssyncset.done $0x0  }
.Ltmp2:
0x93: {  	[sflag:s19] =	ssyncadd.s32 $0xFFFFE000;
	(pc) =	sbr.rel @p0 .LBB2_1-.Ltmp2, $4  }
0x94: {  	[hbm4b:s16+s3] =	stream.linear.scatter [tilespmem:s18], [sflag:$0x5], $0x2000, $0x38;
	[tilespmem:$0x1E040] =	vst v63  }
0x95: {  	_ =	swait.ge [sflag:s19], $0x2000  }
0x96: {  	[sflag:s19] =	ssyncset.done $0x0  }
0x97: {  	[sflag:s19] =	ssyncadd.s32 $0xFFFFE000  }
0x98: {  	_ =	sfence.sel $0x180000  }
0x99: {  	[bflag:$0x0] =	sbarrier.arrive $0xFFFF  }
0x9a: {  	_ =	strace $0x90000053  }
0x9b: {  	s0 =	stileid.u32;
	[bflag:$0x2] =	sbarrier.arrive $0xFFFF  }
0x9c: {  	p0 =	sne.s32 s0, $0x0;
	s0 =	rddreg [dreg:$0x2]  }
0x9d: {  	s0 =	sadd.s32 @!p0 $0x100000, s0  }
0x9e: {  	[sflag:s0] =	ssyncadd.tile.s32 @!p0 $0x1;
	_ =	shalt  }
.Lfunc_end2:
_tile_overlayer_lowered:
.L_overlay_start_2:
0x9f: {  	(tag) =	ssettag $0x2  }
0xa0: {  	s0 =	rddreg [dreg:$0x0];
	s2 =	stileid.u32  }
0xa1: {  	s1 =	rddreg [dreg:$0x1];
	p0 =	sne.s32 s2, $0x0  }
0xa2: {  	s3 =	rddreg [dreg:$0x2];
	[bflag:$0x3] =	sbarrier.arrive $0xFFFF;
	s2 =	simm.s32 @!p0 $0x1C05  }
0xa3: {  	[timem:s3], [sflag:s2] =	dma.local @!p0 [hbm:s0], s1  }
0xa4: {  	s0 =	simm.s32 @!p0 $0x5  }
0xa5: {  	_ =	swait.ge @!p0 [sflag:s0], s1  }
0xa6: {  	s1 =	ssub.s32 @!p0 $0x0, s1;
	[sflag:s0] =	ssyncset.done @!p0 $0x0  }
0xa7: {  	[sflag:s0] =	ssyncadd.s32 @!p0 s1  }
0xa8: {  	[bflag:$0x3] =	sbarrier.arrive $0xFFFF  }
0xa9: {  	_ =	shalt  }

</sc_bundles>
